<compile_context>
chip_gen: v7x
topology: tpu7x:2x2x1
jax: 0.10.2.dev20260603
libtpu: 0.0.44.dev20260713+nightly
codegen_flags: <defaults>
</compile_context>

<pallas_src>
import functools

import jax
import jax.numpy as jnp
from jax import lax
from jax.experimental import pallas as pl
from jax.experimental.pallas import tpu as pltpu
from jax.experimental.pallas import tpu_sc as plsc

_K = 10.0
_EPS = 1e-9

_NC = 2
_NS = 16
_NW = _NC * _NS
_G = 1024


def _sc_piou(nsc, bpw):
    mesh = plsc.VectorSubcoreMesh(core_axis_name="c", subcore_axis_name="s")

    @functools.partial(
        pl.kernel,
        mesh=mesh,
        out_type=jax.ShapeDtypeStruct((nsc,), jnp.float32),
        scratch_types=[
            pltpu.VMEM((12 * bpw,), jnp.float32),
            pltpu.VMEM((64,), jnp.float32),
            pltpu.VMEM((8 * 32 * 16,), jnp.float32),
            pltpu.VMEM((bpw,), jnp.float32),
        ],
    )
    def body(params_hbm, xs_hbm, out_hbm, pv, xsv, tab, ov):
        wid = lax.axis_index("s") * _NC + lax.axis_index("c")
        base = wid * bpw
        pltpu.sync_copy(params_hbm.at[pl.ds(wid * 12 * bpw, 12 * bpw)], pv)
        pltpu.sync_copy(xs_hbm, xsv)

        xr0 = xsv[pl.ds(0, 16)]
        xr1 = xsv[pl.ds(16, 16)]
        xc0 = xsv[pl.ds(32, 16)]
        xc1 = xsv[pl.ds(48, 16)]
        xr = [xr0[u] for u in range(16)] + [xr1[u] for u in range(16)]
        xc = [xc0[u] for u in range(16)] + [xc1[u] for u in range(16)]

        def box_group(j, _):
            o = j * 16
            cxp = pv[pl.ds(0 * bpw + o, 16)]
            cyp = pv[pl.ds(1 * bpw + o, 16)]
            ctp = pv[pl.ds(2 * bpw + o, 16)]
            stp = pv[pl.ds(3 * bpw + o, 16)]
            wp = pv[pl.ds(4 * bpw + o, 16)]
            hp = pv[pl.ds(5 * bpw + o, 16)]
            cxt = pv[pl.ds(6 * bpw + o, 16)]
            cyt = pv[pl.ds(7 * bpw + o, 16)]
            ctt = pv[pl.ds(8 * bpw + o, 16)]
            stt = pv[pl.ds(9 * bpw + o, 16)]
            wt = pv[pl.ds(10 * bpw + o, 16)]
            ht = pv[pl.ds(11 * bpw + o, 16)]

            for i in range(32):
                dxp = xr[i] - cxp
                dxt = xr[i] - cxt
                tab[pl.ds(0 * 512 + i * 16, 16)] = dxp * ctp
                tab[pl.ds(1 * 512 + i * 16, 16)] = dxp * stp
                tab[pl.ds(2 * 512 + i * 16, 16)] = dxt * ctt
                tab[pl.ds(3 * 512 + i * 16, 16)] = dxt * stt
            for i in range(32):
                dyp = xc[i] - cyp
                dyt = xc[i] - cyt
                tab[pl.ds(4 * 512 + i * 16, 16)] = dyp * stp
                tab[pl.ds(5 * 512 + i * 16, 16)] = dyp * ctp
                tab[pl.ds(6 * 512 + i * 16, 16)] = dyt * stt
                tab[pl.ds(7 * 512 + i * 16, 16)] = dyt * ctt

            def row(i, carry):
                xcp = tab[pl.ds(0 * 512 + i * 16, 16)]
                xsp = tab[pl.ds(1 * 512 + i * 16, 16)]
                xct = tab[pl.ds(2 * 512 + i * 16, 16)]
                xst = tab[pl.ds(3 * 512 + i * 16, 16)]

                def col4(jc, carry2):
                    accs = list(carry2)
                    for v in range(4):
                        off = jc * 64 + v * 16
                        ysp = tab[pl.ds(4 * 512 + off, 16)]
                        ycp = tab[pl.ds(5 * 512 + off, 16)]
                        yst = tab[pl.ds(6 * 512 + off, 16)]
                        yct = tab[pl.ds(7 * 512 + off, 16)]
                        ap = jnp.minimum(jnp.abs(xcp + ysp) - wp, 20.0)
                        bp = jnp.minimum(jnp.abs(ycp - xsp) - hp, 20.0)
                        at = jnp.minimum(jnp.abs(xct + yst) - wt, 20.0)
                        bt = jnp.minimum(jnp.abs(yct - xst) - ht, 20.0)
                        dp = (1.0 + jnp.exp(ap)) * (1.0 + jnp.exp(bp))
                        dt = (1.0 + jnp.exp(at)) * (1.0 + jnp.exp(bt))
                        r = 1.0 / (dp * dt)
                        accs[v] = accs[v] + r
                        accs[4 + v] = accs[4 + v] + (dp + dt - 1.0) * r
                    return tuple(accs)

                return lax.fori_loop(0, 8, col4, carry)

            z = jnp.zeros((16,), jnp.float32)
            accs = lax.fori_loop(0, 32, row, (z,) * 8)
            acc_i = (accs[0] + accs[1]) + (accs[2] + accs[3])
            acc_u = (accs[4] + accs[5]) + (accs[6] + accs[7])
            ov[pl.ds(o, 16)] = acc_i / (acc_u + _EPS)
            return 0

        lax.fori_loop(0, bpw // 16, box_group, 0)
        pltpu.sync_copy(ov, out_hbm.at[pl.ds(base, bpw)])

    return body


def _derived_params(loc):
    cx = loc[:, 0]
    cy = loc[:, 1]
    kw2 = (0.5 * _K) * loc[:, 2]
    kh2 = (0.5 * _K) * loc[:, 3]
    kct = _K * jnp.cos(loc[:, 4])
    kst = _K * jnp.sin(loc[:, 4])
    return [cx, cy, kct, kst, kw2, kh2]


def _tc_body(locp_ref, loct_ref, xr_ref, xc_ref, out_ref):
    xr = xr_ref[...]
    xc = xc_ref[...]
    kl2 = _K * 1.4426950408889634

    def tables(loc):
        cx = loc[0:1, :]
        cy = loc[1:2, :]
        th = loc[4:5, :]
        kct = kl2 * jnp.cos(th)
        kst = kl2 * jnp.sin(th)
        kw2 = (0.5 * kl2) * loc[2:3, :]
        kh2 = (0.5 * kl2) * loc[3:4, :]
        dx = xr - cx
        dy = xc - cy
        return dx * kct, dx * kst, dy * kst, dy * kct, kw2, kh2

    xct_p, xs_p, ys_p, yct_p, kw2p, kh2p = tables(locp_ref[...])
    xct_t, xs_t, ys_t, yct_t, kw2t, kh2t = tables(loct_ref[...])

    acc_i = jnp.zeros_like(ys_p)
    acc_u = jnp.zeros_like(ys_p)
    for i in range(32):
        ap = jnp.abs(xct_p[i:i + 1, :] + ys_p) - kw2p
        bp = jnp.abs(yct_p - xs_p[i:i + 1, :]) - kh2p
        at = jnp.abs(xct_t[i:i + 1, :] + ys_t) - kw2t
        bt = jnp.abs(yct_t - xs_t[i:i + 1, :]) - kh2t
        dp = ((1.0 + jnp.exp2(jnp.minimum(ap, 29.0)))
              * (1.0 + jnp.exp2(jnp.minimum(bp, 29.0))))
        dt = ((1.0 + jnp.exp2(jnp.minimum(at, 29.0)))
              * (1.0 + jnp.exp2(jnp.minimum(bt, 29.0))))
        r = 1.0 / (dp * dt)
        acc_i = acc_i + r
        acc_u = acc_u + (dp + dt - 1.0) * r

    inter = jnp.sum(acc_i, axis=0)
    union = jnp.sum(acc_u, axis=0)
    out_ref[...] = (inter / (union + _EPS))[None, None, :]


def _tc_piou(lp, lt, xr, xc, blk):
    ntc = lp.shape[1]
    nblk = ntc // blk
    out = pl.pallas_call(
        _tc_body,
        grid=(nblk,),
        in_specs=[
            pl.BlockSpec((5, blk), lambda i: (0, i)),
            pl.BlockSpec((5, blk), lambda i: (0, i)),
            pl.BlockSpec((32, 1), lambda i: (0, 0)),
            pl.BlockSpec((32, 1), lambda i: (0, 0)),
        ],
        out_specs=pl.BlockSpec((1, 1, blk), lambda i: (i, 0, 0)),
        out_shape=jax.ShapeDtypeStruct((nblk, 1, blk), jnp.float32),
    )(lp, lt, xr, xc)
    return out.reshape(-1)


_NSC = 4096


def kernel(loc_p, loc_t, grid):
    n = loc_p.shape[0]
    blk = 512
    ntot = ((n + blk - 1) // blk) * blk
    pad = ntot - n
    lp = jnp.pad(loc_p, ((0, pad), (0, 0)))
    lt = jnp.pad(loc_t, ((0, pad), (0, 0)))
    ntc = ntot - _NSC

    bpw = _NSC // _NW
    p12 = jnp.stack(
        _derived_params(lp[ntc:]) + _derived_params(lt[ntc:]), axis=0)
    params = p12.reshape(12, _NW, bpw).transpose(1, 0, 2).reshape(-1)
    xs = jnp.concatenate([grid[::32, 0], grid[:32, 1]])
    sc_out = _sc_piou(_NSC, bpw)(params, xs)

    xr = grid[::32, 0:1]
    xc = grid[:32, 1:2]
    tc_out = _tc_piou(lp[:ntc].T, lt[:ntc].T, xr, xc, blk)

    return jnp.concatenate([tc_out, sc_out])[:n]

# --- scband reference (transcript-rebuilt; emitter-appended) ---
"""Pipeline reference for scband-pious-39109972198157 (READ-ONLY COPY).

The authoritative reference and input builder live on the scoring server;
editing this copy changes nothing except your own understanding.
"""

import jax, jax.numpy as jnp
import numpy as np

K_PARAM = 10.0
EPS = 1e-9


def _pixel_weights(loc, grid, k):
    # loc: [N, 5] = (cx, cy, w, h, theta); grid: [G, 2] pixel coordinates
    cx = loc[:, 0:1]
    cy = loc[:, 1:2]
    w = loc[:, 2:3]
    h = loc[:, 3:4]
    th = loc[:, 4:5]
    gx = grid[None, :, 0]
    gy = grid[None, :, 1]
    dx = gx - cx  # [N, G]
    dy = gy - cy
    ct = jnp.cos(th)
    st = jnp.sin(th)
    # distance from pixel to box center projected on box axes
    dw = jnp.abs(dx * ct + dy * st)
    dh = jnp.abs(-dx * st + dy * ct)
    # PIoU kernel: K(d, s) = 1 - 1/(1 + exp(-k*(d - s/2))) = sigmoid(-k*(d - s/2))
    kw = jax.nn.sigmoid(-k * (dw - w / 2.0))
    kh = jax.nn.sigmoid(-k * (dh - h / 2.0))
    return kw * kh  # [N, G] pixel contribution F(p | b)


def setup_inputs(seed: int = 0) -> dict:
    key = jax.random.key(seed)
    k1, k2, k3, k4, k5, k6 = jax.random.split(key, 6)
    N = 20000
    IMG = 512.0
    GS = 32  # 32x32 sample grid over the image

    def make_boxes(kc, ks, ka):
        centers = jax.random.uniform(kc, (N, 2), dtype=jnp.float32) * IMG
        sizes = jax.random.uniform(ks, (N, 2), dtype=jnp.float32) * 90.0 + 10.0
        angles = (jax.random.uniform(ka, (N, 1), dtype=jnp.float32) - 0.5) * np.pi
        return jnp.concatenate([centers, sizes, angles], axis=1)

    loc_p = make_boxes(k1, k2, k3)
    loc_t = make_boxes(k4, k5, k6)
    xs = (jnp.arange(GS, dtype=jnp.float32) + 0.5) * (IMG / GS)
    gx, gy = jnp.meshgrid(xs, xs, indexing='ij')
    grid = jnp.stack([gx.reshape(-1), gy.reshape(-1)], axis=1)  # [1024, 2]
    return {"loc_p": loc_p, "loc_t": loc_t, "grid": grid}


def reference(loc_p, loc_t, grid):
    # soft pixel weights (is_hard=False), k=10
    fp = _pixel_weights(loc_p, grid, K_PARAM)  # [N, G]
    ft = _pixel_weights(loc_t, grid, K_PARAM)  # [N, G]
    inter = jnp.sum(fp * ft, axis=1)
    union = jnp.sum(fp + ft - fp * ft, axis=1)
    pious = inter / (union + EPS)
    return pious  # [N]

if __name__ == "__main__":
    import jax
    _d = setup_inputs()
    print(jax.jit(kernel)(*tuple(_d.values())))

</pallas_src>

<mosaic_0001>
#map = affine_map<(d0, d1) -> (0)>
module attributes {stable_mosaic.version = 14 : i64} {
  func.func @body(%arg0: i32, %arg1: i32, %arg2: memref<49152xf32, #tpu.memory_space<hbm>>, %arg3: memref<64xf32, #tpu.memory_space<hbm>>, %arg4: memref<4096xf32, #tpu.memory_space<hbm>>, %arg5: memref<1536xf32, #tpu.memory_space<vmem>>, %arg6: memref<64xf32, #tpu.memory_space<vmem>>, %arg7: memref<4096xf32, #tpu.memory_space<vmem>>, %arg8: memref<128xf32, #tpu.memory_space<vmem>>) attributes {dimension_semantics = [#tpu.dimension_semantics<core_parallel>, #tpu.dimension_semantics<subcore_parallel>], iteration_bounds = array<i64: 2, 16>, scalar_prefetch = 0 : i64, scratch_operands = 4 : i64, tpu.core_type = #tpu.core_type<sc_vector_subcore>, window_params = [{transform_indices = #map}, {transform_indices = #map}, {transform_indices = #map}]} {
    %mul3A = arith.constant 2 : i32
    %mul3A_0 = arith.muli %arg1, %mul3A : i32
    %add3A = arith.addi %mul3A_0, %arg0 : i32
    %mul3A_1 = arith.constant 128 : i32
    %mul3A_2 = arith.muli %add3A, %mul3A_1 : i32
    %mul3A_3 = arith.constant 12 : i32
    %mul3A_4 = arith.muli %add3A, %mul3A_3 : i32
    %mul3A_5 = arith.constant 128 : i32
    %mul3A_6 = arith.muli %mul3A_4, %mul3A_5 : i32
    "tpu.region"() ({
      %run_scoped3A = tpu.sem_alloc : memref<!tpu.dma_semaphore, #tpu.memory_space<semaphore_mem>>
      %dma_start3A = tpu.memref_slice %arg2[%mul3A_6] : memref<49152xf32, #tpu.memory_space<hbm>> -> memref<1536xf32, #tpu.memory_space<hbm>>
      %dma_start3A_150 = tpu.memref_slice %arg2[%mul3A_6] : memref<49152xf32, #tpu.memory_space<hbm>> -> memref<1536xf32, #tpu.memory_space<hbm>>
      tpu.enqueue_dma source(%dma_start3A_150 : memref<1536xf32, #tpu.memory_space<hbm>>) target(%arg5 : memref<1536xf32, #tpu.memory_space<vmem>>) target_semaphore(%run_scoped3A : memref<!tpu.dma_semaphore, #tpu.memory_space<semaphore_mem>>)
      %dma_wait3A = tpu.memref_slice %arg2[%mul3A_6] : memref<49152xf32, #tpu.memory_space<hbm>> -> memref<1536xf32, #tpu.memory_space<hbm>>
      %dma_wait3A_151 = tpu.memref_slice %arg2[%mul3A_6] : memref<49152xf32, #tpu.memory_space<hbm>> -> memref<1536xf32, #tpu.memory_space<hbm>>
      tpu.wait_dma2 semaphore(%run_scoped3A : memref<!tpu.dma_semaphore, #tpu.memory_space<semaphore_mem>>) src(%dma_wait3A_151 : memref<1536xf32, #tpu.memory_space<hbm>>) dst(%arg5 : memref<1536xf32, #tpu.memory_space<vmem>>)
      tpu.yield
    }) : () -> ()
    "tpu.region"() ({
      %run_scoped3A = tpu.sem_alloc : memref<!tpu.dma_semaphore, #tpu.memory_space<semaphore_mem>>
      tpu.enqueue_dma source(%arg3 : memref<64xf32, #tpu.memory_space<hbm>>) target(%arg6 : memref<64xf32, #tpu.memory_space<vmem>>) target_semaphore(%run_scoped3A : memref<!tpu.dma_semaphore, #tpu.memory_space<semaphore_mem>>)
      tpu.wait_dma2 semaphore(%run_scoped3A : memref<!tpu.dma_semaphore, #tpu.memory_space<semaphore_mem>>) src(%arg3 : memref<64xf32, #tpu.memory_space<hbm>>) dst(%arg6 : memref<64xf32, #tpu.memory_space<vmem>>)
      tpu.yield
    }) : () -> ()
    %get3A = arith.constant 0 : index
    %get3A_7 = tpu.vector_load %arg6[%get3A] {strides = array<i32>} : memref<64xf32, #tpu.memory_space<vmem>>, vector<16xf32>,
    %get3A_8 = vector.shape_cast %get3A_7 : vector<16xf32> to vector<16xf32>
    %get3A_9 = arith.constant 16 : index
    %get3A_10 = tpu.vector_load %arg6[%get3A_9] {strides = array<i32>} : memref<64xf32, #tpu.memory_space<vmem>>, vector<16xf32>,
    %get3A_11 = vector.shape_cast %get3A_10 : vector<16xf32> to vector<16xf32>
    %get3A_12 = arith.constant 32 : index
    %get3A_13 = tpu.vector_load %arg6[%get3A_12] {strides = array<i32>} : memref<64xf32, #tpu.memory_space<vmem>>, vector<16xf32>,
    %get3A_14 = vector.shape_cast %get3A_13 : vector<16xf32> to vector<16xf32>
    %get3A_15 = arith.constant 48 : index
    %get3A_16 = tpu.vector_load %arg6[%get3A_15] {strides = array<i32>} : memref<64xf32, #tpu.memory_space<vmem>>, vector<16xf32>,
    %get3A_17 = vector.shape_cast %get3A_16 : vector<16xf32> to vector<16xf32>
    %slice3A = vector.extract_strided_slice %get3A_8 {offsets = [0], sizes = [1], strides = [1]} : vector<16xf32> to vector<1xf32>
    %squeeze3A = vector.extract %slice3A[0] : f32 from vector<1xf32>
    %slice3A_18 = vector.extract_strided_slice %get3A_8 {offsets = [1], sizes = [1], strides = [1]} : vector<16xf32> to vector<1xf32>
    %squeeze3A_19 = vector.extract %slice3A_18[0] : f32 from vector<1xf32>
    %slice3A_20 = vector.extract_strided_slice %get3A_8 {offsets = [2], sizes = [1], strides = [1]} : vector<16xf32> to vector<1xf32>
    %squeeze3A_21 = vector.extract %slice3A_20[0] : f32 from vector<1xf32>
    %slice3A_22 = vector.extract_strided_slice %get3A_8 {offsets = [3], sizes = [1], strides = [1]} : vector<16xf32> to vector<1xf32>
    %squeeze3A_23 = vector.extract %slice3A_22[0] : f32 from vector<1xf32>
    %slice3A_24 = vector.extract_strided_slice %get3A_8 {offsets = [4], sizes = [1], strides = [1]} : vector<16xf32> to vector<1xf32>
    %squeeze3A_25 = vector.extract %slice3A_24[0] : f32 from vector<1xf32>
    %slice3A_26 = vector.extract_strided_slice %get3A_8 {offsets = [5], sizes = [1], strides = [1]} : vector<16xf32> to vector<1xf32>
    %squeeze3A_27 = vector.extract %slice3A_26[0] : f32 from vector<1xf32>
    %slice3A_28 = vector.extract_strided_slice %get3A_8 {offsets = [6], sizes = [1], strides = [1]} : vector<16xf32> to vector<1xf32>
    %squeeze3A_29 = vector.extract %slice3A_28[0] : f32 from vector<1xf32>
    %slice3A_30 = vector.extract_strided_slice %get3A_8 {offsets = [7], sizes = [1], strides = [1]} : vector<16xf32> to vector<1xf32>
    %squeeze3A_31 = vector.extract %slice3A_30[0] : f32 from vector<1xf32>
    %slice3A_32 = vector.extract_strided_slice %get3A_8 {offsets = [8], sizes = [1], strides = [1]} : vector<16xf32> to vector<1xf32>
    %squeeze3A_33 = vector.extract %slice3A_32[0] : f32 from vector<1xf32>
    %slice3A_34 = vector.extract_strided_slice %get3A_8 {offsets = [9], sizes = [1], strides = [1]} : vector<16xf32> to vector<1xf32>
    %squeeze3A_35 = vector.extract %slice3A_34[0] : f32 from vector<1xf32>
    %slice3A_36 = vector.extract_strided_slice %get3A_8 {offsets = [10], sizes = [1], strides = [1]} : vector<16xf32> to vector<1xf32>
    %squeeze3A_37 = vector.extract %slice3A_36[0] : f32 from vector<1xf32>
    %slice3A_38 = vector.extract_strided_slice %get3A_8 {offsets = [11], sizes = [1], strides = [1]} : vector<16xf32> to vector<1xf32>
    %squeeze3A_39 = vector.extract %slice3A_38[0] : f32 from vector<1xf32>
    %slice3A_40 = vector.extract_strided_slice %get3A_8 {offsets = [12], sizes = [1], strides = [1]} : vector<16xf32> to vector<1xf32>
    %squeeze3A_41 = vector.extract %slice3A_40[0] : f32 from vector<1xf32>
    %slice3A_42 = vector.extract_strided_slice %get3A_8 {offsets = [13], sizes = [1], strides = [1]} : vector<16xf32> to vector<1xf32>
    %squeeze3A_43 = vector.extract %slice3A_42[0] : f32 from vector<1xf32>
    %slice3A_44 = vector.extract_strided_slice %get3A_8 {offsets = [14], sizes = [1], strides = [1]} : vector<16xf32> to vector<1xf32>
    %squeeze3A_45 = vector.extract %slice3A_44[0] : f32 from vector<1xf32>
    %slice3A_46 = vector.extract_strided_slice %get3A_8 {offsets = [15], sizes = [1], strides = [1]} : vector<16xf32> to vector<1xf32>
    %squeeze3A_47 = vector.extract %slice3A_46[0] : f32 from vector<1xf32>
    %slice3A_48 = vector.extract_strided_slice %get3A_11 {offsets = [0], sizes = [1], strides = [1]} : vector<16xf32> to vector<1xf32>
    %squeeze3A_49 = vector.extract %slice3A_48[0] : f32 from vector<1xf32>
    %slice3A_50 = vector.extract_strided_slice %get3A_11 {offsets = [1], sizes = [1], strides = [1]} : vector<16xf32> to vector<1xf32>
    %squeeze3A_51 = vector.extract %slice3A_50[0] : f32 from vector<1xf32>
    %slice3A_52 = vector.extract_strided_slice %get3A_11 {offsets = [2], sizes = [1], strides = [1]} : vector<16xf32> to vector<1xf32>
    %squeeze3A_53 = vector.extract %slice3A_52[0] : f32 from vector<1xf32>
    %slice3A_54 = vector.extract_strided_slice %get3A_11 {offsets = [3], sizes = [1], strides = [1]} : vector<16xf32> to vector<1xf32>
    %squeeze3A_55 = vector.extract %slice3A_54[0] : f32 from vector<1xf32>
    %slice3A_56 = vector.extract_strided_slice %get3A_11 {offsets = [4], sizes = [1], strides = [1]} : vector<16xf32> to vector<1xf32>
    %squeeze3A_57 = vector.extract %slice3A_56[0] : f32 from vector<1xf32>
    %slice3A_58 = vector.extract_strided_slice %get3A_11 {offsets = [5], sizes = [1], strides = [1]} : vector<16xf32> to vector<1xf32>
    %squeeze3A_59 = vector.extract %slice3A_58[0] : f32 from vector<1xf32>
    %slice3A_60 = vector.extract_strided_slice %get3A_11 {offsets = [6], sizes = [1], strides = [1]} : vector<16xf32> to vector<1xf32>
    %squeeze3A_61 = vector.extract %slice3A_60[0] : f32 from vector<1xf32>
    %slice3A_62 = vector.extract_strided_slice %get3A_11 {offsets = [7], sizes = [1], strides = [1]} : vector<16xf32> to vector<1xf32>
    %squeeze3A_63 = vector.extract %slice3A_62[0] : f32 from vector<1xf32>
    %slice3A_64 = vector.extract_strided_slice %get3A_11 {offsets = [8], sizes = [1], strides = [1]} : vector<16xf32> to vector<1xf32>
    %squeeze3A_65 = vector.extract %slice3A_64[0] : f32 from vector<1xf32>
    %slice3A_66 = vector.extract_strided_slice %get3A_11 {offsets = [9], sizes = [1], strides = [1]} : vector<16xf32> to vector<1xf32>
    %squeeze3A_67 = vector.extract %slice3A_66[0] : f32 from vector<1xf32>
    %slice3A_68 = vector.extract_strided_slice %get3A_11 {offsets = [10], sizes = [1], strides = [1]} : vector<16xf32> to vector<1xf32>
    %squeeze3A_69 = vector.extract %slice3A_68[0] : f32 from vector<1xf32>
    %slice3A_70 = vector.extract_strided_slice %get3A_11 {offsets = [11], sizes = [1], strides = [1]} : vector<16xf32> to vector<1xf32>
    %squeeze3A_71 = vector.extract %slice3A_70[0] : f32 from vector<1xf32>
    %slice3A_72 = vector.extract_strided_slice %get3A_11 {offsets = [12], sizes = [1], strides = [1]} : vector<16xf32> to vector<1xf32>
    %squeeze3A_73 = vector.extract %slice3A_72[0] : f32 from vector<1xf32>
    %slice3A_74 = vector.extract_strided_slice %get3A_11 {offsets = [13], sizes = [1], strides = [1]} : vector<16xf32> to vector<1xf32>
    %squeeze3A_75 = vector.extract %slice3A_74[0] : f32 from vector<1xf32>
    %slice3A_76 = vector.extract_strided_slice %get3A_11 {offsets = [14], sizes = [1], strides = [1]} : vector<16xf32> to vector<1xf32>
    %squeeze3A_77 = vector.extract %slice3A_76[0] : f32 from vector<1xf32>
    %slice3A_78 = vector.extract_strided_slice %get3A_11 {offsets = [15], sizes = [1], strides = [1]} : vector<16xf32> to vector<1xf32>
    %squeeze3A_79 = vector.extract %slice3A_78[0] : f32 from vector<1xf32>
    %slice3A_80 = vector.extract_strided_slice %get3A_14 {offsets = [0], sizes = [1], strides = [1]} : vector<16xf32> to vector<1xf32>
    %squeeze3A_81 = vector.extract %slice3A_80[0] : f32 from vector<1xf32>
    %slice3A_82 = vector.extract_strided_slice %get3A_14 {offsets = [1], sizes = [1], strides = [1]} : vector<16xf32> to vector<1xf32>
    %squeeze3A_83 = vector.extract %slice3A_82[0] : f32 from vector<1xf32>
    %slice3A_84 = vector.extract_strided_slice %get3A_14 {offsets = [2], sizes = [1], strides = [1]} : vector<16xf32> to vector<1xf32>
    %squeeze3A_85 = vector.extract %slice3A_84[0] : f32 from vector<1xf32>
    %slice3A_86 = vector.extract_strided_slice %get3A_14 {offsets = [3], sizes = [1], strides = [1]} : vector<16xf32> to vector<1xf32>
    %squeeze3A_87 = vector.extract %slice3A_86[0] : f32 from vector<1xf32>
    %slice3A_88 = vector.extract_strided_slice %get3A_14 {offsets = [4], sizes = [1], strides = [1]} : vector<16xf32> to vector<1xf32>
    %squeeze3A_89 = vector.extract %slice3A_88[0] : f32 from vector<1xf32>
    %slice3A_90 = vector.extract_strided_slice %get3A_14 {offsets = [5], sizes = [1], strides = [1]} : vector<16xf32> to vector<1xf32>
    %squeeze3A_91 = vector.extract %slice3A_90[0] : f32 from vector<1xf32>
    %slice3A_92 = vector.extract_strided_slice %get3A_14 {offsets = [6], sizes = [1], strides = [1]} : vector<16xf32> to vector<1xf32>
    %squeeze3A_93 = vector.extract %slice3A_92[0] : f32 from vector<1xf32>
    %slice3A_94 = vector.extract_strided_slice %get3A_14 {offsets = [7], sizes = [1], strides = [1]} : vector<16xf32> to vector<1xf32>
    %squeeze3A_95 = vector.extract %slice3A_94[0] : f32 from vector<1xf32>
    %slice3A_96 = vector.extract_strided_slice %get3A_14 {offsets = [8], sizes = [1], strides = [1]} : vector<16xf32> to vector<1xf32>
    %squeeze3A_97 = vector.extract %slice3A_96[0] : f32 from vector<1xf32>
    %slice3A_98 = vector.extract_strided_slice %get3A_14 {offsets = [9], sizes = [1], strides = [1]} : vector<16xf32> to vector<1xf32>
    %squeeze3A_99 = vector.extract %slice3A_98[0] : f32 from vector<1xf32>
    %slice3A_100 = vector.extract_strided_slice %get3A_14 {offsets = [10], sizes = [1], strides = [1]} : vector<16xf32> to vector<1xf32>
    %squeeze3A_101 = vector.extract %slice3A_100[0] : f32 from vector<1xf32>
    %slice3A_102 = vector.extract_strided_slice %get3A_14 {offsets = [11], sizes = [1], strides = [1]} : vector<16xf32> to vector<1xf32>
    %squeeze3A_103 = vector.extract %slice3A_102[0] : f32 from vector<1xf32>
    %slice3A_104 = vector.extract_strided_slice %get3A_14 {offsets = [12], sizes = [1], strides = [1]} : vector<16xf32> to vector<1xf32>
    %squeeze3A_105 = vector.extract %slice3A_104[0] : f32 from vector<1xf32>
    %slice3A_106 = vector.extract_strided_slice %get3A_14 {offsets = [13], sizes = [1], strides = [1]} : vector<16xf32> to vector<1xf32>
    %squeeze3A_107 = vector.extract %slice3A_106[0] : f32 from vector<1xf32>
    %slice3A_108 = vector.extract_strided_slice %get3A_14 {offsets = [14], sizes = [1], strides = [1]} : vector<16xf32> to vector<1xf32>
    %squeeze3A_109 = vector.extract %slice3A_108[0] : f32 from vector<1xf32>
    %slice3A_110 = vector.extract_strided_slice %get3A_14 {offsets = [15], sizes = [1], strides = [1]} : vector<16xf32> to vector<1xf32>
    %squeeze3A_111 = vector.extract %slice3A_110[0] : f32 from vector<1xf32>
    %slice3A_112 = vector.extract_strided_slice %get3A_17 {offsets = [0], sizes = [1], strides = [1]} : vector<16xf32> to vector<1xf32>
    %squeeze3A_113 = vector.extract %slice3A_112[0] : f32 from vector<1xf32>
    %slice3A_114 = vector.extract_strided_slice %get3A_17 {offsets = [1], sizes = [1], strides = [1]} : vector<16xf32> to vector<1xf32>
    %squeeze3A_115 = vector.extract %slice3A_114[0] : f32 from vector<1xf32>
    %slice3A_116 = vector.extract_strided_slice %get3A_17 {offsets = [2], sizes = [1], strides = [1]} : vector<16xf32> to vector<1xf32>
    %squeeze3A_117 = vector.extract %slice3A_116[0] : f32 from vector<1xf32>
    %slice3A_118 = vector.extract_strided_slice %get3A_17 {offsets = [3], sizes = [1], strides = [1]} : vector<16xf32> to vector<1xf32>
    %squeeze3A_119 = vector.extract %slice3A_118[0] : f32 from vector<1xf32>
    %slice3A_120 = vector.extract_strided_slice %get3A_17 {offsets = [4], sizes = [1], strides = [1]} : vector<16xf32> to vector<1xf32>
    %squeeze3A_121 = vector.extract %slice3A_120[0] : f32 from vector<1xf32>
    %slice3A_122 = vector.extract_strided_slice %get3A_17 {offsets = [5], sizes = [1], strides = [1]} : vector<16xf32> to vector<1xf32>
    %squeeze3A_123 = vector.extract %slice3A_122[0] : f32 from vector<1xf32>
    %slice3A_124 = vector.extract_strided_slice %get3A_17 {offsets = [6], sizes = [1], strides = [1]} : vector<16xf32> to vector<1xf32>
    %squeeze3A_125 = vector.extract %slice3A_124[0] : f32 from vector<1xf32>
    %slice3A_126 = vector.extract_strided_slice %get3A_17 {offsets = [7], sizes = [1], strides = [1]} : vector<16xf32> to vector<1xf32>
    %squeeze3A_127 = vector.extract %slice3A_126[0] : f32 from vector<1xf32>
    %slice3A_128 = vector.extract_strided_slice %get3A_17 {offsets = [8], sizes = [1], strides = [1]} : vector<16xf32> to vector<1xf32>
    %squeeze3A_129 = vector.extract %slice3A_128[0] : f32 from vector<1xf32>
    %slice3A_130 = vector.extract_strided_slice %get3A_17 {offsets = [9], sizes = [1], strides = [1]} : vector<16xf32> to vector<1xf32>
    %squeeze3A_131 = vector.extract %slice3A_130[0] : f32 from vector<1xf32>
    %slice3A_132 = vector.extract_strided_slice %get3A_17 {offsets = [10], sizes = [1], strides = [1]} : vector<16xf32> to vector<1xf32>
    %squeeze3A_133 = vector.extract %slice3A_132[0] : f32 from vector<1xf32>
    %slice3A_134 = vector.extract_strided_slice %get3A_17 {offsets = [11], sizes = [1], strides = [1]} : vector<16xf32> to vector<1xf32>
    %squeeze3A_135 = vector.extract %slice3A_134[0] : f32 from vector<1xf32>
    %slice3A_136 = vector.extract_strided_slice %get3A_17 {offsets = [12], sizes = [1], strides = [1]} : vector<16xf32> to vector<1xf32>
    %squeeze3A_137 = vector.extract %slice3A_136[0] : f32 from vector<1xf32>
    %slice3A_138 = vector.extract_strided_slice %get3A_17 {offsets = [13], sizes = [1], strides = [1]} : vector<16xf32> to vector<1xf32>
    %squeeze3A_139 = vector.extract %slice3A_138[0] : f32 from vector<1xf32>
    %slice3A_140 = vector.extract_strided_slice %get3A_17 {offsets = [14], sizes = [1], strides = [1]} : vector<16xf32> to vector<1xf32>
    %squeeze3A_141 = vector.extract %slice3A_140[0] : f32 from vector<1xf32>
    %slice3A_142 = vector.extract_strided_slice %get3A_17 {offsets = [15], sizes = [1], strides = [1]} : vector<16xf32> to vector<1xf32>
    %squeeze3A_143 = vector.extract %slice3A_142[0] : f32 from vector<1xf32>
    %scan3A = arith.constant 0 : i32
    %scan3A_144 = arith.constant 0 : i32
    %scan3A_145 = arith.constant 8 : i32
    %scan3A_146 = arith.addi %scan3A_144, %scan3A_145 : i32
    %scan3A_147 = arith.constant 1 : i32
    %scan3A_148 = scf.for %scan3A_150 = %scan3A_144 to %scan3A_146 step %scan3A_147 iter_args(%scan3A_151 = %scan3A) -> (i32)  : i32 {
      %mul3A_152 = arith.constant 16 : i32
      %mul3A_153 = arith.muli %scan3A_150, %mul3A_152 : i32
      %add3A_154 = arith.constant 0 : i32
      %add3A_155 = arith.addi %add3A_154, %mul3A_153 : i32
      %get3A_156 = arith.index_cast %add3A_155 : i32 to index
      %get3A_157 = tpu.vector_load %arg5[%get3A_156] {strides = array<i32>} : memref<1536xf32, #tpu.memory_space<vmem>>, vector<16xf32>,
      %get3A_158 = vector.shape_cast %get3A_157 : vector<16xf32> to vector<16xf32>
      %add3A_159 = arith.constant 128 : i32
      %add3A_160 = arith.addi %add3A_159, %mul3A_153 : i32
      %get3A_161 = arith.index_cast %add3A_160 : i32 to index
      %get3A_162 = tpu.vector_load %arg5[%get3A_161] {strides = array<i32>} : memref<1536xf32, #tpu.memory_space<vmem>>, vector<16xf32>,
      %get3A_163 = vector.shape_cast %get3A_162 : vector<16xf32> to vector<16xf32>
      %add3A_164 = arith.constant 256 : i32
      %add3A_165 = arith.addi %add3A_164, %mul3A_153 : i32
      %get3A_166 = arith.index_cast %add3A_165 : i32 to index
      %get3A_167 = tpu.vector_load %arg5[%get3A_166] {strides = array<i32>} : memref<1536xf32, #tpu.memory_space<vmem>>, vector<16xf32>,
      %get3A_168 = vector.shape_cast %get3A_167 : vector<16xf32> to vector<16xf32>
      %add3A_169 = arith.constant 384 : i32
      %add3A_170 = arith.addi %add3A_169, %mul3A_153 : i32
      %get3A_171 = arith.index_cast %add3A_170 : i32 to index
      %get3A_172 = tpu.vector_load %arg5[%get3A_171] {strides = array<i32>} : memref<1536xf32, #tpu.memory_space<vmem>>, vector<16xf32>,
      %get3A_173 = vector.shape_cast %get3A_172 : vector<16xf32> to vector<16xf32>
      %add3A_174 = arith.constant 512 : i32
      %add3A_175 = arith.addi %add3A_174, %mul3A_153 : i32
      %get3A_176 = arith.index_cast %add3A_175 : i32 to index
      %get3A_177 = tpu.vector_load %arg5[%get3A_176] {strides = array<i32>} : memref<1536xf32, #tpu.memory_space<vmem>>, vector<16xf32>,
      %get3A_178 = vector.shape_cast %get3A_177 : vector<16xf32> to vector<16xf32>
      %add3A_179 = arith.constant 640 : i32
      %add3A_180 = arith.addi %add3A_179, %mul3A_153 : i32
      %get3A_181 = arith.index_cast %add3A_180 : i32 to index
      %get3A_182 = tpu.vector_load %arg5[%get3A_181] {strides = array<i32>} : memref<1536xf32, #tpu.memory_space<vmem>>, vector<16xf32>,
      %get3A_183 = vector.shape_cast %get3A_182 : vector<16xf32> to vector<16xf32>
      %add3A_184 = arith.constant 768 : i32
      %add3A_185 = arith.addi %add3A_184, %mul3A_153 : i32
      %get3A_186 = arith.index_cast %add3A_185 : i32 to index
      %get3A_187 = tpu.vector_load %arg5[%get3A_186] {strides = array<i32>} : memref<1536xf32, #tpu.memory_space<vmem>>, vector<16xf32>,
      %get3A_188 = vector.shape_cast %get3A_187 : vector<16xf32> to vector<16xf32>
      %add3A_189 = arith.constant 896 : i32
      %add3A_190 = arith.addi %add3A_189, %mul3A_153 : i32
      %get3A_191 = arith.index_cast %add3A_190 : i32 to index
      %get3A_192 = tpu.vector_load %arg5[%get3A_191] {strides = array<i32>} : memref<1536xf32, #tpu.memory_space<vmem>>, vector<16xf32>,
      %get3A_193 = vector.shape_cast %get3A_192 : vector<16xf32> to vector<16xf32>
      %add3A_194 = arith.constant 1024 : i32
      %add3A_195 = arith.addi %add3A_194, %mul3A_153 : i32
      %get3A_196 = arith.index_cast %add3A_195 : i32 to index
      %get3A_197 = tpu.vector_load %arg5[%get3A_196] {strides = array<i32>} : memref<1536xf32, #tpu.memory_space<vmem>>, vector<16xf32>,
      %get3A_198 = vector.shape_cast %get3A_197 : vector<16xf32> to vector<16xf32>
      %add3A_199 = arith.constant 1152 : i32
      %add3A_200 = arith.addi %add3A_199, %mul3A_153 : i32
      %get3A_201 = arith.index_cast %add3A_200 : i32 to index
      %get3A_202 = tpu.vector_load %arg5[%get3A_201] {strides = array<i32>} : memref<1536xf32, #tpu.memory_space<vmem>>, vector<16xf32>,
      %get3A_203 = vector.shape_cast %get3A_202 : vector<16xf32> to vector<16xf32>
      %add3A_204 = arith.constant 1280 : i32
      %add3A_205 = arith.addi %add3A_204, %mul3A_153 : i32
      %get3A_206 = arith.index_cast %add3A_205 : i32 to index
      %get3A_207 = tpu.vector_load %arg5[%get3A_206] {strides = array<i32>} : memref<1536xf32, #tpu.memory_space<vmem>>, vector<16xf32>,
      %get3A_208 = vector.shape_cast %get3A_207 : vector<16xf32> to vector<16xf32>
      %add3A_209 = arith.constant 1408 : i32
      %add3A_210 = arith.addi %add3A_209, %mul3A_153 : i32
      %get3A_211 = arith.index_cast %add3A_210 : i32 to index
      %get3A_212 = tpu.vector_load %arg5[%get3A_211] {strides = array<i32>} : memref<1536xf32, #tpu.memory_space<vmem>>, vector<16xf32>,
      %get3A_213 = vector.shape_cast %get3A_212 : vector<16xf32> to vector<16xf32>
      %sub3A = vector.broadcast %squeeze3A : f32 to vector<16xf32>
      %sub3A_214 = arith.subf %sub3A, %get3A_158 : vector<16xf32>
      %sub3A_215 = vector.broadcast %squeeze3A : f32 to vector<16xf32>
      %sub3A_216 = arith.subf %sub3A_215, %get3A_188 : vector<16xf32>
      %mul3A_217 = arith.mulf %sub3A_214, %get3A_168 : vector<16xf32>
      %swap3A = arith.constant 0 : index
      %swap3A_218 = tpu.vector_load %arg7[%swap3A] {strides = array<i32>} : memref<4096xf32, #tpu.memory_space<vmem>>, vector<16xf32>,
      %swap3A_219 = vector.shape_cast %swap3A_218 : vector<16xf32> to vector<16xf32>
      %swap3A_220 = vector.shape_cast %mul3A_217 : vector<16xf32> to vector<16xf32>
      tpu.vector_store %arg7[%swap3A], %swap3A_220 {strides = array<i32>} : memref<4096xf32, #tpu.memory_space<vmem>>, vector<16xf32>,
      %mul3A_221 = arith.mulf %sub3A_214, %get3A_173 : vector<16xf32>
      %swap3A_222 = arith.constant 512 : index
      %swap3A_223 = tpu.vector_load %arg7[%swap3A_222] {strides = array<i32>} : memref<4096xf32, #tpu.memory_space<vmem>>, vector<16xf32>,
      %swap3A_224 = vector.shape_cast %swap3A_223 : vector<16xf32> to vector<16xf32>
      %swap3A_225 = vector.shape_cast %mul3A_221 : vector<16xf32> to vector<16xf32>
      tpu.vector_store %arg7[%swap3A_222], %swap3A_225 {strides = array<i32>} : memref<4096xf32, #tpu.memory_space<vmem>>, vector<16xf32>,
      %mul3A_226 = arith.mulf %sub3A_216, %get3A_198 : vector<16xf32>
      %swap3A_227 = arith.constant 1024 : index
      %swap3A_228 = tpu.vector_load %arg7[%swap3A_227] {strides = array<i32>} : memref<4096xf32, #tpu.memory_space<vmem>>, vector<16xf32>,
      %swap3A_229 = vector.shape_cast %swap3A_228 : vector<16xf32> to vector<16xf32>
      %swap3A_230 = vector.shape_cast %mul3A_226 : vector<16xf32> to vector<16xf32>
      tpu.vector_store %arg7[%swap3A_227], %swap3A_230 {strides = array<i32>} : memref<4096xf32, #tpu.memory_space<vmem>>, vector<16xf32>,
      %mul3A_231 = arith.mulf %sub3A_216, %get3A_203 : vector<16xf32>
      %swap3A_232 = arith.constant 1536 : index
      %swap3A_233 = tpu.vector_load %arg7[%swap3A_232] {strides = array<i32>} : memref<4096xf32, #tpu.memory_space<vmem>>, vector<16xf32>,
      %swap3A_234 = vector.shape_cast %swap3A_233 : vector<16xf32> to vector<16xf32>
      %swap3A_235 = vector.shape_cast %mul3A_231 : vector<16xf32> to vector<16xf32>
      tpu.vector_store %arg7[%swap3A_232], %swap3A_235 {strides = array<i32>} : memref<4096xf32, #tpu.memory_space<vmem>>, vector<16xf32>,
      %sub3A_236 = vector.broadcast %squeeze3A_19 : f32 to vector<16xf32>
      %sub3A_237 = arith.subf %sub3A_236, %get3A_158 : vector<16xf32>
      %sub3A_238 = vector.broadcast %squeeze3A_19 : f32 to vector<16xf32>
      %sub3A_239 = arith.subf %sub3A_238, %get3A_188 : vector<16xf32>
      %mul3A_240 = arith.mulf %sub3A_237, %get3A_168 : vector<16xf32>
      %swap3A_241 = arith.constant 16 : index
      %swap3A_242 = tpu.vector_load %arg7[%swap3A_241] {strides = array<i32>} : memref<4096xf32, #tpu.memory_space<vmem>>, vector<16xf32>,
      %swap3A_243 = vector.shape_cast %swap3A_242 : vector<16xf32> to vector<16xf32>
      %swap3A_244 = vector.shape_cast %mul3A_240 : vector<16xf32> to vector<16xf32>
      tpu.vector_store %arg7[%swap3A_241], %swap3A_244 {strides = array<i32>} : memref<4096xf32, #tpu.memory_space<vmem>>, vector<16xf32>,
      %mul3A_245 = arith.mulf %sub3A_237, %get3A_173 : vector<16xf32>
      %swap3A_246 = arith.constant 528 : index
      %swap3A_247 = tpu.vector_load %arg7[%swap3A_246] {strides = array<i32>} : memref<4096xf32, #tpu.memory_space<vmem>>, vector<16xf32>,
      %swap3A_248 = vector.shape_cast %swap3A_247 : vector<16xf32> to vector<16xf32>
      %swap3A_249 = vector.shape_cast %mul3A_245 : vector<16xf32> to vector<16xf32>
      tpu.vector_store %arg7[%swap3A_246], %swap3A_249 {strides = array<i32>} : memref<4096xf32, #tpu.memory_space<vmem>>, vector<16xf32>,
      %mul3A_250 = arith.mulf %sub3A_239, %get3A_198 : vector<16xf32>
      %swap3A_251 = arith.constant 1040 : index
      %swap3A_252 = tpu.vector_load %arg7[%swap3A_251] {strides = array<i32>} : memref<4096xf32, #tpu.memory_space<vmem>>, vector<16xf32>,
      %swap3A_253 = vector.shape_cast %swap3A_252 : vector<16xf32> to vector<16xf32>
      %swap3A_254 = vector.shape_cast %mul3A_250 : vector<16xf32> to vector<16xf32>
      tpu.vector_store %arg7[%swap3A_251], %swap3A_254 {strides = array<i32>} : memref<4096xf32, #tpu.memory_space<vmem>>, vector<16xf32>,
      %mul3A_255 = arith.mulf %sub3A_239, %get3A_203 : vector<16xf32>
      %swap3A_256 = arith.constant 1552 : index
      %swap3A_257 = tpu.vector_load %arg7[%swap3A_256] {strides = array<i32>} : memref<4096xf32, #tpu.memory_space<vmem>>, vector<16xf32>,
      %swap3A_258 = vector.shape_cast %swap3A_257 : vector<16xf32> to vector<16xf32>
      %swap3A_259 = vector.shape_cast %mul3A_255 : vector<16xf32> to vector<16xf32>
      tpu.vector_store %arg7[%swap3A_256], %swap3A_259 {strides = array<i32>} : memref<4096xf32, #tpu.memory_space<vmem>>, vector<16xf32>,
      %sub3A_260 = vector.broadcast %squeeze3A_21 : f32 to vector<16xf32>
      %sub3A_261 = arith.subf %sub3A_260, %get3A_158 : vector<16xf32>
      %sub3A_262 = vector.broadcast %squeeze3A_21 : f32 to vector<16xf32>
      %sub3A_263 = arith.subf %sub3A_262, %get3A_188 : vector<16xf32>
      %mul3A_264 = arith.mulf %sub3A_261, %get3A_168 : vector<16xf32>
      %swap3A_265 = arith.constant 32 : index
      %swap3A_266 = tpu.vector_load %arg7[%swap3A_265] {strides = array<i32>} : memref<4096xf32, #tpu.memory_space<vmem>>, vector<16xf32>,
      %swap3A_267 = vector.shape_cast %swap3A_266 : vector<16xf32> to vector<16xf32>
      %swap3A_268 = vector.shape_cast %mul3A_264 : vector<16xf32> to vector<16xf32>
      tpu.vector_store %arg7[%swap3A_265], %swap3A_268 {strides = array<i32>} : memref<4096xf32, #tpu.memory_space<vmem>>, vector<16xf32>,
      %mul3A_269 = arith.mulf %sub3A_261, %get3A_173 : vector<16xf32>
      %swap3A_270 = arith.constant 544 : index
      %swap3A_271 = tpu.vector_load %arg7[%swap3A_270] {strides = array<i32>} : memref<4096xf32, #tpu.memory_space<vmem>>, vector<16xf32>,
      %swap3A_272 = vector.shape_cast %swap3A_271 : vector<16xf32> to vector<16xf32>
      %swap3A_273 = vector.shape_cast %mul3A_269 : vector<16xf32> to vector<16xf32>
      tpu.vector_store %arg7[%swap3A_270], %swap3A_273 {strides = array<i32>} : memref<4096xf32, #tpu.memory_space<vmem>>, vector<16xf32>,
      %mul3A_274 = arith.mulf %sub3A_263, %get3A_198 : vector<16xf32>
      %swap3A_275 = arith.constant 1056 : index
      %swap3A_276 = tpu.vector_load %arg7[%swap3A_275] {strides = array<i32>} : memref<4096xf32, #tpu.memory_space<vmem>>, vector<16xf32>,
      %swap3A_277 = vector.shape_cast %swap3A_276 : vector<16xf32> to vector<16xf32>
      %swap3A_278 = vector.shape_cast %mul3A_274 : vector<16xf32> to vector<16xf32>
      tpu.vector_store %arg7[%swap3A_275], %swap3A_278 {strides = array<i32>} : memref<4096xf32, #tpu.memory_space<vmem>>, vector<16xf32>,
      %mul3A_279 = arith.mulf %sub3A_263, %get3A_203 : vector<16xf32>
      %swap3A_280 = arith.constant 1568 : index
      %swap3A_281 = tpu.vector_load %arg7[%swap3A_280] {strides = array<i32>} : memref<4096xf32, #tpu.memory_space<vmem>>, vector<16xf32>,
      %swap3A_282 = vector.shape_cast %swap3A_281 : vector<16xf32> to vector<16xf32>
      %swap3A_283 = vector.shape_cast %mul3A_279 : vector<16xf32> to vector<16xf32>
      tpu.vector_store %arg7[%swap3A_280], %swap3A_283 {strides = array<i32>} : memref<4096xf32, #tpu.memory_space<vmem>>, vector<16xf32>,
      %sub3A_284 = vector.broadcast %squeeze3A_23 : f32 to vector<16xf32>
      %sub3A_285 = arith.subf %sub3A_284, %get3A_158 : vector<16xf32>
      %sub3A_286 = vector.broadcast %squeeze3A_23 : f32 to vector<16xf32>
      %sub3A_287 = arith.subf %sub3A_286, %get3A_188 : vector<16xf32>
      %mul3A_288 = arith.mulf %sub3A_285, %get3A_168 : vector<16xf32>
      %swap3A_289 = arith.constant 48 : index
      %swap3A_290 = tpu.vector_load %arg7[%swap3A_289] {strides = array<i32>} : memref<4096xf32, #tpu.memory_space<vmem>>, vector<16xf32>,
      %swap3A_291 = vector.shape_cast %swap3A_290 : vector<16xf32> to vector<16xf32>
      %swap3A_292 = vector.shape_cast %mul3A_288 : vector<16xf32> to vector<16xf32>
      tpu.vector_store %arg7[%swap3A_289], %swap3A_292 {strides = array<i32>} : memref<4096xf32, #tpu.memory_space<vmem>>, vector<16xf32>,
      %mul3A_293 = arith.mulf %sub3A_285, %get3A_173 : vector<16xf32>
      %swap3A_294 = arith.constant 560 : index
      %swap3A_295 = tpu.vector_load %arg7[%swap3A_294] {strides = array<i32>} : memref<4096xf32, #tpu.memory_space<vmem>>, vector<16xf32>,
      %swap3A_296 = vector.shape_cast %swap3A_295 : vector<16xf32> to vector<16xf32>
      %swap3A_297 = vector.shape_cast %mul3A_293 : vector<16xf32> to vector<16xf32>
      tpu.vector_store %arg7[%swap3A_294], %swap3A_297 {strides = array<i32>} : memref<4096xf32, #tpu.memory_space<vmem>>, vector<16xf32>,
      %mul3A_298 = arith.mulf %sub3A_287, %get3A_198 : vector<16xf32>
      %swap3A_299 = arith.constant 1072 : index
      %swap3A_300 = tpu.vector_load %arg7[%swap3A_299] {strides = array<i32>} : memref<4096xf32, #tpu.memory_space<vmem>>, vector<16xf32>,
      %swap3A_301 = vector.shape_cast %swap3A_300 : vector<16xf32> to vector<16xf32>
      %swap3A_302 = vector.shape_cast %mul3A_298 : vector<16xf32> to vector<16xf32>
      tpu.vector_store %arg7[%swap3A_299], %swap3A_302 {strides = array<i32>} : memref<4096xf32, #tpu.memory_space<vmem>>, vector<16xf32>,
      %mul3A_303 = arith.mulf %sub3A_287, %get3A_203 : vector<16xf32>
      %swap3A_304 = arith.constant 1584 : index
      %swap3A_305 = tpu.vector_load %arg7[%swap3A_304] {strides = array<i32>} : memref<4096xf32, #tpu.memory_space<vmem>>, vector<16xf32>,
      %swap3A_306 = vector.shape_cast %swap3A_305 : vector<16xf32> to vector<16xf32>
      %swap3A_307 = vector.shape_cast %mul3A_303 : vector<16xf32> to vector<16xf32>
      tpu.vector_store %arg7[%swap3A_304], %swap3A_307 {strides = array<i32>} : memref<4096xf32, #tpu.memory_space<vmem>>, vector<16xf32>,
      %sub3A_308 = vector.broadcast %squeeze3A_25 : f32 to vector<16xf32>
      %sub3A_309 = arith.subf %sub3A_308, %get3A_158 : vector<16xf32>
      %sub3A_310 = vector.broadcast %squeeze3A_25 : f32 to vector<16xf32>
      %sub3A_311 = arith.subf %sub3A_310, %get3A_188 : vector<16xf32>
      %mul3A_312 = arith.mulf %sub3A_309, %get3A_168 : vector<16xf32>
      %swap3A_313 = arith.constant 64 : index
      %swap3A_314 = tpu.vector_load %arg7[%swap3A_313] {strides = array<i32>} : memref<4096xf32, #tpu.memory_space<vmem>>, vector<16xf32>,
      %swap3A_315 = vector.shape_cast %swap3A_314 : vector<16xf32> to vector<16xf32>
      %swap3A_316 = vector.shape_cast %mul3A_312 : vector<16xf32> to vector<16xf32>
      tpu.vector_store %arg7[%swap3A_313], %swap3A_316 {strides = array<i32>} : memref<4096xf32, #tpu.memory_space<vmem>>, vector<16xf32>,
      %mul3A_317 = arith.mulf %sub3A_309, %get3A_173 : vector<16xf32>
      %swap3A_318 = arith.constant 576 : index
      %swap3A_319 = tpu.vector_load %arg7[%swap3A_318] {strides = array<i32>} : memref<4096xf32, #tpu.memory_space<vmem>>, vector<16xf32>,
      %swap3A_320 = vector.shape_cast %swap3A_319 : vector<16xf32> to vector<16xf32>
      %swap3A_321 = vector.shape_cast %mul3A_317 : vector<16xf32> to vector<16xf32>
      tpu.vector_store %arg7[%swap3A_318], %swap3A_321 {strides = array<i32>} : memref<4096xf32, #tpu.memory_space<vmem>>, vector<16xf32>,
      %mul3A_322 = arith.mulf %sub3A_311, %get3A_198 : vector<16xf32>
      %swap3A_323 = arith.constant 1088 : index
      %swap3A_324 = tpu.vector_load %arg7[%swap3A_323] {strides = array<i32>} : memref<4096xf32, #tpu.memory_space<vmem>>, vector<16xf32>,
      %swap3A_325 = vector.shape_cast %swap3A_324 : vector<16xf32> to vector<16xf32>
      %swap3A_326 = vector.shape_cast %mul3A_322 : vector<16xf32> to vector<16xf32>
      tpu.vector_store %arg7[%swap3A_323], %swap3A_326 {strides = array<i32>} : memref<4096xf32, #tpu.memory_space<vmem>>, vector<16xf32>,
      %mul3A_327 = arith.mulf %sub3A_311, %get3A_203 : vector<16xf32>
      %swap3A_328 = arith.constant 1600 : index
      %swap3A_329 = tpu.vector_load %arg7[%swap3A_328] {strides = array<i32>} : memref<4096xf32, #tpu.memory_space<vmem>>, vector<16xf32>,
      %swap3A_330 = vector.shape_cast %swap3A_329 : vector<16xf32> to vector<16xf32>
      %swap3A_331 = vector.shape_cast %mul3A_327 : vector<16xf32> to vector<16xf32>
      tpu.vector_store %arg7[%swap3A_328], %swap3A_331 {strides = array<i32>} : memref<4096xf32, #tpu.memory_space<vmem>>, vector<16xf32>,
      %sub3A_332 = vector.broadcast %squeeze3A_27 : f32 to vector<16xf32>
      %sub3A_333 = arith.subf %sub3A_332, %get3A_158 : vector<16xf32>
      %sub3A_334 = vector.broadcast %squeeze3A_27 : f32 to vector<16xf32>
      %sub3A_335 = arith.subf %sub3A_334, %get3A_188 : vector<16xf32>
      %mul3A_336 = arith.mulf %sub3A_333, %get3A_168 : vector<16xf32>
      %swap3A_337 = arith.constant 80 : index
      %swap3A_338 = tpu.vector_load %arg7[%swap3A_337] {strides = array<i32>} : memref<4096xf32, #tpu.memory_space<vmem>>, vector<16xf32>,
      %swap3A_339 = vector.shape_cast %swap3A_338 : vector<16xf32> to vector<16xf32>
      %swap3A_340 = vector.shape_cast %mul3A_336 : vector<16xf32> to vector<16xf32>
      tpu.vector_store %arg7[%swap3A_337], %swap3A_340 {strides = array<i32>} : memref<4096xf32, #tpu.memory_space<vmem>>, vector<16xf32>,
      %mul3A_341 = arith.mulf %sub3A_333, %get3A_173 : vector<16xf32>
      %swap3A_342 = arith.constant 592 : index
      %swap3A_343 = tpu.vector_load %arg7[%swap3A_342] {strides = array<i32>} : memref<4096xf32, #tpu.memory_space<vmem>>, vector<16xf32>,
      %swap3A_344 = vector.shape_cast %swap3A_343 : vector<16xf32> to vector<16xf32>
      %swap3A_345 = vector.shape_cast %mul3A_341 : vector<16xf32> to vector<16xf32>
      tpu.vector_store %arg7[%swap3A_342], %swap3A_345 {strides = array<i32>} : memref<4096xf32, #tpu.memory_space<vmem>>, vector<16xf32>,
      %mul3A_346 = arith.mulf %sub3A_335, %get3A_198 : vector<16xf32>
      %swap3A_347 = arith.constant 1104 : index
      %swap3A_348 = tpu.vector_load %arg7[%swap3A_347] {strides = array<i32>} : memref<4096xf32, #tpu.memory_space<vmem>>, vector<16xf32>,
      %swap3A_349 = vector.shape_cast %swap3A_348 : vector<16xf32> to vector<16xf32>
      %swap3A_350 = vector.shape_cast %mul3A_346 : vector<16xf32> to vector<16xf32>
      tpu.vector_store %arg7[%swap3A_347], %swap3A_350 {strides = array<i32>} : memref<4096xf32, #tpu.memory_space<vmem>>, vector<16xf32>,
      %mul3A_351 = arith.mulf %sub3A_335, %get3A_203 : vector<16xf32>
      %swap3A_352 = arith.constant 1616 : index
      %swap3A_353 = tpu.vector_load %arg7[%swap3A_352] {strides = array<i32>} : memref<4096xf32, #tpu.memory_space<vmem>>, vector<16xf32>,
      %swap3A_354 = vector.shape_cast %swap3A_353 : vector<16xf32> to vector<16xf32>
      %swap3A_355 = vector.shape_cast %mul3A_351 : vector<16xf32> to vector<16xf32>
      tpu.vector_store %arg7[%swap3A_352], %swap3A_355 {strides = array<i32>} : memref<4096xf32, #tpu.memory_space<vmem>>, vector<16xf32>,
      %sub3A_356 = vector.broadcast %squeeze3A_29 : f32 to vector<16xf32>
      %sub3A_357 = arith.subf %sub3A_356, %get3A_158 : vector<16xf32>
      %sub3A_358 = vector.broadcast %squeeze3A_29 : f32 to vector<16xf32>
      %sub3A_359 = arith.subf %sub3A_358, %get3A_188 : vector<16xf32>
      %mul3A_360 = arith.mulf %sub3A_357, %get3A_168 : vector<16xf32>
      %swap3A_361 = arith.constant 96 : index
      %swap3A_362 = tpu.vector_load %arg7[%swap3A_361] {strides = array<i32>} : memref<4096xf32, #tpu.memory_space<vmem>>, vector<16xf32>,
      %swap3A_363 = vector.shape_cast %swap3A_362 : vector<16xf32> to vector<16xf32>
      %swap3A_364 = vector.shape_cast %mul3A_360 : vector<16xf32> to vector<16xf32>
      tpu.vector_store %arg7[%swap3A_361], %swap3A_364 {strides = array<i32>} : memref<4096xf32, #tpu.memory_space<vmem>>, vector<16xf32>,
      %mul3A_365 = arith.mulf %sub3A_357, %get3A_173 : vector<16xf32>
      %swap3A_366 = arith.constant 608 : index
      %swap3A_367 = tpu.vector_load %arg7[%swap3A_366] {strides = array<i32>} : memref<4096xf32, #tpu.memory_space<vmem>>, vector<16xf32>,
      %swap3A_368 = vector.shape_cast %swap3A_367 : vector<16xf32> to vector<16xf32>
      %swap3A_369 = vector.shape_cast %mul3A_365 : vector<16xf32> to vector<16xf32>
      tpu.vector_store %arg7[%swap3A_366], %swap3A_369 {strides = array<i32>} : memref<4096xf32, #tpu.memory_space<vmem>>, vector<16xf32>,
      %mul3A_370 = arith.mulf %sub3A_359, %get3A_198 : vector<16xf32>
      %swap3A_371 = arith.constant 1120 : index
      %swap3A_372 = tpu.vector_load %arg7[%swap3A_371] {strides = array<i32>} : memref<4096xf32, #tpu.memory_space<vmem>>, vector<16xf32>,
      %swap3A_373 = vector.shape_cast %swap3A_372 : vector<16xf32> to vector<16xf32>
      %swap3A_374 = vector.shape_cast %mul3A_370 : vector<16xf32> to vector<16xf32>
      tpu.vector_store %arg7[%swap3A_371], %swap3A_374 {strides = array<i32>} : memref<4096xf32, #tpu.memory_space<vmem>>, vector<16xf32>,
      %mul3A_375 = arith.mulf %sub3A_359, %get3A_203 : vector<16xf32>
      %swap3A_376 = arith.constant 1632 : index
      %swap3A_377 = tpu.vector_load %arg7[%swap3A_376] {strides = array<i32>} : memref<4096xf32, #tpu.memory_space<vmem>>, vector<16xf32>,
      %swap3A_378 = vector.shape_cast %swap3A_377 : vector<16xf32> to vector<16xf32>
      %swap3A_379 = vector.shape_cast %mul3A_375 : vector<16xf32> to vector<16xf32>
      tpu.vector_store %arg7[%swap3A_376], %swap3A_379 {strides = array<i32>} : memref<4096xf32, #tpu.memory_space<vmem>>, vector<16xf32>,
      %sub3A_380 = vector.broadcast %squeeze3A_31 : f32 to vector<16xf32>
      %sub3A_381 = arith.subf %sub3A_380, %get3A_158 : vector<16xf32>
      %sub3A_382 = vector.broadcast %squeeze3A_31 : f32 to vector<16xf32>
      %sub3A_383 = arith.subf %sub3A_382, %get3A_188 : vector<16xf32>
      %mul3A_384 = arith.mulf %sub3A_381, %get3A_168 : vector<16xf32>
      %swap3A_385 = arith.constant 112 : index
      %swap3A_386 = tpu.vector_load %arg7[%swap3A_385] {strides = array<i32>} : memref<4096xf32, #tpu.memory_space<vmem>>, vector<16xf32>,
      %swap3A_387 = vector.shape_cast %swap3A_386 : vector<16xf32> to vector<16xf32>
      %swap3A_388 = vector.shape_cast %mul3A_384 : vector<16xf32> to vector<16xf32>
      tpu.vector_store %arg7[%swap3A_385], %swap3A_388 {strides = array<i32>} : memref<4096xf32, #tpu.memory_space<vmem>>, vector<16xf32>,
      %mul3A_389 = arith.mulf %sub3A_381, %get3A_173 : vector<16xf32>
      %swap3A_390 = arith.constant 624 : index
      %swap3A_391 = tpu.vector_load %arg7[%swap3A_390] {strides = array<i32>} : memref<4096xf32, #tpu.memory_space<vmem>>, vector<16xf32>,
      %swap3A_392 = vector.shape_cast %swap3A_391 : vector<16xf32> to vector<16xf32>
      %swap3A_393 = vector.shape_cast %mul3A_389 : vector<16xf32> to vector<16xf32>
      tpu.vector_store %arg7[%swap3A_390], %swap3A_393 {strides = array<i32>} : memref<4096xf32, #tpu.memory_space<vmem>>, vector<16xf32>,
      %mul3A_394 = arith.mulf %sub3A_383, %get3A_198 : vector<16xf32>
      %swap3A_395 = arith.constant 1136 : index
      %swap3A_396 = tpu.vector_load %arg7[%swap3A_395] {strides = array<i32>} : memref<4096xf32, #tpu.memory_space<vmem>>, vector<16xf32>,
      %swap3A_397 = vector.shape_cast %swap3A_396 : vector<16xf32> to vector<16xf32>
      %swap3A_398 = vector.shape_cast %mul3A_394 : vector<16xf32> to vector<16xf32>
      tpu.vector_store %arg7[%swap3A_395], %swap3A_398 {strides = array<i32>} : memref<4096xf32, #tpu.memory_space<vmem>>, vector<16xf32>,
      %mul3A_399 = arith.mulf %sub3A_383, %get3A_203 : vector<16xf32>
      %swap3A_400 = arith.constant 1648 : index
      %swap3A_401 = tpu.vector_load %arg7[%swap3A_400] {strides = array<i32>} : memref<4096xf32, #tpu.memory_space<vmem>>, vector<16xf32>,
      %swap3A_402 = vector.shape_cast %swap3A_401 : vector<16xf32> to vector<16xf32>
      %swap3A_403 = vector.shape_cast %mul3A_399 : vector<16xf32> to vector<16xf32>
      tpu.vector_store %arg7[%swap3A_400], %swap3A_403 {strides = array<i32>} : memref<4096xf32, #tpu.memory_space<vmem>>, vector<16xf32>,
      %sub3A_404 = vector.broadcast %squeeze3A_33 : f32 to vector<16xf32>
      %sub3A_405 = arith.subf %sub3A_404, %get3A_158 : vector<16xf32>
      %sub3A_406 = vector.broadcast %squeeze3A_33 : f32 to vector<16xf32>
      %sub3A_407 = arith.subf %sub3A_406, %get3A_188 : vector<16xf32>
      %mul3A_408 = arith.mulf %sub3A_405, %get3A_168 : vector<16xf32>
      %swap3A_409 = arith.constant 128 : index
      %swap3A_410 = tpu.vector_load %arg7[%swap3A_409] {strides = array<i32>} : memref<4096xf32, #tpu.memory_space<vmem>>, vector<16xf32>,
      %swap3A_411 = vector.shape_cast %swap3A_410 : vector<16xf32> to vector<16xf32>
      %swap3A_412 = vector.shape_cast %mul3A_408 : vector<16xf32> to vector<16xf32>
      tpu.vector_store %arg7[%swap3A_409], %swap3A_412 {strides = array<i32>} : memref<4096xf32, #tpu.memory_space<vmem>>, vector<16xf32>,
      %mul3A_413 = arith.mulf %sub3A_405, %get3A_173 : vector<16xf32>
      %swap3A_414 = arith.constant 640 : index
      %swap3A_415 = tpu.vector_load %arg7[%swap3A_414] {strides = array<i32>} : memref<4096xf32, #tpu.memory_space<vmem>>, vector<16xf32>,
      %swap3A_416 = vector.shape_cast %swap3A_415 : vector<16xf32> to vector<16xf32>
      %swap3A_417 = vector.shape_cast %mul3A_413 : vector<16xf32> to vector<16xf32>
      tpu.vector_store %arg7[%swap3A_414], %swap3A_417 {strides = array<i32>} : memref<4096xf32, #tpu.memory_space<vmem>>, vector<16xf32>,
      %mul3A_418 = arith.mulf %sub3A_407, %get3A_198 : vector<16xf32>
      %swap3A_419 = arith.constant 1152 : index
      %swap3A_420 = tpu.vector_load %arg7[%swap3A_419] {strides = array<i32>} : memref<4096xf32, #tpu.memory_space<vmem>>, vector<16xf32>,
      %swap3A_421 = vector.shape_cast %swap3A_420 : vector<16xf32> to vector<16xf32>
      %swap3A_422 = vector.shape_cast %mul3A_418 : vector<16xf32> to vector<16xf32>
      tpu.vector_store %arg7[%swap3A_419], %swap3A_422 {strides = array<i32>} : memref<4096xf32, #tpu.memory_space<vmem>>, vector<16xf32>,
      %mul3A_423 = arith.mulf %sub3A_407, %get3A_203 : vector<16xf32>
      %swap3A_424 = arith.constant 1664 : index
      %swap3A_425 = tpu.vector_load %arg7[%swap3A_424] {strides = array<i32>} : memref<4096xf32, #tpu.memory_space<vmem>>, vector<16xf32>,
      %swap3A_426 = vector.shape_cast %swap3A_425 : vector<16xf32> to vector<16xf32>
      %swap3A_427 = vector.shape_cast %mul3A_423 : vector<16xf32> to vector<16xf32>
      tpu.vector_store %arg7[%swap3A_424], %swap3A_427 {strides = array<i32>} : memref<4096xf32, #tpu.memory_space<vmem>>, vector<16xf32>,
      %sub3A_428 = vector.broadcast %squeeze3A_35 : f32 to vector<16xf32>
      %sub3A_429 = arith.subf %sub3A_428, %get3A_158 : vector<16xf32>
      %sub3A_430 = vector.broadcast %squeeze3A_35 : f32 to vector<16xf32>
      %sub3A_431 = arith.subf %sub3A_430, %get3A_188 : vector<16xf32>
      %mul3A_432 = arith.mulf %sub3A_429, %get3A_168 : vector<16xf32>
      %swap3A_433 = arith.constant 144 : index
      %swap3A_434 = tpu.vector_load %arg7[%swap3A_433] {strides = array<i32>} : memref<4096xf32, #tpu.memory_space<vmem>>, vector<16xf32>,
      %swap3A_435 = vector.shape_cast %swap3A_434 : vector<16xf32> to vector<16xf32>
      %swap3A_436 = vector.shape_cast %mul3A_432 : vector<16xf32> to vector<16xf32>
      tpu.vector_store %arg7[%swap3A_433], %swap3A_436 {strides = array<i32>} : memref<4096xf32, #tpu.memory_space<vmem>>, vector<16xf32>,
      %mul3A_437 = arith.mulf %sub3A_429, %get3A_173 : vector<16xf32>
      %swap3A_438 = arith.constant 656 : index
      %swap3A_439 = tpu.vector_load %arg7[%swap3A_438] {strides = array<i32>} : memref<4096xf32, #tpu.memory_space<vmem>>, vector<16xf32>,
      %swap3A_440 = vector.shape_cast %swap3A_439 : vector<16xf32> to vector<16xf32>
      %swap3A_441 = vector.shape_cast %mul3A_437 : vector<16xf32> to vector<16xf32>
      tpu.vector_store %arg7[%swap3A_438], %swap3A_441 {strides = array<i32>} : memref<4096xf32, #tpu.memory_space<vmem>>, vector<16xf32>,
      %mul3A_442 = arith.mulf %sub3A_431, %get3A_198 : vector<16xf32>
      %swap3A_443 = arith.constant 1168 : index
      %swap3A_444 = tpu.vector_load %arg7[%swap3A_443] {strides = array<i32>} : memref<4096xf32, #tpu.memory_space<vmem>>, vector<16xf32>,
      %swap3A_445 = vector.shape_cast %swap3A_444 : vector<16xf32> to vector<16xf32>
      %swap3A_446 = vector.shape_cast %mul3A_442 : vector<16xf32> to vector<16xf32>
      tpu.vector_store %arg7[%swap3A_443], %swap3A_446 {strides = array<i32>} : memref<4096xf32, #tpu.memory_space<vmem>>, vector<16xf32>,
      %mul3A_447 = arith.mulf %sub3A_431, %get3A_203 : vector<16xf32>
      %swap3A_448 = arith.constant 1680 : index
      %swap3A_449 = tpu.vector_load %arg7[%swap3A_448] {strides = array<i32>} : memref<4096xf32, #tpu.memory_space<vmem>>, vector<16xf32>,
      %swap3A_450 = vector.shape_cast %swap3A_449 : vector<16xf32> to vector<16xf32>
      %swap3A_451 = vector.shape_cast %mul3A_447 : vector<16xf32> to vector<16xf32>
      tpu.vector_store %arg7[%swap3A_448], %swap3A_451 {strides = array<i32>} : memref<4096xf32, #tpu.memory_space<vmem>>, vector<16xf32>,
      %sub3A_452 = vector.broadcast %squeeze3A_37 : f32 to vector<16xf32>
      %sub3A_453 = arith.subf %sub3A_452, %get3A_158 : vector<16xf32>
      %sub3A_454 = vector.broadcast %squeeze3A_37 : f32 to vector<16xf32>
      %sub3A_455 = arith.subf %sub3A_454, %get3A_188 : vector<16xf32>
      %mul3A_456 = arith.mulf %sub3A_453, %get3A_168 : vector<16xf32>
      %swap3A_457 = arith.constant 160 : index
      %swap3A_458 = tpu.vector_load %arg7[%swap3A_457] {strides = array<i32>} : memref<4096xf32, #tpu.memory_space<vmem>>, vector<16xf32>,
      %swap3A_459 = vector.shape_cast %swap3A_458 : vector<16xf32> to vector<16xf32>
      %swap3A_460 = vector.shape_cast %mul3A_456 : vector<16xf32> to vector<16xf32>
      tpu.vector_store %arg7[%swap3A_457], %swap3A_460 {strides = array<i32>} : memref<4096xf32, #tpu.memory_space<vmem>>, vector<16xf32>,
      %mul3A_461 = arith.mulf %sub3A_453, %get3A_173 : vector<16xf32>
      %swap3A_462 = arith.constant 672 : index
      %swap3A_463 = tpu.vector_load %arg7[%swap3A_462] {strides = array<i32>} : memref<4096xf32, #tpu.memory_space<vmem>>, vector<16xf32>,
      %swap3A_464 = vector.shape_cast %swap3A_463 : vector<16xf32> to vector<16xf32>
      %swap3A_465 = vector.shape_cast %mul3A_461 : vector<16xf32> to vector<16xf32>
      tpu.vector_store %arg7[%swap3A_462], %swap3A_465 {strides = array<i32>} : memref<4096xf32, #tpu.memory_space<vmem>>, vector<16xf32>,
      %mul3A_466 = arith.mulf %sub3A_455, %get3A_198 : vector<16xf32>
      %swap3A_467 = arith.constant 1184 : index
      %swap3A_468 = tpu.vector_load %arg7[%swap3A_467] {strides = array<i32>} : memref<4096xf32, #tpu.memory_space<vmem>>, vector<16xf32>,
      %swap3A_469 = vector.shape_cast %swap3A_468 : vector<16xf32> to vector<16xf32>
      %swap3A_470 = vector.shape_cast %mul3A_466 : vector<16xf32> to vector<16xf32>
      tpu.vector_store %arg7[%swap3A_467], %swap3A_470 {strides = array<i32>} : memref<4096xf32, #tpu.memory_space<vmem>>, vector<16xf32>,
      %mul3A_471 = arith.mulf %sub3A_455, %get3A_203 : vector<16xf32>
      %swap3A_472 = arith.constant 1696 : index
      %swap3A_473 = tpu.vector_load %arg7[%swap3A_472] {strides = array<i32>} : memref<4096xf32, #tpu.memory_space<vmem>>, vector<16xf32>,
      %swap3A_474 = vector.shape_cast %swap3A_473 : vector<16xf32> to vector<16xf32>
      %swap3A_475 = vector.shape_cast %mul3A_471 : vector<16xf32> to vector<16xf32>
      tpu.vector_store %arg7[%swap3A_472], %swap3A_475 {strides = array<i32>} : memref<4096xf32, #tpu.memory_space<vmem>>, vector<16xf32>,
      %sub3A_476 = vector.broadcast %squeeze3A_39 : f32 to vector<16xf32>
      %sub3A_477 = arith.subf %sub3A_476, %get3A_158 : vector<16xf32>
      %sub3A_478 = vector.broadcast %squeeze3A_39 : f32 to vector<16xf32>
      %sub3A_479 = arith.subf %sub3A_478, %get3A_188 : vector<16xf32>
      %mul3A_480 = arith.mulf %sub3A_477, %get3A_168 : vector<16xf32>
      %swap3A_481 = arith.constant 176 : index
      %swap3A_482 = tpu.vector_load %arg7[%swap3A_481] {strides = array<i32>} : memref<4096xf32, #tpu.memory_space<vmem>>, vector<16xf32>,
      %swap3A_483 = vector.shape_cast %swap3A_482 : vector<16xf32> to vector<16xf32>
      %swap3A_484 = vector.shape_cast %mul3A_480 : vector<16xf32> to vector<16xf32>
      tpu.vector_store %arg7[%swap3A_481], %swap3A_484 {strides = array<i32>} : memref<4096xf32, #tpu.memory_space<vmem>>, vector<16xf32>,
      %mul3A_485 = arith.mulf %sub3A_477, %get3A_173 : vector<16xf32>
      %swap3A_486 = arith.constant 688 : index
      %swap3A_487 = tpu.vector_load %arg7[%swap3A_486] {strides = array<i32>} : memref<4096xf32, #tpu.memory_space<vmem>>, vector<16xf32>,
      %swap3A_488 = vector.shape_cast %swap3A_487 : vector<16xf32> to vector<16xf32>
      %swap3A_489 = vector.shape_cast %mul3A_485 : vector<16xf32> to vector<16xf32>
      tpu.vector_store %arg7[%swap3A_486], %swap3A_489 {strides = array<i32>} : memref<4096xf32, #tpu.memory_space<vmem>>, vector<16xf32>,
      %mul3A_490 = arith.mulf %sub3A_479, %get3A_198 : vector<16xf32>
      %swap3A_491 = arith.constant 1200 : index
      %swap3A_492 = tpu.vector_load %arg7[%swap3A_491] {strides = array<i32>} : memref<4096xf32, #tpu.memory_space<vmem>>, vector<16xf32>,
      %swap3A_493 = vector.shape_cast %swap3A_492 : vector<16xf32> to vector<16xf32>
      %swap3A_494 = vector.shape_cast %mul3A_490 : vector<16xf32> to vector<16xf32>
      tpu.vector_store %arg7[%swap3A_491], %swap3A_494 {strides = array<i32>} : memref<4096xf32, #tpu.memory_space<vmem>>, vector<16xf32>,
      %mul3A_495 = arith.mulf %sub3A_479, %get3A_203 : vector<16xf32>
      %swap3A_496 = arith.constant 1712 : index
      %swap3A_497 = tpu.vector_load %arg7[%swap3A_496] {strides = array<i32>} : memref<4096xf32, #tpu.memory_space<vmem>>, vector<16xf32>,
      %swap3A_498 = vector.shape_cast %swap3A_497 : vector<16xf32> to vector<16xf32>
      %swap3A_499 = vector.shape_cast %mul3A_495 : vector<16xf32> to vector<16xf32>
      tpu.vector_store %arg7[%swap3A_496], %swap3A_499 {strides = array<i32>} : memref<4096xf32, #tpu.memory_space<vmem>>, vector<16xf32>,
      %sub3A_500 = vector.broadcast %squeeze3A_41 : f32 to vector<16xf32>
      %sub3A_501 = arith.subf %sub3A_500, %get3A_158 : vector<16xf32>
      %sub3A_502 = vector.broadcast %squeeze3A_41 : f32 to vector<16xf32>
      %sub3A_503 = arith.subf %sub3A_502, %get3A_188 : vector<16xf32>
      %mul3A_504 = arith.mulf %sub3A_501, %get3A_168 : vector<16xf32>
      %swap3A_505 = arith.constant 192 : index
      %swap3A_506 = tpu.vector_load %arg7[%swap3A_505] {strides = array<i32>} : memref<4096xf32, #tpu.memory_space<vmem>>, vector<16xf32>,
      %swap3A_507 = vector.shape_cast %swap3A_506 : vector<16xf32> to vector<16xf32>
      %swap3A_508 = vector.shape_cast %mul3A_504 : vector<16xf32> to vector<16xf32>
      tpu.vector_store %arg7[%swap3A_505], %swap3A_508 {strides = array<i32>} : memref<4096xf32, #tpu.memory_space<vmem>>, vector<16xf32>,
      %mul3A_509 = arith.mulf %sub3A_501, %get3A_173 : vector<16xf32>
      %swap3A_510 = arith.constant 704 : index
      %swap3A_511 = tpu.vector_load %arg7[%swap3A_510] {strides = array<i32>} : memref<4096xf32, #tpu.memory_space<vmem>>, vector<16xf32>,
      %swap3A_512 = vector.shape_cast %swap3A_511 : vector<16xf32> to vector<16xf32>
      %swap3A_513 = vector.shape_cast %mul3A_509 : vector<16xf32> to vector<16xf32>
      tpu.vector_store %arg7[%swap3A_510], %swap3A_513 {strides = array<i32>} : memref<4096xf32, #tpu.memory_space<vmem>>, vector<16xf32>,
      %mul3A_514 = arith.mulf %sub3A_503, %get3A_198 : vector<16xf32>
      %swap3A_515 = arith.constant 1216 : index
      %swap3A_516 = tpu.vector_load %arg7[%swap3A_515] {strides = array<i32>} : memref<4096xf32, #tpu.memory_space<vmem>>, vector<16xf32>,
      %swap3A_517 = vector.shape_cast %swap3A_516 : vector<16xf32> to vector<16xf32>
      %swap3A_518 = vector.shape_cast %mul3A_514 : vector<16xf32> to vector<16xf32>
      tpu.vector_store %arg7[%swap3A_515], %swap3A_518 {strides = array<i32>} : memref<4096xf32, #tpu.memory_space<vmem>>, vector<16xf32>,
      %mul3A_519 = arith.mulf %sub3A_503, %get3A_203 : vector<16xf32>
      %swap3A_520 = arith.constant 1728 : index
      %swap3A_521 = tpu.vector_load %arg7[%swap3A_520] {strides = array<i32>} : memref<4096xf32, #tpu.memory_space<vmem>>, vector<16xf32>,
      %swap3A_522 = vector.shape_cast %swap3A_521 : vector<16xf32> to vector<16xf32>
      %swap3A_523 = vector.shape_cast %mul3A_519 : vector<16xf32> to vector<16xf32>
      tpu.vector_store %arg7[%swap3A_520], %swap3A_523 {strides = array<i32>} : memref<4096xf32, #tpu.memory_space<vmem>>, vector<16xf32>,
      %sub3A_524 = vector.broadcast %squeeze3A_43 : f32 to vector<16xf32>
      %sub3A_525 = arith.subf %sub3A_524, %get3A_158 : vector<16xf32>
      %sub3A_526 = vector.broadcast %squeeze3A_43 : f32 to vector<16xf32>
      %sub3A_527 = arith.subf %sub3A_526, %get3A_188 : vector<16xf32>
      %mul3A_528 = arith.mulf %sub3A_525, %get3A_168 : vector<16xf32>
      %swap3A_529 = arith.constant 208 : index
      %swap3A_530 = tpu.vector_load %arg7[%swap3A_529] {strides = array<i32>} : memref<4096xf32, #tpu.memory_space<vmem>>, vector<16xf32>,
      %swap3A_531 = vector.shape_cast %swap3A_530 : vector<16xf32> to vector<16xf32>
      %swap3A_532 = vector.shape_cast %mul3A_528 : vector<16xf32> to vector<16xf32>
      tpu.vector_store %arg7[%swap3A_529], %swap3A_532 {strides = array<i32>} : memref<4096xf32, #tpu.memory_space<vmem>>, vector<16xf32>,
      %mul3A_533 = arith.mulf %sub3A_525, %get3A_173 : vector<16xf32>
      %swap3A_534 = arith.constant 720 : index
      %swap3A_535 = tpu.vector_load %arg7[%swap3A_534] {strides = array<i32>} : memref<4096xf32, #tpu.memory_space<vmem>>, vector<16xf32>,
      %swap3A_536 = vector.shape_cast %swap3A_535 : vector<16xf32> to vector<16xf32>
      %swap3A_537 = vector.shape_cast %mul3A_533 : vector<16xf32> to vector<16xf32>
      tpu.vector_store %arg7[%swap3A_534], %swap3A_537 {strides = array<i32>} : memref<4096xf32, #tpu.memory_space<vmem>>, vector<16xf32>,
      %mul3A_538 = arith.mulf %sub3A_527, %get3A_198 : vector<16xf32>
      %swap3A_539 = arith.constant 1232 : index
      %swap3A_540 = tpu.vector_load %arg7[%swap3A_539] {strides = array<i32>} : memref<4096xf32, #tpu.memory_space<vmem>>, vector<16xf32>,
      %swap3A_541 = vector.shape_cast %swap3A_540 : vector<16xf32> to vector<16xf32>
      %swap3A_542 = vector.shape_cast %mul3A_538 : vector<16xf32> to vector<16xf32>
      tpu.vector_store %arg7[%swap3A_539], %swap3A_542 {strides = array<i32>} : memref<4096xf32, #tpu.memory_space<vmem>>, vector<16xf32>,
      %mul3A_543 = arith.mulf %sub3A_527, %get3A_203 : vector<16xf32>
      %swap3A_544 = arith.constant 1744 : index
      %swap3A_545 = tpu.vector_load %arg7[%swap3A_544] {strides = array<i32>} : memref<4096xf32, #tpu.memory_space<vmem>>, vector<16xf32>,
      %swap3A_546 = vector.shape_cast %swap3A_545 : vector<16xf32> to vector<16xf32>
      %swap3A_547 = vector.shape_cast %mul3A_543 : vector<16xf32> to vector<16xf32>
      tpu.vector_store %arg7[%swap3A_544], %swap3A_547 {strides = array<i32>} : memref<4096xf32, #tpu.memory_space<vmem>>, vector<16xf32>,
      %sub3A_548 = vector.broadcast %squeeze3A_45 : f32 to vector<16xf32>
      %sub3A_549 = arith.subf %sub3A_548, %get3A_158 : vector<16xf32>
      %sub3A_550 = vector.broadcast %squeeze3A_45 : f32 to vector<16xf32>
      %sub3A_551 = arith.subf %sub3A_550, %get3A_188 : vector<16xf32>
      %mul3A_552 = arith.mulf %sub3A_549, %get3A_168 : vector<16xf32>
      %swap3A_553 = arith.constant 224 : index
      %swap3A_554 = tpu.vector_load %arg7[%swap3A_553] {strides = array<i32>} : memref<4096xf32, #tpu.memory_space<vmem>>, vector<16xf32>,
      %swap3A_555 = vector.shape_cast %swap3A_554 : vector<16xf32> to vector<16xf32>
      %swap3A_556 = vector.shape_cast %mul3A_552 : vector<16xf32> to vector<16xf32>
      tpu.vector_store %arg7[%swap3A_553], %swap3A_556 {strides = array<i32>} : memref<4096xf32, #tpu.memory_space<vmem>>, vector<16xf32>,
      %mul3A_557 = arith.mulf %sub3A_549, %get3A_173 : vector<16xf32>
      %swap3A_558 = arith.constant 736 : index
      %swap3A_559 = tpu.vector_load %arg7[%swap3A_558] {strides = array<i32>} : memref<4096xf32, #tpu.memory_space<vmem>>, vector<16xf32>,
      %swap3A_560 = vector.shape_cast %swap3A_559 : vector<16xf32> to vector<16xf32>
      %swap3A_561 = vector.shape_cast %mul3A_557 : vector<16xf32> to vector<16xf32>
      tpu.vector_store %arg7[%swap3A_558], %swap3A_561 {strides = array<i32>} : memref<4096xf32, #tpu.memory_space<vmem>>, vector<16xf32>,
      %mul3A_562 = arith.mulf %sub3A_551, %get3A_198 : vector<16xf32>
      %swap3A_563 = arith.constant 1248 : index
      %swap3A_564 = tpu.vector_load %arg7[%swap3A_563] {strides = array<i32>} : memref<4096xf32, #tpu.memory_space<vmem>>, vector<16xf32>,
      %swap3A_565 = vector.shape_cast %swap3A_564 : vector<16xf32> to vector<16xf32>
      %swap3A_566 = vector.shape_cast %mul3A_562 : vector<16xf32> to vector<16xf32>
      tpu.vector_store %arg7[%swap3A_563], %swap3A_566 {strides = array<i32>} : memref<4096xf32, #tpu.memory_space<vmem>>, vector<16xf32>,
      %mul3A_567 = arith.mulf %sub3A_551, %get3A_203 : vector<16xf32>
      %swap3A_568 = arith.constant 1760 : index
      %swap3A_569 = tpu.vector_load %arg7[%swap3A_568] {strides = array<i32>} : memref<4096xf32, #tpu.memory_space<vmem>>, vector<16xf32>,
      %swap3A_570 = vector.shape_cast %swap3A_569 : vector<16xf32> to vector<16xf32>
      %swap3A_571 = vector.shape_cast %mul3A_567 : vector<16xf32> to vector<16xf32>
      tpu.vector_store %arg7[%swap3A_568], %swap3A_571 {strides = array<i32>} : memref<4096xf32, #tpu.memory_space<vmem>>, vector<16xf32>,
      %sub3A_572 = vector.broadcast %squeeze3A_47 : f32 to vector<16xf32>
      %sub3A_573 = arith.subf %sub3A_572, %get3A_158 : vector<16xf32>
      %sub3A_574 = vector.broadcast %squeeze3A_47 : f32 to vector<16xf32>
      %sub3A_575 = arith.subf %sub3A_574, %get3A_188 : vector<16xf32>
      %mul3A_576 = arith.mulf %sub3A_573, %get3A_168 : vector<16xf32>
      %swap3A_577 = arith.constant 240 : index
      %swap3A_578 = tpu.vector_load %arg7[%swap3A_577] {strides = array<i32>} : memref<4096xf32, #tpu.memory_space<vmem>>, vector<16xf32>,
      %swap3A_579 = vector.shape_cast %swap3A_578 : vector<16xf32> to vector<16xf32>
      %swap3A_580 = vector.shape_cast %mul3A_576 : vector<16xf32> to vector<16xf32>
      tpu.vector_store %arg7[%swap3A_577], %swap3A_580 {strides = array<i32>} : memref<4096xf32, #tpu.memory_space<vmem>>, vector<16xf32>,
      %mul3A_581 = arith.mulf %sub3A_573, %get3A_173 : vector<16xf32>
      %swap3A_582 = arith.constant 752 : index
      %swap3A_583 = tpu.vector_load %arg7[%swap3A_582] {strides = array<i32>} : memref<4096xf32, #tpu.memory_space<vmem>>, vector<16xf32>,
      %swap3A_584 = vector.shape_cast %swap3A_583 : vector<16xf32> to vector<16xf32>
      %swap3A_585 = vector.shape_cast %mul3A_581 : vector<16xf32> to vector<16xf32>
      tpu.vector_store %arg7[%swap3A_582], %swap3A_585 {strides = array<i32>} : memref<4096xf32, #tpu.memory_space<vmem>>, vector<16xf32>,
      %mul3A_586 = arith.mulf %sub3A_575, %get3A_198 : vector<16xf32>
      %swap3A_587 = arith.constant 1264 : index
      %swap3A_588 = tpu.vector_load %arg7[%swap3A_587] {strides = array<i32>} : memref<4096xf32, #tpu.memory_space<vmem>>, vector<16xf32>,
      %swap3A_589 = vector.shape_cast %swap3A_588 : vector<16xf32> to vector<16xf32>
      %swap3A_590 = vector.shape_cast %mul3A_586 : vector<16xf32> to vector<16xf32>
      tpu.vector_store %arg7[%swap3A_587], %swap3A_590 {strides = array<i32>} : memref<4096xf32, #tpu.memory_space<vmem>>, vector<16xf32>,
      %mul3A_591 = arith.mulf %sub3A_575, %get3A_203 : vector<16xf32>
      %swap3A_592 = arith.constant 1776 : index
      %swap3A_593 = tpu.vector_load %arg7[%swap3A_592] {strides = array<i32>} : memref<4096xf32, #tpu.memory_space<vmem>>, vector<16xf32>,
      %swap3A_594 = vector.shape_cast %swap3A_593 : vector<16xf32> to vector<16xf32>
      %swap3A_595 = vector.shape_cast %mul3A_591 : vector<16xf32> to vector<16xf32>
      tpu.vector_store %arg7[%swap3A_592], %swap3A_595 {strides = array<i32>} : memref<4096xf32, #tpu.memory_space<vmem>>, vector<16xf32>,
      %sub3A_596 = vector.broadcast %squeeze3A_49 : f32 to vector<16xf32>
      %sub3A_597 = arith.subf %sub3A_596, %get3A_158 : vector<16xf32>
      %sub3A_598 = vector.broadcast %squeeze3A_49 : f32 to vector<16xf32>
      %sub3A_599 = arith.subf %sub3A_598, %get3A_188 : vector<16xf32>
      %mul3A_600 = arith.mulf %sub3A_597, %get3A_168 : vector<16xf32>
      %swap3A_601 = arith.constant 256 : index
      %swap3A_602 = tpu.vector_load %arg7[%swap3A_601] {strides = array<i32>} : memref<4096xf32, #tpu.memory_space<vmem>>, vector<16xf32>,
      %swap3A_603 = vector.shape_cast %swap3A_602 : vector<16xf32> to vector<16xf32>
      %swap3A_604 = vector.shape_cast %mul3A_600 : vector<16xf32> to vector<16xf32>
      tpu.vector_store %arg7[%swap3A_601], %swap3A_604 {strides = array<i32>} : memref<4096xf32, #tpu.memory_space<vmem>>, vector<16xf32>,
      %mul3A_605 = arith.mulf %sub3A_597, %get3A_173 : vector<16xf32>
      %swap3A_606 = arith.constant 768 : index
      %swap3A_607 = tpu.vector_load %arg7[%swap3A_606] {strides = array<i32>} : memref<4096xf32, #tpu.memory_space<vmem>>, vector<16xf32>,
      %swap3A_608 = vector.shape_cast %swap3A_607 : vector<16xf32> to vector<16xf32>
      %swap3A_609 = vector.shape_cast %mul3A_605 : vector<16xf32> to vector<16xf32>
      tpu.vector_store %arg7[%swap3A_606], %swap3A_609 {strides = array<i32>} : memref<4096xf32, #tpu.memory_space<vmem>>, vector<16xf32>,
      %mul3A_610 = arith.mulf %sub3A_599, %get3A_198 : vector<16xf32>
      %swap3A_611 = arith.constant 1280 : index
      %swap3A_612 = tpu.vector_load %arg7[%swap3A_611] {strides = array<i32>} : memref<4096xf32, #tpu.memory_space<vmem>>, vector<16xf32>,
      %swap3A_613 = vector.shape_cast %swap3A_612 : vector<16xf32> to vector<16xf32>
      %swap3A_614 = vector.shape_cast %mul3A_610 : vector<16xf32> to vector<16xf32>
      tpu.vector_store %arg7[%swap3A_611], %swap3A_614 {strides = array<i32>} : memref<4096xf32, #tpu.memory_space<vmem>>, vector<16xf32>,
      %mul3A_615 = arith.mulf %sub3A_599, %get3A_203 : vector<16xf32>
      %swap3A_616 = arith.constant 1792 : index
      %swap3A_617 = tpu.vector_load %arg7[%swap3A_616] {strides = array<i32>} : memref<4096xf32, #tpu.memory_space<vmem>>, vector<16xf32>,
      %swap3A_618 = vector.shape_cast %swap3A_617 : vector<16xf32> to vector<16xf32>
      %swap3A_619 = vector.shape_cast %mul3A_615 : vector<16xf32> to vector<16xf32>
      tpu.vector_store %arg7[%swap3A_616], %swap3A_619 {strides = array<i32>} : memref<4096xf32, #tpu.memory_space<vmem>>, vector<16xf32>,
      %sub3A_620 = vector.broadcast %squeeze3A_51 : f32 to vector<16xf32>
      %sub3A_621 = arith.subf %sub3A_620, %get3A_158 : vector<16xf32>
      %sub3A_622 = vector.broadcast %squeeze3A_51 : f32 to vector<16xf32>
      %sub3A_623 = arith.subf %sub3A_622, %get3A_188 : vector<16xf32>
      %mul3A_624 = arith.mulf %sub3A_621, %get3A_168 : vector<16xf32>
      %swap3A_625 = arith.constant 272 : index
      %swap3A_626 = tpu.vector_load %arg7[%swap3A_625] {strides = array<i32>} : memref<4096xf32, #tpu.memory_space<vmem>>, vector<16xf32>,
      %swap3A_627 = vector.shape_cast %swap3A_626 : vector<16xf32> to vector<16xf32>
      %swap3A_628 = vector.shape_cast %mul3A_624 : vector<16xf32> to vector<16xf32>
      tpu.vector_store %arg7[%swap3A_625], %swap3A_628 {strides = array<i32>} : memref<4096xf32, #tpu.memory_space<vmem>>, vector<16xf32>,
      %mul3A_629 = arith.mulf %sub3A_621, %get3A_173 : vector<16xf32>
      %swap3A_630 = arith.constant 784 : index
      %swap3A_631 = tpu.vector_load %arg7[%swap3A_630] {strides = array<i32>} : memref<4096xf32, #tpu.memory_space<vmem>>, vector<16xf32>,
      %swap3A_632 = vector.shape_cast %swap3A_631 : vector<16xf32> to vector<16xf32>
      %swap3A_633 = vector.shape_cast %mul3A_629 : vector<16xf32> to vector<16xf32>
      tpu.vector_store %arg7[%swap3A_630], %swap3A_633 {strides = array<i32>} : memref<4096xf32, #tpu.memory_space<vmem>>, vector<16xf32>,
      %mul3A_634 = arith.mulf %sub3A_623, %get3A_198 : vector<16xf32>
      %swap3A_635 = arith.constant 1296 : index
      %swap3A_636 = tpu.vector_load %arg7[%swap3A_635] {strides = array<i32>} : memref<4096xf32, #tpu.memory_space<vmem>>, vector<16xf32>,
      %swap3A_637 = vector.shape_cast %swap3A_636 : vector<16xf32> to vector<16xf32>
      %swap3A_638 = vector.shape_cast %mul3A_634 : vector<16xf32> to vector<16xf32>
      tpu.vector_store %arg7[%swap3A_635], %swap3A_638 {strides = array<i32>} : memref<4096xf32, #tpu.memory_space<vmem>>, vector<16xf32>,
      %mul3A_639 = arith.mulf %sub3A_623, %get3A_203 : vector<16xf32>
      %swap3A_640 = arith.constant 1808 : index
      %swap3A_641 = tpu.vector_load %arg7[%swap3A_640] {strides = array<i32>} : memref<4096xf32, #tpu.memory_space<vmem>>, vector<16xf32>,
      %swap3A_642 = vector.shape_cast %swap3A_641 : vector<16xf32> to vector<16xf32>
      %swap3A_643 = vector.shape_cast %mul3A_639 : vector<16xf32> to vector<16xf32>
      tpu.vector_store %arg7[%swap3A_640], %swap3A_643 {strides = array<i32>} : memref<4096xf32, #tpu.memory_space<vmem>>, vector<16xf32>,
      %sub3A_644 = vector.broadcast %squeeze3A_53 : f32 to vector<16xf32>
      %sub3A_645 = arith.subf %sub3A_644, %get3A_158 : vector<16xf32>
      %sub3A_646 = vector.broadcast %squeeze3A_53 : f32 to vector<16xf32>
      %sub3A_647 = arith.subf %sub3A_646, %get3A_188 : vector<16xf32>
      %mul3A_648 = arith.mulf %sub3A_645, %get3A_168 : vector<16xf32>
      %swap3A_649 = arith.constant 288 : index
      %swap3A_650 = tpu.vector_load %arg7[%swap3A_649] {strides = array<i32>} : memref<4096xf32, #tpu.memory_space<vmem>>, vector<16xf32>,
      %swap3A_651 = vector.shape_cast %swap3A_650 : vector<16xf32> to vector<16xf32>
      %swap3A_652 = vector.shape_cast %mul3A_648 : vector<16xf32> to vector<16xf32>
      tpu.vector_store %arg7[%swap3A_649], %swap3A_652 {strides = array<i32>} : memref<4096xf32, #tpu.memory_space<vmem>>, vector<16xf32>,
      %mul3A_653 = arith.mulf %sub3A_645, %get3A_173 : vector<16xf32>
      %swap3A_654 = arith.constant 800 : index
      %swap3A_655 = tpu.vector_load %arg7[%swap3A_654] {strides = array<i32>} : memref<4096xf32, #tpu.memory_space<vmem>>, vector<16xf32>,
      %swap3A_656 = vector.shape_cast %swap3A_655 : vector<16xf32> to vector<16xf32>
      %swap3A_657 = vector.shape_cast %mul3A_653 : vector<16xf32> to vector<16xf32>
      tpu.vector_store %arg7[%swap3A_654], %swap3A_657 {strides = array<i32>} : memref<4096xf32, #tpu.memory_space<vmem>>, vector<16xf32>,
      %mul3A_658 = arith.mulf %sub3A_647, %get3A_198 : vector<16xf32>
      %swap3A_659 = arith.constant 1312 : index
      %swap3A_660 = tpu.vector_load %arg7[%swap3A_659] {strides = array<i32>} : memref<4096xf32, #tpu.memory_space<vmem>>, vector<16xf32>,
      %swap3A_661 = vector.shape_cast %swap3A_660 : vector<16xf32> to vector<16xf32>
      %swap3A_662 = vector.shape_cast %mul3A_658 : vector<16xf32> to vector<16xf32>
      tpu.vector_store %arg7[%swap3A_659], %swap3A_662 {strides = array<i32>} : memref<4096xf32, #tpu.memory_space<vmem>>, vector<16xf32>,
      %mul3A_663 = arith.mulf %sub3A_647, %get3A_203 : vector<16xf32>
      %swap3A_664 = arith.constant 1824 : index
      %swap3A_665 = tpu.vector_load %arg7[%swap3A_664] {strides = array<i32>} : memref<4096xf32, #tpu.memory_space<vmem>>, vector<16xf32>,
      %swap3A_666 = vector.shape_cast %swap3A_665 : vector<16xf32> to vector<16xf32>
      %swap3A_667 = vector.shape_cast %mul3A_663 : vector<16xf32> to vector<16xf32>
      tpu.vector_store %arg7[%swap3A_664], %swap3A_667 {strides = array<i32>} : memref<4096xf32, #tpu.memory_space<vmem>>, vector<16xf32>,
      %sub3A_668 = vector.broadcast %squeeze3A_55 : f32 to vector<16xf32>
      %sub3A_669 = arith.subf %sub3A_668, %get3A_158 : vector<16xf32>
      %sub3A_670 = vector.broadcast %squeeze3A_55 : f32 to vector<16xf32>
      %sub3A_671 = arith.subf %sub3A_670, %get3A_188 : vector<16xf32>
      %mul3A_672 = arith.mulf %sub3A_669, %get3A_168 : vector<16xf32>
      %swap3A_673 = arith.constant 304 : index
      %swap3A_674 = tpu.vector_load %arg7[%swap3A_673] {strides = array<i32>} : memref<4096xf32, #tpu.memory_space<vmem>>, vector<16xf32>,
      %swap3A_675 = vector.shape_cast %swap3A_674 : vector<16xf32> to vector<16xf32>
      %swap3A_676 = vector.shape_cast %mul3A_672 : vector<16xf32> to vector<16xf32>
      tpu.vector_store %arg7[%swap3A_673], %swap3A_676 {strides = array<i32>} : memref<4096xf32, #tpu.memory_space<vmem>>, vector<16xf32>,
      %mul3A_677 = arith.mulf %sub3A_669, %get3A_173 : vector<16xf32>
      %swap3A_678 = arith.constant 816 : index
      %swap3A_679 = tpu.vector_load %arg7[%swap3A_678] {strides = array<i32>} : memref<4096xf32, #tpu.memory_space<vmem>>, vector<16xf32>,
      %swap3A_680 = vector.shape_cast %swap3A_679 : vector<16xf32> to vector<16xf32>
      %swap3A_681 = vector.shape_cast %mul3A_677 : vector<16xf32> to vector<16xf32>
      tpu.vector_store %arg7[%swap3A_678], %swap3A_681 {strides = array<i32>} : memref<4096xf32, #tpu.memory_space<vmem>>, vector<16xf32>,
      %mul3A_682 = arith.mulf %sub3A_671, %get3A_198 : vector<16xf32>
      %swap3A_683 = arith.constant 1328 : index
      %swap3A_684 = tpu.vector_load %arg7[%swap3A_683] {strides = array<i32>} : memref<4096xf32, #tpu.memory_space<vmem>>, vector<16xf32>,
      %swap3A_685 = vector.shape_cast %swap3A_684 : vector<16xf32> to vector<16xf32>
      %swap3A_686 = vector.shape_cast %mul3A_682 : vector<16xf32> to vector<16xf32>
      tpu.vector_store %arg7[%swap3A_683], %swap3A_686 {strides = array<i32>} : memref<4096xf32, #tpu.memory_space<vmem>>, vector<16xf32>,
      %mul3A_687 = arith.mulf %sub3A_671, %get3A_203 : vector<16xf32>
      %swap3A_688 = arith.constant 1840 : index
      %swap3A_689 = tpu.vector_load %arg7[%swap3A_688] {strides = array<i32>} : memref<4096xf32, #tpu.memory_space<vmem>>, vector<16xf32>,
      %swap3A_690 = vector.shape_cast %swap3A_689 : vector<16xf32> to vector<16xf32>
      %swap3A_691 = vector.shape_cast %mul3A_687 : vector<16xf32> to vector<16xf32>
      tpu.vector_store %arg7[%swap3A_688], %swap3A_691 {strides = array<i32>} : memref<4096xf32, #tpu.memory_space<vmem>>, vector<16xf32>,
      %sub3A_692 = vector.broadcast %squeeze3A_57 : f32 to vector<16xf32>
      %sub3A_693 = arith.subf %sub3A_692, %get3A_158 : vector<16xf32>
      %sub3A_694 = vector.broadcast %squeeze3A_57 : f32 to vector<16xf32>
      %sub3A_695 = arith.subf %sub3A_694, %get3A_188 : vector<16xf32>
      %mul3A_696 = arith.mulf %sub3A_693, %get3A_168 : vector<16xf32>
      %swap3A_697 = arith.constant 320 : index
      %swap3A_698 = tpu.vector_load %arg7[%swap3A_697] {strides = array<i32>} : memref<4096xf32, #tpu.memory_space<vmem>>, vector<16xf32>,
      %swap3A_699 = vector.shape_cast %swap3A_698 : vector<16xf32> to vector<16xf32>
      %swap3A_700 = vector.shape_cast %mul3A_696 : vector<16xf32> to vector<16xf32>
      tpu.vector_store %arg7[%swap3A_697], %swap3A_700 {strides = array<i32>} : memref<4096xf32, #tpu.memory_space<vmem>>, vector<16xf32>,
      %mul3A_701 = arith.mulf %sub3A_693, %get3A_173 : vector<16xf32>
      %swap3A_702 = arith.constant 832 : index
      %swap3A_703 = tpu.vector_load %arg7[%swap3A_702] {strides = array<i32>} : memref<4096xf32, #tpu.memory_space<vmem>>, vector<16xf32>,
      %swap3A_704 = vector.shape_cast %swap3A_703 : vector<16xf32> to vector<16xf32>
      %swap3A_705 = vector.shape_cast %mul3A_701 : vector<16xf32> to vector<16xf32>
      tpu.vector_store %arg7[%swap3A_702], %swap3A_705 {strides = array<i32>} : memref<4096xf32, #tpu.memory_space<vmem>>, vector<16xf32>,
      %mul3A_706 = arith.mulf %sub3A_695, %get3A_198 : vector<16xf32>
      %swap3A_707 = arith.constant 1344 : index
      %swap3A_708 = tpu.vector_load %arg7[%swap3A_707] {strides = array<i32>} : memref<4096xf32, #tpu.memory_space<vmem>>, vector<16xf32>,
      %swap3A_709 = vector.shape_cast %swap3A_708 : vector<16xf32> to vector<16xf32>
      %swap3A_710 = vector.shape_cast %mul3A_706 : vector<16xf32> to vector<16xf32>
      tpu.vector_store %arg7[%swap3A_707], %swap3A_710 {strides = array<i32>} : memref<4096xf32, #tpu.memory_space<vmem>>, vector<16xf32>,
      %mul3A_711 = arith.mulf %sub3A_695, %get3A_203 : vector<16xf32>
      %swap3A_712 = arith.constant 1856 : index
      %swap3A_713 = tpu.vector_load %arg7[%swap3A_712] {strides = array<i32>} : memref<4096xf32, #tpu.memory_space<vmem>>, vector<16xf32>,
      %swap3A_714 = vector.shape_cast %swap3A_713 : vector<16xf32> to vector<16xf32>
      %swap3A_715 = vector.shape_cast %mul3A_711 : vector<16xf32> to vector<16xf32>
      tpu.vector_store %arg7[%swap3A_712], %swap3A_715 {strides = array<i32>} : memref<4096xf32, #tpu.memory_space<vmem>>, vector<16xf32>,
      %sub3A_716 = vector.broadcast %squeeze3A_59 : f32 to vector<16xf32>
      %sub3A_717 = arith.subf %sub3A_716, %get3A_158 : vector<16xf32>
      %sub3A_718 = vector.broadcast %squeeze3A_59 : f32 to vector<16xf32>
      %sub3A_719 = arith.subf %sub3A_718, %get3A_188 : vector<16xf32>
      %mul3A_720 = arith.mulf %sub3A_717, %get3A_168 : vector<16xf32>
      %swap3A_721 = arith.constant 336 : index
      %swap3A_722 = tpu.vector_load %arg7[%swap3A_721] {strides = array<i32>} : memref<4096xf32, #tpu.memory_space<vmem>>, vector<16xf32>,
      %swap3A_723 = vector.shape_cast %swap3A_722 : vector<16xf32> to vector<16xf32>
      %swap3A_724 = vector.shape_cast %mul3A_720 : vector<16xf32> to vector<16xf32>
      tpu.vector_store %arg7[%swap3A_721], %swap3A_724 {strides = array<i32>} : memref<4096xf32, #tpu.memory_space<vmem>>, vector<16xf32>,
      %mul3A_725 = arith.mulf %sub3A_717, %get3A_173 : vector<16xf32>
      %swap3A_726 = arith.constant 848 : index
      %swap3A_727 = tpu.vector_load %arg7[%swap3A_726] {strides = array<i32>} : memref<4096xf32, #tpu.memory_space<vmem>>, vector<16xf32>,
      %swap3A_728 = vector.shape_cast %swap3A_727 : vector<16xf32> to vector<16xf32>
      %swap3A_729 = vector.shape_cast %mul3A_725 : vector<16xf32> to vector<16xf32>
      tpu.vector_store %arg7[%swap3A_726], %swap3A_729 {strides = array<i32>} : memref<4096xf32, #tpu.memory_space<vmem>>, vector<16xf32>,
      %mul3A_730 = arith.mulf %sub3A_719, %get3A_198 : vector<16xf32>
      %swap3A_731 = arith.constant 1360 : index
      %swap3A_732 = tpu.vector_load %arg7[%swap3A_731] {strides = array<i32>} : memref<4096xf32, #tpu.memory_space<vmem>>, vector<16xf32>,
      %swap3A_733 = vector.shape_cast %swap3A_732 : vector<16xf32> to vector<16xf32>
      %swap3A_734 = vector.shape_cast %mul3A_730 : vector<16xf32> to vector<16xf32>
      tpu.vector_store %arg7[%swap3A_731], %swap3A_734 {strides = array<i32>} : memref<4096xf32, #tpu.memory_space<vmem>>, vector<16xf32>,
      %mul3A_735 = arith.mulf %sub3A_719, %get3A_203 : vector<16xf32>
      %swap3A_736 = arith.constant 1872 : index
      %swap3A_737 = tpu.vector_load %arg7[%swap3A_736] {strides = array<i32>} : memref<4096xf32, #tpu.memory_space<vmem>>, vector<16xf32>,
      %swap3A_738 = vector.shape_cast %swap3A_737 : vector<16xf32> to vector<16xf32>
      %swap3A_739 = vector.shape_cast %mul3A_735 : vector<16xf32> to vector<16xf32>
      tpu.vector_store %arg7[%swap3A_736], %swap3A_739 {strides = array<i32>} : memref<4096xf32, #tpu.memory_space<vmem>>, vector<16xf32>,
      %sub3A_740 = vector.broadcast %squeeze3A_61 : f32 to vector<16xf32>
      %sub3A_741 = arith.subf %sub3A_740, %get3A_158 : vector<16xf32>
      %sub3A_742 = vector.broadcast %squeeze3A_61 : f32 to vector<16xf32>
      %sub3A_743 = arith.subf %sub3A_742, %get3A_188 : vector<16xf32>
      %mul3A_744 = arith.mulf %sub3A_741, %get3A_168 : vector<16xf32>
      %swap3A_745 = arith.constant 352 : index
      %swap3A_746 = tpu.vector_load %arg7[%swap3A_745] {strides = array<i32>} : memref<4096xf32, #tpu.memory_space<vmem>>, vector<16xf32>,
      %swap3A_747 = vector.shape_cast %swap3A_746 : vector<16xf32> to vector<16xf32>
      %swap3A_748 = vector.shape_cast %mul3A_744 : vector<16xf32> to vector<16xf32>
      tpu.vector_store %arg7[%swap3A_745], %swap3A_748 {strides = array<i32>} : memref<4096xf32, #tpu.memory_space<vmem>>, vector<16xf32>,
      %mul3A_749 = arith.mulf %sub3A_741, %get3A_173 : vector<16xf32>
      %swap3A_750 = arith.constant 864 : index
      %swap3A_751 = tpu.vector_load %arg7[%swap3A_750] {strides = array<i32>} : memref<4096xf32, #tpu.memory_space<vmem>>, vector<16xf32>,
      %swap3A_752 = vector.shape_cast %swap3A_751 : vector<16xf32> to vector<16xf32>
      %swap3A_753 = vector.shape_cast %mul3A_749 : vector<16xf32> to vector<16xf32>
      tpu.vector_store %arg7[%swap3A_750], %swap3A_753 {strides = array<i32>} : memref<4096xf32, #tpu.memory_space<vmem>>, vector<16xf32>,
      %mul3A_754 = arith.mulf %sub3A_743, %get3A_198 : vector<16xf32>
      %swap3A_755 = arith.constant 1376 : index
      %swap3A_756 = tpu.vector_load %arg7[%swap3A_755] {strides = array<i32>} : memref<4096xf32, #tpu.memory_space<vmem>>, vector<16xf32>,
      %swap3A_757 = vector.shape_cast %swap3A_756 : vector<16xf32> to vector<16xf32>
      %swap3A_758 = vector.shape_cast %mul3A_754 : vector<16xf32> to vector<16xf32>
      tpu.vector_store %arg7[%swap3A_755], %swap3A_758 {strides = array<i32>} : memref<4096xf32, #tpu.memory_space<vmem>>, vector<16xf32>,
      %mul3A_759 = arith.mulf %sub3A_743, %get3A_203 : vector<16xf32>
      %swap3A_760 = arith.constant 1888 : index
      %swap3A_761 = tpu.vector_load %arg7[%swap3A_760] {strides = array<i32>} : memref<4096xf32, #tpu.memory_space<vmem>>, vector<16xf32>,
      %swap3A_762 = vector.shape_cast %swap3A_761 : vector<16xf32> to vector<16xf32>
      %swap3A_763 = vector.shape_cast %mul3A_759 : vector<16xf32> to vector<16xf32>
      tpu.vector_store %arg7[%swap3A_760], %swap3A_763 {strides = array<i32>} : memref<4096xf32, #tpu.memory_space<vmem>>, vector<16xf32>,
      %sub3A_764 = vector.broadcast %squeeze3A_63 : f32 to vector<16xf32>
      %sub3A_765 = arith.subf %sub3A_764, %get3A_158 : vector<16xf32>
      %sub3A_766 = vector.broadcast %squeeze3A_63 : f32 to vector<16xf32>
      %sub3A_767 = arith.subf %sub3A_766, %get3A_188 : vector<16xf32>
      %mul3A_768 = arith.mulf %sub3A_765, %get3A_168 : vector<16xf32>
      %swap3A_769 = arith.constant 368 : index
      %swap3A_770 = tpu.vector_load %arg7[%swap3A_769] {strides = array<i32>} : memref<4096xf32, #tpu.memory_space<vmem>>, vector<16xf32>,
      %swap3A_771 = vector.shape_cast %swap3A_770 : vector<16xf32> to vector<16xf32>
      %swap3A_772 = vector.shape_cast %mul3A_768 : vector<16xf32> to vector<16xf32>
      tpu.vector_store %arg7[%swap3A_769], %swap3A_772 {strides = array<i32>} : memref<4096xf32, #tpu.memory_space<vmem>>, vector<16xf32>,
      %mul3A_773 = arith.mulf %sub3A_765, %get3A_173 : vector<16xf32>
      %swap3A_774 = arith.constant 880 : index
      %swap3A_775 = tpu.vector_load %arg7[%swap3A_774] {strides = array<i32>} : memref<4096xf32, #tpu.memory_space<vmem>>, vector<16xf32>,
      %swap3A_776 = vector.shape_cast %swap3A_775 : vector<16xf32> to vector<16xf32>
      %swap3A_777 = vector.shape_cast %mul3A_773 : vector<16xf32> to vector<16xf32>
      tpu.vector_store %arg7[%swap3A_774], %swap3A_777 {strides = array<i32>} : memref<4096xf32, #tpu.memory_space<vmem>>, vector<16xf32>,
      %mul3A_778 = arith.mulf %sub3A_767, %get3A_198 : vector<16xf32>
      %swap3A_779 = arith.constant 1392 : index
      %swap3A_780 = tpu.vector_load %arg7[%swap3A_779] {strides = array<i32>} : memref<4096xf32, #tpu.memory_space<vmem>>, vector<16xf32>,
      %swap3A_781 = vector.shape_cast %swap3A_780 : vector<16xf32> to vector<16xf32>
      %swap3A_782 = vector.shape_cast %mul3A_778 : vector<16xf32> to vector<16xf32>
      tpu.vector_store %arg7[%swap3A_779], %swap3A_782 {strides = array<i32>} : memref<4096xf32, #tpu.memory_space<vmem>>, vector<16xf32>,
      %mul3A_783 = arith.mulf %sub3A_767, %get3A_203 : vector<16xf32>
      %swap3A_784 = arith.constant 1904 : index
      %swap3A_785 = tpu.vector_load %arg7[%swap3A_784] {strides = array<i32>} : memref<4096xf32, #tpu.memory_space<vmem>>, vector<16xf32>,
      %swap3A_786 = vector.shape_cast %swap3A_785 : vector<16xf32> to vector<16xf32>
      %swap3A_787 = vector.shape_cast %mul3A_783 : vector<16xf32> to vector<16xf32>
      tpu.vector_store %arg7[%swap3A_784], %swap3A_787 {strides = array<i32>} : memref<4096xf32, #tpu.memory_space<vmem>>, vector<16xf32>,
      %sub3A_788 = vector.broadcast %squeeze3A_65 : f32 to vector<16xf32>
      %sub3A_789 = arith.subf %sub3A_788, %get3A_158 : vector<16xf32>
      %sub3A_790 = vector.broadcast %squeeze3A_65 : f32 to vector<16xf32>
      %sub3A_791 = arith.subf %sub3A_790, %get3A_188 : vector<16xf32>
      %mul3A_792 = arith.mulf %sub3A_789, %get3A_168 : vector<16xf32>
      %swap3A_793 = arith.constant 384 : index
      %swap3A_794 = tpu.vector_load %arg7[%swap3A_793] {strides = array<i32>} : memref<4096xf32, #tpu.memory_space<vmem>>, vector<16xf32>,
      %swap3A_795 = vector.shape_cast %swap3A_794 : vector<16xf32> to vector<16xf32>
      %swap3A_796 = vector.shape_cast %mul3A_792 : vector<16xf32> to vector<16xf32>
      tpu.vector_store %arg7[%swap3A_793], %swap3A_796 {strides = array<i32>} : memref<4096xf32, #tpu.memory_space<vmem>>, vector<16xf32>,
      %mul3A_797 = arith.mulf %sub3A_789, %get3A_173 : vector<16xf32>
      %swap3A_798 = arith.constant 896 : index
      %swap3A_799 = tpu.vector_load %arg7[%swap3A_798] {strides = array<i32>} : memref<4096xf32, #tpu.memory_space<vmem>>, vector<16xf32>,
      %swap3A_800 = vector.shape_cast %swap3A_799 : vector<16xf32> to vector<16xf32>
      %swap3A_801 = vector.shape_cast %mul3A_797 : vector<16xf32> to vector<16xf32>
      tpu.vector_store %arg7[%swap3A_798], %swap3A_801 {strides = array<i32>} : memref<4096xf32, #tpu.memory_space<vmem>>, vector<16xf32>,
      %mul3A_802 = arith.mulf %sub3A_791, %get3A_198 : vector<16xf32>
      %swap3A_803 = arith.constant 1408 : index
      %swap3A_804 = tpu.vector_load %arg7[%swap3A_803] {strides = array<i32>} : memref<4096xf32, #tpu.memory_space<vmem>>, vector<16xf32>,
      %swap3A_805 = vector.shape_cast %swap3A_804 : vector<16xf32> to vector<16xf32>
      %swap3A_806 = vector.shape_cast %mul3A_802 : vector<16xf32> to vector<16xf32>
      tpu.vector_store %arg7[%swap3A_803], %swap3A_806 {strides = array<i32>} : memref<4096xf32, #tpu.memory_space<vmem>>, vector<16xf32>,
      %mul3A_807 = arith.mulf %sub3A_791, %get3A_203 : vector<16xf32>
      %swap3A_808 = arith.constant 1920 : index
      %swap3A_809 = tpu.vector_load %arg7[%swap3A_808] {strides = array<i32>} : memref<4096xf32, #tpu.memory_space<vmem>>, vector<16xf32>,
      %swap3A_810 = vector.shape_cast %swap3A_809 : vector<16xf32> to vector<16xf32>
      %swap3A_811 = vector.shape_cast %mul3A_807 : vector<16xf32> to vector<16xf32>
      tpu.vector_store %arg7[%swap3A_808], %swap3A_811 {strides = array<i32>} : memref<4096xf32, #tpu.memory_space<vmem>>, vector<16xf32>,
      %sub3A_812 = vector.broadcast %squeeze3A_67 : f32 to vector<16xf32>
      %sub3A_813 = arith.subf %sub3A_812, %get3A_158 : vector<16xf32>
      %sub3A_814 = vector.broadcast %squeeze3A_67 : f32 to vector<16xf32>
      %sub3A_815 = arith.subf %sub3A_814, %get3A_188 : vector<16xf32>
      %mul3A_816 = arith.mulf %sub3A_813, %get3A_168 : vector<16xf32>
      %swap3A_817 = arith.constant 400 : index
      %swap3A_818 = tpu.vector_load %arg7[%swap3A_817] {strides = array<i32>} : memref<4096xf32, #tpu.memory_space<vmem>>, vector<16xf32>,
      %swap3A_819 = vector.shape_cast %swap3A_818 : vector<16xf32> to vector<16xf32>
      %swap3A_820 = vector.shape_cast %mul3A_816 : vector<16xf32> to vector<16xf32>
      tpu.vector_store %arg7[%swap3A_817], %swap3A_820 {strides = array<i32>} : memref<4096xf32, #tpu.memory_space<vmem>>, vector<16xf32>,
      %mul3A_821 = arith.mulf %sub3A_813, %get3A_173 : vector<16xf32>
      %swap3A_822 = arith.constant 912 : index
      %swap3A_823 = tpu.vector_load %arg7[%swap3A_822] {strides = array<i32>} : memref<4096xf32, #tpu.memory_space<vmem>>, vector<16xf32>,
      %swap3A_824 = vector.shape_cast %swap3A_823 : vector<16xf32> to vector<16xf32>
      %swap3A_825 = vector.shape_cast %mul3A_821 : vector<16xf32> to vector<16xf32>
      tpu.vector_store %arg7[%swap3A_822], %swap3A_825 {strides = array<i32>} : memref<4096xf32, #tpu.memory_space<vmem>>, vector<16xf32>,
      %mul3A_826 = arith.mulf %sub3A_815, %get3A_198 : vector<16xf32>
      %swap3A_827 = arith.constant 1424 : index
      %swap3A_828 = tpu.vector_load %arg7[%swap3A_827] {strides = array<i32>} : memref<4096xf32, #tpu.memory_space<vmem>>, vector<16xf32>,
      %swap3A_829 = vector.shape_cast %swap3A_828 : vector<16xf32> to vector<16xf32>
      %swap3A_830 = vector.shape_cast %mul3A_826 : vector<16xf32> to vector<16xf32>
      tpu.vector_store %arg7[%swap3A_827], %swap3A_830 {strides = array<i32>} : memref<4096xf32, #tpu.memory_space<vmem>>, vector<16xf32>,
      %mul3A_831 = arith.mulf %sub3A_815, %get3A_203 : vector<16xf32>
      %swap3A_832 = arith.constant 1936 : index
      %swap3A_833 = tpu.vector_load %arg7[%swap3A_832] {strides = array<i32>} : memref<4096xf32, #tpu.memory_space<vmem>>, vector<16xf32>,
      %swap3A_834 = vector.shape_cast %swap3A_833 : vector<16xf32> to vector<16xf32>
      %swap3A_835 = vector.shape_cast %mul3A_831 : vector<16xf32> to vector<16xf32>
      tpu.vector_store %arg7[%swap3A_832], %swap3A_835 {strides = array<i32>} : memref<4096xf32, #tpu.memory_space<vmem>>, vector<16xf32>,
      %sub3A_836 = vector.broadcast %squeeze3A_69 : f32 to vector<16xf32>
      %sub3A_837 = arith.subf %sub3A_836, %get3A_158 : vector<16xf32>
      %sub3A_838 = vector.broadcast %squeeze3A_69 : f32 to vector<16xf32>
      %sub3A_839 = arith.subf %sub3A_838, %get3A_188 : vector<16xf32>
      %mul3A_840 = arith.mulf %sub3A_837, %get3A_168 : vector<16xf32>
      %swap3A_841 = arith.constant 416 : index
      %swap3A_842 = tpu.vector_load %arg7[%swap3A_841] {strides = array<i32>} : memref<4096xf32, #tpu.memory_space<vmem>>, vector<16xf32>,
      %swap3A_843 = vector.shape_cast %swap3A_842 : vector<16xf32> to vector<16xf32>
      %swap3A_844 = vector.shape_cast %mul3A_840 : vector<16xf32> to vector<16xf32>
      tpu.vector_store %arg7[%swap3A_841], %swap3A_844 {strides = array<i32>} : memref<4096xf32, #tpu.memory_space<vmem>>, vector<16xf32>,
      %mul3A_845 = arith.mulf %sub3A_837, %get3A_173 : vector<16xf32>
      %swap3A_846 = arith.constant 928 : index
      %swap3A_847 = tpu.vector_load %arg7[%swap3A_846] {strides = array<i32>} : memref<4096xf32, #tpu.memory_space<vmem>>, vector<16xf32>,
      %swap3A_848 = vector.shape_cast %swap3A_847 : vector<16xf32> to vector<16xf32>
      %swap3A_849 = vector.shape_cast %mul3A_845 : vector<16xf32> to vector<16xf32>
      tpu.vector_store %arg7[%swap3A_846], %swap3A_849 {strides = array<i32>} : memref<4096xf32, #tpu.memory_space<vmem>>, vector<16xf32>,
      %mul3A_850 = arith.mulf %sub3A_839, %get3A_198 : vector<16xf32>
      %swap3A_851 = arith.constant 1440 : index
      %swap3A_852 = tpu.vector_load %arg7[%swap3A_851] {strides = array<i32>} : memref<4096xf32, #tpu.memory_space<vmem>>, vector<16xf32>,
      %swap3A_853 = vector.shape_cast %swap3A_852 : vector<16xf32> to vector<16xf32>
      %swap3A_854 = vector.shape_cast %mul3A_850 : vector<16xf32> to vector<16xf32>
      tpu.vector_store %arg7[%swap3A_851], %swap3A_854 {strides = array<i32>} : memref<4096xf32, #tpu.memory_space<vmem>>, vector<16xf32>,
      %mul3A_855 = arith.mulf %sub3A_839, %get3A_203 : vector<16xf32>
      %swap3A_856 = arith.constant 1952 : index
      %swap3A_857 = tpu.vector_load %arg7[%swap3A_856] {strides = array<i32>} : memref<4096xf32, #tpu.memory_space<vmem>>, vector<16xf32>,
      %swap3A_858 = vector.shape_cast %swap3A_857 : vector<16xf32> to vector<16xf32>
      %swap3A_859 = vector.shape_cast %mul3A_855 : vector<16xf32> to vector<16xf32>
      tpu.vector_store %arg7[%swap3A_856], %swap3A_859 {strides = array<i32>} : memref<4096xf32, #tpu.memory_space<vmem>>, vector<16xf32>,
      %sub3A_860 = vector.broadcast %squeeze3A_71 : f32 to vector<16xf32>
      %sub3A_861 = arith.subf %sub3A_860, %get3A_158 : vector<16xf32>
      %sub3A_862 = vector.broadcast %squeeze3A_71 : f32 to vector<16xf32>
      %sub3A_863 = arith.subf %sub3A_862, %get3A_188 : vector<16xf32>
      %mul3A_864 = arith.mulf %sub3A_861, %get3A_168 : vector<16xf32>
      %swap3A_865 = arith.constant 432 : index
      %swap3A_866 = tpu.vector_load %arg7[%swap3A_865] {strides = array<i32>} : memref<4096xf32, #tpu.memory_space<vmem>>, vector<16xf32>,
      %swap3A_867 = vector.shape_cast %swap3A_866 : vector<16xf32> to vector<16xf32>
      %swap3A_868 = vector.shape_cast %mul3A_864 : vector<16xf32> to vector<16xf32>
      tpu.vector_store %arg7[%swap3A_865], %swap3A_868 {strides = array<i32>} : memref<4096xf32, #tpu.memory_space<vmem>>, vector<16xf32>,
      %mul3A_869 = arith.mulf %sub3A_861, %get3A_173 : vector<16xf32>
      %swap3A_870 = arith.constant 944 : index
      %swap3A_871 = tpu.vector_load %arg7[%swap3A_870] {strides = array<i32>} : memref<4096xf32, #tpu.memory_space<vmem>>, vector<16xf32>,
      %swap3A_872 = vector.shape_cast %swap3A_871 : vector<16xf32> to vector<16xf32>
      %swap3A_873 = vector.shape_cast %mul3A_869 : vector<16xf32> to vector<16xf32>
      tpu.vector_store %arg7[%swap3A_870], %swap3A_873 {strides = array<i32>} : memref<4096xf32, #tpu.memory_space<vmem>>, vector<16xf32>,
      %mul3A_874 = arith.mulf %sub3A_863, %get3A_198 : vector<16xf32>
      %swap3A_875 = arith.constant 1456 : index
      %swap3A_876 = tpu.vector_load %arg7[%swap3A_875] {strides = array<i32>} : memref<4096xf32, #tpu.memory_space<vmem>>, vector<16xf32>,
      %swap3A_877 = vector.shape_cast %swap3A_876 : vector<16xf32> to vector<16xf32>
      %swap3A_878 = vector.shape_cast %mul3A_874 : vector<16xf32> to vector<16xf32>
      tpu.vector_store %arg7[%swap3A_875], %swap3A_878 {strides = array<i32>} : memref<4096xf32, #tpu.memory_space<vmem>>, vector<16xf32>,
      %mul3A_879 = arith.mulf %sub3A_863, %get3A_203 : vector<16xf32>
      %swap3A_880 = arith.constant 1968 : index
      %swap3A_881 = tpu.vector_load %arg7[%swap3A_880] {strides = array<i32>} : memref<4096xf32, #tpu.memory_space<vmem>>, vector<16xf32>,
      %swap3A_882 = vector.shape_cast %swap3A_881 : vector<16xf32> to vector<16xf32>
      %swap3A_883 = vector.shape_cast %mul3A_879 : vector<16xf32> to vector<16xf32>
      tpu.vector_store %arg7[%swap3A_880], %swap3A_883 {strides = array<i32>} : memref<4096xf32, #tpu.memory_space<vmem>>, vector<16xf32>,
      %sub3A_884 = vector.broadcast %squeeze3A_73 : f32 to vector<16xf32>
      %sub3A_885 = arith.subf %sub3A_884, %get3A_158 : vector<16xf32>
      %sub3A_886 = vector.broadcast %squeeze3A_73 : f32 to vector<16xf32>
      %sub3A_887 = arith.subf %sub3A_886, %get3A_188 : vector<16xf32>
      %mul3A_888 = arith.mulf %sub3A_885, %get3A_168 : vector<16xf32>
      %swap3A_889 = arith.constant 448 : index
      %swap3A_890 = tpu.vector_load %arg7[%swap3A_889] {strides = array<i32>} : memref<4096xf32, #tpu.memory_space<vmem>>, vector<16xf32>,
      %swap3A_891 = vector.shape_cast %swap3A_890 : vector<16xf32> to vector<16xf32>
      %swap3A_892 = vector.shape_cast %mul3A_888 : vector<16xf32> to vector<16xf32>
      tpu.vector_store %arg7[%swap3A_889], %swap3A_892 {strides = array<i32>} : memref<4096xf32, #tpu.memory_space<vmem>>, vector<16xf32>,
      %mul3A_893 = arith.mulf %sub3A_885, %get3A_173 : vector<16xf32>
      %swap3A_894 = arith.constant 960 : index
      %swap3A_895 = tpu.vector_load %arg7[%swap3A_894] {strides = array<i32>} : memref<4096xf32, #tpu.memory_space<vmem>>, vector<16xf32>,
      %swap3A_896 = vector.shape_cast %swap3A_895 : vector<16xf32> to vector<16xf32>
      %swap3A_897 = vector.shape_cast %mul3A_893 : vector<16xf32> to vector<16xf32>
      tpu.vector_store %arg7[%swap3A_894], %swap3A_897 {strides = array<i32>} : memref<4096xf32, #tpu.memory_space<vmem>>, vector<16xf32>,
      %mul3A_898 = arith.mulf %sub3A_887, %get3A_198 : vector<16xf32>
      %swap3A_899 = arith.constant 1472 : index
      %swap3A_900 = tpu.vector_load %arg7[%swap3A_899] {strides = array<i32>} : memref<4096xf32, #tpu.memory_space<vmem>>, vector<16xf32>,
      %swap3A_901 = vector.shape_cast %swap3A_900 : vector<16xf32> to vector<16xf32>
      %swap3A_902 = vector.shape_cast %mul3A_898 : vector<16xf32> to vector<16xf32>
      tpu.vector_store %arg7[%swap3A_899], %swap3A_902 {strides = array<i32>} : memref<4096xf32, #tpu.memory_space<vmem>>, vector<16xf32>,
      %mul3A_903 = arith.mulf %sub3A_887, %get3A_203 : vector<16xf32>
      %swap3A_904 = arith.constant 1984 : index
      %swap3A_905 = tpu.vector_load %arg7[%swap3A_904] {strides = array<i32>} : memref<4096xf32, #tpu.memory_space<vmem>>, vector<16xf32>,
      %swap3A_906 = vector.shape_cast %swap3A_905 : vector<16xf32> to vector<16xf32>
      %swap3A_907 = vector.shape_cast %mul3A_903 : vector<16xf32> to vector<16xf32>
      tpu.vector_store %arg7[%swap3A_904], %swap3A_907 {strides = array<i32>} : memref<4096xf32, #tpu.memory_space<vmem>>, vector<16xf32>,
      %sub3A_908 = vector.broadcast %squeeze3A_75 : f32 to vector<16xf32>
      %sub3A_909 = arith.subf %sub3A_908, %get3A_158 : vector<16xf32>
      %sub3A_910 = vector.broadcast %squeeze3A_75 : f32 to vector<16xf32>
      %sub3A_911 = arith.subf %sub3A_910, %get3A_188 : vector<16xf32>
      %mul3A_912 = arith.mulf %sub3A_909, %get3A_168 : vector<16xf32>
      %swap3A_913 = arith.constant 464 : index
      %swap3A_914 = tpu.vector_load %arg7[%swap3A_913] {strides = array<i32>} : memref<4096xf32, #tpu.memory_space<vmem>>, vector<16xf32>,
      %swap3A_915 = vector.shape_cast %swap3A_914 : vector<16xf32> to vector<16xf32>
      %swap3A_916 = vector.shape_cast %mul3A_912 : vector<16xf32> to vector<16xf32>
      tpu.vector_store %arg7[%swap3A_913], %swap3A_916 {strides = array<i32>} : memref<4096xf32, #tpu.memory_space<vmem>>, vector<16xf32>,
      %mul3A_917 = arith.mulf %sub3A_909, %get3A_173 : vector<16xf32>
      %swap3A_918 = arith.constant 976 : index
      %swap3A_919 = tpu.vector_load %arg7[%swap3A_918] {strides = array<i32>} : memref<4096xf32, #tpu.memory_space<vmem>>, vector<16xf32>,
      %swap3A_920 = vector.shape_cast %swap3A_919 : vector<16xf32> to vector<16xf32>
      %swap3A_921 = vector.shape_cast %mul3A_917 : vector<16xf32> to vector<16xf32>
      tpu.vector_store %arg7[%swap3A_918], %swap3A_921 {strides = array<i32>} : memref<4096xf32, #tpu.memory_space<vmem>>, vector<16xf32>,
      %mul3A_922 = arith.mulf %sub3A_911, %get3A_198 : vector<16xf32>
      %swap3A_923 = arith.constant 1488 : index
      %swap3A_924 = tpu.vector_load %arg7[%swap3A_923] {strides = array<i32>} : memref<4096xf32, #tpu.memory_space<vmem>>, vector<16xf32>,
      %swap3A_925 = vector.shape_cast %swap3A_924 : vector<16xf32> to vector<16xf32>
      %swap3A_926 = vector.shape_cast %mul3A_922 : vector<16xf32> to vector<16xf32>
      tpu.vector_store %arg7[%swap3A_923], %swap3A_926 {strides = array<i32>} : memref<4096xf32, #tpu.memory_space<vmem>>, vector<16xf32>,
      %mul3A_927 = arith.mulf %sub3A_911, %get3A_203 : vector<16xf32>
      %swap3A_928 = arith.constant 2000 : index
      %swap3A_929 = tpu.vector_load %arg7[%swap3A_928] {strides = array<i32>} : memref<4096xf32, #tpu.memory_space<vmem>>, vector<16xf32>,
      %swap3A_930 = vector.shape_cast %swap3A_929 : vector<16xf32> to vector<16xf32>
      %swap3A_931 = vector.shape_cast %mul3A_927 : vector<16xf32> to vector<16xf32>
      tpu.vector_store %arg7[%swap3A_928], %swap3A_931 {strides = array<i32>} : memref<4096xf32, #tpu.memory_space<vmem>>, vector<16xf32>,
      %sub3A_932 = vector.broadcast %squeeze3A_77 : f32 to vector<16xf32>
      %sub3A_933 = arith.subf %sub3A_932, %get3A_158 : vector<16xf32>
      %sub3A_934 = vector.broadcast %squeeze3A_77 : f32 to vector<16xf32>
      %sub3A_935 = arith.subf %sub3A_934, %get3A_188 : vector<16xf32>
      %mul3A_936 = arith.mulf %sub3A_933, %get3A_168 : vector<16xf32>
      %swap3A_937 = arith.constant 480 : index
      %swap3A_938 = tpu.vector_load %arg7[%swap3A_937] {strides = array<i32>} : memref<4096xf32, #tpu.memory_space<vmem>>, vector<16xf32>,
      %swap3A_939 = vector.shape_cast %swap3A_938 : vector<16xf32> to vector<16xf32>
      %swap3A_940 = vector.shape_cast %mul3A_936 : vector<16xf32> to vector<16xf32>
      tpu.vector_store %arg7[%swap3A_937], %swap3A_940 {strides = array<i32>} : memref<4096xf32, #tpu.memory_space<vmem>>, vector<16xf32>,
      %mul3A_941 = arith.mulf %sub3A_933, %get3A_173 : vector<16xf32>
      %swap3A_942 = arith.constant 992 : index
      %swap3A_943 = tpu.vector_load %arg7[%swap3A_942] {strides = array<i32>} : memref<4096xf32, #tpu.memory_space<vmem>>, vector<16xf32>,
      %swap3A_944 = vector.shape_cast %swap3A_943 : vector<16xf32> to vector<16xf32>
      %swap3A_945 = vector.shape_cast %mul3A_941 : vector<16xf32> to vector<16xf32>
      tpu.vector_store %arg7[%swap3A_942], %swap3A_945 {strides = array<i32>} : memref<4096xf32, #tpu.memory_space<vmem>>, vector<16xf32>,
      %mul3A_946 = arith.mulf %sub3A_935, %get3A_198 : vector<16xf32>
      %swap3A_947 = arith.constant 1504 : index
      %swap3A_948 = tpu.vector_load %arg7[%swap3A_947] {strides = array<i32>} : memref<4096xf32, #tpu.memory_space<vmem>>, vector<16xf32>,
      %swap3A_949 = vector.shape_cast %swap3A_948 : vector<16xf32> to vector<16xf32>
      %swap3A_950 = vector.shape_cast %mul3A_946 : vector<16xf32> to vector<16xf32>
      tpu.vector_store %arg7[%swap3A_947], %swap3A_950 {strides = array<i32>} : memref<4096xf32, #tpu.memory_space<vmem>>, vector<16xf32>,
      %mul3A_951 = arith.mulf %sub3A_935, %get3A_203 : vector<16xf32>
      %swap3A_952 = arith.constant 2016 : index
      %swap3A_953 = tpu.vector_load %arg7[%swap3A_952] {strides = array<i32>} : memref<4096xf32, #tpu.memory_space<vmem>>, vector<16xf32>,
      %swap3A_954 = vector.shape_cast %swap3A_953 : vector<16xf32> to vector<16xf32>
      %swap3A_955 = vector.shape_cast %mul3A_951 : vector<16xf32> to vector<16xf32>
      tpu.vector_store %arg7[%swap3A_952], %swap3A_955 {strides = array<i32>} : memref<4096xf32, #tpu.memory_space<vmem>>, vector<16xf32>,
      %sub3A_956 = vector.broadcast %squeeze3A_79 : f32 to vector<16xf32>
      %sub3A_957 = arith.subf %sub3A_956, %get3A_158 : vector<16xf32>
      %sub3A_958 = vector.broadcast %squeeze3A_79 : f32 to vector<16xf32>
      %sub3A_959 = arith.subf %sub3A_958, %get3A_188 : vector<16xf32>
      %mul3A_960 = arith.mulf %sub3A_957, %get3A_168 : vector<16xf32>
      %swap3A_961 = arith.constant 496 : index
      %swap3A_962 = tpu.vector_load %arg7[%swap3A_961] {strides = array<i32>} : memref<4096xf32, #tpu.memory_space<vmem>>, vector<16xf32>,
      %swap3A_963 = vector.shape_cast %swap3A_962 : vector<16xf32> to vector<16xf32>
      %swap3A_964 = vector.shape_cast %mul3A_960 : vector<16xf32> to vector<16xf32>
      tpu.vector_store %arg7[%swap3A_961], %swap3A_964 {strides = array<i32>} : memref<4096xf32, #tpu.memory_space<vmem>>, vector<16xf32>,
      %mul3A_965 = arith.mulf %sub3A_957, %get3A_173 : vector<16xf32>
      %swap3A_966 = arith.constant 1008 : index
      %swap3A_967 = tpu.vector_load %arg7[%swap3A_966] {strides = array<i32>} : memref<4096xf32, #tpu.memory_space<vmem>>, vector<16xf32>,
      %swap3A_968 = vector.shape_cast %swap3A_967 : vector<16xf32> to vector<16xf32>
      %swap3A_969 = vector.shape_cast %mul3A_965 : vector<16xf32> to vector<16xf32>
      tpu.vector_store %arg7[%swap3A_966], %swap3A_969 {strides = array<i32>} : memref<4096xf32, #tpu.memory_space<vmem>>, vector<16xf32>,
      %mul3A_970 = arith.mulf %sub3A_959, %get3A_198 : vector<16xf32>
      %swap3A_971 = arith.constant 1520 : index
      %swap3A_972 = tpu.vector_load %arg7[%swap3A_971] {strides = array<i32>} : memref<4096xf32, #tpu.memory_space<vmem>>, vector<16xf32>,
      %swap3A_973 = vector.shape_cast %swap3A_972 : vector<16xf32> to vector<16xf32>
      %swap3A_974 = vector.shape_cast %mul3A_970 : vector<16xf32> to vector<16xf32>
      tpu.vector_store %arg7[%swap3A_971], %swap3A_974 {strides = array<i32>} : memref<4096xf32, #tpu.memory_space<vmem>>, vector<16xf32>,
      %mul3A_975 = arith.mulf %sub3A_959, %get3A_203 : vector<16xf32>
      %swap3A_976 = arith.constant 2032 : index
      %swap3A_977 = tpu.vector_load %arg7[%swap3A_976] {strides = array<i32>} : memref<4096xf32, #tpu.memory_space<vmem>>, vector<16xf32>,
      %swap3A_978 = vector.shape_cast %swap3A_977 : vector<16xf32> to vector<16xf32>
      %swap3A_979 = vector.shape_cast %mul3A_975 : vector<16xf32> to vector<16xf32>
      tpu.vector_store %arg7[%swap3A_976], %swap3A_979 {strides = array<i32>} : memref<4096xf32, #tpu.memory_space<vmem>>, vector<16xf32>,
      %sub3A_980 = vector.broadcast %squeeze3A_81 : f32 to vector<16xf32>
      %sub3A_981 = arith.subf %sub3A_980, %get3A_163 : vector<16xf32>
      %sub3A_982 = vector.broadcast %squeeze3A_81 : f32 to vector<16xf32>
      %sub3A_983 = arith.subf %sub3A_982, %get3A_193 : vector<16xf32>
      %mul3A_984 = arith.mulf %sub3A_981, %get3A_173 : vector<16xf32>
      %swap3A_985 = arith.constant 2048 : index
      %swap3A_986 = tpu.vector_load %arg7[%swap3A_985] {strides = array<i32>} : memref<4096xf32, #tpu.memory_space<vmem>>, vector<16xf32>,
      %swap3A_987 = vector.shape_cast %swap3A_986 : vector<16xf32> to vector<16xf32>
      %swap3A_988 = vector.shape_cast %mul3A_984 : vector<16xf32> to vector<16xf32>
      tpu.vector_store %arg7[%swap3A_985], %swap3A_988 {strides = array<i32>} : memref<4096xf32, #tpu.memory_space<vmem>>, vector<16xf32>,
      %mul3A_989 = arith.mulf %sub3A_981, %get3A_168 : vector<16xf32>
      %swap3A_990 = arith.constant 2560 : index
      %swap3A_991 = tpu.vector_load %arg7[%swap3A_990] {strides = array<i32>} : memref<4096xf32, #tpu.memory_space<vmem>>, vector<16xf32>,
      %swap3A_992 = vector.shape_cast %swap3A_991 : vector<16xf32> to vector<16xf32>
      %swap3A_993 = vector.shape_cast %mul3A_989 : vector<16xf32> to vector<16xf32>
      tpu.vector_store %arg7[%swap3A_990], %swap3A_993 {strides = array<i32>} : memref<4096xf32, #tpu.memory_space<vmem>>, vector<16xf32>,
      %mul3A_994 = arith.mulf %sub3A_983, %get3A_203 : vector<16xf32>
      %swap3A_995 = arith.constant 3072 : index
      %swap3A_996 = tpu.vector_load %arg7[%swap3A_995] {strides = array<i32>} : memref<4096xf32, #tpu.memory_space<vmem>>, vector<16xf32>,
      %swap3A_997 = vector.shape_cast %swap3A_996 : vector<16xf32> to vector<16xf32>
      %swap3A_998 = vector.shape_cast %mul3A_994 : vector<16xf32> to vector<16xf32>
      tpu.vector_store %arg7[%swap3A_995], %swap3A_998 {strides = array<i32>} : memref<4096xf32, #tpu.memory_space<vmem>>, vector<16xf32>,
      %mul3A_999 = arith.mulf %sub3A_983, %get3A_198 : vector<16xf32>
      %swap3A_1000 = arith.constant 3584 : index
      %swap3A_1001 = tpu.vector_load %arg7[%swap3A_1000] {strides = array<i32>} : memref<4096xf32, #tpu.memory_space<vmem>>, vector<16xf32>,
      %swap3A_1002 = vector.shape_cast %swap3A_1001 : vector<16xf32> to vector<16xf32>
      %swap3A_1003 = vector.shape_cast %mul3A_999 : vector<16xf32> to vector<16xf32>
      tpu.vector_store %arg7[%swap3A_1000], %swap3A_1003 {strides = array<i32>} : memref<4096xf32, #tpu.memory_space<vmem>>, vector<16xf32>,
      %sub3A_1004 = vector.broadcast %squeeze3A_83 : f32 to vector<16xf32>
      %sub3A_1005 = arith.subf %sub3A_1004, %get3A_163 : vector<16xf32>
      %sub3A_1006 = vector.broadcast %squeeze3A_83 : f32 to vector<16xf32>
      %sub3A_1007 = arith.subf %sub3A_1006, %get3A_193 : vector<16xf32>
      %mul3A_1008 = arith.mulf %sub3A_1005, %get3A_173 : vector<16xf32>
      %swap3A_1009 = arith.constant 2064 : index
      %swap3A_1010 = tpu.vector_load %arg7[%swap3A_1009] {strides = array<i32>} : memref<4096xf32, #tpu.memory_space<vmem>>, vector<16xf32>,
      %swap3A_1011 = vector.shape_cast %swap3A_1010 : vector<16xf32> to vector<16xf32>
      %swap3A_1012 = vector.shape_cast %mul3A_1008 : vector<16xf32> to vector<16xf32>
      tpu.vector_store %arg7[%swap3A_1009], %swap3A_1012 {strides = array<i32>} : memref<4096xf32, #tpu.memory_space<vmem>>, vector<16xf32>,
      %mul3A_1013 = arith.mulf %sub3A_1005, %get3A_168 : vector<16xf32>
      %swap3A_1014 = arith.constant 2576 : index
      %swap3A_1015 = tpu.vector_load %arg7[%swap3A_1014] {strides = array<i32>} : memref<4096xf32, #tpu.memory_space<vmem>>, vector<16xf32>,
      %swap3A_1016 = vector.shape_cast %swap3A_1015 : vector<16xf32> to vector<16xf32>
      %swap3A_1017 = vector.shape_cast %mul3A_1013 : vector<16xf32> to vector<16xf32>
      tpu.vector_store %arg7[%swap3A_1014], %swap3A_1017 {strides = array<i32>} : memref<4096xf32, #tpu.memory_space<vmem>>, vector<16xf32>,
      %mul3A_1018 = arith.mulf %sub3A_1007, %get3A_203 : vector<16xf32>
      %swap3A_1019 = arith.constant 3088 : index
      %swap3A_1020 = tpu.vector_load %arg7[%swap3A_1019] {strides = array<i32>} : memref<4096xf32, #tpu.memory_space<vmem>>, vector<16xf32>,
      %swap3A_1021 = vector.shape_cast %swap3A_1020 : vector<16xf32> to vector<16xf32>
      %swap3A_1022 = vector.shape_cast %mul3A_1018 : vector<16xf32> to vector<16xf32>
      tpu.vector_store %arg7[%swap3A_1019], %swap3A_1022 {strides = array<i32>} : memref<4096xf32, #tpu.memory_space<vmem>>, vector<16xf32>,
      %mul3A_1023 = arith.mulf %sub3A_1007, %get3A_198 : vector<16xf32>
      %swap3A_1024 = arith.constant 3600 : index
      %swap3A_1025 = tpu.vector_load %arg7[%swap3A_1024] {strides = array<i32>} : memref<4096xf32, #tpu.memory_space<vmem>>, vector<16xf32>,
      %swap3A_1026 = vector.shape_cast %swap3A_1025 : vector<16xf32> to vector<16xf32>
      %swap3A_1027 = vector.shape_cast %mul3A_1023 : vector<16xf32> to vector<16xf32>
      tpu.vector_store %arg7[%swap3A_1024], %swap3A_1027 {strides = array<i32>} : memref<4096xf32, #tpu.memory_space<vmem>>, vector<16xf32>,
      %sub3A_1028 = vector.broadcast %squeeze3A_85 : f32 to vector<16xf32>
      %sub3A_1029 = arith.subf %sub3A_1028, %get3A_163 : vector<16xf32>
      %sub3A_1030 = vector.broadcast %squeeze3A_85 : f32 to vector<16xf32>
      %sub3A_1031 = arith.subf %sub3A_1030, %get3A_193 : vector<16xf32>
      %mul3A_1032 = arith.mulf %sub3A_1029, %get3A_173 : vector<16xf32>
      %swap3A_1033 = arith.constant 2080 : index
      %swap3A_1034 = tpu.vector_load %arg7[%swap3A_1033] {strides = array<i32>} : memref<4096xf32, #tpu.memory_space<vmem>>, vector<16xf32>,
      %swap3A_1035 = vector.shape_cast %swap3A_1034 : vector<16xf32> to vector<16xf32>
      %swap3A_1036 = vector.shape_cast %mul3A_1032 : vector<16xf32> to vector<16xf32>
      tpu.vector_store %arg7[%swap3A_1033], %swap3A_1036 {strides = array<i32>} : memref<4096xf32, #tpu.memory_space<vmem>>, vector<16xf32>,
      %mul3A_1037 = arith.mulf %sub3A_1029, %get3A_168 : vector<16xf32>
      %swap3A_1038 = arith.constant 2592 : index
      %swap3A_1039 = tpu.vector_load %arg7[%swap3A_1038] {strides = array<i32>} : memref<4096xf32, #tpu.memory_space<vmem>>, vector<16xf32>,
      %swap3A_1040 = vector.shape_cast %swap3A_1039 : vector<16xf32> to vector<16xf32>
      %swap3A_1041 = vector.shape_cast %mul3A_1037 : vector<16xf32> to vector<16xf32>
      tpu.vector_store %arg7[%swap3A_1038], %swap3A_1041 {strides = array<i32>} : memref<4096xf32, #tpu.memory_space<vmem>>, vector<16xf32>,
      %mul3A_1042 = arith.mulf %sub3A_1031, %get3A_203 : vector<16xf32>
      %swap3A_1043 = arith.constant 3104 : index
      %swap3A_1044 = tpu.vector_load %arg7[%swap3A_1043] {strides = array<i32>} : memref<4096xf32, #tpu.memory_space<vmem>>, vector<16xf32>,
      %swap3A_1045 = vector.shape_cast %swap3A_1044 : vector<16xf32> to vector<16xf32>
      %swap3A_1046 = vector.shape_cast %mul3A_1042 : vector<16xf32> to vector<16xf32>
      tpu.vector_store %arg7[%swap3A_1043], %swap3A_1046 {strides = array<i32>} : memref<4096xf32, #tpu.memory_space<vmem>>, vector<16xf32>,
      %mul3A_1047 = arith.mulf %sub3A_1031, %get3A_198 : vector<16xf32>
      %swap3A_1048 = arith.constant 3616 : index
      %swap3A_1049 = tpu.vector_load %arg7[%swap3A_1048] {strides = array<i32>} : memref<4096xf32, #tpu.memory_space<vmem>>, vector<16xf32>,
      %swap3A_1050 = vector.shape_cast %swap3A_1049 : vector<16xf32> to vector<16xf32>
      %swap3A_1051 = vector.shape_cast %mul3A_1047 : vector<16xf32> to vector<16xf32>
      tpu.vector_store %arg7[%swap3A_1048], %swap3A_1051 {strides = array<i32>} : memref<4096xf32, #tpu.memory_space<vmem>>, vector<16xf32>,
      %sub3A_1052 = vector.broadcast %squeeze3A_87 : f32 to vector<16xf32>
      %sub3A_1053 = arith.subf %sub3A_1052, %get3A_163 : vector<16xf32>
      %sub3A_1054 = vector.broadcast %squeeze3A_87 : f32 to vector<16xf32>
      %sub3A_1055 = arith.subf %sub3A_1054, %get3A_193 : vector<16xf32>
      %mul3A_1056 = arith.mulf %sub3A_1053, %get3A_173 : vector<16xf32>
      %swap3A_1057 = arith.constant 2096 : index
      %swap3A_1058 = tpu.vector_load %arg7[%swap3A_1057] {strides = array<i32>} : memref<4096xf32, #tpu.memory_space<vmem>>, vector<16xf32>,
      %swap3A_1059 = vector.shape_cast %swap3A_1058 : vector<16xf32> to vector<16xf32>
      %swap3A_1060 = vector.shape_cast %mul3A_1056 : vector<16xf32> to vector<16xf32>
      tpu.vector_store %arg7[%swap3A_1057], %swap3A_1060 {strides = array<i32>} : memref<4096xf32, #tpu.memory_space<vmem>>, vector<16xf32>,
      %mul3A_1061 = arith.mulf %sub3A_1053, %get3A_168 : vector<16xf32>
      %swap3A_1062 = arith.constant 2608 : index
      %swap3A_1063 = tpu.vector_load %arg7[%swap3A_1062] {strides = array<i32>} : memref<4096xf32, #tpu.memory_space<vmem>>, vector<16xf32>,
      %swap3A_1064 = vector.shape_cast %swap3A_1063 : vector<16xf32> to vector<16xf32>
      %swap3A_1065 = vector.shape_cast %mul3A_1061 : vector<16xf32> to vector<16xf32>
      tpu.vector_store %arg7[%swap3A_1062], %swap3A_1065 {strides = array<i32>} : memref<4096xf32, #tpu.memory_space<vmem>>, vector<16xf32>,
      %mul3A_1066 = arith.mulf %sub3A_1055, %get3A_203 : vector<16xf32>
      %swap3A_1067 = arith.constant 3120 : index
      %swap3A_1068 = tpu.vector_load %arg7[%swap3A_1067] {strides = array<i32>} : memref<4096xf32, #tpu.memory_space<vmem>>, vector<16xf32>,
      %swap3A_1069 = vector.shape_cast %swap3A_1068 : vector<16xf32> to vector<16xf32>
      %swap3A_1070 = vector.shape_cast %mul3A_1066 : vector<16xf32> to vector<16xf32>
      tpu.vector_store %arg7[%swap3A_1067], %swap3A_1070 {strides = array<i32>} : memref<4096xf32, #tpu.memory_space<vmem>>, vector<16xf32>,
      %mul3A_1071 = arith.mulf %sub3A_1055, %get3A_198 : vector<16xf32>
      %swap3A_1072 = arith.constant 3632 : index
      %swap3A_1073 = tpu.vector_load %arg7[%swap3A_1072] {strides = array<i32>} : memref<4096xf32, #tpu.memory_space<vmem>>, vector<16xf32>,
      %swap3A_1074 = vector.shape_cast %swap3A_1073 : vector<16xf32> to vector<16xf32>
      %swap3A_1075 = vector.shape_cast %mul3A_1071 : vector<16xf32> to vector<16xf32>
      tpu.vector_store %arg7[%swap3A_1072], %swap3A_1075 {strides = array<i32>} : memref<4096xf32, #tpu.memory_space<vmem>>, vector<16xf32>,
      %sub3A_1076 = vector.broadcast %squeeze3A_89 : f32 to vector<16xf32>
      %sub3A_1077 = arith.subf %sub3A_1076, %get3A_163 : vector<16xf32>
      %sub3A_1078 = vector.broadcast %squeeze3A_89 : f32 to vector<16xf32>
      %sub3A_1079 = arith.subf %sub3A_1078, %get3A_193 : vector<16xf32>
      %mul3A_1080 = arith.mulf %sub3A_1077, %get3A_173 : vector<16xf32>
      %swap3A_1081 = arith.constant 2112 : index
      %swap3A_1082 = tpu.vector_load %arg7[%swap3A_1081] {strides = array<i32>} : memref<4096xf32, #tpu.memory_space<vmem>>, vector<16xf32>,
      %swap3A_1083 = vector.shape_cast %swap3A_1082 : vector<16xf32> to vector<16xf32>
      %swap3A_1084 = vector.shape_cast %mul3A_1080 : vector<16xf32> to vector<16xf32>
      tpu.vector_store %arg7[%swap3A_1081], %swap3A_1084 {strides = array<i32>} : memref<4096xf32, #tpu.memory_space<vmem>>, vector<16xf32>,
      %mul3A_1085 = arith.mulf %sub3A_1077, %get3A_168 : vector<16xf32>
      %swap3A_1086 = arith.constant 2624 : index
      %swap3A_1087 = tpu.vector_load %arg7[%swap3A_1086] {strides = array<i32>} : memref<4096xf32, #tpu.memory_space<vmem>>, vector<16xf32>,
      %swap3A_1088 = vector.shape_cast %swap3A_1087 : vector<16xf32> to vector<16xf32>
      %swap3A_1089 = vector.shape_cast %mul3A_1085 : vector<16xf32> to vector<16xf32>
      tpu.vector_store %arg7[%swap3A_1086], %swap3A_1089 {strides = array<i32>} : memref<4096xf32, #tpu.memory_space<vmem>>, vector<16xf32>,
      %mul3A_1090 = arith.mulf %sub3A_1079, %get3A_203 : vector<16xf32>
      %swap3A_1091 = arith.constant 3136 : index
      %swap3A_1092 = tpu.vector_load %arg7[%swap3A_1091] {strides = array<i32>} : memref<4096xf32, #tpu.memory_space<vmem>>, vector<16xf32>,
      %swap3A_1093 = vector.shape_cast %swap3A_1092 : vector<16xf32> to vector<16xf32>
      %swap3A_1094 = vector.shape_cast %mul3A_1090 : vector<16xf32> to vector<16xf32>
      tpu.vector_store %arg7[%swap3A_1091], %swap3A_1094 {strides = array<i32>} : memref<4096xf32, #tpu.memory_space<vmem>>, vector<16xf32>,
      %mul3A_1095 = arith.mulf %sub3A_1079, %get3A_198 : vector<16xf32>
      %swap3A_1096 = arith.constant 3648 : index
      %swap3A_1097 = tpu.vector_load %arg7[%swap3A_1096] {strides = array<i32>} : memref<4096xf32, #tpu.memory_space<vmem>>, vector<16xf32>,
      %swap3A_1098 = vector.shape_cast %swap3A_1097 : vector<16xf32> to vector<16xf32>
      %swap3A_1099 = vector.shape_cast %mul3A_1095 : vector<16xf32> to vector<16xf32>
      tpu.vector_store %arg7[%swap3A_1096], %swap3A_1099 {strides = array<i32>} : memref<4096xf32, #tpu.memory_space<vmem>>, vector<16xf32>,
      %sub3A_1100 = vector.broadcast %squeeze3A_91 : f32 to vector<16xf32>
      %sub3A_1101 = arith.subf %sub3A_1100, %get3A_163 : vector<16xf32>
      %sub3A_1102 = vector.broadcast %squeeze3A_91 : f32 to vector<16xf32>
      %sub3A_1103 = arith.subf %sub3A_1102, %get3A_193 : vector<16xf32>
      %mul3A_1104 = arith.mulf %sub3A_1101, %get3A_173 : vector<16xf32>
      %swap3A_1105 = arith.constant 2128 : index
      %swap3A_1106 = tpu.vector_load %arg7[%swap3A_1105] {strides = array<i32>} : memref<4096xf32, #tpu.memory_space<vmem>>, vector<16xf32>,
      %swap3A_1107 = vector.shape_cast %swap3A_1106 : vector<16xf32> to vector<16xf32>
      %swap3A_1108 = vector.shape_cast %mul3A_1104 : vector<16xf32> to vector<16xf32>
      tpu.vector_store %arg7[%swap3A_1105], %swap3A_1108 {strides = array<i32>} : memref<4096xf32, #tpu.memory_space<vmem>>, vector<16xf32>,
      %mul3A_1109 = arith.mulf %sub3A_1101, %get3A_168 : vector<16xf32>
      %swap3A_1110 = arith.constant 2640 : index
      %swap3A_1111 = tpu.vector_load %arg7[%swap3A_1110] {strides = array<i32>} : memref<4096xf32, #tpu.memory_space<vmem>>, vector<16xf32>,
      %swap3A_1112 = vector.shape_cast %swap3A_1111 : vector<16xf32> to vector<16xf32>
      %swap3A_1113 = vector.shape_cast %mul3A_1109 : vector<16xf32> to vector<16xf32>
      tpu.vector_store %arg7[%swap3A_1110], %swap3A_1113 {strides = array<i32>} : memref<4096xf32, #tpu.memory_space<vmem>>, vector<16xf32>,
      %mul3A_1114 = arith.mulf %sub3A_1103, %get3A_203 : vector<16xf32>
      %swap3A_1115 = arith.constant 3152 : index
      %swap3A_1116 = tpu.vector_load %arg7[%swap3A_1115] {strides = array<i32>} : memref<4096xf32, #tpu.memory_space<vmem>>, vector<16xf32>,
      %swap3A_1117 = vector.shape_cast %swap3A_1116 : vector<16xf32> to vector<16xf32>
      %swap3A_1118 = vector.shape_cast %mul3A_1114 : vector<16xf32> to vector<16xf32>
      tpu.vector_store %arg7[%swap3A_1115], %swap3A_1118 {strides = array<i32>} : memref<4096xf32, #tpu.memory_space<vmem>>, vector<16xf32>,
      %mul3A_1119 = arith.mulf %sub3A_1103, %get3A_198 : vector<16xf32>
      %swap3A_1120 = arith.constant 3664 : index
      %swap3A_1121 = tpu.vector_load %arg7[%swap3A_1120] {strides = array<i32>} : memref<4096xf32, #tpu.memory_space<vmem>>, vector<16xf32>,
      %swap3A_1122 = vector.shape_cast %swap3A_1121 : vector<16xf32> to vector<16xf32>
      %swap3A_1123 = vector.shape_cast %mul3A_1119 : vector<16xf32> to vector<16xf32>
      tpu.vector_store %arg7[%swap3A_1120], %swap3A_1123 {strides = array<i32>} : memref<4096xf32, #tpu.memory_space<vmem>>, vector<16xf32>,
      %sub3A_1124 = vector.broadcast %squeeze3A_93 : f32 to vector<16xf32>
      %sub3A_1125 = arith.subf %sub3A_1124, %get3A_163 : vector<16xf32>
      %sub3A_1126 = vector.broadcast %squeeze3A_93 : f32 to vector<16xf32>
      %sub3A_1127 = arith.subf %sub3A_1126, %get3A_193 : vector<16xf32>
      %mul3A_1128 = arith.mulf %sub3A_1125, %get3A_173 : vector<16xf32>
      %swap3A_1129 = arith.constant 2144 : index
      %swap3A_1130 = tpu.vector_load %arg7[%swap3A_1129] {strides = array<i32>} : memref<4096xf32, #tpu.memory_space<vmem>>, vector<16xf32>,
      %swap3A_1131 = vector.shape_cast %swap3A_1130 : vector<16xf32> to vector<16xf32>
      %swap3A_1132 = vector.shape_cast %mul3A_1128 : vector<16xf32> to vector<16xf32>
      tpu.vector_store %arg7[%swap3A_1129], %swap3A_1132 {strides = array<i32>} : memref<4096xf32, #tpu.memory_space<vmem>>, vector<16xf32>,
      %mul3A_1133 = arith.mulf %sub3A_1125, %get3A_168 : vector<16xf32>
      %swap3A_1134 = arith.constant 2656 : index
      %swap3A_1135 = tpu.vector_load %arg7[%swap3A_1134] {strides = array<i32>} : memref<4096xf32, #tpu.memory_space<vmem>>, vector<16xf32>,
      %swap3A_1136 = vector.shape_cast %swap3A_1135 : vector<16xf32> to vector<16xf32>
      %swap3A_1137 = vector.shape_cast %mul3A_1133 : vector<16xf32> to vector<16xf32>
      tpu.vector_store %arg7[%swap3A_1134], %swap3A_1137 {strides = array<i32>} : memref<4096xf32, #tpu.memory_space<vmem>>, vector<16xf32>,
      %mul3A_1138 = arith.mulf %sub3A_1127, %get3A_203 : vector<16xf32>
      %swap3A_1139 = arith.constant 3168 : index
      %swap3A_1140 = tpu.vector_load %arg7[%swap3A_1139] {strides = array<i32>} : memref<4096xf32, #tpu.memory_space<vmem>>, vector<16xf32>,
      %swap3A_1141 = vector.shape_cast %swap3A_1140 : vector<16xf32> to vector<16xf32>
      %swap3A_1142 = vector.shape_cast %mul3A_1138 : vector<16xf32> to vector<16xf32>
      tpu.vector_store %arg7[%swap3A_1139], %swap3A_1142 {strides = array<i32>} : memref<4096xf32, #tpu.memory_space<vmem>>, vector<16xf32>,
      %mul3A_1143 = arith.mulf %sub3A_1127, %get3A_198 : vector<16xf32>
      %swap3A_1144 = arith.constant 3680 : index
      %swap3A_1145 = tpu.vector_load %arg7[%swap3A_1144] {strides = array<i32>} : memref<4096xf32, #tpu.memory_space<vmem>>, vector<16xf32>,
      %swap3A_1146 = vector.shape_cast %swap3A_1145 : vector<16xf32> to vector<16xf32>
      %swap3A_1147 = vector.shape_cast %mul3A_1143 : vector<16xf32> to vector<16xf32>
      tpu.vector_store %arg7[%swap3A_1144], %swap3A_1147 {strides = array<i32>} : memref<4096xf32, #tpu.memory_space<vmem>>, vector<16xf32>,
      %sub3A_1148 = vector.broadcast %squeeze3A_95 : f32 to vector<16xf32>
      %sub3A_1149 = arith.subf %sub3A_1148, %get3A_163 : vector<16xf32>
      %sub3A_1150 = vector.broadcast %squeeze3A_95 : f32 to vector<16xf32>
      %sub3A_1151 = arith.subf %sub3A_1150, %get3A_193 : vector<16xf32>
      %mul3A_1152 = arith.mulf %sub3A_1149, %get3A_173 : vector<16xf32>
      %swap3A_1153 = arith.constant 2160 : index
      %swap3A_1154 = tpu.vector_load %arg7[%swap3A_1153] {strides = array<i32>} : memref<4096xf32, #tpu.memory_space<vmem>>, vector<16xf32>,
      %swap3A_1155 = vector.shape_cast %swap3A_1154 : vector<16xf32> to vector<16xf32>
      %swap3A_1156 = vector.shape_cast %mul3A_1152 : vector<16xf32> to vector<16xf32>
      tpu.vector_store %arg7[%swap3A_1153], %swap3A_1156 {strides = array<i32>} : memref<4096xf32, #tpu.memory_space<vmem>>, vector<16xf32>,
      %mul3A_1157 = arith.mulf %sub3A_1149, %get3A_168 : vector<16xf32>
      %swap3A_1158 = arith.constant 2672 : index
      %swap3A_1159 = tpu.vector_load %arg7[%swap3A_1158] {strides = array<i32>} : memref<4096xf32, #tpu.memory_space<vmem>>, vector<16xf32>,
      %swap3A_1160 = vector.shape_cast %swap3A_1159 : vector<16xf32> to vector<16xf32>
      %swap3A_1161 = vector.shape_cast %mul3A_1157 : vector<16xf32> to vector<16xf32>
      tpu.vector_store %arg7[%swap3A_1158], %swap3A_1161 {strides = array<i32>} : memref<4096xf32, #tpu.memory_space<vmem>>, vector<16xf32>,
      %mul3A_1162 = arith.mulf %sub3A_1151, %get3A_203 : vector<16xf32>
      %swap3A_1163 = arith.constant 3184 : index
      %swap3A_1164 = tpu.vector_load %arg7[%swap3A_1163] {strides = array<i32>} : memref<4096xf32, #tpu.memory_space<vmem>>, vector<16xf32>,
      %swap3A_1165 = vector.shape_cast %swap3A_1164 : vector<16xf32> to vector<16xf32>
      %swap3A_1166 = vector.shape_cast %mul3A_1162 : vector<16xf32> to vector<16xf32>
      tpu.vector_store %arg7[%swap3A_1163], %swap3A_1166 {strides = array<i32>} : memref<4096xf32, #tpu.memory_space<vmem>>, vector<16xf32>,
      %mul3A_1167 = arith.mulf %sub3A_1151, %get3A_198 : vector<16xf32>
      %swap3A_1168 = arith.constant 3696 : index
      %swap3A_1169 = tpu.vector_load %arg7[%swap3A_1168] {strides = array<i32>} : memref<4096xf32, #tpu.memory_space<vmem>>, vector<16xf32>,
      %swap3A_1170 = vector.shape_cast %swap3A_1169 : vector<16xf32> to vector<16xf32>
      %swap3A_1171 = vector.shape_cast %mul3A_1167 : vector<16xf32> to vector<16xf32>
      tpu.vector_store %arg7[%swap3A_1168], %swap3A_1171 {strides = array<i32>} : memref<4096xf32, #tpu.memory_space<vmem>>, vector<16xf32>,
      %sub3A_1172 = vector.broadcast %squeeze3A_97 : f32 to vector<16xf32>
      %sub3A_1173 = arith.subf %sub3A_1172, %get3A_163 : vector<16xf32>
      %sub3A_1174 = vector.broadcast %squeeze3A_97 : f32 to vector<16xf32>
      %sub3A_1175 = arith.subf %sub3A_1174, %get3A_193 : vector<16xf32>
      %mul3A_1176 = arith.mulf %sub3A_1173, %get3A_173 : vector<16xf32>
      %swap3A_1177 = arith.constant 2176 : index
      %swap3A_1178 = tpu.vector_load %arg7[%swap3A_1177] {strides = array<i32>} : memref<4096xf32, #tpu.memory_space<vmem>>, vector<16xf32>,
      %swap3A_1179 = vector.shape_cast %swap3A_1178 : vector<16xf32> to vector<16xf32>
      %swap3A_1180 = vector.shape_cast %mul3A_1176 : vector<16xf32> to vector<16xf32>
      tpu.vector_store %arg7[%swap3A_1177], %swap3A_1180 {strides = array<i32>} : memref<4096xf32, #tpu.memory_space<vmem>>, vector<16xf32>,
      %mul3A_1181 = arith.mulf %sub3A_1173, %get3A_168 : vector<16xf32>
      %swap3A_1182 = arith.constant 2688 : index
      %swap3A_1183 = tpu.vector_load %arg7[%swap3A_1182] {strides = array<i32>} : memref<4096xf32, #tpu.memory_space<vmem>>, vector<16xf32>,
      %swap3A_1184 = vector.shape_cast %swap3A_1183 : vector<16xf32> to vector<16xf32>
      %swap3A_1185 = vector.shape_cast %mul3A_1181 : vector<16xf32> to vector<16xf32>
      tpu.vector_store %arg7[%swap3A_1182], %swap3A_1185 {strides = array<i32>} : memref<4096xf32, #tpu.memory_space<vmem>>, vector<16xf32>,
      %mul3A_1186 = arith.mulf %sub3A_1175, %get3A_203 : vector<16xf32>
      %swap3A_1187 = arith.constant 3200 : index
      %swap3A_1188 = tpu.vector_load %arg7[%swap3A_1187] {strides = array<i32>} : memref<4096xf32, #tpu.memory_space<vmem>>, vector<16xf32>,
      %swap3A_1189 = vector.shape_cast %swap3A_1188 : vector<16xf32> to vector<16xf32>
      %swap3A_1190 = vector.shape_cast %mul3A_1186 : vector<16xf32> to vector<16xf32>
      tpu.vector_store %arg7[%swap3A_1187], %swap3A_1190 {strides = array<i32>} : memref<4096xf32, #tpu.memory_space<vmem>>, vector<16xf32>,
      %mul3A_1191 = arith.mulf %sub3A_1175, %get3A_198 : vector<16xf32>
      %swap3A_1192 = arith.constant 3712 : index
      %swap3A_1193 = tpu.vector_load %arg7[%swap3A_1192] {strides = array<i32>} : memref<4096xf32, #tpu.memory_space<vmem>>, vector<16xf32>,
      %swap3A_1194 = vector.shape_cast %swap3A_1193 : vector<16xf32> to vector<16xf32>
      %swap3A_1195 = vector.shape_cast %mul3A_1191 : vector<16xf32> to vector<16xf32>
      tpu.vector_store %arg7[%swap3A_1192], %swap3A_1195 {strides = array<i32>} : memref<4096xf32, #tpu.memory_space<vmem>>, vector<16xf32>,
      %sub3A_1196 = vector.broadcast %squeeze3A_99 : f32 to vector<16xf32>
      %sub3A_1197 = arith.subf %sub3A_1196, %get3A_163 : vector<16xf32>
      %sub3A_1198 = vector.broadcast %squeeze3A_99 : f32 to vector<16xf32>
      %sub3A_1199 = arith.subf %sub3A_1198, %get3A_193 : vector<16xf32>
      %mul3A_1200 = arith.mulf %sub3A_1197, %get3A_173 : vector<16xf32>
      %swap3A_1201 = arith.constant 2192 : index
      %swap3A_1202 = tpu.vector_load %arg7[%swap3A_1201] {strides = array<i32>} : memref<4096xf32, #tpu.memory_space<vmem>>, vector<16xf32>,
      %swap3A_1203 = vector.shape_cast %swap3A_1202 : vector<16xf32> to vector<16xf32>
      %swap3A_1204 = vector.shape_cast %mul3A_1200 : vector<16xf32> to vector<16xf32>
      tpu.vector_store %arg7[%swap3A_1201], %swap3A_1204 {strides = array<i32>} : memref<4096xf32, #tpu.memory_space<vmem>>, vector<16xf32>,
      %mul3A_1205 = arith.mulf %sub3A_1197, %get3A_168 : vector<16xf32>
      %swap3A_1206 = arith.constant 2704 : index
      %swap3A_1207 = tpu.vector_load %arg7[%swap3A_1206] {strides = array<i32>} : memref<4096xf32, #tpu.memory_space<vmem>>, vector<16xf32>,
      %swap3A_1208 = vector.shape_cast %swap3A_1207 : vector<16xf32> to vector<16xf32>
      %swap3A_1209 = vector.shape_cast %mul3A_1205 : vector<16xf32> to vector<16xf32>
      tpu.vector_store %arg7[%swap3A_1206], %swap3A_1209 {strides = array<i32>} : memref<4096xf32, #tpu.memory_space<vmem>>, vector<16xf32>,
      %mul3A_1210 = arith.mulf %sub3A_1199, %get3A_203 : vector<16xf32>
      %swap3A_1211 = arith.constant 3216 : index
      %swap3A_1212 = tpu.vector_load %arg7[%swap3A_1211] {strides = array<i32>} : memref<4096xf32, #tpu.memory_space<vmem>>, vector<16xf32>,
      %swap3A_1213 = vector.shape_cast %swap3A_1212 : vector<16xf32> to vector<16xf32>
      %swap3A_1214 = vector.shape_cast %mul3A_1210 : vector<16xf32> to vector<16xf32>
      tpu.vector_store %arg7[%swap3A_1211], %swap3A_1214 {strides = array<i32>} : memref<4096xf32, #tpu.memory_space<vmem>>, vector<16xf32>,
      %mul3A_1215 = arith.mulf %sub3A_1199, %get3A_198 : vector<16xf32>
      %swap3A_1216 = arith.constant 3728 : index
      %swap3A_1217 = tpu.vector_load %arg7[%swap3A_1216] {strides = array<i32>} : memref<4096xf32, #tpu.memory_space<vmem>>, vector<16xf32>,
      %swap3A_1218 = vector.shape_cast %swap3A_1217 : vector<16xf32> to vector<16xf32>
      %swap3A_1219 = vector.shape_cast %mul3A_1215 : vector<16xf32> to vector<16xf32>
      tpu.vector_store %arg7[%swap3A_1216], %swap3A_1219 {strides = array<i32>} : memref<4096xf32, #tpu.memory_space<vmem>>, vector<16xf32>,
      %sub3A_1220 = vector.broadcast %squeeze3A_101 : f32 to vector<16xf32>
      %sub3A_1221 = arith.subf %sub3A_1220, %get3A_163 : vector<16xf32>
      %sub3A_1222 = vector.broadcast %squeeze3A_101 : f32 to vector<16xf32>
      %sub3A_1223 = arith.subf %sub3A_1222, %get3A_193 : vector<16xf32>
      %mul3A_1224 = arith.mulf %sub3A_1221, %get3A_173 : vector<16xf32>
      %swap3A_1225 = arith.constant 2208 : index
      %swap3A_1226 = tpu.vector_load %arg7[%swap3A_1225] {strides = array<i32>} : memref<4096xf32, #tpu.memory_space<vmem>>, vector<16xf32>,
      %swap3A_1227 = vector.shape_cast %swap3A_1226 : vector<16xf32> to vector<16xf32>
      %swap3A_1228 = vector.shape_cast %mul3A_1224 : vector<16xf32> to vector<16xf32>
      tpu.vector_store %arg7[%swap3A_1225], %swap3A_1228 {strides = array<i32>} : memref<4096xf32, #tpu.memory_space<vmem>>, vector<16xf32>,
      %mul3A_1229 = arith.mulf %sub3A_1221, %get3A_168 : vector<16xf32>
      %swap3A_1230 = arith.constant 2720 : index
      %swap3A_1231 = tpu.vector_load %arg7[%swap3A_1230] {strides = array<i32>} : memref<4096xf32, #tpu.memory_space<vmem>>, vector<16xf32>,
      %swap3A_1232 = vector.shape_cast %swap3A_1231 : vector<16xf32> to vector<16xf32>
      %swap3A_1233 = vector.shape_cast %mul3A_1229 : vector<16xf32> to vector<16xf32>
      tpu.vector_store %arg7[%swap3A_1230], %swap3A_1233 {strides = array<i32>} : memref<4096xf32, #tpu.memory_space<vmem>>, vector<16xf32>,
      %mul3A_1234 = arith.mulf %sub3A_1223, %get3A_203 : vector<16xf32>
      %swap3A_1235 = arith.constant 3232 : index
      %swap3A_1236 = tpu.vector_load %arg7[%swap3A_1235] {strides = array<i32>} : memref<4096xf32, #tpu.memory_space<vmem>>, vector<16xf32>,
      %swap3A_1237 = vector.shape_cast %swap3A_1236 : vector<16xf32> to vector<16xf32>
      %swap3A_1238 = vector.shape_cast %mul3A_1234 : vector<16xf32> to vector<16xf32>
      tpu.vector_store %arg7[%swap3A_1235], %swap3A_1238 {strides = array<i32>} : memref<4096xf32, #tpu.memory_space<vmem>>, vector<16xf32>,
      %mul3A_1239 = arith.mulf %sub3A_1223, %get3A_198 : vector<16xf32>
      %swap3A_1240 = arith.constant 3744 : index
      %swap3A_1241 = tpu.vector_load %arg7[%swap3A_1240] {strides = array<i32>} : memref<4096xf32, #tpu.memory_space<vmem>>, vector<16xf32>,
      %swap3A_1242 = vector.shape_cast %swap3A_1241 : vector<16xf32> to vector<16xf32>
      %swap3A_1243 = vector.shape_cast %mul3A_1239 : vector<16xf32> to vector<16xf32>
      tpu.vector_store %arg7[%swap3A_1240], %swap3A_1243 {strides = array<i32>} : memref<4096xf32, #tpu.memory_space<vmem>>, vector<16xf32>,
      %sub3A_1244 = vector.broadcast %squeeze3A_103 : f32 to vector<16xf32>
      %sub3A_1245 = arith.subf %sub3A_1244, %get3A_163 : vector<16xf32>
      %sub3A_1246 = vector.broadcast %squeeze3A_103 : f32 to vector<16xf32>
      %sub3A_1247 = arith.subf %sub3A_1246, %get3A_193 : vector<16xf32>
      %mul3A_1248 = arith.mulf %sub3A_1245, %get3A_173 : vector<16xf32>
      %swap3A_1249 = arith.constant 2224 : index
      %swap3A_1250 = tpu.vector_load %arg7[%swap3A_1249] {strides = array<i32>} : memref<4096xf32, #tpu.memory_space<vmem>>, vector<16xf32>,
      %swap3A_1251 = vector.shape_cast %swap3A_1250 : vector<16xf32> to vector<16xf32>
      %swap3A_1252 = vector.shape_cast %mul3A_1248 : vector<16xf32> to vector<16xf32>
      tpu.vector_store %arg7[%swap3A_1249], %swap3A_1252 {strides = array<i32>} : memref<4096xf32, #tpu.memory_space<vmem>>, vector<16xf32>,
      %mul3A_1253 = arith.mulf %sub3A_1245, %get3A_168 : vector<16xf32>
      %swap3A_1254 = arith.constant 2736 : index
      %swap3A_1255 = tpu.vector_load %arg7[%swap3A_1254] {strides = array<i32>} : memref<4096xf32, #tpu.memory_space<vmem>>, vector<16xf32>,
      %swap3A_1256 = vector.shape_cast %swap3A_1255 : vector<16xf32> to vector<16xf32>
      %swap3A_1257 = vector.shape_cast %mul3A_1253 : vector<16xf32> to vector<16xf32>
      tpu.vector_store %arg7[%swap3A_1254], %swap3A_1257 {strides = array<i32>} : memref<4096xf32, #tpu.memory_space<vmem>>, vector<16xf32>,
      %mul3A_1258 = arith.mulf %sub3A_1247, %get3A_203 : vector<16xf32>
      %swap3A_1259 = arith.constant 3248 : index
      %swap3A_1260 = tpu.vector_load %arg7[%swap3A_1259] {strides = array<i32>} : memref<4096xf32, #tpu.memory_space<vmem>>, vector<16xf32>,
      %swap3A_1261 = vector.shape_cast %swap3A_1260 : vector<16xf32> to vector<16xf32>
      %swap3A_1262 = vector.shape_cast %mul3A_1258 : vector<16xf32> to vector<16xf32>
      tpu.vector_store %arg7[%swap3A_1259], %swap3A_1262 {strides = array<i32>} : memref<4096xf32, #tpu.memory_space<vmem>>, vector<16xf32>,
      %mul3A_1263 = arith.mulf %sub3A_1247, %get3A_198 : vector<16xf32>
      %swap3A_1264 = arith.constant 3760 : index
      %swap3A_1265 = tpu.vector_load %arg7[%swap3A_1264] {strides = array<i32>} : memref<4096xf32, #tpu.memory_space<vmem>>, vector<16xf32>,
      %swap3A_1266 = vector.shape_cast %swap3A_1265 : vector<16xf32> to vector<16xf32>
      %swap3A_1267 = vector.shape_cast %mul3A_1263 : vector<16xf32> to vector<16xf32>
      tpu.vector_store %arg7[%swap3A_1264], %swap3A_1267 {strides = array<i32>} : memref<4096xf32, #tpu.memory_space<vmem>>, vector<16xf32>,
      %sub3A_1268 = vector.broadcast %squeeze3A_105 : f32 to vector<16xf32>
      %sub3A_1269 = arith.subf %sub3A_1268, %get3A_163 : vector<16xf32>
      %sub3A_1270 = vector.broadcast %squeeze3A_105 : f32 to vector<16xf32>
      %sub3A_1271 = arith.subf %sub3A_1270, %get3A_193 : vector<16xf32>
      %mul3A_1272 = arith.mulf %sub3A_1269, %get3A_173 : vector<16xf32>
      %swap3A_1273 = arith.constant 2240 : index
      %swap3A_1274 = tpu.vector_load %arg7[%swap3A_1273] {strides = array<i32>} : memref<4096xf32, #tpu.memory_space<vmem>>, vector<16xf32>,
      %swap3A_1275 = vector.shape_cast %swap3A_1274 : vector<16xf32> to vector<16xf32>
      %swap3A_1276 = vector.shape_cast %mul3A_1272 : vector<16xf32> to vector<16xf32>
      tpu.vector_store %arg7[%swap3A_1273], %swap3A_1276 {strides = array<i32>} : memref<4096xf32, #tpu.memory_space<vmem>>, vector<16xf32>,
      %mul3A_1277 = arith.mulf %sub3A_1269, %get3A_168 : vector<16xf32>
      %swap3A_1278 = arith.constant 2752 : index
      %swap3A_1279 = tpu.vector_load %arg7[%swap3A_1278] {strides = array<i32>} : memref<4096xf32, #tpu.memory_space<vmem>>, vector<16xf32>,
      %swap3A_1280 = vector.shape_cast %swap3A_1279 : vector<16xf32> to vector<16xf32>
      %swap3A_1281 = vector.shape_cast %mul3A_1277 : vector<16xf32> to vector<16xf32>
      tpu.vector_store %arg7[%swap3A_1278], %swap3A_1281 {strides = array<i32>} : memref<4096xf32, #tpu.memory_space<vmem>>, vector<16xf32>,
      %mul3A_1282 = arith.mulf %sub3A_1271, %get3A_203 : vector<16xf32>
      %swap3A_1283 = arith.constant 3264 : index
      %swap3A_1284 = tpu.vector_load %arg7[%swap3A_1283] {strides = array<i32>} : memref<4096xf32, #tpu.memory_space<vmem>>, vector<16xf32>,
      %swap3A_1285 = vector.shape_cast %swap3A_1284 : vector<16xf32> to vector<16xf32>
      %swap3A_1286 = vector.shape_cast %mul3A_1282 : vector<16xf32> to vector<16xf32>
      tpu.vector_store %arg7[%swap3A_1283], %swap3A_1286 {strides = array<i32>} : memref<4096xf32, #tpu.memory_space<vmem>>, vector<16xf32>,
      %mul3A_1287 = arith.mulf %sub3A_1271, %get3A_198 : vector<16xf32>
      %swap3A_1288 = arith.constant 3776 : index
      %swap3A_1289 = tpu.vector_load %arg7[%swap3A_1288] {strides = array<i32>} : memref<4096xf32, #tpu.memory_space<vmem>>, vector<16xf32>,
      %swap3A_1290 = vector.shape_cast %swap3A_1289 : vector<16xf32> to vector<16xf32>
      %swap3A_1291 = vector.shape_cast %mul3A_1287 : vector<16xf32> to vector<16xf32>
      tpu.vector_store %arg7[%swap3A_1288], %swap3A_1291 {strides = array<i32>} : memref<4096xf32, #tpu.memory_space<vmem>>, vector<16xf32>,
      %sub3A_1292 = vector.broadcast %squeeze3A_107 : f32 to vector<16xf32>
      %sub3A_1293 = arith.subf %sub3A_1292, %get3A_163 : vector<16xf32>
      %sub3A_1294 = vector.broadcast %squeeze3A_107 : f32 to vector<16xf32>
      %sub3A_1295 = arith.subf %sub3A_1294, %get3A_193 : vector<16xf32>
      %mul3A_1296 = arith.mulf %sub3A_1293, %get3A_173 : vector<16xf32>
      %swap3A_1297 = arith.constant 2256 : index
      %swap3A_1298 = tpu.vector_load %arg7[%swap3A_1297] {strides = array<i32>} : memref<4096xf32, #tpu.memory_space<vmem>>, vector<16xf32>,
      %swap3A_1299 = vector.shape_cast %swap3A_1298 : vector<16xf32> to vector<16xf32>
      %swap3A_1300 = vector.shape_cast %mul3A_1296 : vector<16xf32> to vector<16xf32>
      tpu.vector_store %arg7[%swap3A_1297], %swap3A_1300 {strides = array<i32>} : memref<4096xf32, #tpu.memory_space<vmem>>, vector<16xf32>,
      %mul3A_1301 = arith.mulf %sub3A_1293, %get3A_168 : vector<16xf32>
      %swap3A_1302 = arith.constant 2768 : index
      %swap3A_1303 = tpu.vector_load %arg7[%swap3A_1302] {strides = array<i32>} : memref<4096xf32, #tpu.memory_space<vmem>>, vector<16xf32>,
      %swap3A_1304 = vector.shape_cast %swap3A_1303 : vector<16xf32> to vector<16xf32>
      %swap3A_1305 = vector.shape_cast %mul3A_1301 : vector<16xf32> to vector<16xf32>
      tpu.vector_store %arg7[%swap3A_1302], %swap3A_1305 {strides = array<i32>} : memref<4096xf32, #tpu.memory_space<vmem>>, vector<16xf32>,
      %mul3A_1306 = arith.mulf %sub3A_1295, %get3A_203 : vector<16xf32>
      %swap3A_1307 = arith.constant 3280 : index
      %swap3A_1308 = tpu.vector_load %arg7[%swap3A_1307] {strides = array<i32>} : memref<4096xf32, #tpu.memory_space<vmem>>, vector<16xf32>,
      %swap3A_1309 = vector.shape_cast %swap3A_1308 : vector<16xf32> to vector<16xf32>
      %swap3A_1310 = vector.shape_cast %mul3A_1306 : vector<16xf32> to vector<16xf32>
      tpu.vector_store %arg7[%swap3A_1307], %swap3A_1310 {strides = array<i32>} : memref<4096xf32, #tpu.memory_space<vmem>>, vector<16xf32>,
      %mul3A_1311 = arith.mulf %sub3A_1295, %get3A_198 : vector<16xf32>
      %swap3A_1312 = arith.constant 3792 : index
      %swap3A_1313 = tpu.vector_load %arg7[%swap3A_1312] {strides = array<i32>} : memref<4096xf32, #tpu.memory_space<vmem>>, vector<16xf32>,
      %swap3A_1314 = vector.shape_cast %swap3A_1313 : vector<16xf32> to vector<16xf32>
      %swap3A_1315 = vector.shape_cast %mul3A_1311 : vector<16xf32> to vector<16xf32>
      tpu.vector_store %arg7[%swap3A_1312], %swap3A_1315 {strides = array<i32>} : memref<4096xf32, #tpu.memory_space<vmem>>, vector<16xf32>,
      %sub3A_1316 = vector.broadcast %squeeze3A_109 : f32 to vector<16xf32>
      %sub3A_1317 = arith.subf %sub3A_1316, %get3A_163 : vector<16xf32>
      %sub3A_1318 = vector.broadcast %squeeze3A_109 : f32 to vector<16xf32>
      %sub3A_1319 = arith.subf %sub3A_1318, %get3A_193 : vector<16xf32>
      %mul3A_1320 = arith.mulf %sub3A_1317, %get3A_173 : vector<16xf32>
      %swap3A_1321 = arith.constant 2272 : index
      %swap3A_1322 = tpu.vector_load %arg7[%swap3A_1321] {strides = array<i32>} : memref<4096xf32, #tpu.memory_space<vmem>>, vector<16xf32>,
      %swap3A_1323 = vector.shape_cast %swap3A_1322 : vector<16xf32> to vector<16xf32>
      %swap3A_1324 = vector.shape_cast %mul3A_1320 : vector<16xf32> to vector<16xf32>
      tpu.vector_store %arg7[%swap3A_1321], %swap3A_1324 {strides = array<i32>} : memref<4096xf32, #tpu.memory_space<vmem>>, vector<16xf32>,
      %mul3A_1325 = arith.mulf %sub3A_1317, %get3A_168 : vector<16xf32>
      %swap3A_1326 = arith.constant 2784 : index
      %swap3A_1327 = tpu.vector_load %arg7[%swap3A_1326] {strides = array<i32>} : memref<4096xf32, #tpu.memory_space<vmem>>, vector<16xf32>,
      %swap3A_1328 = vector.shape_cast %swap3A_1327 : vector<16xf32> to vector<16xf32>
      %swap3A_1329 = vector.shape_cast %mul3A_1325 : vector<16xf32> to vector<16xf32>
      tpu.vector_store %arg7[%swap3A_1326], %swap3A_1329 {strides = array<i32>} : memref<4096xf32, #tpu.memory_space<vmem>>, vector<16xf32>,
      %mul3A_1330 = arith.mulf %sub3A_1319, %get3A_203 : vector<16xf32>
      %swap3A_1331 = arith.constant 3296 : index
      %swap3A_1332 = tpu.vector_load %arg7[%swap3A_1331] {strides = array<i32>} : memref<4096xf32, #tpu.memory_space<vmem>>, vector<16xf32>,
      %swap3A_1333 = vector.shape_cast %swap3A_1332 : vector<16xf32> to vector<16xf32>
      %swap3A_1334 = vector.shape_cast %mul3A_1330 : vector<16xf32> to vector<16xf32>
      tpu.vector_store %arg7[%swap3A_1331], %swap3A_1334 {strides = array<i32>} : memref<4096xf32, #tpu.memory_space<vmem>>, vector<16xf32>,
      %mul3A_1335 = arith.mulf %sub3A_1319, %get3A_198 : vector<16xf32>
      %swap3A_1336 = arith.constant 3808 : index
      %swap3A_1337 = tpu.vector_load %arg7[%swap3A_1336] {strides = array<i32>} : memref<4096xf32, #tpu.memory_space<vmem>>, vector<16xf32>,
      %swap3A_1338 = vector.shape_cast %swap3A_1337 : vector<16xf32> to vector<16xf32>
      %swap3A_1339 = vector.shape_cast %mul3A_1335 : vector<16xf32> to vector<16xf32>
      tpu.vector_store %arg7[%swap3A_1336], %swap3A_1339 {strides = array<i32>} : memref<4096xf32, #tpu.memory_space<vmem>>, vector<16xf32>,
      %sub3A_1340 = vector.broadcast %squeeze3A_111 : f32 to vector<16xf32>
      %sub3A_1341 = arith.subf %sub3A_1340, %get3A_163 : vector<16xf32>
      %sub3A_1342 = vector.broadcast %squeeze3A_111 : f32 to vector<16xf32>
      %sub3A_1343 = arith.subf %sub3A_1342, %get3A_193 : vector<16xf32>
      %mul3A_1344 = arith.mulf %sub3A_1341, %get3A_173 : vector<16xf32>
      %swap3A_1345 = arith.constant 2288 : index
      %swap3A_1346 = tpu.vector_load %arg7[%swap3A_1345] {strides = array<i32>} : memref<4096xf32, #tpu.memory_space<vmem>>, vector<16xf32>,
      %swap3A_1347 = vector.shape_cast %swap3A_1346 : vector<16xf32> to vector<16xf32>
      %swap3A_1348 = vector.shape_cast %mul3A_1344 : vector<16xf32> to vector<16xf32>
      tpu.vector_store %arg7[%swap3A_1345], %swap3A_1348 {strides = array<i32>} : memref<4096xf32, #tpu.memory_space<vmem>>, vector<16xf32>,
      %mul3A_1349 = arith.mulf %sub3A_1341, %get3A_168 : vector<16xf32>
      %swap3A_1350 = arith.constant 2800 : index
      %swap3A_1351 = tpu.vector_load %arg7[%swap3A_1350] {strides = array<i32>} : memref<4096xf32, #tpu.memory_space<vmem>>, vector<16xf32>,
      %swap3A_1352 = vector.shape_cast %swap3A_1351 : vector<16xf32> to vector<16xf32>
      %swap3A_1353 = vector.shape_cast %mul3A_1349 : vector<16xf32> to vector<16xf32>
      tpu.vector_store %arg7[%swap3A_1350], %swap3A_1353 {strides = array<i32>} : memref<4096xf32, #tpu.memory_space<vmem>>, vector<16xf32>,
      %mul3A_1354 = arith.mulf %sub3A_1343, %get3A_203 : vector<16xf32>
      %swap3A_1355 = arith.constant 3312 : index
      %swap3A_1356 = tpu.vector_load %arg7[%swap3A_1355] {strides = array<i32>} : memref<4096xf32, #tpu.memory_space<vmem>>, vector<16xf32>,
      %swap3A_1357 = vector.shape_cast %swap3A_1356 : vector<16xf32> to vector<16xf32>
      %swap3A_1358 = vector.shape_cast %mul3A_1354 : vector<16xf32> to vector<16xf32>
      tpu.vector_store %arg7[%swap3A_1355], %swap3A_1358 {strides = array<i32>} : memref<4096xf32, #tpu.memory_space<vmem>>, vector<16xf32>,
      %mul3A_1359 = arith.mulf %sub3A_1343, %get3A_198 : vector<16xf32>
      %swap3A_1360 = arith.constant 3824 : index
      %swap3A_1361 = tpu.vector_load %arg7[%swap3A_1360] {strides = array<i32>} : memref<4096xf32, #tpu.memory_space<vmem>>, vector<16xf32>,
      %swap3A_1362 = vector.shape_cast %swap3A_1361 : vector<16xf32> to vector<16xf32>
      %swap3A_1363 = vector.shape_cast %mul3A_1359 : vector<16xf32> to vector<16xf32>
      tpu.vector_store %arg7[%swap3A_1360], %swap3A_1363 {strides = array<i32>} : memref<4096xf32, #tpu.memory_space<vmem>>, vector<16xf32>,
      %sub3A_1364 = vector.broadcast %squeeze3A_113 : f32 to vector<16xf32>
      %sub3A_1365 = arith.subf %sub3A_1364, %get3A_163 : vector<16xf32>
      %sub3A_1366 = vector.broadcast %squeeze3A_113 : f32 to vector<16xf32>
      %sub3A_1367 = arith.subf %sub3A_1366, %get3A_193 : vector<16xf32>
      %mul3A_1368 = arith.mulf %sub3A_1365, %get3A_173 : vector<16xf32>
      %swap3A_1369 = arith.constant 2304 : index
      %swap3A_1370 = tpu.vector_load %arg7[%swap3A_1369] {strides = array<i32>} : memref<4096xf32, #tpu.memory_space<vmem>>, vector<16xf32>,
      %swap3A_1371 = vector.shape_cast %swap3A_1370 : vector<16xf32> to vector<16xf32>
      %swap3A_1372 = vector.shape_cast %mul3A_1368 : vector<16xf32> to vector<16xf32>
      tpu.vector_store %arg7[%swap3A_1369], %swap3A_1372 {strides = array<i32>} : memref<4096xf32, #tpu.memory_space<vmem>>, vector<16xf32>,
      %mul3A_1373 = arith.mulf %sub3A_1365, %get3A_168 : vector<16xf32>
      %swap3A_1374 = arith.constant 2816 : index
      %swap3A_1375 = tpu.vector_load %arg7[%swap3A_1374] {strides = array<i32>} : memref<4096xf32, #tpu.memory_space<vmem>>, vector<16xf32>,
      %swap3A_1376 = vector.shape_cast %swap3A_1375 : vector<16xf32> to vector<16xf32>
      %swap3A_1377 = vector.shape_cast %mul3A_1373 : vector<16xf32> to vector<16xf32>
      tpu.vector_store %arg7[%swap3A_1374], %swap3A_1377 {strides = array<i32>} : memref<4096xf32, #tpu.memory_space<vmem>>, vector<16xf32>,
      %mul3A_1378 = arith.mulf %sub3A_1367, %get3A_203 : vector<16xf32>
      %swap3A_1379 = arith.constant 3328 : index
      %swap3A_1380 = tpu.vector_load %arg7[%swap3A_1379] {strides = array<i32>} : memref<4096xf32, #tpu.memory_space<vmem>>, vector<16xf32>,
      %swap3A_1381 = vector.shape_cast %swap3A_1380 : vector<16xf32> to vector<16xf32>
      %swap3A_1382 = vector.shape_cast %mul3A_1378 : vector<16xf32> to vector<16xf32>
      tpu.vector_store %arg7[%swap3A_1379], %swap3A_1382 {strides = array<i32>} : memref<4096xf32, #tpu.memory_space<vmem>>, vector<16xf32>,
      %mul3A_1383 = arith.mulf %sub3A_1367, %get3A_198 : vector<16xf32>
      %swap3A_1384 = arith.constant 3840 : index
      %swap3A_1385 = tpu.vector_load %arg7[%swap3A_1384] {strides = array<i32>} : memref<4096xf32, #tpu.memory_space<vmem>>, vector<16xf32>,
      %swap3A_1386 = vector.shape_cast %swap3A_1385 : vector<16xf32> to vector<16xf32>
      %swap3A_1387 = vector.shape_cast %mul3A_1383 : vector<16xf32> to vector<16xf32>
      tpu.vector_store %arg7[%swap3A_1384], %swap3A_1387 {strides = array<i32>} : memref<4096xf32, #tpu.memory_space<vmem>>, vector<16xf32>,
      %sub3A_1388 = vector.broadcast %squeeze3A_115 : f32 to vector<16xf32>
      %sub3A_1389 = arith.subf %sub3A_1388, %get3A_163 : vector<16xf32>
      %sub3A_1390 = vector.broadcast %squeeze3A_115 : f32 to vector<16xf32>
      %sub3A_1391 = arith.subf %sub3A_1390, %get3A_193 : vector<16xf32>
      %mul3A_1392 = arith.mulf %sub3A_1389, %get3A_173 : vector<16xf32>
      %swap3A_1393 = arith.constant 2320 : index
      %swap3A_1394 = tpu.vector_load %arg7[%swap3A_1393] {strides = array<i32>} : memref<4096xf32, #tpu.memory_space<vmem>>, vector<16xf32>,
      %swap3A_1395 = vector.shape_cast %swap3A_1394 : vector<16xf32> to vector<16xf32>
      %swap3A_1396 = vector.shape_cast %mul3A_1392 : vector<16xf32> to vector<16xf32>
      tpu.vector_store %arg7[%swap3A_1393], %swap3A_1396 {strides = array<i32>} : memref<4096xf32, #tpu.memory_space<vmem>>, vector<16xf32>,
      %mul3A_1397 = arith.mulf %sub3A_1389, %get3A_168 : vector<16xf32>
      %swap3A_1398 = arith.constant 2832 : index
      %swap3A_1399 = tpu.vector_load %arg7[%swap3A_1398] {strides = array<i32>} : memref<4096xf32, #tpu.memory_space<vmem>>, vector<16xf32>,
      %swap3A_1400 = vector.shape_cast %swap3A_1399 : vector<16xf32> to vector<16xf32>
      %swap3A_1401 = vector.shape_cast %mul3A_1397 : vector<16xf32> to vector<16xf32>
      tpu.vector_store %arg7[%swap3A_1398], %swap3A_1401 {strides = array<i32>} : memref<4096xf32, #tpu.memory_space<vmem>>, vector<16xf32>,
      %mul3A_1402 = arith.mulf %sub3A_1391, %get3A_203 : vector<16xf32>
      %swap3A_1403 = arith.constant 3344 : index
      %swap3A_1404 = tpu.vector_load %arg7[%swap3A_1403] {strides = array<i32>} : memref<4096xf32, #tpu.memory_space<vmem>>, vector<16xf32>,
      %swap3A_1405 = vector.shape_cast %swap3A_1404 : vector<16xf32> to vector<16xf32>
      %swap3A_1406 = vector.shape_cast %mul3A_1402 : vector<16xf32> to vector<16xf32>
      tpu.vector_store %arg7[%swap3A_1403], %swap3A_1406 {strides = array<i32>} : memref<4096xf32, #tpu.memory_space<vmem>>, vector<16xf32>,
      %mul3A_1407 = arith.mulf %sub3A_1391, %get3A_198 : vector<16xf32>
      %swap3A_1408 = arith.constant 3856 : index
      %swap3A_1409 = tpu.vector_load %arg7[%swap3A_1408] {strides = array<i32>} : memref<4096xf32, #tpu.memory_space<vmem>>, vector<16xf32>,
      %swap3A_1410 = vector.shape_cast %swap3A_1409 : vector<16xf32> to vector<16xf32>
      %swap3A_1411 = vector.shape_cast %mul3A_1407 : vector<16xf32> to vector<16xf32>
      tpu.vector_store %arg7[%swap3A_1408], %swap3A_1411 {strides = array<i32>} : memref<4096xf32, #tpu.memory_space<vmem>>, vector<16xf32>,
      %sub3A_1412 = vector.broadcast %squeeze3A_117 : f32 to vector<16xf32>
      %sub3A_1413 = arith.subf %sub3A_1412, %get3A_163 : vector<16xf32>
      %sub3A_1414 = vector.broadcast %squeeze3A_117 : f32 to vector<16xf32>
      %sub3A_1415 = arith.subf %sub3A_1414, %get3A_193 : vector<16xf32>
      %mul3A_1416 = arith.mulf %sub3A_1413, %get3A_173 : vector<16xf32>
      %swap3A_1417 = arith.constant 2336 : index
      %swap3A_1418 = tpu.vector_load %arg7[%swap3A_1417] {strides = array<i32>} : memref<4096xf32, #tpu.memory_space<vmem>>, vector<16xf32>,
      %swap3A_1419 = vector.shape_cast %swap3A_1418 : vector<16xf32> to vector<16xf32>
      %swap3A_1420 = vector.shape_cast %mul3A_1416 : vector<16xf32> to vector<16xf32>
      tpu.vector_store %arg7[%swap3A_1417], %swap3A_1420 {strides = array<i32>} : memref<4096xf32, #tpu.memory_space<vmem>>, vector<16xf32>,
      %mul3A_1421 = arith.mulf %sub3A_1413, %get3A_168 : vector<16xf32>
      %swap3A_1422 = arith.constant 2848 : index
      %swap3A_1423 = tpu.vector_load %arg7[%swap3A_1422] {strides = array<i32>} : memref<4096xf32, #tpu.memory_space<vmem>>, vector<16xf32>,
      %swap3A_1424 = vector.shape_cast %swap3A_1423 : vector<16xf32> to vector<16xf32>
      %swap3A_1425 = vector.shape_cast %mul3A_1421 : vector<16xf32> to vector<16xf32>
      tpu.vector_store %arg7[%swap3A_1422], %swap3A_1425 {strides = array<i32>} : memref<4096xf32, #tpu.memory_space<vmem>>, vector<16xf32>,
      %mul3A_1426 = arith.mulf %sub3A_1415, %get3A_203 : vector<16xf32>
      %swap3A_1427 = arith.constant 3360 : index
      %swap3A_1428 = tpu.vector_load %arg7[%swap3A_1427] {strides = array<i32>} : memref<4096xf32, #tpu.memory_space<vmem>>, vector<16xf32>,
      %swap3A_1429 = vector.shape_cast %swap3A_1428 : vector<16xf32> to vector<16xf32>
      %swap3A_1430 = vector.shape_cast %mul3A_1426 : vector<16xf32> to vector<16xf32>
      tpu.vector_store %arg7[%swap3A_1427], %swap3A_1430 {strides = array<i32>} : memref<4096xf32, #tpu.memory_space<vmem>>, vector<16xf32>,
      %mul3A_1431 = arith.mulf %sub3A_1415, %get3A_198 : vector<16xf32>
      %swap3A_1432 = arith.constant 3872 : index
      %swap3A_1433 = tpu.vector_load %arg7[%swap3A_1432] {strides = array<i32>} : memref<4096xf32, #tpu.memory_space<vmem>>, vector<16xf32>,
      %swap3A_1434 = vector.shape_cast %swap3A_1433 : vector<16xf32> to vector<16xf32>
      %swap3A_1435 = vector.shape_cast %mul3A_1431 : vector<16xf32> to vector<16xf32>
      tpu.vector_store %arg7[%swap3A_1432], %swap3A_1435 {strides = array<i32>} : memref<4096xf32, #tpu.memory_space<vmem>>, vector<16xf32>,
      %sub3A_1436 = vector.broadcast %squeeze3A_119 : f32 to vector<16xf32>
      %sub3A_1437 = arith.subf %sub3A_1436, %get3A_163 : vector<16xf32>
      %sub3A_1438 = vector.broadcast %squeeze3A_119 : f32 to vector<16xf32>
      %sub3A_1439 = arith.subf %sub3A_1438, %get3A_193 : vector<16xf32>
      %mul3A_1440 = arith.mulf %sub3A_1437, %get3A_173 : vector<16xf32>
      %swap3A_1441 = arith.constant 2352 : index
      %swap3A_1442 = tpu.vector_load %arg7[%swap3A_1441] {strides = array<i32>} : memref<4096xf32, #tpu.memory_space<vmem>>, vector<16xf32>,
      %swap3A_1443 = vector.shape_cast %swap3A_1442 : vector<16xf32> to vector<16xf32>
      %swap3A_1444 = vector.shape_cast %mul3A_1440 : vector<16xf32> to vector<16xf32>
      tpu.vector_store %arg7[%swap3A_1441], %swap3A_1444 {strides = array<i32>} : memref<4096xf32, #tpu.memory_space<vmem>>, vector<16xf32>,
      %mul3A_1445 = arith.mulf %sub3A_1437, %get3A_168 : vector<16xf32>
      %swap3A_1446 = arith.constant 2864 : index
      %swap3A_1447 = tpu.vector_load %arg7[%swap3A_1446] {strides = array<i32>} : memref<4096xf32, #tpu.memory_space<vmem>>, vector<16xf32>,
      %swap3A_1448 = vector.shape_cast %swap3A_1447 : vector<16xf32> to vector<16xf32>
      %swap3A_1449 = vector.shape_cast %mul3A_1445 : vector<16xf32> to vector<16xf32>
      tpu.vector_store %arg7[%swap3A_1446], %swap3A_1449 {strides = array<i32>} : memref<4096xf32, #tpu.memory_space<vmem>>, vector<16xf32>,
      %mul3A_1450 = arith.mulf %sub3A_1439, %get3A_203 : vector<16xf32>
      %swap3A_1451 = arith.constant 3376 : index
      %swap3A_1452 = tpu.vector_load %arg7[%swap3A_1451] {strides = array<i32>} : memref<4096xf32, #tpu.memory_space<vmem>>, vector<16xf32>,
      %swap3A_1453 = vector.shape_cast %swap3A_1452 : vector<16xf32> to vector<16xf32>
      %swap3A_1454 = vector.shape_cast %mul3A_1450 : vector<16xf32> to vector<16xf32>
      tpu.vector_store %arg7[%swap3A_1451], %swap3A_1454 {strides = array<i32>} : memref<4096xf32, #tpu.memory_space<vmem>>, vector<16xf32>,
      %mul3A_1455 = arith.mulf %sub3A_1439, %get3A_198 : vector<16xf32>
      %swap3A_1456 = arith.constant 3888 : index
      %swap3A_1457 = tpu.vector_load %arg7[%swap3A_1456] {strides = array<i32>} : memref<4096xf32, #tpu.memory_space<vmem>>, vector<16xf32>,
      %swap3A_1458 = vector.shape_cast %swap3A_1457 : vector<16xf32> to vector<16xf32>
      %swap3A_1459 = vector.shape_cast %mul3A_1455 : vector<16xf32> to vector<16xf32>
      tpu.vector_store %arg7[%swap3A_1456], %swap3A_1459 {strides = array<i32>} : memref<4096xf32, #tpu.memory_space<vmem>>, vector<16xf32>,
      %sub3A_1460 = vector.broadcast %squeeze3A_121 : f32 to vector<16xf32>
      %sub3A_1461 = arith.subf %sub3A_1460, %get3A_163 : vector<16xf32>
      %sub3A_1462 = vector.broadcast %squeeze3A_121 : f32 to vector<16xf32>
      %sub3A_1463 = arith.subf %sub3A_1462, %get3A_193 : vector<16xf32>
      %mul3A_1464 = arith.mulf %sub3A_1461, %get3A_173 : vector<16xf32>
      %swap3A_1465 = arith.constant 2368 : index
      %swap3A_1466 = tpu.vector_load %arg7[%swap3A_1465] {strides = array<i32>} : memref<4096xf32, #tpu.memory_space<vmem>>, vector<16xf32>,
      %swap3A_1467 = vector.shape_cast %swap3A_1466 : vector<16xf32> to vector<16xf32>
      %swap3A_1468 = vector.shape_cast %mul3A_1464 : vector<16xf32> to vector<16xf32>
      tpu.vector_store %arg7[%swap3A_1465], %swap3A_1468 {strides = array<i32>} : memref<4096xf32, #tpu.memory_space<vmem>>, vector<16xf32>,
      %mul3A_1469 = arith.mulf %sub3A_1461, %get3A_168 : vector<16xf32>
      %swap3A_1470 = arith.constant 2880 : index
      %swap3A_1471 = tpu.vector_load %arg7[%swap3A_1470] {strides = array<i32>} : memref<4096xf32, #tpu.memory_space<vmem>>, vector<16xf32>,
      %swap3A_1472 = vector.shape_cast %swap3A_1471 : vector<16xf32> to vector<16xf32>
      %swap3A_1473 = vector.shape_cast %mul3A_1469 : vector<16xf32> to vector<16xf32>
      tpu.vector_store %arg7[%swap3A_1470], %swap3A_1473 {strides = array<i32>} : memref<4096xf32, #tpu.memory_space<vmem>>, vector<16xf32>,
      %mul3A_1474 = arith.mulf %sub3A_1463, %get3A_203 : vector<16xf32>
      %swap3A_1475 = arith.constant 3392 : index
      %swap3A_1476 = tpu.vector_load %arg7[%swap3A_1475] {strides = array<i32>} : memref<4096xf32, #tpu.memory_space<vmem>>, vector<16xf32>,
      %swap3A_1477 = vector.shape_cast %swap3A_1476 : vector<16xf32> to vector<16xf32>
      %swap3A_1478 = vector.shape_cast %mul3A_1474 : vector<16xf32> to vector<16xf32>
      tpu.vector_store %arg7[%swap3A_1475], %swap3A_1478 {strides = array<i32>} : memref<4096xf32, #tpu.memory_space<vmem>>, vector<16xf32>,
      %mul3A_1479 = arith.mulf %sub3A_1463, %get3A_198 : vector<16xf32>
      %swap3A_1480 = arith.constant 3904 : index
      %swap3A_1481 = tpu.vector_load %arg7[%swap3A_1480] {strides = array<i32>} : memref<4096xf32, #tpu.memory_space<vmem>>, vector<16xf32>,
      %swap3A_1482 = vector.shape_cast %swap3A_1481 : vector<16xf32> to vector<16xf32>
      %swap3A_1483 = vector.shape_cast %mul3A_1479 : vector<16xf32> to vector<16xf32>
      tpu.vector_store %arg7[%swap3A_1480], %swap3A_1483 {strides = array<i32>} : memref<4096xf32, #tpu.memory_space<vmem>>, vector<16xf32>,
      %sub3A_1484 = vector.broadcast %squeeze3A_123 : f32 to vector<16xf32>
      %sub3A_1485 = arith.subf %sub3A_1484, %get3A_163 : vector<16xf32>
      %sub3A_1486 = vector.broadcast %squeeze3A_123 : f32 to vector<16xf32>
      %sub3A_1487 = arith.subf %sub3A_1486, %get3A_193 : vector<16xf32>
      %mul3A_1488 = arith.mulf %sub3A_1485, %get3A_173 : vector<16xf32>
      %swap3A_1489 = arith.constant 2384 : index
      %swap3A_1490 = tpu.vector_load %arg7[%swap3A_1489] {strides = array<i32>} : memref<4096xf32, #tpu.memory_space<vmem>>, vector<16xf32>,
      %swap3A_1491 = vector.shape_cast %swap3A_1490 : vector<16xf32> to vector<16xf32>
      %swap3A_1492 = vector.shape_cast %mul3A_1488 : vector<16xf32> to vector<16xf32>
      tpu.vector_store %arg7[%swap3A_1489], %swap3A_1492 {strides = array<i32>} : memref<4096xf32, #tpu.memory_space<vmem>>, vector<16xf32>,
      %mul3A_1493 = arith.mulf %sub3A_1485, %get3A_168 : vector<16xf32>
      %swap3A_1494 = arith.constant 2896 : index
      %swap3A_1495 = tpu.vector_load %arg7[%swap3A_1494] {strides = array<i32>} : memref<4096xf32, #tpu.memory_space<vmem>>, vector<16xf32>,
      %swap3A_1496 = vector.shape_cast %swap3A_1495 : vector<16xf32> to vector<16xf32>
      %swap3A_1497 = vector.shape_cast %mul3A_1493 : vector<16xf32> to vector<16xf32>
      tpu.vector_store %arg7[%swap3A_1494], %swap3A_1497 {strides = array<i32>} : memref<4096xf32, #tpu.memory_space<vmem>>, vector<16xf32>,
      %mul3A_1498 = arith.mulf %sub3A_1487, %get3A_203 : vector<16xf32>
      %swap3A_1499 = arith.constant 3408 : index
      %swap3A_1500 = tpu.vector_load %arg7[%swap3A_1499] {strides = array<i32>} : memref<4096xf32, #tpu.memory_space<vmem>>, vector<16xf32>,
      %swap3A_1501 = vector.shape_cast %swap3A_1500 : vector<16xf32> to vector<16xf32>
      %swap3A_1502 = vector.shape_cast %mul3A_1498 : vector<16xf32> to vector<16xf32>
      tpu.vector_store %arg7[%swap3A_1499], %swap3A_1502 {strides = array<i32>} : memref<4096xf32, #tpu.memory_space<vmem>>, vector<16xf32>,
      %mul3A_1503 = arith.mulf %sub3A_1487, %get3A_198 : vector<16xf32>
      %swap3A_1504 = arith.constant 3920 : index
      %swap3A_1505 = tpu.vector_load %arg7[%swap3A_1504] {strides = array<i32>} : memref<4096xf32, #tpu.memory_space<vmem>>, vector<16xf32>,
      %swap3A_1506 = vector.shape_cast %swap3A_1505 : vector<16xf32> to vector<16xf32>
      %swap3A_1507 = vector.shape_cast %mul3A_1503 : vector<16xf32> to vector<16xf32>
      tpu.vector_store %arg7[%swap3A_1504], %swap3A_1507 {strides = array<i32>} : memref<4096xf32, #tpu.memory_space<vmem>>, vector<16xf32>,
      %sub3A_1508 = vector.broadcast %squeeze3A_125 : f32 to vector<16xf32>
      %sub3A_1509 = arith.subf %sub3A_1508, %get3A_163 : vector<16xf32>
      %sub3A_1510 = vector.broadcast %squeeze3A_125 : f32 to vector<16xf32>
      %sub3A_1511 = arith.subf %sub3A_1510, %get3A_193 : vector<16xf32>
      %mul3A_1512 = arith.mulf %sub3A_1509, %get3A_173 : vector<16xf32>
      %swap3A_1513 = arith.constant 2400 : index
      %swap3A_1514 = tpu.vector_load %arg7[%swap3A_1513] {strides = array<i32>} : memref<4096xf32, #tpu.memory_space<vmem>>, vector<16xf32>,
      %swap3A_1515 = vector.shape_cast %swap3A_1514 : vector<16xf32> to vector<16xf32>
      %swap3A_1516 = vector.shape_cast %mul3A_1512 : vector<16xf32> to vector<16xf32>
      tpu.vector_store %arg7[%swap3A_1513], %swap3A_1516 {strides = array<i32>} : memref<4096xf32, #tpu.memory_space<vmem>>, vector<16xf32>,
      %mul3A_1517 = arith.mulf %sub3A_1509, %get3A_168 : vector<16xf32>
      %swap3A_1518 = arith.constant 2912 : index
      %swap3A_1519 = tpu.vector_load %arg7[%swap3A_1518] {strides = array<i32>} : memref<4096xf32, #tpu.memory_space<vmem>>, vector<16xf32>,
      %swap3A_1520 = vector.shape_cast %swap3A_1519 : vector<16xf32> to vector<16xf32>
      %swap3A_1521 = vector.shape_cast %mul3A_1517 : vector<16xf32> to vector<16xf32>
      tpu.vector_store %arg7[%swap3A_1518], %swap3A_1521 {strides = array<i32>} : memref<4096xf32, #tpu.memory_space<vmem>>, vector<16xf32>,
      %mul3A_1522 = arith.mulf %sub3A_1511, %get3A_203 : vector<16xf32>
      %swap3A_1523 = arith.constant 3424 : index
      %swap3A_1524 = tpu.vector_load %arg7[%swap3A_1523] {strides = array<i32>} : memref<4096xf32, #tpu.memory_space<vmem>>, vector<16xf32>,
      %swap3A_1525 = vector.shape_cast %swap3A_1524 : vector<16xf32> to vector<16xf32>
      %swap3A_1526 = vector.shape_cast %mul3A_1522 : vector<16xf32> to vector<16xf32>
      tpu.vector_store %arg7[%swap3A_1523], %swap3A_1526 {strides = array<i32>} : memref<4096xf32, #tpu.memory_space<vmem>>, vector<16xf32>,
      %mul3A_1527 = arith.mulf %sub3A_1511, %get3A_198 : vector<16xf32>
      %swap3A_1528 = arith.constant 3936 : index
      %swap3A_1529 = tpu.vector_load %arg7[%swap3A_1528] {strides = array<i32>} : memref<4096xf32, #tpu.memory_space<vmem>>, vector<16xf32>,
      %swap3A_1530 = vector.shape_cast %swap3A_1529 : vector<16xf32> to vector<16xf32>
      %swap3A_1531 = vector.shape_cast %mul3A_1527 : vector<16xf32> to vector<16xf32>
      tpu.vector_store %arg7[%swap3A_1528], %swap3A_1531 {strides = array<i32>} : memref<4096xf32, #tpu.memory_space<vmem>>, vector<16xf32>,
      %sub3A_1532 = vector.broadcast %squeeze3A_127 : f32 to vector<16xf32>
      %sub3A_1533 = arith.subf %sub3A_1532, %get3A_163 : vector<16xf32>
      %sub3A_1534 = vector.broadcast %squeeze3A_127 : f32 to vector<16xf32>
      %sub3A_1535 = arith.subf %sub3A_1534, %get3A_193 : vector<16xf32>
      %mul3A_1536 = arith.mulf %sub3A_1533, %get3A_173 : vector<16xf32>
      %swap3A_1537 = arith.constant 2416 : index
      %swap3A_1538 = tpu.vector_load %arg7[%swap3A_1537] {strides = array<i32>} : memref<4096xf32, #tpu.memory_space<vmem>>, vector<16xf32>,
      %swap3A_1539 = vector.shape_cast %swap3A_1538 : vector<16xf32> to vector<16xf32>
      %swap3A_1540 = vector.shape_cast %mul3A_1536 : vector<16xf32> to vector<16xf32>
      tpu.vector_store %arg7[%swap3A_1537], %swap3A_1540 {strides = array<i32>} : memref<4096xf32, #tpu.memory_space<vmem>>, vector<16xf32>,
      %mul3A_1541 = arith.mulf %sub3A_1533, %get3A_168 : vector<16xf32>
      %swap3A_1542 = arith.constant 2928 : index
      %swap3A_1543 = tpu.vector_load %arg7[%swap3A_1542] {strides = array<i32>} : memref<4096xf32, #tpu.memory_space<vmem>>, vector<16xf32>,
      %swap3A_1544 = vector.shape_cast %swap3A_1543 : vector<16xf32> to vector<16xf32>
      %swap3A_1545 = vector.shape_cast %mul3A_1541 : vector<16xf32> to vector<16xf32>
      tpu.vector_store %arg7[%swap3A_1542], %swap3A_1545 {strides = array<i32>} : memref<4096xf32, #tpu.memory_space<vmem>>, vector<16xf32>,
      %mul3A_1546 = arith.mulf %sub3A_1535, %get3A_203 : vector<16xf32>
      %swap3A_1547 = arith.constant 3440 : index
      %swap3A_1548 = tpu.vector_load %arg7[%swap3A_1547] {strides = array<i32>} : memref<4096xf32, #tpu.memory_space<vmem>>, vector<16xf32>,
      %swap3A_1549 = vector.shape_cast %swap3A_1548 : vector<16xf32> to vector<16xf32>
      %swap3A_1550 = vector.shape_cast %mul3A_1546 : vector<16xf32> to vector<16xf32>
      tpu.vector_store %arg7[%swap3A_1547], %swap3A_1550 {strides = array<i32>} : memref<4096xf32, #tpu.memory_space<vmem>>, vector<16xf32>,
      %mul3A_1551 = arith.mulf %sub3A_1535, %get3A_198 : vector<16xf32>
      %swap3A_1552 = arith.constant 3952 : index
      %swap3A_1553 = tpu.vector_load %arg7[%swap3A_1552] {strides = array<i32>} : memref<4096xf32, #tpu.memory_space<vmem>>, vector<16xf32>,
      %swap3A_1554 = vector.shape_cast %swap3A_1553 : vector<16xf32> to vector<16xf32>
      %swap3A_1555 = vector.shape_cast %mul3A_1551 : vector<16xf32> to vector<16xf32>
      tpu.vector_store %arg7[%swap3A_1552], %swap3A_1555 {strides = array<i32>} : memref<4096xf32, #tpu.memory_space<vmem>>, vector<16xf32>,
      %sub3A_1556 = vector.broadcast %squeeze3A_129 : f32 to vector<16xf32>
      %sub3A_1557 = arith.subf %sub3A_1556, %get3A_163 : vector<16xf32>
      %sub3A_1558 = vector.broadcast %squeeze3A_129 : f32 to vector<16xf32>
      %sub3A_1559 = arith.subf %sub3A_1558, %get3A_193 : vector<16xf32>
      %mul3A_1560 = arith.mulf %sub3A_1557, %get3A_173 : vector<16xf32>
      %swap3A_1561 = arith.constant 2432 : index
      %swap3A_1562 = tpu.vector_load %arg7[%swap3A_1561] {strides = array<i32>} : memref<4096xf32, #tpu.memory_space<vmem>>, vector<16xf32>,
      %swap3A_1563 = vector.shape_cast %swap3A_1562 : vector<16xf32> to vector<16xf32>
      %swap3A_1564 = vector.shape_cast %mul3A_1560 : vector<16xf32> to vector<16xf32>
      tpu.vector_store %arg7[%swap3A_1561], %swap3A_1564 {strides = array<i32>} : memref<4096xf32, #tpu.memory_space<vmem>>, vector<16xf32>,
      %mul3A_1565 = arith.mulf %sub3A_1557, %get3A_168 : vector<16xf32>
      %swap3A_1566 = arith.constant 2944 : index
      %swap3A_1567 = tpu.vector_load %arg7[%swap3A_1566] {strides = array<i32>} : memref<4096xf32, #tpu.memory_space<vmem>>, vector<16xf32>,
      %swap3A_1568 = vector.shape_cast %swap3A_1567 : vector<16xf32> to vector<16xf32>
      %swap3A_1569 = vector.shape_cast %mul3A_1565 : vector<16xf32> to vector<16xf32>
      tpu.vector_store %arg7[%swap3A_1566], %swap3A_1569 {strides = array<i32>} : memref<4096xf32, #tpu.memory_space<vmem>>, vector<16xf32>,
      %mul3A_1570 = arith.mulf %sub3A_1559, %get3A_203 : vector<16xf32>
      %swap3A_1571 = arith.constant 3456 : index
      %swap3A_1572 = tpu.vector_load %arg7[%swap3A_1571] {strides = array<i32>} : memref<4096xf32, #tpu.memory_space<vmem>>, vector<16xf32>,
      %swap3A_1573 = vector.shape_cast %swap3A_1572 : vector<16xf32> to vector<16xf32>
      %swap3A_1574 = vector.shape_cast %mul3A_1570 : vector<16xf32> to vector<16xf32>
      tpu.vector_store %arg7[%swap3A_1571], %swap3A_1574 {strides = array<i32>} : memref<4096xf32, #tpu.memory_space<vmem>>, vector<16xf32>,
      %mul3A_1575 = arith.mulf %sub3A_1559, %get3A_198 : vector<16xf32>
      %swap3A_1576 = arith.constant 3968 : index
      %swap3A_1577 = tpu.vector_load %arg7[%swap3A_1576] {strides = array<i32>} : memref<4096xf32, #tpu.memory_space<vmem>>, vector<16xf32>,
      %swap3A_1578 = vector.shape_cast %swap3A_1577 : vector<16xf32> to vector<16xf32>
      %swap3A_1579 = vector.shape_cast %mul3A_1575 : vector<16xf32> to vector<16xf32>
      tpu.vector_store %arg7[%swap3A_1576], %swap3A_1579 {strides = array<i32>} : memref<4096xf32, #tpu.memory_space<vmem>>, vector<16xf32>,
      %sub3A_1580 = vector.broadcast %squeeze3A_131 : f32 to vector<16xf32>
      %sub3A_1581 = arith.subf %sub3A_1580, %get3A_163 : vector<16xf32>
      %sub3A_1582 = vector.broadcast %squeeze3A_131 : f32 to vector<16xf32>
      %sub3A_1583 = arith.subf %sub3A_1582, %get3A_193 : vector<16xf32>
      %mul3A_1584 = arith.mulf %sub3A_1581, %get3A_173 : vector<16xf32>
      %swap3A_1585 = arith.constant 2448 : index
      %swap3A_1586 = tpu.vector_load %arg7[%swap3A_1585] {strides = array<i32>} : memref<4096xf32, #tpu.memory_space<vmem>>, vector<16xf32>,
      %swap3A_1587 = vector.shape_cast %swap3A_1586 : vector<16xf32> to vector<16xf32>
      %swap3A_1588 = vector.shape_cast %mul3A_1584 : vector<16xf32> to vector<16xf32>
      tpu.vector_store %arg7[%swap3A_1585], %swap3A_1588 {strides = array<i32>} : memref<4096xf32, #tpu.memory_space<vmem>>, vector<16xf32>,
      %mul3A_1589 = arith.mulf %sub3A_1581, %get3A_168 : vector<16xf32>
      %swap3A_1590 = arith.constant 2960 : index
      %swap3A_1591 = tpu.vector_load %arg7[%swap3A_1590] {strides = array<i32>} : memref<4096xf32, #tpu.memory_space<vmem>>, vector<16xf32>,
      %swap3A_1592 = vector.shape_cast %swap3A_1591 : vector<16xf32> to vector<16xf32>
      %swap3A_1593 = vector.shape_cast %mul3A_1589 : vector<16xf32> to vector<16xf32>
      tpu.vector_store %arg7[%swap3A_1590], %swap3A_1593 {strides = array<i32>} : memref<4096xf32, #tpu.memory_space<vmem>>, vector<16xf32>,
      %mul3A_1594 = arith.mulf %sub3A_1583, %get3A_203 : vector<16xf32>
      %swap3A_1595 = arith.constant 3472 : index
      %swap3A_1596 = tpu.vector_load %arg7[%swap3A_1595] {strides = array<i32>} : memref<4096xf32, #tpu.memory_space<vmem>>, vector<16xf32>,
      %swap3A_1597 = vector.shape_cast %swap3A_1596 : vector<16xf32> to vector<16xf32>
      %swap3A_1598 = vector.shape_cast %mul3A_1594 : vector<16xf32> to vector<16xf32>
      tpu.vector_store %arg7[%swap3A_1595], %swap3A_1598 {strides = array<i32>} : memref<4096xf32, #tpu.memory_space<vmem>>, vector<16xf32>,
      %mul3A_1599 = arith.mulf %sub3A_1583, %get3A_198 : vector<16xf32>
      %swap3A_1600 = arith.constant 3984 : index
      %swap3A_1601 = tpu.vector_load %arg7[%swap3A_1600] {strides = array<i32>} : memref<4096xf32, #tpu.memory_space<vmem>>, vector<16xf32>,
      %swap3A_1602 = vector.shape_cast %swap3A_1601 : vector<16xf32> to vector<16xf32>
      %swap3A_1603 = vector.shape_cast %mul3A_1599 : vector<16xf32> to vector<16xf32>
      tpu.vector_store %arg7[%swap3A_1600], %swap3A_1603 {strides = array<i32>} : memref<4096xf32, #tpu.memory_space<vmem>>, vector<16xf32>,
      %sub3A_1604 = vector.broadcast %squeeze3A_133 : f32 to vector<16xf32>
      %sub3A_1605 = arith.subf %sub3A_1604, %get3A_163 : vector<16xf32>
      %sub3A_1606 = vector.broadcast %squeeze3A_133 : f32 to vector<16xf32>
      %sub3A_1607 = arith.subf %sub3A_1606, %get3A_193 : vector<16xf32>
      %mul3A_1608 = arith.mulf %sub3A_1605, %get3A_173 : vector<16xf32>
      %swap3A_1609 = arith.constant 2464 : index
      %swap3A_1610 = tpu.vector_load %arg7[%swap3A_1609] {strides = array<i32>} : memref<4096xf32, #tpu.memory_space<vmem>>, vector<16xf32>,
      %swap3A_1611 = vector.shape_cast %swap3A_1610 : vector<16xf32> to vector<16xf32>
      %swap3A_1612 = vector.shape_cast %mul3A_1608 : vector<16xf32> to vector<16xf32>
      tpu.vector_store %arg7[%swap3A_1609], %swap3A_1612 {strides = array<i32>} : memref<4096xf32, #tpu.memory_space<vmem>>, vector<16xf32>,
      %mul3A_1613 = arith.mulf %sub3A_1605, %get3A_168 : vector<16xf32>
      %swap3A_1614 = arith.constant 2976 : index
      %swap3A_1615 = tpu.vector_load %arg7[%swap3A_1614] {strides = array<i32>} : memref<4096xf32, #tpu.memory_space<vmem>>, vector<16xf32>,
      %swap3A_1616 = vector.shape_cast %swap3A_1615 : vector<16xf32> to vector<16xf32>
      %swap3A_1617 = vector.shape_cast %mul3A_1613 : vector<16xf32> to vector<16xf32>
      tpu.vector_store %arg7[%swap3A_1614], %swap3A_1617 {strides = array<i32>} : memref<4096xf32, #tpu.memory_space<vmem>>, vector<16xf32>,
      %mul3A_1618 = arith.mulf %sub3A_1607, %get3A_203 : vector<16xf32>
      %swap3A_1619 = arith.constant 3488 : index
      %swap3A_1620 = tpu.vector_load %arg7[%swap3A_1619] {strides = array<i32>} : memref<4096xf32, #tpu.memory_space<vmem>>, vector<16xf32>,
      %swap3A_1621 = vector.shape_cast %swap3A_1620 : vector<16xf32> to vector<16xf32>
      %swap3A_1622 = vector.shape_cast %mul3A_1618 : vector<16xf32> to vector<16xf32>
      tpu.vector_store %arg7[%swap3A_1619], %swap3A_1622 {strides = array<i32>} : memref<4096xf32, #tpu.memory_space<vmem>>, vector<16xf32>,
      %mul3A_1623 = arith.mulf %sub3A_1607, %get3A_198 : vector<16xf32>
      %swap3A_1624 = arith.constant 4000 : index
      %swap3A_1625 = tpu.vector_load %arg7[%swap3A_1624] {strides = array<i32>} : memref<4096xf32, #tpu.memory_space<vmem>>, vector<16xf32>,
      %swap3A_1626 = vector.shape_cast %swap3A_1625 : vector<16xf32> to vector<16xf32>
      %swap3A_1627 = vector.shape_cast %mul3A_1623 : vector<16xf32> to vector<16xf32>
      tpu.vector_store %arg7[%swap3A_1624], %swap3A_1627 {strides = array<i32>} : memref<4096xf32, #tpu.memory_space<vmem>>, vector<16xf32>,
      %sub3A_1628 = vector.broadcast %squeeze3A_135 : f32 to vector<16xf32>
      %sub3A_1629 = arith.subf %sub3A_1628, %get3A_163 : vector<16xf32>
      %sub3A_1630 = vector.broadcast %squeeze3A_135 : f32 to vector<16xf32>
      %sub3A_1631 = arith.subf %sub3A_1630, %get3A_193 : vector<16xf32>
      %mul3A_1632 = arith.mulf %sub3A_1629, %get3A_173 : vector<16xf32>
      %swap3A_1633 = arith.constant 2480 : index
      %swap3A_1634 = tpu.vector_load %arg7[%swap3A_1633] {strides = array<i32>} : memref<4096xf32, #tpu.memory_space<vmem>>, vector<16xf32>,
      %swap3A_1635 = vector.shape_cast %swap3A_1634 : vector<16xf32> to vector<16xf32>
      %swap3A_1636 = vector.shape_cast %mul3A_1632 : vector<16xf32> to vector<16xf32>
      tpu.vector_store %arg7[%swap3A_1633], %swap3A_1636 {strides = array<i32>} : memref<4096xf32, #tpu.memory_space<vmem>>, vector<16xf32>,
      %mul3A_1637 = arith.mulf %sub3A_1629, %get3A_168 : vector<16xf32>
      %swap3A_1638 = arith.constant 2992 : index
      %swap3A_1639 = tpu.vector_load %arg7[%swap3A_1638] {strides = array<i32>} : memref<4096xf32, #tpu.memory_space<vmem>>, vector<16xf32>,
      %swap3A_1640 = vector.shape_cast %swap3A_1639 : vector<16xf32> to vector<16xf32>
      %swap3A_1641 = vector.shape_cast %mul3A_1637 : vector<16xf32> to vector<16xf32>
      tpu.vector_store %arg7[%swap3A_1638], %swap3A_1641 {strides = array<i32>} : memref<4096xf32, #tpu.memory_space<vmem>>, vector<16xf32>,
      %mul3A_1642 = arith.mulf %sub3A_1631, %get3A_203 : vector<16xf32>
      %swap3A_1643 = arith.constant 3504 : index
      %swap3A_1644 = tpu.vector_load %arg7[%swap3A_1643] {strides = array<i32>} : memref<4096xf32, #tpu.memory_space<vmem>>, vector<16xf32>,
      %swap3A_1645 = vector.shape_cast %swap3A_1644 : vector<16xf32> to vector<16xf32>
      %swap3A_1646 = vector.shape_cast %mul3A_1642 : vector<16xf32> to vector<16xf32>
      tpu.vector_store %arg7[%swap3A_1643], %swap3A_1646 {strides = array<i32>} : memref<4096xf32, #tpu.memory_space<vmem>>, vector<16xf32>,
      %mul3A_1647 = arith.mulf %sub3A_1631, %get3A_198 : vector<16xf32>
      %swap3A_1648 = arith.constant 4016 : index
      %swap3A_1649 = tpu.vector_load %arg7[%swap3A_1648] {strides = array<i32>} : memref<4096xf32, #tpu.memory_space<vmem>>, vector<16xf32>,
      %swap3A_1650 = vector.shape_cast %swap3A_1649 : vector<16xf32> to vector<16xf32>
      %swap3A_1651 = vector.shape_cast %mul3A_1647 : vector<16xf32> to vector<16xf32>
      tpu.vector_store %arg7[%swap3A_1648], %swap3A_1651 {strides = array<i32>} : memref<4096xf32, #tpu.memory_space<vmem>>, vector<16xf32>,
      %sub3A_1652 = vector.broadcast %squeeze3A_137 : f32 to vector<16xf32>
      %sub3A_1653 = arith.subf %sub3A_1652, %get3A_163 : vector<16xf32>
      %sub3A_1654 = vector.broadcast %squeeze3A_137 : f32 to vector<16xf32>
      %sub3A_1655 = arith.subf %sub3A_1654, %get3A_193 : vector<16xf32>
      %mul3A_1656 = arith.mulf %sub3A_1653, %get3A_173 : vector<16xf32>
      %swap3A_1657 = arith.constant 2496 : index
      %swap3A_1658 = tpu.vector_load %arg7[%swap3A_1657] {strides = array<i32>} : memref<4096xf32, #tpu.memory_space<vmem>>, vector<16xf32>,
      %swap3A_1659 = vector.shape_cast %swap3A_1658 : vector<16xf32> to vector<16xf32>
      %swap3A_1660 = vector.shape_cast %mul3A_1656 : vector<16xf32> to vector<16xf32>
      tpu.vector_store %arg7[%swap3A_1657], %swap3A_1660 {strides = array<i32>} : memref<4096xf32, #tpu.memory_space<vmem>>, vector<16xf32>,
      %mul3A_1661 = arith.mulf %sub3A_1653, %get3A_168 : vector<16xf32>
      %swap3A_1662 = arith.constant 3008 : index
      %swap3A_1663 = tpu.vector_load %arg7[%swap3A_1662] {strides = array<i32>} : memref<4096xf32, #tpu.memory_space<vmem>>, vector<16xf32>,
      %swap3A_1664 = vector.shape_cast %swap3A_1663 : vector<16xf32> to vector<16xf32>
      %swap3A_1665 = vector.shape_cast %mul3A_1661 : vector<16xf32> to vector<16xf32>
      tpu.vector_store %arg7[%swap3A_1662], %swap3A_1665 {strides = array<i32>} : memref<4096xf32, #tpu.memory_space<vmem>>, vector<16xf32>,
      %mul3A_1666 = arith.mulf %sub3A_1655, %get3A_203 : vector<16xf32>
      %swap3A_1667 = arith.constant 3520 : index
      %swap3A_1668 = tpu.vector_load %arg7[%swap3A_1667] {strides = array<i32>} : memref<4096xf32, #tpu.memory_space<vmem>>, vector<16xf32>,
      %swap3A_1669 = vector.shape_cast %swap3A_1668 : vector<16xf32> to vector<16xf32>
      %swap3A_1670 = vector.shape_cast %mul3A_1666 : vector<16xf32> to vector<16xf32>
      tpu.vector_store %arg7[%swap3A_1667], %swap3A_1670 {strides = array<i32>} : memref<4096xf32, #tpu.memory_space<vmem>>, vector<16xf32>,
      %mul3A_1671 = arith.mulf %sub3A_1655, %get3A_198 : vector<16xf32>
      %swap3A_1672 = arith.constant 4032 : index
      %swap3A_1673 = tpu.vector_load %arg7[%swap3A_1672] {strides = array<i32>} : memref<4096xf32, #tpu.memory_space<vmem>>, vector<16xf32>,
      %swap3A_1674 = vector.shape_cast %swap3A_1673 : vector<16xf32> to vector<16xf32>
      %swap3A_1675 = vector.shape_cast %mul3A_1671 : vector<16xf32> to vector<16xf32>
      tpu.vector_store %arg7[%swap3A_1672], %swap3A_1675 {strides = array<i32>} : memref<4096xf32, #tpu.memory_space<vmem>>, vector<16xf32>,
      %sub3A_1676 = vector.broadcast %squeeze3A_139 : f32 to vector<16xf32>
      %sub3A_1677 = arith.subf %sub3A_1676, %get3A_163 : vector<16xf32>
      %sub3A_1678 = vector.broadcast %squeeze3A_139 : f32 to vector<16xf32>
      %sub3A_1679 = arith.subf %sub3A_1678, %get3A_193 : vector<16xf32>
      %mul3A_1680 = arith.mulf %sub3A_1677, %get3A_173 : vector<16xf32>
      %swap3A_1681 = arith.constant 2512 : index
      %swap3A_1682 = tpu.vector_load %arg7[%swap3A_1681] {strides = array<i32>} : memref<4096xf32, #tpu.memory_space<vmem>>, vector<16xf32>,
      %swap3A_1683 = vector.shape_cast %swap3A_1682 : vector<16xf32> to vector<16xf32>
      %swap3A_1684 = vector.shape_cast %mul3A_1680 : vector<16xf32> to vector<16xf32>
      tpu.vector_store %arg7[%swap3A_1681], %swap3A_1684 {strides = array<i32>} : memref<4096xf32, #tpu.memory_space<vmem>>, vector<16xf32>,
      %mul3A_1685 = arith.mulf %sub3A_1677, %get3A_168 : vector<16xf32>
      %swap3A_1686 = arith.constant 3024 : index
      %swap3A_1687 = tpu.vector_load %arg7[%swap3A_1686] {strides = array<i32>} : memref<4096xf32, #tpu.memory_space<vmem>>, vector<16xf32>,
      %swap3A_1688 = vector.shape_cast %swap3A_1687 : vector<16xf32> to vector<16xf32>
      %swap3A_1689 = vector.shape_cast %mul3A_1685 : vector<16xf32> to vector<16xf32>
      tpu.vector_store %arg7[%swap3A_1686], %swap3A_1689 {strides = array<i32>} : memref<4096xf32, #tpu.memory_space<vmem>>, vector<16xf32>,
      %mul3A_1690 = arith.mulf %sub3A_1679, %get3A_203 : vector<16xf32>
      %swap3A_1691 = arith.constant 3536 : index
      %swap3A_1692 = tpu.vector_load %arg7[%swap3A_1691] {strides = array<i32>} : memref<4096xf32, #tpu.memory_space<vmem>>, vector<16xf32>,
      %swap3A_1693 = vector.shape_cast %swap3A_1692 : vector<16xf32> to vector<16xf32>
      %swap3A_1694 = vector.shape_cast %mul3A_1690 : vector<16xf32> to vector<16xf32>
      tpu.vector_store %arg7[%swap3A_1691], %swap3A_1694 {strides = array<i32>} : memref<4096xf32, #tpu.memory_space<vmem>>, vector<16xf32>,
      %mul3A_1695 = arith.mulf %sub3A_1679, %get3A_198 : vector<16xf32>
      %swap3A_1696 = arith.constant 4048 : index
      %swap3A_1697 = tpu.vector_load %arg7[%swap3A_1696] {strides = array<i32>} : memref<4096xf32, #tpu.memory_space<vmem>>, vector<16xf32>,
      %swap3A_1698 = vector.shape_cast %swap3A_1697 : vector<16xf32> to vector<16xf32>
      %swap3A_1699 = vector.shape_cast %mul3A_1695 : vector<16xf32> to vector<16xf32>
      tpu.vector_store %arg7[%swap3A_1696], %swap3A_1699 {strides = array<i32>} : memref<4096xf32, #tpu.memory_space<vmem>>, vector<16xf32>,
      %sub3A_1700 = vector.broadcast %squeeze3A_141 : f32 to vector<16xf32>
      %sub3A_1701 = arith.subf %sub3A_1700, %get3A_163 : vector<16xf32>
      %sub3A_1702 = vector.broadcast %squeeze3A_141 : f32 to vector<16xf32>
      %sub3A_1703 = arith.subf %sub3A_1702, %get3A_193 : vector<16xf32>
      %mul3A_1704 = arith.mulf %sub3A_1701, %get3A_173 : vector<16xf32>
      %swap3A_1705 = arith.constant 2528 : index
      %swap3A_1706 = tpu.vector_load %arg7[%swap3A_1705] {strides = array<i32>} : memref<4096xf32, #tpu.memory_space<vmem>>, vector<16xf32>,
      %swap3A_1707 = vector.shape_cast %swap3A_1706 : vector<16xf32> to vector<16xf32>
      %swap3A_1708 = vector.shape_cast %mul3A_1704 : vector<16xf32> to vector<16xf32>
      tpu.vector_store %arg7[%swap3A_1705], %swap3A_1708 {strides = array<i32>} : memref<4096xf32, #tpu.memory_space<vmem>>, vector<16xf32>,
      %mul3A_1709 = arith.mulf %sub3A_1701, %get3A_168 : vector<16xf32>
      %swap3A_1710 = arith.constant 3040 : index
      %swap3A_1711 = tpu.vector_load %arg7[%swap3A_1710] {strides = array<i32>} : memref<4096xf32, #tpu.memory_space<vmem>>, vector<16xf32>,
      %swap3A_1712 = vector.shape_cast %swap3A_1711 : vector<16xf32> to vector<16xf32>
      %swap3A_1713 = vector.shape_cast %mul3A_1709 : vector<16xf32> to vector<16xf32>
      tpu.vector_store %arg7[%swap3A_1710], %swap3A_1713 {strides = array<i32>} : memref<4096xf32, #tpu.memory_space<vmem>>, vector<16xf32>,
      %mul3A_1714 = arith.mulf %sub3A_1703, %get3A_203 : vector<16xf32>
      %swap3A_1715 = arith.constant 3552 : index
      %swap3A_1716 = tpu.vector_load %arg7[%swap3A_1715] {strides = array<i32>} : memref<4096xf32, #tpu.memory_space<vmem>>, vector<16xf32>,
      %swap3A_1717 = vector.shape_cast %swap3A_1716 : vector<16xf32> to vector<16xf32>
      %swap3A_1718 = vector.shape_cast %mul3A_1714 : vector<16xf32> to vector<16xf32>
      tpu.vector_store %arg7[%swap3A_1715], %swap3A_1718 {strides = array<i32>} : memref<4096xf32, #tpu.memory_space<vmem>>, vector<16xf32>,
      %mul3A_1719 = arith.mulf %sub3A_1703, %get3A_198 : vector<16xf32>
      %swap3A_1720 = arith.constant 4064 : index
      %swap3A_1721 = tpu.vector_load %arg7[%swap3A_1720] {strides = array<i32>} : memref<4096xf32, #tpu.memory_space<vmem>>, vector<16xf32>,
      %swap3A_1722 = vector.shape_cast %swap3A_1721 : vector<16xf32> to vector<16xf32>
      %swap3A_1723 = vector.shape_cast %mul3A_1719 : vector<16xf32> to vector<16xf32>
      tpu.vector_store %arg7[%swap3A_1720], %swap3A_1723 {strides = array<i32>} : memref<4096xf32, #tpu.memory_space<vmem>>, vector<16xf32>,
      %sub3A_1724 = vector.broadcast %squeeze3A_143 : f32 to vector<16xf32>
      %sub3A_1725 = arith.subf %sub3A_1724, %get3A_163 : vector<16xf32>
      %sub3A_1726 = vector.broadcast %squeeze3A_143 : f32 to vector<16xf32>
      %sub3A_1727 = arith.subf %sub3A_1726, %get3A_193 : vector<16xf32>
      %mul3A_1728 = arith.mulf %sub3A_1725, %get3A_173 : vector<16xf32>
      %swap3A_1729 = arith.constant 2544 : index
      %swap3A_1730 = tpu.vector_load %arg7[%swap3A_1729] {strides = array<i32>} : memref<4096xf32, #tpu.memory_space<vmem>>, vector<16xf32>,
      %swap3A_1731 = vector.shape_cast %swap3A_1730 : vector<16xf32> to vector<16xf32>
      %swap3A_1732 = vector.shape_cast %mul3A_1728 : vector<16xf32> to vector<16xf32>
      tpu.vector_store %arg7[%swap3A_1729], %swap3A_1732 {strides = array<i32>} : memref<4096xf32, #tpu.memory_space<vmem>>, vector<16xf32>,
      %mul3A_1733 = arith.mulf %sub3A_1725, %get3A_168 : vector<16xf32>
      %swap3A_1734 = arith.constant 3056 : index
      %swap3A_1735 = tpu.vector_load %arg7[%swap3A_1734] {strides = array<i32>} : memref<4096xf32, #tpu.memory_space<vmem>>, vector<16xf32>,
      %swap3A_1736 = vector.shape_cast %swap3A_1735 : vector<16xf32> to vector<16xf32>
      %swap3A_1737 = vector.shape_cast %mul3A_1733 : vector<16xf32> to vector<16xf32>
      tpu.vector_store %arg7[%swap3A_1734], %swap3A_1737 {strides = array<i32>} : memref<4096xf32, #tpu.memory_space<vmem>>, vector<16xf32>,
      %mul3A_1738 = arith.mulf %sub3A_1727, %get3A_203 : vector<16xf32>
      %swap3A_1739 = arith.constant 3568 : index
      %swap3A_1740 = tpu.vector_load %arg7[%swap3A_1739] {strides = array<i32>} : memref<4096xf32, #tpu.memory_space<vmem>>, vector<16xf32>,
      %swap3A_1741 = vector.shape_cast %swap3A_1740 : vector<16xf32> to vector<16xf32>
      %swap3A_1742 = vector.shape_cast %mul3A_1738 : vector<16xf32> to vector<16xf32>
      tpu.vector_store %arg7[%swap3A_1739], %swap3A_1742 {strides = array<i32>} : memref<4096xf32, #tpu.memory_space<vmem>>, vector<16xf32>,
      %mul3A_1743 = arith.mulf %sub3A_1727, %get3A_198 : vector<16xf32>
      %swap3A_1744 = arith.constant 4080 : index
      %swap3A_1745 = tpu.vector_load %arg7[%swap3A_1744] {strides = array<i32>} : memref<4096xf32, #tpu.memory_space<vmem>>, vector<16xf32>,
      %swap3A_1746 = vector.shape_cast %swap3A_1745 : vector<16xf32> to vector<16xf32>
      %swap3A_1747 = vector.shape_cast %mul3A_1743 : vector<16xf32> to vector<16xf32>
      tpu.vector_store %arg7[%swap3A_1744], %swap3A_1747 {strides = array<i32>} : memref<4096xf32, #tpu.memory_space<vmem>>, vector<16xf32>,
      %broadcast_in_dim3A = arith.constant 0.000000e+00 : f32
      %broadcast_in_dim3A_1748 = vector.broadcast %broadcast_in_dim3A : f32 to vector<16xf32>
      %scan3A_1749 = arith.constant 0 : i32
      %scan3A_1750 = arith.constant 32 : i32
      %scan3A_1751 = arith.addi %scan3A_1749, %scan3A_1750 : i32
      %scan3A_1752 = arith.constant 1 : i32
      %scan3A_1753:8 = scf.for %scan3A_1769 = %scan3A_1749 to %scan3A_1751 step %scan3A_1752 iter_args(%scan3A_1770 = %broadcast_in_dim3A_1748, %scan3A_1771 = %broadcast_in_dim3A_1748, %scan3A_1772 = %broadcast_in_dim3A_1748, %scan3A_1773 = %broadcast_in_dim3A_1748, %scan3A_1774 = %broadcast_in_dim3A_1748, %scan3A_1775 = %broadcast_in_dim3A_1748, %scan3A_1776 = %broadcast_in_dim3A_1748, %scan3A_1777 = %broadcast_in_dim3A_1748) -> (vector<16xf32>, vector<16xf32>, vector<16xf32>, vector<16xf32>, vector<16xf32>, vector<16xf32>, vector<16xf32>, vector<16xf32>)  : i32 {
        %mul3A_1778 = arith.constant 16 : i32
        %mul3A_1779 = arith.muli %scan3A_1769, %mul3A_1778 : i32
        %add3A_1780 = arith.constant 0 : i32
        %add3A_1781 = arith.addi %add3A_1780, %mul3A_1779 : i32
        %get3A_1782 = arith.index_cast %add3A_1781 : i32 to index
        %get3A_1783 = tpu.vector_load %arg7[%get3A_1782] {strides = array<i32>} : memref<4096xf32, #tpu.memory_space<vmem>>, vector<16xf32>,
        %get3A_1784 = vector.shape_cast %get3A_1783 : vector<16xf32> to vector<16xf32>
        %mul3A_1785 = arith.constant 16 : i32
        %mul3A_1786 = arith.muli %scan3A_1769, %mul3A_1785 : i32
        %add3A_1787 = arith.constant 512 : i32
        %add3A_1788 = arith.addi %add3A_1787, %mul3A_1786 : i32
        %get3A_1789 = arith.index_cast %add3A_1788 : i32 to index
        %get3A_1790 = tpu.vector_load %arg7[%get3A_1789] {strides = array<i32>} : memref<4096xf32, #tpu.memory_space<vmem>>, vector<16xf32>,
        %get3A_1791 = vector.shape_cast %get3A_1790 : vector<16xf32> to vector<16xf32>
        %mul3A_1792 = arith.constant 16 : i32
        %mul3A_1793 = arith.muli %scan3A_1769, %mul3A_1792 : i32
        %add3A_1794 = arith.constant 1024 : i32
        %add3A_1795 = arith.addi %add3A_1794, %mul3A_1793 : i32
        %get3A_1796 = arith.index_cast %add3A_1795 : i32 to index
        %get3A_1797 = tpu.vector_load %arg7[%get3A_1796] {strides = array<i32>} : memref<4096xf32, #tpu.memory_space<vmem>>, vector<16xf32>,
        %get3A_1798 = vector.shape_cast %get3A_1797 : vector<16xf32> to vector<16xf32>
        %mul3A_1799 = arith.constant 16 : i32
        %mul3A_1800 = arith.muli %scan3A_1769, %mul3A_1799 : i32
        %add3A_1801 = arith.constant 1536 : i32
        %add3A_1802 = arith.addi %add3A_1801, %mul3A_1800 : i32
        %get3A_1803 = arith.index_cast %add3A_1802 : i32 to index
        %get3A_1804 = tpu.vector_load %arg7[%get3A_1803] {strides = array<i32>} : memref<4096xf32, #tpu.memory_space<vmem>>, vector<16xf32>,
        %get3A_1805 = vector.shape_cast %get3A_1804 : vector<16xf32> to vector<16xf32>
        %scan3A_1806 = arith.constant 0 : i32
        %scan3A_1807 = arith.constant 8 : i32
        %scan3A_1808 = arith.addi %scan3A_1806, %scan3A_1807 : i32
        %scan3A_1809 = arith.constant 1 : i32
        %scan3A_1810:8 = scf.for %scan3A_1812 = %scan3A_1806 to %scan3A_1808 step %scan3A_1809 iter_args(%scan3A_1813 = %scan3A_1770, %scan3A_1814 = %scan3A_1771, %scan3A_1815 = %scan3A_1772, %scan3A_1816 = %scan3A_1773, %scan3A_1817 = %scan3A_1774, %scan3A_1818 = %scan3A_1775, %scan3A_1819 = %scan3A_1776, %scan3A_1820 = %scan3A_1777) -> (vector<16xf32>, vector<16xf32>, vector<16xf32>, vector<16xf32>, vector<16xf32>, vector<16xf32>, vector<16xf32>, vector<16xf32>)  : i32 {
          %mul3A_1821 = arith.constant 64 : i32
          %mul3A_1822 = arith.muli %scan3A_1812, %mul3A_1821 : i32
          %add3A_1823 = arith.constant 0 : i32
          %add3A_1824 = arith.addi %mul3A_1822, %add3A_1823 : i32
          %add3A_1825 = arith.constant 2048 : i32
          %add3A_1826 = arith.addi %add3A_1825, %add3A_1824 : i32
          %get3A_1827 = arith.index_cast %add3A_1826 : i32 to index
          %get3A_1828 = tpu.vector_load %arg7[%get3A_1827] {strides = array<i32>} : memref<4096xf32, #tpu.memory_space<vmem>>, vector<16xf32>,
          %get3A_1829 = vector.shape_cast %get3A_1828 : vector<16xf32> to vector<16xf32>
          %add3A_1830 = arith.constant 2560 : i32
          %add3A_1831 = arith.addi %add3A_1830, %add3A_1824 : i32
          %get3A_1832 = arith.index_cast %add3A_1831 : i32 to index
          %get3A_1833 = tpu.vector_load %arg7[%get3A_1832] {strides = array<i32>} : memref<4096xf32, #tpu.memory_space<vmem>>, vector<16xf32>,
          %get3A_1834 = vector.shape_cast %get3A_1833 : vector<16xf32> to vector<16xf32>
          %add3A_1835 = arith.constant 3072 : i32
          %add3A_1836 = arith.addi %add3A_1835, %add3A_1824 : i32
          %get3A_1837 = arith.index_cast %add3A_1836 : i32 to index
          %get3A_1838 = tpu.vector_load %arg7[%get3A_1837] {strides = array<i32>} : memref<4096xf32, #tpu.memory_space<vmem>>, vector<16xf32>,
          %get3A_1839 = vector.shape_cast %get3A_1838 : vector<16xf32> to vector<16xf32>
          %add3A_1840 = arith.constant 3584 : i32
          %add3A_1841 = arith.addi %add3A_1840, %add3A_1824 : i32
          %get3A_1842 = arith.index_cast %add3A_1841 : i32 to index
          %get3A_1843 = tpu.vector_load %arg7[%get3A_1842] {strides = array<i32>} : memref<4096xf32, #tpu.memory_space<vmem>>, vector<16xf32>,
          %get3A_1844 = vector.shape_cast %get3A_1843 : vector<16xf32> to vector<16xf32>
          %add3A_1845 = arith.addf %get3A_1784, %get3A_1829 : vector<16xf32>
          %abs3A = math.absf %add3A_1845 : vector<16xf32>
          %sub3A_1846 = arith.subf %abs3A, %get3A_178 : vector<16xf32>
          %min3A = arith.constant 2.000000e+01 : f32
          %min3A_1847 = vector.broadcast %min3A : f32 to vector<16xf32>
          %min3A_1848 = arith.minimumf %sub3A_1846, %min3A_1847 : vector<16xf32>
          %sub3A_1849 = arith.subf %get3A_1834, %get3A_1791 : vector<16xf32>
          %abs3A_1850 = math.absf %sub3A_1849 : vector<16xf32>
          %sub3A_1851 = arith.subf %abs3A_1850, %get3A_183 : vector<16xf32>
          %min3A_1852 = arith.constant 2.000000e+01 : f32
          %min3A_1853 = vector.broadcast %min3A_1852 : f32 to vector<16xf32>
          %min3A_1854 = arith.minimumf %sub3A_1851, %min3A_1853 : vector<16xf32>
          %add3A_1855 = arith.addf %get3A_1798, %get3A_1839 : vector<16xf32>
          %abs3A_1856 = math.absf %add3A_1855 : vector<16xf32>
          %sub3A_1857 = arith.subf %abs3A_1856, %get3A_208 : vector<16xf32>
          %min3A_1858 = arith.constant 2.000000e+01 : f32
          %min3A_1859 = vector.broadcast %min3A_1858 : f32 to vector<16xf32>
          %min3A_1860 = arith.minimumf %sub3A_1857, %min3A_1859 : vector<16xf32>
          %sub3A_1861 = arith.subf %get3A_1844, %get3A_1805 : vector<16xf32>
          %abs3A_1862 = math.absf %sub3A_1861 : vector<16xf32>
          %sub3A_1863 = arith.subf %abs3A_1862, %get3A_213 : vector<16xf32>
          %min3A_1864 = arith.constant 2.000000e+01 : f32
          %min3A_1865 = vector.broadcast %min3A_1864 : f32 to vector<16xf32>
          %min3A_1866 = arith.minimumf %sub3A_1863, %min3A_1865 : vector<16xf32>
          %exp3A = math.exp %min3A_1848 : vector<16xf32>
          %add3A_1867 = arith.constant 1.000000e+00 : f32
          %add3A_1868 = vector.broadcast %add3A_1867 : f32 to vector<16xf32>
          %add3A_1869 = arith.addf %add3A_1868, %exp3A : vector<16xf32>
          %exp3A_1870 = math.exp %min3A_1854 : vector<16xf32>
          %add3A_1871 = arith.constant 1.000000e+00 : f32
          %add3A_1872 = vector.broadcast %add3A_1871 : f32 to vector<16xf32>
          %add3A_1873 = arith.addf %add3A_1872, %exp3A_1870 : vector<16xf32>
          %mul3A_1874 = arith.mulf %add3A_1869, %add3A_1873 : vector<16xf32>
          %exp3A_1875 = math.exp %min3A_1860 : vector<16xf32>
          %add3A_1876 = arith.constant 1.000000e+00 : f32
          %add3A_1877 = vector.broadcast %add3A_1876 : f32 to vector<16xf32>
          %add3A_1878 = arith.addf %add3A_1877, %exp3A_1875 : vector<16xf32>
          %exp3A_1879 = math.exp %min3A_1866 : vector<16xf32>
          %add3A_1880 = arith.constant 1.000000e+00 : f32
          %add3A_1881 = vector.broadcast %add3A_1880 : f32 to vector<16xf32>
          %add3A_1882 = arith.addf %add3A_1881, %exp3A_1879 : vector<16xf32>
          %mul3A_1883 = arith.mulf %add3A_1878, %add3A_1882 : vector<16xf32>
          %mul3A_1884 = arith.mulf %mul3A_1874, %mul3A_1883 : vector<16xf32>
          %div3A_1885 = arith.constant 1.000000e+00 : f32
          %div3A_1886 = vector.broadcast %div3A_1885 : f32 to vector<16xf32>
          %div3A_1887 = arith.divf %div3A_1886, %mul3A_1884 : vector<16xf32>
          %add3A_1888 = arith.addf %scan3A_1813, %div3A_1887 : vector<16xf32>
          %add3A_1889 = arith.addf %mul3A_1874, %mul3A_1883 : vector<16xf32>
          %sub3A_1890 = arith.constant 1.000000e+00 : f32
          %sub3A_1891 = vector.broadcast %sub3A_1890 : f32 to vector<16xf32>
          %sub3A_1892 = arith.subf %add3A_1889, %sub3A_1891 : vector<16xf32>
          %mul3A_1893 = arith.mulf %sub3A_1892, %div3A_1887 : vector<16xf32>
          %add3A_1894 = arith.addf %scan3A_1817, %mul3A_1893 : vector<16xf32>
          %mul3A_1895 = arith.constant 64 : i32
          %mul3A_1896 = arith.muli %scan3A_1812, %mul3A_1895 : i32
          %add3A_1897 = arith.constant 16 : i32
          %add3A_1898 = arith.addi %mul3A_1896, %add3A_1897 : i32
          %add3A_1899 = arith.constant 2048 : i32
          %add3A_1900 = arith.addi %add3A_1899, %add3A_1898 : i32
          %get3A_1901 = arith.index_cast %add3A_1900 : i32 to index
          %get3A_1902 = tpu.vector_load %arg7[%get3A_1901] {strides = array<i32>} : memref<4096xf32, #tpu.memory_space<vmem>>, vector<16xf32>,
          %get3A_1903 = vector.shape_cast %get3A_1902 : vector<16xf32> to vector<16xf32>
          %add3A_1904 = arith.constant 2560 : i32
          %add3A_1905 = arith.addi %add3A_1904, %add3A_1898 : i32
          %get3A_1906 = arith.index_cast %add3A_1905 : i32 to index
          %get3A_1907 = tpu.vector_load %arg7[%get3A_1906] {strides = array<i32>} : memref<4096xf32, #tpu.memory_space<vmem>>, vector<16xf32>,
          %get3A_1908 = vector.shape_cast %get3A_1907 : vector<16xf32> to vector<16xf32>
          %add3A_1909 = arith.constant 3072 : i32
          %add3A_1910 = arith.addi %add3A_1909, %add3A_1898 : i32
          %get3A_1911 = arith.index_cast %add3A_1910 : i32 to index
          %get3A_1912 = tpu.vector_load %arg7[%get3A_1911] {strides = array<i32>} : memref<4096xf32, #tpu.memory_space<vmem>>, vector<16xf32>,
          %get3A_1913 = vector.shape_cast %get3A_1912 : vector<16xf32> to vector<16xf32>
          %add3A_1914 = arith.constant 3584 : i32
          %add3A_1915 = arith.addi %add3A_1914, %add3A_1898 : i32
          %get3A_1916 = arith.index_cast %add3A_1915 : i32 to index
          %get3A_1917 = tpu.vector_load %arg7[%get3A_1916] {strides = array<i32>} : memref<4096xf32, #tpu.memory_space<vmem>>, vector<16xf32>,
          %get3A_1918 = vector.shape_cast %get3A_1917 : vector<16xf32> to vector<16xf32>
          %add3A_1919 = arith.addf %get3A_1784, %get3A_1903 : vector<16xf32>
          %abs3A_1920 = math.absf %add3A_1919 : vector<16xf32>
          %sub3A_1921 = arith.subf %abs3A_1920, %get3A_178 : vector<16xf32>
          %min3A_1922 = arith.constant 2.000000e+01 : f32
          %min3A_1923 = vector.broadcast %min3A_1922 : f32 to vector<16xf32>
          %min3A_1924 = arith.minimumf %sub3A_1921, %min3A_1923 : vector<16xf32>
          %sub3A_1925 = arith.subf %get3A_1908, %get3A_1791 : vector<16xf32>
          %abs3A_1926 = math.absf %sub3A_1925 : vector<16xf32>
          %sub3A_1927 = arith.subf %abs3A_1926, %get3A_183 : vector<16xf32>
          %min3A_1928 = arith.constant 2.000000e+01 : f32
          %min3A_1929 = vector.broadcast %min3A_1928 : f32 to vector<16xf32>
          %min3A_1930 = arith.minimumf %sub3A_1927, %min3A_1929 : vector<16xf32>
          %add3A_1931 = arith.addf %get3A_1798, %get3A_1913 : vector<16xf32>
          %abs3A_1932 = math.absf %add3A_1931 : vector<16xf32>
          %sub3A_1933 = arith.subf %abs3A_1932, %get3A_208 : vector<16xf32>
          %min3A_1934 = arith.constant 2.000000e+01 : f32
          %min3A_1935 = vector.broadcast %min3A_1934 : f32 to vector<16xf32>
          %min3A_1936 = arith.minimumf %sub3A_1933, %min3A_1935 : vector<16xf32>
          %sub3A_1937 = arith.subf %get3A_1918, %get3A_1805 : vector<16xf32>
          %abs3A_1938 = math.absf %sub3A_1937 : vector<16xf32>
          %sub3A_1939 = arith.subf %abs3A_1938, %get3A_213 : vector<16xf32>
          %min3A_1940 = arith.constant 2.000000e+01 : f32
          %min3A_1941 = vector.broadcast %min3A_1940 : f32 to vector<16xf32>
          %min3A_1942 = arith.minimumf %sub3A_1939, %min3A_1941 : vector<16xf32>
          %exp3A_1943 = math.exp %min3A_1924 : vector<16xf32>
          %add3A_1944 = arith.constant 1.000000e+00 : f32
          %add3A_1945 = vector.broadcast %add3A_1944 : f32 to vector<16xf32>
          %add3A_1946 = arith.addf %add3A_1945, %exp3A_1943 : vector<16xf32>
          %exp3A_1947 = math.exp %min3A_1930 : vector<16xf32>
          %add3A_1948 = arith.constant 1.000000e+00 : f32
          %add3A_1949 = vector.broadcast %add3A_1948 : f32 to vector<16xf32>
          %add3A_1950 = arith.addf %add3A_1949, %exp3A_1947 : vector<16xf32>
          %mul3A_1951 = arith.mulf %add3A_1946, %add3A_1950 : vector<16xf32>
          %exp3A_1952 = math.exp %min3A_1936 : vector<16xf32>
          %add3A_1953 = arith.constant 1.000000e+00 : f32
          %add3A_1954 = vector.broadcast %add3A_1953 : f32 to vector<16xf32>
          %add3A_1955 = arith.addf %add3A_1954, %exp3A_1952 : vector<16xf32>
          %exp3A_1956 = math.exp %min3A_1942 : vector<16xf32>
          %add3A_1957 = arith.constant 1.000000e+00 : f32
          %add3A_1958 = vector.broadcast %add3A_1957 : f32 to vector<16xf32>
          %add3A_1959 = arith.addf %add3A_1958, %exp3A_1956 : vector<16xf32>
          %mul3A_1960 = arith.mulf %add3A_1955, %add3A_1959 : vector<16xf32>
          %mul3A_1961 = arith.mulf %mul3A_1951, %mul3A_1960 : vector<16xf32>
          %div3A_1962 = arith.constant 1.000000e+00 : f32
          %div3A_1963 = vector.broadcast %div3A_1962 : f32 to vector<16xf32>
          %div3A_1964 = arith.divf %div3A_1963, %mul3A_1961 : vector<16xf32>
          %add3A_1965 = arith.addf %scan3A_1814, %div3A_1964 : vector<16xf32>
          %add3A_1966 = arith.addf %mul3A_1951, %mul3A_1960 : vector<16xf32>
          %sub3A_1967 = arith.constant 1.000000e+00 : f32
          %sub3A_1968 = vector.broadcast %sub3A_1967 : f32 to vector<16xf32>
          %sub3A_1969 = arith.subf %add3A_1966, %sub3A_1968 : vector<16xf32>
          %mul3A_1970 = arith.mulf %sub3A_1969, %div3A_1964 : vector<16xf32>
          %add3A_1971 = arith.addf %scan3A_1818, %mul3A_1970 : vector<16xf32>
          %mul3A_1972 = arith.constant 64 : i32
          %mul3A_1973 = arith.muli %scan3A_1812, %mul3A_1972 : i32
          %add3A_1974 = arith.constant 32 : i32
          %add3A_1975 = arith.addi %mul3A_1973, %add3A_1974 : i32
          %add3A_1976 = arith.constant 2048 : i32
          %add3A_1977 = arith.addi %add3A_1976, %add3A_1975 : i32
          %get3A_1978 = arith.index_cast %add3A_1977 : i32 to index
          %get3A_1979 = tpu.vector_load %arg7[%get3A_1978] {strides = array<i32>} : memref<4096xf32, #tpu.memory_space<vmem>>, vector<16xf32>,
          %get3A_1980 = vector.shape_cast %get3A_1979 : vector<16xf32> to vector<16xf32>
          %add3A_1981 = arith.constant 2560 : i32
          %add3A_1982 = arith.addi %add3A_1981, %add3A_1975 : i32
          %get3A_1983 = arith.index_cast %add3A_1982 : i32 to index
          %get3A_1984 = tpu.vector_load %arg7[%get3A_1983] {strides = array<i32>} : memref<4096xf32, #tpu.memory_space<vmem>>, vector<16xf32>,
          %get3A_1985 = vector.shape_cast %get3A_1984 : vector<16xf32> to vector<16xf32>
          %add3A_1986 = arith.constant 3072 : i32
          %add3A_1987 = arith.addi %add3A_1986, %add3A_1975 : i32
          %get3A_1988 = arith.index_cast %add3A_1987 : i32 to index
          %get3A_1989 = tpu.vector_load %arg7[%get3A_1988] {strides = array<i32>} : memref<4096xf32, #tpu.memory_space<vmem>>, vector<16xf32>,
          %get3A_1990 = vector.shape_cast %get3A_1989 : vector<16xf32> to vector<16xf32>
          %add3A_1991 = arith.constant 3584 : i32
          %add3A_1992 = arith.addi %add3A_1991, %add3A_1975 : i32
          %get3A_1993 = arith.index_cast %add3A_1992 : i32 to index
          %get3A_1994 = tpu.vector_load %arg7[%get3A_1993] {strides = array<i32>} : memref<4096xf32, #tpu.memory_space<vmem>>, vector<16xf32>,
          %get3A_1995 = vector.shape_cast %get3A_1994 : vector<16xf32> to vector<16xf32>
          %add3A_1996 = arith.addf %get3A_1784, %get3A_1980 : vector<16xf32>
          %abs3A_1997 = math.absf %add3A_1996 : vector<16xf32>
          %sub3A_1998 = arith.subf %abs3A_1997, %get3A_178 : vector<16xf32>
          %min3A_1999 = arith.constant 2.000000e+01 : f32
          %min3A_2000 = vector.broadcast %min3A_1999 : f32 to vector<16xf32>
          %min3A_2001 = arith.minimumf %sub3A_1998, %min3A_2000 : vector<16xf32>
          %sub3A_2002 = arith.subf %get3A_1985, %get3A_1791 : vector<16xf32>
          %abs3A_2003 = math.absf %sub3A_2002 : vector<16xf32>
          %sub3A_2004 = arith.subf %abs3A_2003, %get3A_183 : vector<16xf32>
          %min3A_2005 = arith.constant 2.000000e+01 : f32
          %min3A_2006 = vector.broadcast %min3A_2005 : f32 to vector<16xf32>
          %min3A_2007 = arith.minimumf %sub3A_2004, %min3A_2006 : vector<16xf32>
          %add3A_2008 = arith.addf %get3A_1798, %get3A_1990 : vector<16xf32>
          %abs3A_2009 = math.absf %add3A_2008 : vector<16xf32>
          %sub3A_2010 = arith.subf %abs3A_2009, %get3A_208 : vector<16xf32>
          %min3A_2011 = arith.constant 2.000000e+01 : f32
          %min3A_2012 = vector.broadcast %min3A_2011 : f32 to vector<16xf32>
          %min3A_2013 = arith.minimumf %sub3A_2010, %min3A_2012 : vector<16xf32>
          %sub3A_2014 = arith.subf %get3A_1995, %get3A_1805 : vector<16xf32>
          %abs3A_2015 = math.absf %sub3A_2014 : vector<16xf32>
          %sub3A_2016 = arith.subf %abs3A_2015, %get3A_213 : vector<16xf32>
          %min3A_2017 = arith.constant 2.000000e+01 : f32
          %min3A_2018 = vector.broadcast %min3A_2017 : f32 to vector<16xf32>
          %min3A_2019 = arith.minimumf %sub3A_2016, %min3A_2018 : vector<16xf32>
          %exp3A_2020 = math.exp %min3A_2001 : vector<16xf32>
          %add3A_2021 = arith.constant 1.000000e+00 : f32
          %add3A_2022 = vector.broadcast %add3A_2021 : f32 to vector<16xf32>
          %add3A_2023 = arith.addf %add3A_2022, %exp3A_2020 : vector<16xf32>
          %exp3A_2024 = math.exp %min3A_2007 : vector<16xf32>
          %add3A_2025 = arith.constant 1.000000e+00 : f32
          %add3A_2026 = vector.broadcast %add3A_2025 : f32 to vector<16xf32>
          %add3A_2027 = arith.addf %add3A_2026, %exp3A_2024 : vector<16xf32>
          %mul3A_2028 = arith.mulf %add3A_2023, %add3A_2027 : vector<16xf32>
          %exp3A_2029 = math.exp %min3A_2013 : vector<16xf32>
          %add3A_2030 = arith.constant 1.000000e+00 : f32
          %add3A_2031 = vector.broadcast %add3A_2030 : f32 to vector<16xf32>
          %add3A_2032 = arith.addf %add3A_2031, %exp3A_2029 : vector<16xf32>
          %exp3A_2033 = math.exp %min3A_2019 : vector<16xf32>
          %add3A_2034 = arith.constant 1.000000e+00 : f32
          %add3A_2035 = vector.broadcast %add3A_2034 : f32 to vector<16xf32>
          %add3A_2036 = arith.addf %add3A_2035, %exp3A_2033 : vector<16xf32>
          %mul3A_2037 = arith.mulf %add3A_2032, %add3A_2036 : vector<16xf32>
          %mul3A_2038 = arith.mulf %mul3A_2028, %mul3A_2037 : vector<16xf32>
          %div3A_2039 = arith.constant 1.000000e+00 : f32
          %div3A_2040 = vector.broadcast %div3A_2039 : f32 to vector<16xf32>
          %div3A_2041 = arith.divf %div3A_2040, %mul3A_2038 : vector<16xf32>
          %add3A_2042 = arith.addf %scan3A_1815, %div3A_2041 : vector<16xf32>
          %add3A_2043 = arith.addf %mul3A_2028, %mul3A_2037 : vector<16xf32>
          %sub3A_2044 = arith.constant 1.000000e+00 : f32
          %sub3A_2045 = vector.broadcast %sub3A_2044 : f32 to vector<16xf32>
          %sub3A_2046 = arith.subf %add3A_2043, %sub3A_2045 : vector<16xf32>
          %mul3A_2047 = arith.mulf %sub3A_2046, %div3A_2041 : vector<16xf32>
          %add3A_2048 = arith.addf %scan3A_1819, %mul3A_2047 : vector<16xf32>
          %mul3A_2049 = arith.constant 64 : i32
          %mul3A_2050 = arith.muli %scan3A_1812, %mul3A_2049 : i32
          %add3A_2051 = arith.constant 48 : i32
          %add3A_2052 = arith.addi %mul3A_2050, %add3A_2051 : i32
          %add3A_2053 = arith.constant 2048 : i32
          %add3A_2054 = arith.addi %add3A_2053, %add3A_2052 : i32
          %get3A_2055 = arith.index_cast %add3A_2054 : i32 to index
          %get3A_2056 = tpu.vector_load %arg7[%get3A_2055] {strides = array<i32>} : memref<4096xf32, #tpu.memory_space<vmem>>, vector<16xf32>,
          %get3A_2057 = vector.shape_cast %get3A_2056 : vector<16xf32> to vector<16xf32>
          %add3A_2058 = arith.constant 2560 : i32
          %add3A_2059 = arith.addi %add3A_2058, %add3A_2052 : i32
          %get3A_2060 = arith.index_cast %add3A_2059 : i32 to index
          %get3A_2061 = tpu.vector_load %arg7[%get3A_2060] {strides = array<i32>} : memref<4096xf32, #tpu.memory_space<vmem>>, vector<16xf32>,
          %get3A_2062 = vector.shape_cast %get3A_2061 : vector<16xf32> to vector<16xf32>
          %add3A_2063 = arith.constant 3072 : i32
          %add3A_2064 = arith.addi %add3A_2063, %add3A_2052 : i32
          %get3A_2065 = arith.index_cast %add3A_2064 : i32 to index
          %get3A_2066 = tpu.vector_load %arg7[%get3A_2065] {strides = array<i32>} : memref<4096xf32, #tpu.memory_space<vmem>>, vector<16xf32>,
          %get3A_2067 = vector.shape_cast %get3A_2066 : vector<16xf32> to vector<16xf32>
          %add3A_2068 = arith.constant 3584 : i32
          %add3A_2069 = arith.addi %add3A_2068, %add3A_2052 : i32
          %get3A_2070 = arith.index_cast %add3A_2069 : i32 to index
          %get3A_2071 = tpu.vector_load %arg7[%get3A_2070] {strides = array<i32>} : memref<4096xf32, #tpu.memory_space<vmem>>, vector<16xf32>,
          %get3A_2072 = vector.shape_cast %get3A_2071 : vector<16xf32> to vector<16xf32>
          %add3A_2073 = arith.addf %get3A_1784, %get3A_2057 : vector<16xf32>
          %abs3A_2074 = math.absf %add3A_2073 : vector<16xf32>
          %sub3A_2075 = arith.subf %abs3A_2074, %get3A_178 : vector<16xf32>
          %min3A_2076 = arith.constant 2.000000e+01 : f32
          %min3A_2077 = vector.broadcast %min3A_2076 : f32 to vector<16xf32>
          %min3A_2078 = arith.minimumf %sub3A_2075, %min3A_2077 : vector<16xf32>
          %sub3A_2079 = arith.subf %get3A_2062, %get3A_1791 : vector<16xf32>
          %abs3A_2080 = math.absf %sub3A_2079 : vector<16xf32>
          %sub3A_2081 = arith.subf %abs3A_2080, %get3A_183 : vector<16xf32>
          %min3A_2082 = arith.constant 2.000000e+01 : f32
          %min3A_2083 = vector.broadcast %min3A_2082 : f32 to vector<16xf32>
          %min3A_2084 = arith.minimumf %sub3A_2081, %min3A_2083 : vector<16xf32>
          %add3A_2085 = arith.addf %get3A_1798, %get3A_2067 : vector<16xf32>
          %abs3A_2086 = math.absf %add3A_2085 : vector<16xf32>
          %sub3A_2087 = arith.subf %abs3A_2086, %get3A_208 : vector<16xf32>
          %min3A_2088 = arith.constant 2.000000e+01 : f32
          %min3A_2089 = vector.broadcast %min3A_2088 : f32 to vector<16xf32>
          %min3A_2090 = arith.minimumf %sub3A_2087, %min3A_2089 : vector<16xf32>
          %sub3A_2091 = arith.subf %get3A_2072, %get3A_1805 : vector<16xf32>
          %abs3A_2092 = math.absf %sub3A_2091 : vector<16xf32>
          %sub3A_2093 = arith.subf %abs3A_2092, %get3A_213 : vector<16xf32>
          %min3A_2094 = arith.constant 2.000000e+01 : f32
          %min3A_2095 = vector.broadcast %min3A_2094 : f32 to vector<16xf32>
          %min3A_2096 = arith.minimumf %sub3A_2093, %min3A_2095 : vector<16xf32>
          %exp3A_2097 = math.exp %min3A_2078 : vector<16xf32>
          %add3A_2098 = arith.constant 1.000000e+00 : f32
          %add3A_2099 = vector.broadcast %add3A_2098 : f32 to vector<16xf32>
          %add3A_2100 = arith.addf %add3A_2099, %exp3A_2097 : vector<16xf32>
          %exp3A_2101 = math.exp %min3A_2084 : vector<16xf32>
          %add3A_2102 = arith.constant 1.000000e+00 : f32
          %add3A_2103 = vector.broadcast %add3A_2102 : f32 to vector<16xf32>
          %add3A_2104 = arith.addf %add3A_2103, %exp3A_2101 : vector<16xf32>
          %mul3A_2105 = arith.mulf %add3A_2100, %add3A_2104 : vector<16xf32>
          %exp3A_2106 = math.exp %min3A_2090 : vector<16xf32>
          %add3A_2107 = arith.constant 1.000000e+00 : f32
          %add3A_2108 = vector.broadcast %add3A_2107 : f32 to vector<16xf32>
          %add3A_2109 = arith.addf %add3A_2108, %exp3A_2106 : vector<16xf32>
          %exp3A_2110 = math.exp %min3A_2096 : vector<16xf32>
          %add3A_2111 = arith.constant 1.000000e+00 : f32
          %add3A_2112 = vector.broadcast %add3A_2111 : f32 to vector<16xf32>
          %add3A_2113 = arith.addf %add3A_2112, %exp3A_2110 : vector<16xf32>
          %mul3A_2114 = arith.mulf %add3A_2109, %add3A_2113 : vector<16xf32>
          %mul3A_2115 = arith.mulf %mul3A_2105, %mul3A_2114 : vector<16xf32>
          %div3A_2116 = arith.constant 1.000000e+00 : f32
          %div3A_2117 = vector.broadcast %div3A_2116 : f32 to vector<16xf32>
          %div3A_2118 = arith.divf %div3A_2117, %mul3A_2115 : vector<16xf32>
          %add3A_2119 = arith.addf %scan3A_1816, %div3A_2118 : vector<16xf32>
          %add3A_2120 = arith.addf %mul3A_2105, %mul3A_2114 : vector<16xf32>
          %sub3A_2121 = arith.constant 1.000000e+00 : f32
          %sub3A_2122 = vector.broadcast %sub3A_2121 : f32 to vector<16xf32>
          %sub3A_2123 = arith.subf %add3A_2120, %sub3A_2122 : vector<16xf32>
          %mul3A_2124 = arith.mulf %sub3A_2123, %div3A_2118 : vector<16xf32>
          %add3A_2125 = arith.addf %scan3A_1820, %mul3A_2124 : vector<16xf32>
          scf.yield %add3A_1888, %add3A_1965, %add3A_2042, %add3A_2119, %add3A_1894, %add3A_1971, %add3A_2048, %add3A_2125 : vector<16xf32>, vector<16xf32>, vector<16xf32>, vector<16xf32>, vector<16xf32>, vector<16xf32>, vector<16xf32>, vector<16xf32>
        }
        %scan3A_1811 = arith.constant 8 : i32
        scf.yield %scan3A_1810#0, %scan3A_1810#1, %scan3A_1810#2, %scan3A_1810#3, %scan3A_1810#4, %scan3A_1810#5, %scan3A_1810#6, %scan3A_1810#7 : vector<16xf32>, vector<16xf32>, vector<16xf32>, vector<16xf32>, vector<16xf32>, vector<16xf32>, vector<16xf32>, vector<16xf32>
      }
      %scan3A_1754 = arith.constant 32 : i32
      %add3A_1755 = arith.addf %scan3A_1753#0, %scan3A_1753#1 : vector<16xf32>
      %add3A_1756 = arith.addf %scan3A_1753#2, %scan3A_1753#3 : vector<16xf32>
      %add3A_1757 = arith.addf %add3A_1755, %add3A_1756 : vector<16xf32>
      %add3A_1758 = arith.addf %scan3A_1753#4, %scan3A_1753#5 : vector<16xf32>
      %add3A_1759 = arith.addf %scan3A_1753#6, %scan3A_1753#7 : vector<16xf32>
      %add3A_1760 = arith.addf %add3A_1758, %add3A_1759 : vector<16xf32>
      %add3A_1761 = arith.constant 9.99999971E-10 : f32
      %add3A_1762 = vector.broadcast %add3A_1761 : f32 to vector<16xf32>
      %add3A_1763 = arith.addf %add3A_1760, %add3A_1762 : vector<16xf32>
      %div3A = arith.divf %add3A_1757, %add3A_1763 : vector<16xf32>
      %swap3A_1764 = arith.index_cast %mul3A_153 : i32 to index
      %swap3A_1765 = tpu.vector_load %arg8[%swap3A_1764] {strides = array<i32>} : memref<128xf32, #tpu.memory_space<vmem>>, vector<16xf32>,
      %swap3A_1766 = vector.shape_cast %swap3A_1765 : vector<16xf32> to vector<16xf32>
      %swap3A_1767 = vector.shape_cast %div3A : vector<16xf32> to vector<16xf32>
      tpu.vector_store %arg8[%swap3A_1764], %swap3A_1767 {strides = array<i32>} : memref<128xf32, #tpu.memory_space<vmem>>, vector<16xf32>,
      %scan3A_1768 = arith.constant 0 : i32
      scf.yield %scan3A_1768 : i32
    }
    %scan3A_149 = arith.constant 8 : i32
    "tpu.region"() ({
      %run_scoped3A = tpu.sem_alloc : memref<!tpu.dma_semaphore, #tpu.memory_space<semaphore_mem>>
      %dma_start3A = tpu.memref_slice %arg4[%mul3A_2] : memref<4096xf32, #tpu.memory_space<hbm>> -> memref<128xf32, #tpu.memory_space<hbm>>
      %dma_start3A_150 = tpu.memref_slice %arg4[%mul3A_2] : memref<4096xf32, #tpu.memory_space<hbm>> -> memref<128xf32, #tpu.memory_space<hbm>>
      tpu.enqueue_dma source(%arg8 : memref<128xf32, #tpu.memory_space<vmem>>) target(%dma_start3A_150 : memref<128xf32, #tpu.memory_space<hbm>>) target_semaphore(%run_scoped3A : memref<!tpu.dma_semaphore, #tpu.memory_space<semaphore_mem>>)
      %dma_wait3A = tpu.memref_slice %arg4[%mul3A_2] : memref<4096xf32, #tpu.memory_space<hbm>> -> memref<128xf32, #tpu.memory_space<hbm>>
      %dma_wait3A_151 = tpu.memref_slice %arg4[%mul3A_2] : memref<4096xf32, #tpu.memory_space<hbm>> -> memref<128xf32, #tpu.memory_space<hbm>>
      tpu.wait_dma2 semaphore(%run_scoped3A : memref<!tpu.dma_semaphore, #tpu.memory_space<semaphore_mem>>) src(%arg8 : memref<128xf32, #tpu.memory_space<vmem>>) dst(%dma_wait3A_151 : memref<128xf32, #tpu.memory_space<hbm>>)
      tpu.yield
    }) : () -> ()
    return
  }
}

module attributes {stable_mosaic.version = 14 : i64} {
  func.func @_tc_body(%arg0: i32, %arg1: memref<5x512xf32, #tpu.memory_space<vmem>>, %arg2: memref<5x512xf32, #tpu.memory_space<vmem>>, %arg3: memref<32x1xf32, #tpu.memory_space<vmem>>, %arg4: memref<32x1xf32, #tpu.memory_space<vmem>>, %arg5: memref<1x1x512xf32, #tpu.memory_space<vmem>>) attributes {dimension_semantics = [#tpu.dimension_semantics<arbitrary>], iteration_bounds = array<i64: 32>, scalar_prefetch = 0 : i64, scratch_operands = 0 : i64, tpu.core_type = #tpu.core_type<tc>, window_params = [{transform_indices = @transform_0, window_bounds = array<i64: 5, 512>}, {transform_indices = @transform_1, window_bounds = array<i64: 5, 512>}, {pipeline_mode = #tpu.pipeline_mode<synchronous>, transform_indices = @transform_2, window_bounds = array<i64: 32, 1>}, {pipeline_mode = #tpu.pipeline_mode<synchronous>, transform_indices = @transform_3, window_bounds = array<i64: 32, 1>}, {transform_indices = @transform_4, window_bounds = array<i64: 1, 1, 512>}]} {
    %get3A = arith.constant 0 : index
    %get3A_0 = arith.constant 0 : index
    %get3A_1 = vector.load %arg3[%get3A, %get3A_0] : memref<32x1xf32, #tpu.memory_space<vmem>>, vector<32x1xf32>
    %get3A_2 = arith.constant 0 : index
    %get3A_3 = arith.constant 0 : index
    %get3A_4 = vector.load %arg4[%get3A_2, %get3A_3] : memref<32x1xf32, #tpu.memory_space<vmem>>, vector<32x1xf32>
    %get3A_5 = arith.constant 0 : index
    %get3A_6 = arith.constant 0 : index
    %get3A_7 = vector.load %arg1[%get3A_5, %get3A_6] : memref<5x512xf32, #tpu.memory_space<vmem>>, vector<5x512xf32>
    %slice3A = vector.extract_strided_slice %get3A_7 {offsets = [0, 0], sizes = [1, 512], strides = [1, 1]} : vector<5x512xf32> to vector<1x512xf32>
    %slice3A_8 = vector.extract_strided_slice %get3A_7 {offsets = [1, 0], sizes = [1, 512], strides = [1, 1]} : vector<5x512xf32> to vector<1x512xf32>
    %slice3A_9 = vector.extract_strided_slice %get3A_7 {offsets = [4, 0], sizes = [1, 512], strides = [1, 1]} : vector<5x512xf32> to vector<1x512xf32>
    %cos3A = math.cos %slice3A_9 : vector<1x512xf32>
    %mul3A = arith.constant 14.4269505 : f32
    %mul3A_10 = vector.broadcast %mul3A : f32 to vector<1x512xf32>
    %mul3A_11 = arith.mulf %mul3A_10, %cos3A : vector<1x512xf32>
    %sin3A = math.sin %slice3A_9 : vector<1x512xf32>
    %mul3A_12 = arith.constant 14.4269505 : f32
    %mul3A_13 = vector.broadcast %mul3A_12 : f32 to vector<1x512xf32>
    %mul3A_14 = arith.mulf %mul3A_13, %sin3A : vector<1x512xf32>
    %slice3A_15 = vector.extract_strided_slice %get3A_7 {offsets = [2, 0], sizes = [1, 512], strides = [1, 1]} : vector<5x512xf32> to vector<1x512xf32>
    %mul3A_16 = arith.constant 7.21347522 : f32
    %mul3A_17 = vector.broadcast %mul3A_16 : f32 to vector<1x512xf32>
    %mul3A_18 = arith.mulf %mul3A_17, %slice3A_15 : vector<1x512xf32>
    %slice3A_19 = vector.extract_strided_slice %get3A_7 {offsets = [3, 0], sizes = [1, 512], strides = [1, 1]} : vector<5x512xf32> to vector<1x512xf32>
    %mul3A_20 = arith.constant 7.21347522 : f32
    %mul3A_21 = vector.broadcast %mul3A_20 : f32 to vector<1x512xf32>
    %mul3A_22 = arith.mulf %mul3A_21, %slice3A_19 : vector<1x512xf32>
    %sub3A = vector.broadcast %get3A_1 : vector<32x1xf32> to vector<32x512xf32>
    %sub3A_23 = vector.broadcast %slice3A : vector<1x512xf32> to vector<32x512xf32>
    %sub3A_24 = arith.subf %sub3A, %sub3A_23 : vector<32x512xf32>
    %sub3A_25 = vector.broadcast %get3A_4 : vector<32x1xf32> to vector<32x512xf32>
    %sub3A_26 = vector.broadcast %slice3A_8 : vector<1x512xf32> to vector<32x512xf32>
    %sub3A_27 = arith.subf %sub3A_25, %sub3A_26 : vector<32x512xf32>
    %mul3A_28 = vector.broadcast %mul3A_11 : vector<1x512xf32> to vector<32x512xf32>
    %mul3A_29 = arith.mulf %sub3A_24, %mul3A_28 : vector<32x512xf32>
    %mul3A_30 = vector.broadcast %mul3A_14 : vector<1x512xf32> to vector<32x512xf32>
    %mul3A_31 = arith.mulf %sub3A_24, %mul3A_30 : vector<32x512xf32>
    %mul3A_32 = vector.broadcast %mul3A_14 : vector<1x512xf32> to vector<32x512xf32>
    %mul3A_33 = arith.mulf %sub3A_27, %mul3A_32 : vector<32x512xf32>
    %mul3A_34 = vector.broadcast %mul3A_11 : vector<1x512xf32> to vector<32x512xf32>
    %mul3A_35 = arith.mulf %sub3A_27, %mul3A_34 : vector<32x512xf32>
    %get3A_36 = arith.constant 0 : index
    %get3A_37 = arith.constant 0 : index
    %get3A_38 = vector.load %arg2[%get3A_36, %get3A_37] : memref<5x512xf32, #tpu.memory_space<vmem>>, vector<5x512xf32>
    %slice3A_39 = vector.extract_strided_slice %get3A_38 {offsets = [0, 0], sizes = [1, 512], strides = [1, 1]} : vector<5x512xf32> to vector<1x512xf32>
    %slice3A_40 = vector.extract_strided_slice %get3A_38 {offsets = [1, 0], sizes = [1, 512], strides = [1, 1]} : vector<5x512xf32> to vector<1x512xf32>
    %slice3A_41 = vector.extract_strided_slice %get3A_38 {offsets = [4, 0], sizes = [1, 512], strides = [1, 1]} : vector<5x512xf32> to vector<1x512xf32>
    %cos3A_42 = math.cos %slice3A_41 : vector<1x512xf32>
    %mul3A_43 = arith.constant 14.4269505 : f32
    %mul3A_44 = vector.broadcast %mul3A_43 : f32 to vector<1x512xf32>
    %mul3A_45 = arith.mulf %mul3A_44, %cos3A_42 : vector<1x512xf32>
    %sin3A_46 = math.sin %slice3A_41 : vector<1x512xf32>
    %mul3A_47 = arith.constant 14.4269505 : f32
    %mul3A_48 = vector.broadcast %mul3A_47 : f32 to vector<1x512xf32>
    %mul3A_49 = arith.mulf %mul3A_48, %sin3A_46 : vector<1x512xf32>
    %slice3A_50 = vector.extract_strided_slice %get3A_38 {offsets = [2, 0], sizes = [1, 512], strides = [1, 1]} : vector<5x512xf32> to vector<1x512xf32>
    %mul3A_51 = arith.constant 7.21347522 : f32
    %mul3A_52 = vector.broadcast %mul3A_51 : f32 to vector<1x512xf32>
    %mul3A_53 = arith.mulf %mul3A_52, %slice3A_50 : vector<1x512xf32>
    %slice3A_54 = vector.extract_strided_slice %get3A_38 {offsets = [3, 0], sizes = [1, 512], strides = [1, 1]} : vector<5x512xf32> to vector<1x512xf32>
    %mul3A_55 = arith.constant 7.21347522 : f32
    %mul3A_56 = vector.broadcast %mul3A_55 : f32 to vector<1x512xf32>
    %mul3A_57 = arith.mulf %mul3A_56, %slice3A_54 : vector<1x512xf32>
    %sub3A_58 = vector.broadcast %get3A_1 : vector<32x1xf32> to vector<32x512xf32>
    %sub3A_59 = vector.broadcast %slice3A_39 : vector<1x512xf32> to vector<32x512xf32>
    %sub3A_60 = arith.subf %sub3A_58, %sub3A_59 : vector<32x512xf32>
    %sub3A_61 = vector.broadcast %get3A_4 : vector<32x1xf32> to vector<32x512xf32>
    %sub3A_62 = vector.broadcast %slice3A_40 : vector<1x512xf32> to vector<32x512xf32>
    %sub3A_63 = arith.subf %sub3A_61, %sub3A_62 : vector<32x512xf32>
    %mul3A_64 = vector.broadcast %mul3A_45 : vector<1x512xf32> to vector<32x512xf32>
    %mul3A_65 = arith.mulf %sub3A_60, %mul3A_64 : vector<32x512xf32>
    %mul3A_66 = vector.broadcast %mul3A_49 : vector<1x512xf32> to vector<32x512xf32>
    %mul3A_67 = arith.mulf %sub3A_60, %mul3A_66 : vector<32x512xf32>
    %mul3A_68 = vector.broadcast %mul3A_49 : vector<1x512xf32> to vector<32x512xf32>
    %mul3A_69 = arith.mulf %sub3A_63, %mul3A_68 : vector<32x512xf32>
    %mul3A_70 = vector.broadcast %mul3A_45 : vector<1x512xf32> to vector<32x512xf32>
    %mul3A_71 = arith.mulf %sub3A_63, %mul3A_70 : vector<32x512xf32>
    %broadcast_in_dim3A = arith.constant 0.000000e+00 : f32
    %broadcast_in_dim3A_72 = vector.broadcast %broadcast_in_dim3A : f32 to vector<32x512xf32>
    %broadcast_in_dim3A_73 = arith.constant 0.000000e+00 : f32
    %broadcast_in_dim3A_74 = vector.broadcast %broadcast_in_dim3A_73 : f32 to vector<32x512xf32>
    %slice3A_75 = vector.extract_strided_slice %mul3A_29 {offsets = [0, 0], sizes = [1, 512], strides = [1, 1]} : vector<32x512xf32> to vector<1x512xf32>
    %add3A = vector.broadcast %slice3A_75 : vector<1x512xf32> to vector<32x512xf32>
    %add3A_76 = arith.addf %add3A, %mul3A_33 : vector<32x512xf32>
    %abs3A = math.absf %add3A_76 : vector<32x512xf32>
    %sub3A_77 = vector.broadcast %mul3A_18 : vector<1x512xf32> to vector<32x512xf32>
    %sub3A_78 = arith.subf %abs3A, %sub3A_77 : vector<32x512xf32>
    %slice3A_79 = vector.extract_strided_slice %mul3A_31 {offsets = [0, 0], sizes = [1, 512], strides = [1, 1]} : vector<32x512xf32> to vector<1x512xf32>
    %sub3A_80 = vector.broadcast %slice3A_79 : vector<1x512xf32> to vector<32x512xf32>
    %sub3A_81 = arith.subf %mul3A_35, %sub3A_80 : vector<32x512xf32>
    %abs3A_82 = math.absf %sub3A_81 : vector<32x512xf32>
    %sub3A_83 = vector.broadcast %mul3A_22 : vector<1x512xf32> to vector<32x512xf32>
    %sub3A_84 = arith.subf %abs3A_82, %sub3A_83 : vector<32x512xf32>
    %slice3A_85 = vector.extract_strided_slice %mul3A_65 {offsets = [0, 0], sizes = [1, 512], strides = [1, 1]} : vector<32x512xf32> to vector<1x512xf32>
    %add3A_86 = vector.broadcast %slice3A_85 : vector<1x512xf32> to vector<32x512xf32>
    %add3A_87 = arith.addf %add3A_86, %mul3A_69 : vector<32x512xf32>
    %abs3A_88 = math.absf %add3A_87 : vector<32x512xf32>
    %sub3A_89 = vector.broadcast %mul3A_53 : vector<1x512xf32> to vector<32x512xf32>
    %sub3A_90 = arith.subf %abs3A_88, %sub3A_89 : vector<32x512xf32>
    %slice3A_91 = vector.extract_strided_slice %mul3A_67 {offsets = [0, 0], sizes = [1, 512], strides = [1, 1]} : vector<32x512xf32> to vector<1x512xf32>
    %sub3A_92 = vector.broadcast %slice3A_91 : vector<1x512xf32> to vector<32x512xf32>
    %sub3A_93 = arith.subf %mul3A_71, %sub3A_92 : vector<32x512xf32>
    %abs3A_94 = math.absf %sub3A_93 : vector<32x512xf32>
    %sub3A_95 = vector.broadcast %mul3A_57 : vector<1x512xf32> to vector<32x512xf32>
    %sub3A_96 = arith.subf %abs3A_94, %sub3A_95 : vector<32x512xf32>
    %min3A = arith.constant 2.900000e+01 : f32
    %min3A_97 = vector.broadcast %min3A : f32 to vector<32x512xf32>
    %min3A_98 = arith.minimumf %sub3A_78, %min3A_97 : vector<32x512xf32>
    %exp23A = math.exp2 %min3A_98 : vector<32x512xf32>
    %add3A_99 = arith.constant 1.000000e+00 : f32
    %add3A_100 = vector.broadcast %add3A_99 : f32 to vector<32x512xf32>
    %add3A_101 = arith.addf %add3A_100, %exp23A : vector<32x512xf32>
    %min3A_102 = arith.constant 2.900000e+01 : f32
    %min3A_103 = vector.broadcast %min3A_102 : f32 to vector<32x512xf32>
    %min3A_104 = arith.minimumf %sub3A_84, %min3A_103 : vector<32x512xf32>
    %exp23A_105 = math.exp2 %min3A_104 : vector<32x512xf32>
    %add3A_106 = arith.constant 1.000000e+00 : f32
    %add3A_107 = vector.broadcast %add3A_106 : f32 to vector<32x512xf32>
    %add3A_108 = arith.addf %add3A_107, %exp23A_105 : vector<32x512xf32>
    %mul3A_109 = arith.mulf %add3A_101, %add3A_108 : vector<32x512xf32>
    %min3A_110 = arith.constant 2.900000e+01 : f32
    %min3A_111 = vector.broadcast %min3A_110 : f32 to vector<32x512xf32>
    %min3A_112 = arith.minimumf %sub3A_90, %min3A_111 : vector<32x512xf32>
    %exp23A_113 = math.exp2 %min3A_112 : vector<32x512xf32>
    %add3A_114 = arith.constant 1.000000e+00 : f32
    %add3A_115 = vector.broadcast %add3A_114 : f32 to vector<32x512xf32>
    %add3A_116 = arith.addf %add3A_115, %exp23A_113 : vector<32x512xf32>
    %min3A_117 = arith.constant 2.900000e+01 : f32
    %min3A_118 = vector.broadcast %min3A_117 : f32 to vector<32x512xf32>
    %min3A_119 = arith.minimumf %sub3A_96, %min3A_118 : vector<32x512xf32>
    %exp23A_120 = math.exp2 %min3A_119 : vector<32x512xf32>
    %add3A_121 = arith.constant 1.000000e+00 : f32
    %add3A_122 = vector.broadcast %add3A_121 : f32 to vector<32x512xf32>
    %add3A_123 = arith.addf %add3A_122, %exp23A_120 : vector<32x512xf32>
    %mul3A_124 = arith.mulf %add3A_116, %add3A_123 : vector<32x512xf32>
    %mul3A_125 = arith.mulf %mul3A_109, %mul3A_124 : vector<32x512xf32>
    %div3A = arith.constant 1.000000e+00 : f32
    %div3A_126 = vector.broadcast %div3A : f32 to vector<32x512xf32>
    %div3A_127 = arith.divf %div3A_126, %mul3A_125 : vector<32x512xf32>
    %add3A_128 = arith.addf %broadcast_in_dim3A_72, %div3A_127 : vector<32x512xf32>
    %add3A_129 = arith.addf %mul3A_109, %mul3A_124 : vector<32x512xf32>
    %sub3A_130 = arith.constant 1.000000e+00 : f32
    %sub3A_131 = vector.broadcast %sub3A_130 : f32 to vector<32x512xf32>
    %sub3A_132 = arith.subf %add3A_129, %sub3A_131 : vector<32x512xf32>
    %mul3A_133 = arith.mulf %sub3A_132, %div3A_127 : vector<32x512xf32>
    %add3A_134 = arith.addf %broadcast_in_dim3A_74, %mul3A_133 : vector<32x512xf32>
    %slice3A_135 = vector.extract_strided_slice %mul3A_29 {offsets = [1, 0], sizes = [1, 512], strides = [1, 1]} : vector<32x512xf32> to vector<1x512xf32>
    %add3A_136 = vector.broadcast %slice3A_135 : vector<1x512xf32> to vector<32x512xf32>
    %add3A_137 = arith.addf %add3A_136, %mul3A_33 : vector<32x512xf32>
    %abs3A_138 = math.absf %add3A_137 : vector<32x512xf32>
    %sub3A_139 = vector.broadcast %mul3A_18 : vector<1x512xf32> to vector<32x512xf32>
    %sub3A_140 = arith.subf %abs3A_138, %sub3A_139 : vector<32x512xf32>
    %slice3A_141 = vector.extract_strided_slice %mul3A_31 {offsets = [1, 0], sizes = [1, 512], strides = [1, 1]} : vector<32x512xf32> to vector<1x512xf32>
    %sub3A_142 = vector.broadcast %slice3A_141 : vector<1x512xf32> to vector<32x512xf32>
    %sub3A_143 = arith.subf %mul3A_35, %sub3A_142 : vector<32x512xf32>
    %abs3A_144 = math.absf %sub3A_143 : vector<32x512xf32>
    %sub3A_145 = vector.broadcast %mul3A_22 : vector<1x512xf32> to vector<32x512xf32>
    %sub3A_146 = arith.subf %abs3A_144, %sub3A_145 : vector<32x512xf32>
    %slice3A_147 = vector.extract_strided_slice %mul3A_65 {offsets = [1, 0], sizes = [1, 512], strides = [1, 1]} : vector<32x512xf32> to vector<1x512xf32>
    %add3A_148 = vector.broadcast %slice3A_147 : vector<1x512xf32> to vector<32x512xf32>
    %add3A_149 = arith.addf %add3A_148, %mul3A_69 : vector<32x512xf32>
    %abs3A_150 = math.absf %add3A_149 : vector<32x512xf32>
    %sub3A_151 = vector.broadcast %mul3A_53 : vector<1x512xf32> to vector<32x512xf32>
    %sub3A_152 = arith.subf %abs3A_150, %sub3A_151 : vector<32x512xf32>
    %slice3A_153 = vector.extract_strided_slice %mul3A_67 {offsets = [1, 0], sizes = [1, 512], strides = [1, 1]} : vector<32x512xf32> to vector<1x512xf32>
    %sub3A_154 = vector.broadcast %slice3A_153 : vector<1x512xf32> to vector<32x512xf32>
    %sub3A_155 = arith.subf %mul3A_71, %sub3A_154 : vector<32x512xf32>
    %abs3A_156 = math.absf %sub3A_155 : vector<32x512xf32>
    %sub3A_157 = vector.broadcast %mul3A_57 : vector<1x512xf32> to vector<32x512xf32>
    %sub3A_158 = arith.subf %abs3A_156, %sub3A_157 : vector<32x512xf32>
    %min3A_159 = arith.constant 2.900000e+01 : f32
    %min3A_160 = vector.broadcast %min3A_159 : f32 to vector<32x512xf32>
    %min3A_161 = arith.minimumf %sub3A_140, %min3A_160 : vector<32x512xf32>
    %exp23A_162 = math.exp2 %min3A_161 : vector<32x512xf32>
    %add3A_163 = arith.constant 1.000000e+00 : f32
    %add3A_164 = vector.broadcast %add3A_163 : f32 to vector<32x512xf32>
    %add3A_165 = arith.addf %add3A_164, %exp23A_162 : vector<32x512xf32>
    %min3A_166 = arith.constant 2.900000e+01 : f32
    %min3A_167 = vector.broadcast %min3A_166 : f32 to vector<32x512xf32>
    %min3A_168 = arith.minimumf %sub3A_146, %min3A_167 : vector<32x512xf32>
    %exp23A_169 = math.exp2 %min3A_168 : vector<32x512xf32>
    %add3A_170 = arith.constant 1.000000e+00 : f32
    %add3A_171 = vector.broadcast %add3A_170 : f32 to vector<32x512xf32>
    %add3A_172 = arith.addf %add3A_171, %exp23A_169 : vector<32x512xf32>
    %mul3A_173 = arith.mulf %add3A_165, %add3A_172 : vector<32x512xf32>
    %min3A_174 = arith.constant 2.900000e+01 : f32
    %min3A_175 = vector.broadcast %min3A_174 : f32 to vector<32x512xf32>
    %min3A_176 = arith.minimumf %sub3A_152, %min3A_175 : vector<32x512xf32>
    %exp23A_177 = math.exp2 %min3A_176 : vector<32x512xf32>
    %add3A_178 = arith.constant 1.000000e+00 : f32
    %add3A_179 = vector.broadcast %add3A_178 : f32 to vector<32x512xf32>
    %add3A_180 = arith.addf %add3A_179, %exp23A_177 : vector<32x512xf32>
    %min3A_181 = arith.constant 2.900000e+01 : f32
    %min3A_182 = vector.broadcast %min3A_181 : f32 to vector<32x512xf32>
    %min3A_183 = arith.minimumf %sub3A_158, %min3A_182 : vector<32x512xf32>
    %exp23A_184 = math.exp2 %min3A_183 : vector<32x512xf32>
    %add3A_185 = arith.constant 1.000000e+00 : f32
    %add3A_186 = vector.broadcast %add3A_185 : f32 to vector<32x512xf32>
    %add3A_187 = arith.addf %add3A_186, %exp23A_184 : vector<32x512xf32>
    %mul3A_188 = arith.mulf %add3A_180, %add3A_187 : vector<32x512xf32>
    %mul3A_189 = arith.mulf %mul3A_173, %mul3A_188 : vector<32x512xf32>
    %div3A_190 = arith.constant 1.000000e+00 : f32
    %div3A_191 = vector.broadcast %div3A_190 : f32 to vector<32x512xf32>
    %div3A_192 = arith.divf %div3A_191, %mul3A_189 : vector<32x512xf32>
    %add3A_193 = arith.addf %add3A_128, %div3A_192 : vector<32x512xf32>
    %add3A_194 = arith.addf %mul3A_173, %mul3A_188 : vector<32x512xf32>
    %sub3A_195 = arith.constant 1.000000e+00 : f32
    %sub3A_196 = vector.broadcast %sub3A_195 : f32 to vector<32x512xf32>
    %sub3A_197 = arith.subf %add3A_194, %sub3A_196 : vector<32x512xf32>
    %mul3A_198 = arith.mulf %sub3A_197, %div3A_192 : vector<32x512xf32>
    %add3A_199 = arith.addf %add3A_134, %mul3A_198 : vector<32x512xf32>
    %slice3A_200 = vector.extract_strided_slice %mul3A_29 {offsets = [2, 0], sizes = [1, 512], strides = [1, 1]} : vector<32x512xf32> to vector<1x512xf32>
    %add3A_201 = vector.broadcast %slice3A_200 : vector<1x512xf32> to vector<32x512xf32>
    %add3A_202 = arith.addf %add3A_201, %mul3A_33 : vector<32x512xf32>
    %abs3A_203 = math.absf %add3A_202 : vector<32x512xf32>
    %sub3A_204 = vector.broadcast %mul3A_18 : vector<1x512xf32> to vector<32x512xf32>
    %sub3A_205 = arith.subf %abs3A_203, %sub3A_204 : vector<32x512xf32>
    %slice3A_206 = vector.extract_strided_slice %mul3A_31 {offsets = [2, 0], sizes = [1, 512], strides = [1, 1]} : vector<32x512xf32> to vector<1x512xf32>
    %sub3A_207 = vector.broadcast %slice3A_206 : vector<1x512xf32> to vector<32x512xf32>
    %sub3A_208 = arith.subf %mul3A_35, %sub3A_207 : vector<32x512xf32>
    %abs3A_209 = math.absf %sub3A_208 : vector<32x512xf32>
    %sub3A_210 = vector.broadcast %mul3A_22 : vector<1x512xf32> to vector<32x512xf32>
    %sub3A_211 = arith.subf %abs3A_209, %sub3A_210 : vector<32x512xf32>
    %slice3A_212 = vector.extract_strided_slice %mul3A_65 {offsets = [2, 0], sizes = [1, 512], strides = [1, 1]} : vector<32x512xf32> to vector<1x512xf32>
    %add3A_213 = vector.broadcast %slice3A_212 : vector<1x512xf32> to vector<32x512xf32>
    %add3A_214 = arith.addf %add3A_213, %mul3A_69 : vector<32x512xf32>
    %abs3A_215 = math.absf %add3A_214 : vector<32x512xf32>
    %sub3A_216 = vector.broadcast %mul3A_53 : vector<1x512xf32> to vector<32x512xf32>
    %sub3A_217 = arith.subf %abs3A_215, %sub3A_216 : vector<32x512xf32>
    %slice3A_218 = vector.extract_strided_slice %mul3A_67 {offsets = [2, 0], sizes = [1, 512], strides = [1, 1]} : vector<32x512xf32> to vector<1x512xf32>
    %sub3A_219 = vector.broadcast %slice3A_218 : vector<1x512xf32> to vector<32x512xf32>
    %sub3A_220 = arith.subf %mul3A_71, %sub3A_219 : vector<32x512xf32>
    %abs3A_221 = math.absf %sub3A_220 : vector<32x512xf32>
    %sub3A_222 = vector.broadcast %mul3A_57 : vector<1x512xf32> to vector<32x512xf32>
    %sub3A_223 = arith.subf %abs3A_221, %sub3A_222 : vector<32x512xf32>
    %min3A_224 = arith.constant 2.900000e+01 : f32
    %min3A_225 = vector.broadcast %min3A_224 : f32 to vector<32x512xf32>
    %min3A_226 = arith.minimumf %sub3A_205, %min3A_225 : vector<32x512xf32>
    %exp23A_227 = math.exp2 %min3A_226 : vector<32x512xf32>
    %add3A_228 = arith.constant 1.000000e+00 : f32
    %add3A_229 = vector.broadcast %add3A_228 : f32 to vector<32x512xf32>
    %add3A_230 = arith.addf %add3A_229, %exp23A_227 : vector<32x512xf32>
    %min3A_231 = arith.constant 2.900000e+01 : f32
    %min3A_232 = vector.broadcast %min3A_231 : f32 to vector<32x512xf32>
    %min3A_233 = arith.minimumf %sub3A_211, %min3A_232 : vector<32x512xf32>
    %exp23A_234 = math.exp2 %min3A_233 : vector<32x512xf32>
    %add3A_235 = arith.constant 1.000000e+00 : f32
    %add3A_236 = vector.broadcast %add3A_235 : f32 to vector<32x512xf32>
    %add3A_237 = arith.addf %add3A_236, %exp23A_234 : vector<32x512xf32>
    %mul3A_238 = arith.mulf %add3A_230, %add3A_237 : vector<32x512xf32>
    %min3A_239 = arith.constant 2.900000e+01 : f32
    %min3A_240 = vector.broadcast %min3A_239 : f32 to vector<32x512xf32>
    %min3A_241 = arith.minimumf %sub3A_217, %min3A_240 : vector<32x512xf32>
    %exp23A_242 = math.exp2 %min3A_241 : vector<32x512xf32>
    %add3A_243 = arith.constant 1.000000e+00 : f32
    %add3A_244 = vector.broadcast %add3A_243 : f32 to vector<32x512xf32>
    %add3A_245 = arith.addf %add3A_244, %exp23A_242 : vector<32x512xf32>
    %min3A_246 = arith.constant 2.900000e+01 : f32
    %min3A_247 = vector.broadcast %min3A_246 : f32 to vector<32x512xf32>
    %min3A_248 = arith.minimumf %sub3A_223, %min3A_247 : vector<32x512xf32>
    %exp23A_249 = math.exp2 %min3A_248 : vector<32x512xf32>
    %add3A_250 = arith.constant 1.000000e+00 : f32
    %add3A_251 = vector.broadcast %add3A_250 : f32 to vector<32x512xf32>
    %add3A_252 = arith.addf %add3A_251, %exp23A_249 : vector<32x512xf32>
    %mul3A_253 = arith.mulf %add3A_245, %add3A_252 : vector<32x512xf32>
    %mul3A_254 = arith.mulf %mul3A_238, %mul3A_253 : vector<32x512xf32>
    %div3A_255 = arith.constant 1.000000e+00 : f32
    %div3A_256 = vector.broadcast %div3A_255 : f32 to vector<32x512xf32>
    %div3A_257 = arith.divf %div3A_256, %mul3A_254 : vector<32x512xf32>
    %add3A_258 = arith.addf %add3A_193, %div3A_257 : vector<32x512xf32>
    %add3A_259 = arith.addf %mul3A_238, %mul3A_253 : vector<32x512xf32>
    %sub3A_260 = arith.constant 1.000000e+00 : f32
    %sub3A_261 = vector.broadcast %sub3A_260 : f32 to vector<32x512xf32>
    %sub3A_262 = arith.subf %add3A_259, %sub3A_261 : vector<32x512xf32>
    %mul3A_263 = arith.mulf %sub3A_262, %div3A_257 : vector<32x512xf32>
    %add3A_264 = arith.addf %add3A_199, %mul3A_263 : vector<32x512xf32>
    %slice3A_265 = vector.extract_strided_slice %mul3A_29 {offsets = [3, 0], sizes = [1, 512], strides = [1, 1]} : vector<32x512xf32> to vector<1x512xf32>
    %add3A_266 = vector.broadcast %slice3A_265 : vector<1x512xf32> to vector<32x512xf32>
    %add3A_267 = arith.addf %add3A_266, %mul3A_33 : vector<32x512xf32>
    %abs3A_268 = math.absf %add3A_267 : vector<32x512xf32>
    %sub3A_269 = vector.broadcast %mul3A_18 : vector<1x512xf32> to vector<32x512xf32>
    %sub3A_270 = arith.subf %abs3A_268, %sub3A_269 : vector<32x512xf32>
    %slice3A_271 = vector.extract_strided_slice %mul3A_31 {offsets = [3, 0], sizes = [1, 512], strides = [1, 1]} : vector<32x512xf32> to vector<1x512xf32>
    %sub3A_272 = vector.broadcast %slice3A_271 : vector<1x512xf32> to vector<32x512xf32>
    %sub3A_273 = arith.subf %mul3A_35, %sub3A_272 : vector<32x512xf32>
    %abs3A_274 = math.absf %sub3A_273 : vector<32x512xf32>
    %sub3A_275 = vector.broadcast %mul3A_22 : vector<1x512xf32> to vector<32x512xf32>
    %sub3A_276 = arith.subf %abs3A_274, %sub3A_275 : vector<32x512xf32>
    %slice3A_277 = vector.extract_strided_slice %mul3A_65 {offsets = [3, 0], sizes = [1, 512], strides = [1, 1]} : vector<32x512xf32> to vector<1x512xf32>
    %add3A_278 = vector.broadcast %slice3A_277 : vector<1x512xf32> to vector<32x512xf32>
    %add3A_279 = arith.addf %add3A_278, %mul3A_69 : vector<32x512xf32>
    %abs3A_280 = math.absf %add3A_279 : vector<32x512xf32>
    %sub3A_281 = vector.broadcast %mul3A_53 : vector<1x512xf32> to vector<32x512xf32>
    %sub3A_282 = arith.subf %abs3A_280, %sub3A_281 : vector<32x512xf32>
    %slice3A_283 = vector.extract_strided_slice %mul3A_67 {offsets = [3, 0], sizes = [1, 512], strides = [1, 1]} : vector<32x512xf32> to vector<1x512xf32>
    %sub3A_284 = vector.broadcast %slice3A_283 : vector<1x512xf32> to vector<32x512xf32>
    %sub3A_285 = arith.subf %mul3A_71, %sub3A_284 : vector<32x512xf32>
    %abs3A_286 = math.absf %sub3A_285 : vector<32x512xf32>
    %sub3A_287 = vector.broadcast %mul3A_57 : vector<1x512xf32> to vector<32x512xf32>
    %sub3A_288 = arith.subf %abs3A_286, %sub3A_287 : vector<32x512xf32>
    %min3A_289 = arith.constant 2.900000e+01 : f32
    %min3A_290 = vector.broadcast %min3A_289 : f32 to vector<32x512xf32>
    %min3A_291 = arith.minimumf %sub3A_270, %min3A_290 : vector<32x512xf32>
    %exp23A_292 = math.exp2 %min3A_291 : vector<32x512xf32>
    %add3A_293 = arith.constant 1.000000e+00 : f32
    %add3A_294 = vector.broadcast %add3A_293 : f32 to vector<32x512xf32>
    %add3A_295 = arith.addf %add3A_294, %exp23A_292 : vector<32x512xf32>
    %min3A_296 = arith.constant 2.900000e+01 : f32
    %min3A_297 = vector.broadcast %min3A_296 : f32 to vector<32x512xf32>
    %min3A_298 = arith.minimumf %sub3A_276, %min3A_297 : vector<32x512xf32>
    %exp23A_299 = math.exp2 %min3A_298 : vector<32x512xf32>
    %add3A_300 = arith.constant 1.000000e+00 : f32
    %add3A_301 = vector.broadcast %add3A_300 : f32 to vector<32x512xf32>
    %add3A_302 = arith.addf %add3A_301, %exp23A_299 : vector<32x512xf32>
    %mul3A_303 = arith.mulf %add3A_295, %add3A_302 : vector<32x512xf32>
    %min3A_304 = arith.constant 2.900000e+01 : f32
    %min3A_305 = vector.broadcast %min3A_304 : f32 to vector<32x512xf32>
    %min3A_306 = arith.minimumf %sub3A_282, %min3A_305 : vector<32x512xf32>
    %exp23A_307 = math.exp2 %min3A_306 : vector<32x512xf32>
    %add3A_308 = arith.constant 1.000000e+00 : f32
    %add3A_309 = vector.broadcast %add3A_308 : f32 to vector<32x512xf32>
    %add3A_310 = arith.addf %add3A_309, %exp23A_307 : vector<32x512xf32>
    %min3A_311 = arith.constant 2.900000e+01 : f32
    %min3A_312 = vector.broadcast %min3A_311 : f32 to vector<32x512xf32>
    %min3A_313 = arith.minimumf %sub3A_288, %min3A_312 : vector<32x512xf32>
    %exp23A_314 = math.exp2 %min3A_313 : vector<32x512xf32>
    %add3A_315 = arith.constant 1.000000e+00 : f32
    %add3A_316 = vector.broadcast %add3A_315 : f32 to vector<32x512xf32>
    %add3A_317 = arith.addf %add3A_316, %exp23A_314 : vector<32x512xf32>
    %mul3A_318 = arith.mulf %add3A_310, %add3A_317 : vector<32x512xf32>
    %mul3A_319 = arith.mulf %mul3A_303, %mul3A_318 : vector<32x512xf32>
    %div3A_320 = arith.constant 1.000000e+00 : f32
    %div3A_321 = vector.broadcast %div3A_320 : f32 to vector<32x512xf32>
    %div3A_322 = arith.divf %div3A_321, %mul3A_319 : vector<32x512xf32>
    %add3A_323 = arith.addf %add3A_258, %div3A_322 : vector<32x512xf32>
    %add3A_324 = arith.addf %mul3A_303, %mul3A_318 : vector<32x512xf32>
    %sub3A_325 = arith.constant 1.000000e+00 : f32
    %sub3A_326 = vector.broadcast %sub3A_325 : f32 to vector<32x512xf32>
    %sub3A_327 = arith.subf %add3A_324, %sub3A_326 : vector<32x512xf32>
    %mul3A_328 = arith.mulf %sub3A_327, %div3A_322 : vector<32x512xf32>
    %add3A_329 = arith.addf %add3A_264, %mul3A_328 : vector<32x512xf32>
    %slice3A_330 = vector.extract_strided_slice %mul3A_29 {offsets = [4, 0], sizes = [1, 512], strides = [1, 1]} : vector<32x512xf32> to vector<1x512xf32>
    %add3A_331 = vector.broadcast %slice3A_330 : vector<1x512xf32> to vector<32x512xf32>
    %add3A_332 = arith.addf %add3A_331, %mul3A_33 : vector<32x512xf32>
    %abs3A_333 = math.absf %add3A_332 : vector<32x512xf32>
    %sub3A_334 = vector.broadcast %mul3A_18 : vector<1x512xf32> to vector<32x512xf32>
    %sub3A_335 = arith.subf %abs3A_333, %sub3A_334 : vector<32x512xf32>
    %slice3A_336 = vector.extract_strided_slice %mul3A_31 {offsets = [4, 0], sizes = [1, 512], strides = [1, 1]} : vector<32x512xf32> to vector<1x512xf32>
    %sub3A_337 = vector.broadcast %slice3A_336 : vector<1x512xf32> to vector<32x512xf32>
    %sub3A_338 = arith.subf %mul3A_35, %sub3A_337 : vector<32x512xf32>
    %abs3A_339 = math.absf %sub3A_338 : vector<32x512xf32>
    %sub3A_340 = vector.broadcast %mul3A_22 : vector<1x512xf32> to vector<32x512xf32>
    %sub3A_341 = arith.subf %abs3A_339, %sub3A_340 : vector<32x512xf32>
    %slice3A_342 = vector.extract_strided_slice %mul3A_65 {offsets = [4, 0], sizes = [1, 512], strides = [1, 1]} : vector<32x512xf32> to vector<1x512xf32>
    %add3A_343 = vector.broadcast %slice3A_342 : vector<1x512xf32> to vector<32x512xf32>
    %add3A_344 = arith.addf %add3A_343, %mul3A_69 : vector<32x512xf32>
    %abs3A_345 = math.absf %add3A_344 : vector<32x512xf32>
    %sub3A_346 = vector.broadcast %mul3A_53 : vector<1x512xf32> to vector<32x512xf32>
    %sub3A_347 = arith.subf %abs3A_345, %sub3A_346 : vector<32x512xf32>
    %slice3A_348 = vector.extract_strided_slice %mul3A_67 {offsets = [4, 0], sizes = [1, 512], strides = [1, 1]} : vector<32x512xf32> to vector<1x512xf32>
    %sub3A_349 = vector.broadcast %slice3A_348 : vector<1x512xf32> to vector<32x512xf32>
    %sub3A_350 = arith.subf %mul3A_71, %sub3A_349 : vector<32x512xf32>
    %abs3A_351 = math.absf %sub3A_350 : vector<32x512xf32>
    %sub3A_352 = vector.broadcast %mul3A_57 : vector<1x512xf32> to vector<32x512xf32>
    %sub3A_353 = arith.subf %abs3A_351, %sub3A_352 : vector<32x512xf32>
    %min3A_354 = arith.constant 2.900000e+01 : f32
    %min3A_355 = vector.broadcast %min3A_354 : f32 to vector<32x512xf32>
    %min3A_356 = arith.minimumf %sub3A_335, %min3A_355 : vector<32x512xf32>
    %exp23A_357 = math.exp2 %min3A_356 : vector<32x512xf32>
    %add3A_358 = arith.constant 1.000000e+00 : f32
    %add3A_359 = vector.broadcast %add3A_358 : f32 to vector<32x512xf32>
    %add3A_360 = arith.addf %add3A_359, %exp23A_357 : vector<32x512xf32>
    %min3A_361 = arith.constant 2.900000e+01 : f32
    %min3A_362 = vector.broadcast %min3A_361 : f32 to vector<32x512xf32>
    %min3A_363 = arith.minimumf %sub3A_341, %min3A_362 : vector<32x512xf32>
    %exp23A_364 = math.exp2 %min3A_363 : vector<32x512xf32>
    %add3A_365 = arith.constant 1.000000e+00 : f32
    %add3A_366 = vector.broadcast %add3A_365 : f32 to vector<32x512xf32>
    %add3A_367 = arith.addf %add3A_366, %exp23A_364 : vector<32x512xf32>
    %mul3A_368 = arith.mulf %add3A_360, %add3A_367 : vector<32x512xf32>
    %min3A_369 = arith.constant 2.900000e+01 : f32
    %min3A_370 = vector.broadcast %min3A_369 : f32 to vector<32x512xf32>
    %min3A_371 = arith.minimumf %sub3A_347, %min3A_370 : vector<32x512xf32>
    %exp23A_372 = math.exp2 %min3A_371 : vector<32x512xf32>
    %add3A_373 = arith.constant 1.000000e+00 : f32
    %add3A_374 = vector.broadcast %add3A_373 : f32 to vector<32x512xf32>
    %add3A_375 = arith.addf %add3A_374, %exp23A_372 : vector<32x512xf32>
    %min3A_376 = arith.constant 2.900000e+01 : f32
    %min3A_377 = vector.broadcast %min3A_376 : f32 to vector<32x512xf32>
    %min3A_378 = arith.minimumf %sub3A_353, %min3A_377 : vector<32x512xf32>
    %exp23A_379 = math.exp2 %min3A_378 : vector<32x512xf32>
    %add3A_380 = arith.constant 1.000000e+00 : f32
    %add3A_381 = vector.broadcast %add3A_380 : f32 to vector<32x512xf32>
    %add3A_382 = arith.addf %add3A_381, %exp23A_379 : vector<32x512xf32>
    %mul3A_383 = arith.mulf %add3A_375, %add3A_382 : vector<32x512xf32>
    %mul3A_384 = arith.mulf %mul3A_368, %mul3A_383 : vector<32x512xf32>
    %div3A_385 = arith.constant 1.000000e+00 : f32
    %div3A_386 = vector.broadcast %div3A_385 : f32 to vector<32x512xf32>
    %div3A_387 = arith.divf %div3A_386, %mul3A_384 : vector<32x512xf32>
    %add3A_388 = arith.addf %add3A_323, %div3A_387 : vector<32x512xf32>
    %add3A_389 = arith.addf %mul3A_368, %mul3A_383 : vector<32x512xf32>
    %sub3A_390 = arith.constant 1.000000e+00 : f32
    %sub3A_391 = vector.broadcast %sub3A_390 : f32 to vector<32x512xf32>
    %sub3A_392 = arith.subf %add3A_389, %sub3A_391 : vector<32x512xf32>
    %mul3A_393 = arith.mulf %sub3A_392, %div3A_387 : vector<32x512xf32>
    %add3A_394 = arith.addf %add3A_329, %mul3A_393 : vector<32x512xf32>
    %slice3A_395 = vector.extract_strided_slice %mul3A_29 {offsets = [5, 0], sizes = [1, 512], strides = [1, 1]} : vector<32x512xf32> to vector<1x512xf32>
    %add3A_396 = vector.broadcast %slice3A_395 : vector<1x512xf32> to vector<32x512xf32>
    %add3A_397 = arith.addf %add3A_396, %mul3A_33 : vector<32x512xf32>
    %abs3A_398 = math.absf %add3A_397 : vector<32x512xf32>
    %sub3A_399 = vector.broadcast %mul3A_18 : vector<1x512xf32> to vector<32x512xf32>
    %sub3A_400 = arith.subf %abs3A_398, %sub3A_399 : vector<32x512xf32>
    %slice3A_401 = vector.extract_strided_slice %mul3A_31 {offsets = [5, 0], sizes = [1, 512], strides = [1, 1]} : vector<32x512xf32> to vector<1x512xf32>
    %sub3A_402 = vector.broadcast %slice3A_401 : vector<1x512xf32> to vector<32x512xf32>
    %sub3A_403 = arith.subf %mul3A_35, %sub3A_402 : vector<32x512xf32>
    %abs3A_404 = math.absf %sub3A_403 : vector<32x512xf32>
    %sub3A_405 = vector.broadcast %mul3A_22 : vector<1x512xf32> to vector<32x512xf32>
    %sub3A_406 = arith.subf %abs3A_404, %sub3A_405 : vector<32x512xf32>
    %slice3A_407 = vector.extract_strided_slice %mul3A_65 {offsets = [5, 0], sizes = [1, 512], strides = [1, 1]} : vector<32x512xf32> to vector<1x512xf32>
    %add3A_408 = vector.broadcast %slice3A_407 : vector<1x512xf32> to vector<32x512xf32>
    %add3A_409 = arith.addf %add3A_408, %mul3A_69 : vector<32x512xf32>
    %abs3A_410 = math.absf %add3A_409 : vector<32x512xf32>
    %sub3A_411 = vector.broadcast %mul3A_53 : vector<1x512xf32> to vector<32x512xf32>
    %sub3A_412 = arith.subf %abs3A_410, %sub3A_411 : vector<32x512xf32>
    %slice3A_413 = vector.extract_strided_slice %mul3A_67 {offsets = [5, 0], sizes = [1, 512], strides = [1, 1]} : vector<32x512xf32> to vector<1x512xf32>
    %sub3A_414 = vector.broadcast %slice3A_413 : vector<1x512xf32> to vector<32x512xf32>
    %sub3A_415 = arith.subf %mul3A_71, %sub3A_414 : vector<32x512xf32>
    %abs3A_416 = math.absf %sub3A_415 : vector<32x512xf32>
    %sub3A_417 = vector.broadcast %mul3A_57 : vector<1x512xf32> to vector<32x512xf32>
    %sub3A_418 = arith.subf %abs3A_416, %sub3A_417 : vector<32x512xf32>
    %min3A_419 = arith.constant 2.900000e+01 : f32
    %min3A_420 = vector.broadcast %min3A_419 : f32 to vector<32x512xf32>
    %min3A_421 = arith.minimumf %sub3A_400, %min3A_420 : vector<32x512xf32>
    %exp23A_422 = math.exp2 %min3A_421 : vector<32x512xf32>
    %add3A_423 = arith.constant 1.000000e+00 : f32
    %add3A_424 = vector.broadcast %add3A_423 : f32 to vector<32x512xf32>
    %add3A_425 = arith.addf %add3A_424, %exp23A_422 : vector<32x512xf32>
    %min3A_426 = arith.constant 2.900000e+01 : f32
    %min3A_427 = vector.broadcast %min3A_426 : f32 to vector<32x512xf32>
    %min3A_428 = arith.minimumf %sub3A_406, %min3A_427 : vector<32x512xf32>
    %exp23A_429 = math.exp2 %min3A_428 : vector<32x512xf32>
    %add3A_430 = arith.constant 1.000000e+00 : f32
    %add3A_431 = vector.broadcast %add3A_430 : f32 to vector<32x512xf32>
    %add3A_432 = arith.addf %add3A_431, %exp23A_429 : vector<32x512xf32>
    %mul3A_433 = arith.mulf %add3A_425, %add3A_432 : vector<32x512xf32>
    %min3A_434 = arith.constant 2.900000e+01 : f32
    %min3A_435 = vector.broadcast %min3A_434 : f32 to vector<32x512xf32>
    %min3A_436 = arith.minimumf %sub3A_412, %min3A_435 : vector<32x512xf32>
    %exp23A_437 = math.exp2 %min3A_436 : vector<32x512xf32>
    %add3A_438 = arith.constant 1.000000e+00 : f32
    %add3A_439 = vector.broadcast %add3A_438 : f32 to vector<32x512xf32>
    %add3A_440 = arith.addf %add3A_439, %exp23A_437 : vector<32x512xf32>
    %min3A_441 = arith.constant 2.900000e+01 : f32
    %min3A_442 = vector.broadcast %min3A_441 : f32 to vector<32x512xf32>
    %min3A_443 = arith.minimumf %sub3A_418, %min3A_442 : vector<32x512xf32>
    %exp23A_444 = math.exp2 %min3A_443 : vector<32x512xf32>
    %add3A_445 = arith.constant 1.000000e+00 : f32
    %add3A_446 = vector.broadcast %add3A_445 : f32 to vector<32x512xf32>
    %add3A_447 = arith.addf %add3A_446, %exp23A_444 : vector<32x512xf32>
    %mul3A_448 = arith.mulf %add3A_440, %add3A_447 : vector<32x512xf32>
    %mul3A_449 = arith.mulf %mul3A_433, %mul3A_448 : vector<32x512xf32>
    %div3A_450 = arith.constant 1.000000e+00 : f32
    %div3A_451 = vector.broadcast %div3A_450 : f32 to vector<32x512xf32>
    %div3A_452 = arith.divf %div3A_451, %mul3A_449 : vector<32x512xf32>
    %add3A_453 = arith.addf %add3A_388, %div3A_452 : vector<32x512xf32>
    %add3A_454 = arith.addf %mul3A_433, %mul3A_448 : vector<32x512xf32>
    %sub3A_455 = arith.constant 1.000000e+00 : f32
    %sub3A_456 = vector.broadcast %sub3A_455 : f32 to vector<32x512xf32>
    %sub3A_457 = arith.subf %add3A_454, %sub3A_456 : vector<32x512xf32>
    %mul3A_458 = arith.mulf %sub3A_457, %div3A_452 : vector<32x512xf32>
    %add3A_459 = arith.addf %add3A_394, %mul3A_458 : vector<32x512xf32>
    %slice3A_460 = vector.extract_strided_slice %mul3A_29 {offsets = [6, 0], sizes = [1, 512], strides = [1, 1]} : vector<32x512xf32> to vector<1x512xf32>
    %add3A_461 = vector.broadcast %slice3A_460 : vector<1x512xf32> to vector<32x512xf32>
    %add3A_462 = arith.addf %add3A_461, %mul3A_33 : vector<32x512xf32>
    %abs3A_463 = math.absf %add3A_462 : vector<32x512xf32>
    %sub3A_464 = vector.broadcast %mul3A_18 : vector<1x512xf32> to vector<32x512xf32>
    %sub3A_465 = arith.subf %abs3A_463, %sub3A_464 : vector<32x512xf32>
    %slice3A_466 = vector.extract_strided_slice %mul3A_31 {offsets = [6, 0], sizes = [1, 512], strides = [1, 1]} : vector<32x512xf32> to vector<1x512xf32>
    %sub3A_467 = vector.broadcast %slice3A_466 : vector<1x512xf32> to vector<32x512xf32>
    %sub3A_468 = arith.subf %mul3A_35, %sub3A_467 : vector<32x512xf32>
    %abs3A_469 = math.absf %sub3A_468 : vector<32x512xf32>
    %sub3A_470 = vector.broadcast %mul3A_22 : vector<1x512xf32> to vector<32x512xf32>
    %sub3A_471 = arith.subf %abs3A_469, %sub3A_470 : vector<32x512xf32>
    %slice3A_472 = vector.extract_strided_slice %mul3A_65 {offsets = [6, 0], sizes = [1, 512], strides = [1, 1]} : vector<32x512xf32> to vector<1x512xf32>
    %add3A_473 = vector.broadcast %slice3A_472 : vector<1x512xf32> to vector<32x512xf32>
    %add3A_474 = arith.addf %add3A_473, %mul3A_69 : vector<32x512xf32>
    %abs3A_475 = math.absf %add3A_474 : vector<32x512xf32>
    %sub3A_476 = vector.broadcast %mul3A_53 : vector<1x512xf32> to vector<32x512xf32>
    %sub3A_477 = arith.subf %abs3A_475, %sub3A_476 : vector<32x512xf32>
    %slice3A_478 = vector.extract_strided_slice %mul3A_67 {offsets = [6, 0], sizes = [1, 512], strides = [1, 1]} : vector<32x512xf32> to vector<1x512xf32>
    %sub3A_479 = vector.broadcast %slice3A_478 : vector<1x512xf32> to vector<32x512xf32>
    %sub3A_480 = arith.subf %mul3A_71, %sub3A_479 : vector<32x512xf32>
    %abs3A_481 = math.absf %sub3A_480 : vector<32x512xf32>
    %sub3A_482 = vector.broadcast %mul3A_57 : vector<1x512xf32> to vector<32x512xf32>
    %sub3A_483 = arith.subf %abs3A_481, %sub3A_482 : vector<32x512xf32>
    %min3A_484 = arith.constant 2.900000e+01 : f32
    %min3A_485 = vector.broadcast %min3A_484 : f32 to vector<32x512xf32>
    %min3A_486 = arith.minimumf %sub3A_465, %min3A_485 : vector<32x512xf32>
    %exp23A_487 = math.exp2 %min3A_486 : vector<32x512xf32>
    %add3A_488 = arith.constant 1.000000e+00 : f32
    %add3A_489 = vector.broadcast %add3A_488 : f32 to vector<32x512xf32>
    %add3A_490 = arith.addf %add3A_489, %exp23A_487 : vector<32x512xf32>
    %min3A_491 = arith.constant 2.900000e+01 : f32
    %min3A_492 = vector.broadcast %min3A_491 : f32 to vector<32x512xf32>
    %min3A_493 = arith.minimumf %sub3A_471, %min3A_492 : vector<32x512xf32>
    %exp23A_494 = math.exp2 %min3A_493 : vector<32x512xf32>
    %add3A_495 = arith.constant 1.000000e+00 : f32
    %add3A_496 = vector.broadcast %add3A_495 : f32 to vector<32x512xf32>
    %add3A_497 = arith.addf %add3A_496, %exp23A_494 : vector<32x512xf32>
    %mul3A_498 = arith.mulf %add3A_490, %add3A_497 : vector<32x512xf32>
    %min3A_499 = arith.constant 2.900000e+01 : f32
    %min3A_500 = vector.broadcast %min3A_499 : f32 to vector<32x512xf32>
    %min3A_501 = arith.minimumf %sub3A_477, %min3A_500 : vector<32x512xf32>
    %exp23A_502 = math.exp2 %min3A_501 : vector<32x512xf32>
    %add3A_503 = arith.constant 1.000000e+00 : f32
    %add3A_504 = vector.broadcast %add3A_503 : f32 to vector<32x512xf32>
    %add3A_505 = arith.addf %add3A_504, %exp23A_502 : vector<32x512xf32>
    %min3A_506 = arith.constant 2.900000e+01 : f32
    %min3A_507 = vector.broadcast %min3A_506 : f32 to vector<32x512xf32>
    %min3A_508 = arith.minimumf %sub3A_483, %min3A_507 : vector<32x512xf32>
    %exp23A_509 = math.exp2 %min3A_508 : vector<32x512xf32>
    %add3A_510 = arith.constant 1.000000e+00 : f32
    %add3A_511 = vector.broadcast %add3A_510 : f32 to vector<32x512xf32>
    %add3A_512 = arith.addf %add3A_511, %exp23A_509 : vector<32x512xf32>
    %mul3A_513 = arith.mulf %add3A_505, %add3A_512 : vector<32x512xf32>
    %mul3A_514 = arith.mulf %mul3A_498, %mul3A_513 : vector<32x512xf32>
    %div3A_515 = arith.constant 1.000000e+00 : f32
    %div3A_516 = vector.broadcast %div3A_515 : f32 to vector<32x512xf32>
    %div3A_517 = arith.divf %div3A_516, %mul3A_514 : vector<32x512xf32>
    %add3A_518 = arith.addf %add3A_453, %div3A_517 : vector<32x512xf32>
    %add3A_519 = arith.addf %mul3A_498, %mul3A_513 : vector<32x512xf32>
    %sub3A_520 = arith.constant 1.000000e+00 : f32
    %sub3A_521 = vector.broadcast %sub3A_520 : f32 to vector<32x512xf32>
    %sub3A_522 = arith.subf %add3A_519, %sub3A_521 : vector<32x512xf32>
    %mul3A_523 = arith.mulf %sub3A_522, %div3A_517 : vector<32x512xf32>
    %add3A_524 = arith.addf %add3A_459, %mul3A_523 : vector<32x512xf32>
    %slice3A_525 = vector.extract_strided_slice %mul3A_29 {offsets = [7, 0], sizes = [1, 512], strides = [1, 1]} : vector<32x512xf32> to vector<1x512xf32>
    %add3A_526 = vector.broadcast %slice3A_525 : vector<1x512xf32> to vector<32x512xf32>
    %add3A_527 = arith.addf %add3A_526, %mul3A_33 : vector<32x512xf32>
    %abs3A_528 = math.absf %add3A_527 : vector<32x512xf32>
    %sub3A_529 = vector.broadcast %mul3A_18 : vector<1x512xf32> to vector<32x512xf32>
    %sub3A_530 = arith.subf %abs3A_528, %sub3A_529 : vector<32x512xf32>
    %slice3A_531 = vector.extract_strided_slice %mul3A_31 {offsets = [7, 0], sizes = [1, 512], strides = [1, 1]} : vector<32x512xf32> to vector<1x512xf32>
    %sub3A_532 = vector.broadcast %slice3A_531 : vector<1x512xf32> to vector<32x512xf32>
    %sub3A_533 = arith.subf %mul3A_35, %sub3A_532 : vector<32x512xf32>
    %abs3A_534 = math.absf %sub3A_533 : vector<32x512xf32>
    %sub3A_535 = vector.broadcast %mul3A_22 : vector<1x512xf32> to vector<32x512xf32>
    %sub3A_536 = arith.subf %abs3A_534, %sub3A_535 : vector<32x512xf32>
    %slice3A_537 = vector.extract_strided_slice %mul3A_65 {offsets = [7, 0], sizes = [1, 512], strides = [1, 1]} : vector<32x512xf32> to vector<1x512xf32>
    %add3A_538 = vector.broadcast %slice3A_537 : vector<1x512xf32> to vector<32x512xf32>
    %add3A_539 = arith.addf %add3A_538, %mul3A_69 : vector<32x512xf32>
    %abs3A_540 = math.absf %add3A_539 : vector<32x512xf32>
    %sub3A_541 = vector.broadcast %mul3A_53 : vector<1x512xf32> to vector<32x512xf32>
    %sub3A_542 = arith.subf %abs3A_540, %sub3A_541 : vector<32x512xf32>
    %slice3A_543 = vector.extract_strided_slice %mul3A_67 {offsets = [7, 0], sizes = [1, 512], strides = [1, 1]} : vector<32x512xf32> to vector<1x512xf32>
    %sub3A_544 = vector.broadcast %slice3A_543 : vector<1x512xf32> to vector<32x512xf32>
    %sub3A_545 = arith.subf %mul3A_71, %sub3A_544 : vector<32x512xf32>
    %abs3A_546 = math.absf %sub3A_545 : vector<32x512xf32>
    %sub3A_547 = vector.broadcast %mul3A_57 : vector<1x512xf32> to vector<32x512xf32>
    %sub3A_548 = arith.subf %abs3A_546, %sub3A_547 : vector<32x512xf32>
    %min3A_549 = arith.constant 2.900000e+01 : f32
    %min3A_550 = vector.broadcast %min3A_549 : f32 to vector<32x512xf32>
    %min3A_551 = arith.minimumf %sub3A_530, %min3A_550 : vector<32x512xf32>
    %exp23A_552 = math.exp2 %min3A_551 : vector<32x512xf32>
    %add3A_553 = arith.constant 1.000000e+00 : f32
    %add3A_554 = vector.broadcast %add3A_553 : f32 to vector<32x512xf32>
    %add3A_555 = arith.addf %add3A_554, %exp23A_552 : vector<32x512xf32>
    %min3A_556 = arith.constant 2.900000e+01 : f32
    %min3A_557 = vector.broadcast %min3A_556 : f32 to vector<32x512xf32>
    %min3A_558 = arith.minimumf %sub3A_536, %min3A_557 : vector<32x512xf32>
    %exp23A_559 = math.exp2 %min3A_558 : vector<32x512xf32>
    %add3A_560 = arith.constant 1.000000e+00 : f32
    %add3A_561 = vector.broadcast %add3A_560 : f32 to vector<32x512xf32>
    %add3A_562 = arith.addf %add3A_561, %exp23A_559 : vector<32x512xf32>
    %mul3A_563 = arith.mulf %add3A_555, %add3A_562 : vector<32x512xf32>
    %min3A_564 = arith.constant 2.900000e+01 : f32
    %min3A_565 = vector.broadcast %min3A_564 : f32 to vector<32x512xf32>
    %min3A_566 = arith.minimumf %sub3A_542, %min3A_565 : vector<32x512xf32>
    %exp23A_567 = math.exp2 %min3A_566 : vector<32x512xf32>
    %add3A_568 = arith.constant 1.000000e+00 : f32
    %add3A_569 = vector.broadcast %add3A_568 : f32 to vector<32x512xf32>
    %add3A_570 = arith.addf %add3A_569, %exp23A_567 : vector<32x512xf32>
    %min3A_571 = arith.constant 2.900000e+01 : f32
    %min3A_572 = vector.broadcast %min3A_571 : f32 to vector<32x512xf32>
    %min3A_573 = arith.minimumf %sub3A_548, %min3A_572 : vector<32x512xf32>
    %exp23A_574 = math.exp2 %min3A_573 : vector<32x512xf32>
    %add3A_575 = arith.constant 1.000000e+00 : f32
    %add3A_576 = vector.broadcast %add3A_575 : f32 to vector<32x512xf32>
    %add3A_577 = arith.addf %add3A_576, %exp23A_574 : vector<32x512xf32>
    %mul3A_578 = arith.mulf %add3A_570, %add3A_577 : vector<32x512xf32>
    %mul3A_579 = arith.mulf %mul3A_563, %mul3A_578 : vector<32x512xf32>
    %div3A_580 = arith.constant 1.000000e+00 : f32
    %div3A_581 = vector.broadcast %div3A_580 : f32 to vector<32x512xf32>
    %div3A_582 = arith.divf %div3A_581, %mul3A_579 : vector<32x512xf32>
    %add3A_583 = arith.addf %add3A_518, %div3A_582 : vector<32x512xf32>
    %add3A_584 = arith.addf %mul3A_563, %mul3A_578 : vector<32x512xf32>
    %sub3A_585 = arith.constant 1.000000e+00 : f32
    %sub3A_586 = vector.broadcast %sub3A_585 : f32 to vector<32x512xf32>
    %sub3A_587 = arith.subf %add3A_584, %sub3A_586 : vector<32x512xf32>
    %mul3A_588 = arith.mulf %sub3A_587, %div3A_582 : vector<32x512xf32>
    %add3A_589 = arith.addf %add3A_524, %mul3A_588 : vector<32x512xf32>
    %slice3A_590 = vector.extract_strided_slice %mul3A_29 {offsets = [8, 0], sizes = [1, 512], strides = [1, 1]} : vector<32x512xf32> to vector<1x512xf32>
    %add3A_591 = vector.broadcast %slice3A_590 : vector<1x512xf32> to vector<32x512xf32>
    %add3A_592 = arith.addf %add3A_591, %mul3A_33 : vector<32x512xf32>
    %abs3A_593 = math.absf %add3A_592 : vector<32x512xf32>
    %sub3A_594 = vector.broadcast %mul3A_18 : vector<1x512xf32> to vector<32x512xf32>
    %sub3A_595 = arith.subf %abs3A_593, %sub3A_594 : vector<32x512xf32>
    %slice3A_596 = vector.extract_strided_slice %mul3A_31 {offsets = [8, 0], sizes = [1, 512], strides = [1, 1]} : vector<32x512xf32> to vector<1x512xf32>
    %sub3A_597 = vector.broadcast %slice3A_596 : vector<1x512xf32> to vector<32x512xf32>
    %sub3A_598 = arith.subf %mul3A_35, %sub3A_597 : vector<32x512xf32>
    %abs3A_599 = math.absf %sub3A_598 : vector<32x512xf32>
    %sub3A_600 = vector.broadcast %mul3A_22 : vector<1x512xf32> to vector<32x512xf32>
    %sub3A_601 = arith.subf %abs3A_599, %sub3A_600 : vector<32x512xf32>
    %slice3A_602 = vector.extract_strided_slice %mul3A_65 {offsets = [8, 0], sizes = [1, 512], strides = [1, 1]} : vector<32x512xf32> to vector<1x512xf32>
    %add3A_603 = vector.broadcast %slice3A_602 : vector<1x512xf32> to vector<32x512xf32>
    %add3A_604 = arith.addf %add3A_603, %mul3A_69 : vector<32x512xf32>
    %abs3A_605 = math.absf %add3A_604 : vector<32x512xf32>
    %sub3A_606 = vector.broadcast %mul3A_53 : vector<1x512xf32> to vector<32x512xf32>
    %sub3A_607 = arith.subf %abs3A_605, %sub3A_606 : vector<32x512xf32>
    %slice3A_608 = vector.extract_strided_slice %mul3A_67 {offsets = [8, 0], sizes = [1, 512], strides = [1, 1]} : vector<32x512xf32> to vector<1x512xf32>
    %sub3A_609 = vector.broadcast %slice3A_608 : vector<1x512xf32> to vector<32x512xf32>
    %sub3A_610 = arith.subf %mul3A_71, %sub3A_609 : vector<32x512xf32>
    %abs3A_611 = math.absf %sub3A_610 : vector<32x512xf32>
    %sub3A_612 = vector.broadcast %mul3A_57 : vector<1x512xf32> to vector<32x512xf32>
    %sub3A_613 = arith.subf %abs3A_611, %sub3A_612 : vector<32x512xf32>
    %min3A_614 = arith.constant 2.900000e+01 : f32
    %min3A_615 = vector.broadcast %min3A_614 : f32 to vector<32x512xf32>
    %min3A_616 = arith.minimumf %sub3A_595, %min3A_615 : vector<32x512xf32>
    %exp23A_617 = math.exp2 %min3A_616 : vector<32x512xf32>
    %add3A_618 = arith.constant 1.000000e+00 : f32
    %add3A_619 = vector.broadcast %add3A_618 : f32 to vector<32x512xf32>
    %add3A_620 = arith.addf %add3A_619, %exp23A_617 : vector<32x512xf32>
    %min3A_621 = arith.constant 2.900000e+01 : f32
    %min3A_622 = vector.broadcast %min3A_621 : f32 to vector<32x512xf32>
    %min3A_623 = arith.minimumf %sub3A_601, %min3A_622 : vector<32x512xf32>
    %exp23A_624 = math.exp2 %min3A_623 : vector<32x512xf32>
    %add3A_625 = arith.constant 1.000000e+00 : f32
    %add3A_626 = vector.broadcast %add3A_625 : f32 to vector<32x512xf32>
    %add3A_627 = arith.addf %add3A_626, %exp23A_624 : vector<32x512xf32>
    %mul3A_628 = arith.mulf %add3A_620, %add3A_627 : vector<32x512xf32>
    %min3A_629 = arith.constant 2.900000e+01 : f32
    %min3A_630 = vector.broadcast %min3A_629 : f32 to vector<32x512xf32>
    %min3A_631 = arith.minimumf %sub3A_607, %min3A_630 : vector<32x512xf32>
    %exp23A_632 = math.exp2 %min3A_631 : vector<32x512xf32>
    %add3A_633 = arith.constant 1.000000e+00 : f32
    %add3A_634 = vector.broadcast %add3A_633 : f32 to vector<32x512xf32>
    %add3A_635 = arith.addf %add3A_634, %exp23A_632 : vector<32x512xf32>
    %min3A_636 = arith.constant 2.900000e+01 : f32
    %min3A_637 = vector.broadcast %min3A_636 : f32 to vector<32x512xf32>
    %min3A_638 = arith.minimumf %sub3A_613, %min3A_637 : vector<32x512xf32>
    %exp23A_639 = math.exp2 %min3A_638 : vector<32x512xf32>
    %add3A_640 = arith.constant 1.000000e+00 : f32
    %add3A_641 = vector.broadcast %add3A_640 : f32 to vector<32x512xf32>
    %add3A_642 = arith.addf %add3A_641, %exp23A_639 : vector<32x512xf32>
    %mul3A_643 = arith.mulf %add3A_635, %add3A_642 : vector<32x512xf32>
    %mul3A_644 = arith.mulf %mul3A_628, %mul3A_643 : vector<32x512xf32>
    %div3A_645 = arith.constant 1.000000e+00 : f32
    %div3A_646 = vector.broadcast %div3A_645 : f32 to vector<32x512xf32>
    %div3A_647 = arith.divf %div3A_646, %mul3A_644 : vector<32x512xf32>
    %add3A_648 = arith.addf %add3A_583, %div3A_647 : vector<32x512xf32>
    %add3A_649 = arith.addf %mul3A_628, %mul3A_643 : vector<32x512xf32>
    %sub3A_650 = arith.constant 1.000000e+00 : f32
    %sub3A_651 = vector.broadcast %sub3A_650 : f32 to vector<32x512xf32>
    %sub3A_652 = arith.subf %add3A_649, %sub3A_651 : vector<32x512xf32>
    %mul3A_653 = arith.mulf %sub3A_652, %div3A_647 : vector<32x512xf32>
    %add3A_654 = arith.addf %add3A_589, %mul3A_653 : vector<32x512xf32>
    %slice3A_655 = vector.extract_strided_slice %mul3A_29 {offsets = [9, 0], sizes = [1, 512], strides = [1, 1]} : vector<32x512xf32> to vector<1x512xf32>
    %add3A_656 = vector.broadcast %slice3A_655 : vector<1x512xf32> to vector<32x512xf32>
    %add3A_657 = arith.addf %add3A_656, %mul3A_33 : vector<32x512xf32>
    %abs3A_658 = math.absf %add3A_657 : vector<32x512xf32>
    %sub3A_659 = vector.broadcast %mul3A_18 : vector<1x512xf32> to vector<32x512xf32>
    %sub3A_660 = arith.subf %abs3A_658, %sub3A_659 : vector<32x512xf32>
    %slice3A_661 = vector.extract_strided_slice %mul3A_31 {offsets = [9, 0], sizes = [1, 512], strides = [1, 1]} : vector<32x512xf32> to vector<1x512xf32>
    %sub3A_662 = vector.broadcast %slice3A_661 : vector<1x512xf32> to vector<32x512xf32>
    %sub3A_663 = arith.subf %mul3A_35, %sub3A_662 : vector<32x512xf32>
    %abs3A_664 = math.absf %sub3A_663 : vector<32x512xf32>
    %sub3A_665 = vector.broadcast %mul3A_22 : vector<1x512xf32> to vector<32x512xf32>
    %sub3A_666 = arith.subf %abs3A_664, %sub3A_665 : vector<32x512xf32>
    %slice3A_667 = vector.extract_strided_slice %mul3A_65 {offsets = [9, 0], sizes = [1, 512], strides = [1, 1]} : vector<32x512xf32> to vector<1x512xf32>
    %add3A_668 = vector.broadcast %slice3A_667 : vector<1x512xf32> to vector<32x512xf32>
    %add3A_669 = arith.addf %add3A_668, %mul3A_69 : vector<32x512xf32>
    %abs3A_670 = math.absf %add3A_669 : vector<32x512xf32>
    %sub3A_671 = vector.broadcast %mul3A_53 : vector<1x512xf32> to vector<32x512xf32>
    %sub3A_672 = arith.subf %abs3A_670, %sub3A_671 : vector<32x512xf32>
    %slice3A_673 = vector.extract_strided_slice %mul3A_67 {offsets = [9, 0], sizes = [1, 512], strides = [1, 1]} : vector<32x512xf32> to vector<1x512xf32>
    %sub3A_674 = vector.broadcast %slice3A_673 : vector<1x512xf32> to vector<32x512xf32>
    %sub3A_675 = arith.subf %mul3A_71, %sub3A_674 : vector<32x512xf32>
    %abs3A_676 = math.absf %sub3A_675 : vector<32x512xf32>
    %sub3A_677 = vector.broadcast %mul3A_57 : vector<1x512xf32> to vector<32x512xf32>
    %sub3A_678 = arith.subf %abs3A_676, %sub3A_677 : vector<32x512xf32>
    %min3A_679 = arith.constant 2.900000e+01 : f32
    %min3A_680 = vector.broadcast %min3A_679 : f32 to vector<32x512xf32>
    %min3A_681 = arith.minimumf %sub3A_660, %min3A_680 : vector<32x512xf32>
    %exp23A_682 = math.exp2 %min3A_681 : vector<32x512xf32>
    %add3A_683 = arith.constant 1.000000e+00 : f32
    %add3A_684 = vector.broadcast %add3A_683 : f32 to vector<32x512xf32>
    %add3A_685 = arith.addf %add3A_684, %exp23A_682 : vector<32x512xf32>
    %min3A_686 = arith.constant 2.900000e+01 : f32
    %min3A_687 = vector.broadcast %min3A_686 : f32 to vector<32x512xf32>
    %min3A_688 = arith.minimumf %sub3A_666, %min3A_687 : vector<32x512xf32>
    %exp23A_689 = math.exp2 %min3A_688 : vector<32x512xf32>
    %add3A_690 = arith.constant 1.000000e+00 : f32
    %add3A_691 = vector.broadcast %add3A_690 : f32 to vector<32x512xf32>
    %add3A_692 = arith.addf %add3A_691, %exp23A_689 : vector<32x512xf32>
    %mul3A_693 = arith.mulf %add3A_685, %add3A_692 : vector<32x512xf32>
    %min3A_694 = arith.constant 2.900000e+01 : f32
    %min3A_695 = vector.broadcast %min3A_694 : f32 to vector<32x512xf32>
    %min3A_696 = arith.minimumf %sub3A_672, %min3A_695 : vector<32x512xf32>
    %exp23A_697 = math.exp2 %min3A_696 : vector<32x512xf32>
    %add3A_698 = arith.constant 1.000000e+00 : f32
    %add3A_699 = vector.broadcast %add3A_698 : f32 to vector<32x512xf32>
    %add3A_700 = arith.addf %add3A_699, %exp23A_697 : vector<32x512xf32>
    %min3A_701 = arith.constant 2.900000e+01 : f32
    %min3A_702 = vector.broadcast %min3A_701 : f32 to vector<32x512xf32>
    %min3A_703 = arith.minimumf %sub3A_678, %min3A_702 : vector<32x512xf32>
    %exp23A_704 = math.exp2 %min3A_703 : vector<32x512xf32>
    %add3A_705 = arith.constant 1.000000e+00 : f32
    %add3A_706 = vector.broadcast %add3A_705 : f32 to vector<32x512xf32>
    %add3A_707 = arith.addf %add3A_706, %exp23A_704 : vector<32x512xf32>
    %mul3A_708 = arith.mulf %add3A_700, %add3A_707 : vector<32x512xf32>
    %mul3A_709 = arith.mulf %mul3A_693, %mul3A_708 : vector<32x512xf32>
    %div3A_710 = arith.constant 1.000000e+00 : f32
    %div3A_711 = vector.broadcast %div3A_710 : f32 to vector<32x512xf32>
    %div3A_712 = arith.divf %div3A_711, %mul3A_709 : vector<32x512xf32>
    %add3A_713 = arith.addf %add3A_648, %div3A_712 : vector<32x512xf32>
    %add3A_714 = arith.addf %mul3A_693, %mul3A_708 : vector<32x512xf32>
    %sub3A_715 = arith.constant 1.000000e+00 : f32
    %sub3A_716 = vector.broadcast %sub3A_715 : f32 to vector<32x512xf32>
    %sub3A_717 = arith.subf %add3A_714, %sub3A_716 : vector<32x512xf32>
    %mul3A_718 = arith.mulf %sub3A_717, %div3A_712 : vector<32x512xf32>
    %add3A_719 = arith.addf %add3A_654, %mul3A_718 : vector<32x512xf32>
    %slice3A_720 = vector.extract_strided_slice %mul3A_29 {offsets = [10, 0], sizes = [1, 512], strides = [1, 1]} : vector<32x512xf32> to vector<1x512xf32>
    %add3A_721 = vector.broadcast %slice3A_720 : vector<1x512xf32> to vector<32x512xf32>
    %add3A_722 = arith.addf %add3A_721, %mul3A_33 : vector<32x512xf32>
    %abs3A_723 = math.absf %add3A_722 : vector<32x512xf32>
    %sub3A_724 = vector.broadcast %mul3A_18 : vector<1x512xf32> to vector<32x512xf32>
    %sub3A_725 = arith.subf %abs3A_723, %sub3A_724 : vector<32x512xf32>
    %slice3A_726 = vector.extract_strided_slice %mul3A_31 {offsets = [10, 0], sizes = [1, 512], strides = [1, 1]} : vector<32x512xf32> to vector<1x512xf32>
    %sub3A_727 = vector.broadcast %slice3A_726 : vector<1x512xf32> to vector<32x512xf32>
    %sub3A_728 = arith.subf %mul3A_35, %sub3A_727 : vector<32x512xf32>
    %abs3A_729 = math.absf %sub3A_728 : vector<32x512xf32>
    %sub3A_730 = vector.broadcast %mul3A_22 : vector<1x512xf32> to vector<32x512xf32>
    %sub3A_731 = arith.subf %abs3A_729, %sub3A_730 : vector<32x512xf32>
    %slice3A_732 = vector.extract_strided_slice %mul3A_65 {offsets = [10, 0], sizes = [1, 512], strides = [1, 1]} : vector<32x512xf32> to vector<1x512xf32>
    %add3A_733 = vector.broadcast %slice3A_732 : vector<1x512xf32> to vector<32x512xf32>
    %add3A_734 = arith.addf %add3A_733, %mul3A_69 : vector<32x512xf32>
    %abs3A_735 = math.absf %add3A_734 : vector<32x512xf32>
    %sub3A_736 = vector.broadcast %mul3A_53 : vector<1x512xf32> to vector<32x512xf32>
    %sub3A_737 = arith.subf %abs3A_735, %sub3A_736 : vector<32x512xf32>
    %slice3A_738 = vector.extract_strided_slice %mul3A_67 {offsets = [10, 0], sizes = [1, 512], strides = [1, 1]} : vector<32x512xf32> to vector<1x512xf32>
    %sub3A_739 = vector.broadcast %slice3A_738 : vector<1x512xf32> to vector<32x512xf32>
    %sub3A_740 = arith.subf %mul3A_71, %sub3A_739 : vector<32x512xf32>
    %abs3A_741 = math.absf %sub3A_740 : vector<32x512xf32>
    %sub3A_742 = vector.broadcast %mul3A_57 : vector<1x512xf32> to vector<32x512xf32>
    %sub3A_743 = arith.subf %abs3A_741, %sub3A_742 : vector<32x512xf32>
    %min3A_744 = arith.constant 2.900000e+01 : f32
    %min3A_745 = vector.broadcast %min3A_744 : f32 to vector<32x512xf32>
    %min3A_746 = arith.minimumf %sub3A_725, %min3A_745 : vector<32x512xf32>
    %exp23A_747 = math.exp2 %min3A_746 : vector<32x512xf32>
    %add3A_748 = arith.constant 1.000000e+00 : f32
    %add3A_749 = vector.broadcast %add3A_748 : f32 to vector<32x512xf32>
    %add3A_750 = arith.addf %add3A_749, %exp23A_747 : vector<32x512xf32>
    %min3A_751 = arith.constant 2.900000e+01 : f32
    %min3A_752 = vector.broadcast %min3A_751 : f32 to vector<32x512xf32>
    %min3A_753 = arith.minimumf %sub3A_731, %min3A_752 : vector<32x512xf32>
    %exp23A_754 = math.exp2 %min3A_753 : vector<32x512xf32>
    %add3A_755 = arith.constant 1.000000e+00 : f32
    %add3A_756 = vector.broadcast %add3A_755 : f32 to vector<32x512xf32>
    %add3A_757 = arith.addf %add3A_756, %exp23A_754 : vector<32x512xf32>
    %mul3A_758 = arith.mulf %add3A_750, %add3A_757 : vector<32x512xf32>
    %min3A_759 = arith.constant 2.900000e+01 : f32
    %min3A_760 = vector.broadcast %min3A_759 : f32 to vector<32x512xf32>
    %min3A_761 = arith.minimumf %sub3A_737, %min3A_760 : vector<32x512xf32>
    %exp23A_762 = math.exp2 %min3A_761 : vector<32x512xf32>
    %add3A_763 = arith.constant 1.000000e+00 : f32
    %add3A_764 = vector.broadcast %add3A_763 : f32 to vector<32x512xf32>
    %add3A_765 = arith.addf %add3A_764, %exp23A_762 : vector<32x512xf32>
    %min3A_766 = arith.constant 2.900000e+01 : f32
    %min3A_767 = vector.broadcast %min3A_766 : f32 to vector<32x512xf32>
    %min3A_768 = arith.minimumf %sub3A_743, %min3A_767 : vector<32x512xf32>
    %exp23A_769 = math.exp2 %min3A_768 : vector<32x512xf32>
    %add3A_770 = arith.constant 1.000000e+00 : f32
    %add3A_771 = vector.broadcast %add3A_770 : f32 to vector<32x512xf32>
    %add3A_772 = arith.addf %add3A_771, %exp23A_769 : vector<32x512xf32>
    %mul3A_773 = arith.mulf %add3A_765, %add3A_772 : vector<32x512xf32>
    %mul3A_774 = arith.mulf %mul3A_758, %mul3A_773 : vector<32x512xf32>
    %div3A_775 = arith.constant 1.000000e+00 : f32
    %div3A_776 = vector.broadcast %div3A_775 : f32 to vector<32x512xf32>
    %div3A_777 = arith.divf %div3A_776, %mul3A_774 : vector<32x512xf32>
    %add3A_778 = arith.addf %add3A_713, %div3A_777 : vector<32x512xf32>
    %add3A_779 = arith.addf %mul3A_758, %mul3A_773 : vector<32x512xf32>
    %sub3A_780 = arith.constant 1.000000e+00 : f32
    %sub3A_781 = vector.broadcast %sub3A_780 : f32 to vector<32x512xf32>
    %sub3A_782 = arith.subf %add3A_779, %sub3A_781 : vector<32x512xf32>
    %mul3A_783 = arith.mulf %sub3A_782, %div3A_777 : vector<32x512xf32>
    %add3A_784 = arith.addf %add3A_719, %mul3A_783 : vector<32x512xf32>
    %slice3A_785 = vector.extract_strided_slice %mul3A_29 {offsets = [11, 0], sizes = [1, 512], strides = [1, 1]} : vector<32x512xf32> to vector<1x512xf32>
    %add3A_786 = vector.broadcast %slice3A_785 : vector<1x512xf32> to vector<32x512xf32>
    %add3A_787 = arith.addf %add3A_786, %mul3A_33 : vector<32x512xf32>
    %abs3A_788 = math.absf %add3A_787 : vector<32x512xf32>
    %sub3A_789 = vector.broadcast %mul3A_18 : vector<1x512xf32> to vector<32x512xf32>
    %sub3A_790 = arith.subf %abs3A_788, %sub3A_789 : vector<32x512xf32>
    %slice3A_791 = vector.extract_strided_slice %mul3A_31 {offsets = [11, 0], sizes = [1, 512], strides = [1, 1]} : vector<32x512xf32> to vector<1x512xf32>
    %sub3A_792 = vector.broadcast %slice3A_791 : vector<1x512xf32> to vector<32x512xf32>
    %sub3A_793 = arith.subf %mul3A_35, %sub3A_792 : vector<32x512xf32>
    %abs3A_794 = math.absf %sub3A_793 : vector<32x512xf32>
    %sub3A_795 = vector.broadcast %mul3A_22 : vector<1x512xf32> to vector<32x512xf32>
    %sub3A_796 = arith.subf %abs3A_794, %sub3A_795 : vector<32x512xf32>
    %slice3A_797 = vector.extract_strided_slice %mul3A_65 {offsets = [11, 0], sizes = [1, 512], strides = [1, 1]} : vector<32x512xf32> to vector<1x512xf32>
    %add3A_798 = vector.broadcast %slice3A_797 : vector<1x512xf32> to vector<32x512xf32>
    %add3A_799 = arith.addf %add3A_798, %mul3A_69 : vector<32x512xf32>
    %abs3A_800 = math.absf %add3A_799 : vector<32x512xf32>
    %sub3A_801 = vector.broadcast %mul3A_53 : vector<1x512xf32> to vector<32x512xf32>
    %sub3A_802 = arith.subf %abs3A_800, %sub3A_801 : vector<32x512xf32>
    %slice3A_803 = vector.extract_strided_slice %mul3A_67 {offsets = [11, 0], sizes = [1, 512], strides = [1, 1]} : vector<32x512xf32> to vector<1x512xf32>
    %sub3A_804 = vector.broadcast %slice3A_803 : vector<1x512xf32> to vector<32x512xf32>
    %sub3A_805 = arith.subf %mul3A_71, %sub3A_804 : vector<32x512xf32>
    %abs3A_806 = math.absf %sub3A_805 : vector<32x512xf32>
    %sub3A_807 = vector.broadcast %mul3A_57 : vector<1x512xf32> to vector<32x512xf32>
    %sub3A_808 = arith.subf %abs3A_806, %sub3A_807 : vector<32x512xf32>
    %min3A_809 = arith.constant 2.900000e+01 : f32
    %min3A_810 = vector.broadcast %min3A_809 : f32 to vector<32x512xf32>
    %min3A_811 = arith.minimumf %sub3A_790, %min3A_810 : vector<32x512xf32>
    %exp23A_812 = math.exp2 %min3A_811 : vector<32x512xf32>
    %add3A_813 = arith.constant 1.000000e+00 : f32
    %add3A_814 = vector.broadcast %add3A_813 : f32 to vector<32x512xf32>
    %add3A_815 = arith.addf %add3A_814, %exp23A_812 : vector<32x512xf32>
    %min3A_816 = arith.constant 2.900000e+01 : f32
    %min3A_817 = vector.broadcast %min3A_816 : f32 to vector<32x512xf32>
    %min3A_818 = arith.minimumf %sub3A_796, %min3A_817 : vector<32x512xf32>
    %exp23A_819 = math.exp2 %min3A_818 : vector<32x512xf32>
    %add3A_820 = arith.constant 1.000000e+00 : f32
    %add3A_821 = vector.broadcast %add3A_820 : f32 to vector<32x512xf32>
    %add3A_822 = arith.addf %add3A_821, %exp23A_819 : vector<32x512xf32>
    %mul3A_823 = arith.mulf %add3A_815, %add3A_822 : vector<32x512xf32>
    %min3A_824 = arith.constant 2.900000e+01 : f32
    %min3A_825 = vector.broadcast %min3A_824 : f32 to vector<32x512xf32>
    %min3A_826 = arith.minimumf %sub3A_802, %min3A_825 : vector<32x512xf32>
    %exp23A_827 = math.exp2 %min3A_826 : vector<32x512xf32>
    %add3A_828 = arith.constant 1.000000e+00 : f32
    %add3A_829 = vector.broadcast %add3A_828 : f32 to vector<32x512xf32>
    %add3A_830 = arith.addf %add3A_829, %exp23A_827 : vector<32x512xf32>
    %min3A_831 = arith.constant 2.900000e+01 : f32
    %min3A_832 = vector.broadcast %min3A_831 : f32 to vector<32x512xf32>
    %min3A_833 = arith.minimumf %sub3A_808, %min3A_832 : vector<32x512xf32>
    %exp23A_834 = math.exp2 %min3A_833 : vector<32x512xf32>
    %add3A_835 = arith.constant 1.000000e+00 : f32
    %add3A_836 = vector.broadcast %add3A_835 : f32 to vector<32x512xf32>
    %add3A_837 = arith.addf %add3A_836, %exp23A_834 : vector<32x512xf32>
    %mul3A_838 = arith.mulf %add3A_830, %add3A_837 : vector<32x512xf32>
    %mul3A_839 = arith.mulf %mul3A_823, %mul3A_838 : vector<32x512xf32>
    %div3A_840 = arith.constant 1.000000e+00 : f32
    %div3A_841 = vector.broadcast %div3A_840 : f32 to vector<32x512xf32>
    %div3A_842 = arith.divf %div3A_841, %mul3A_839 : vector<32x512xf32>
    %add3A_843 = arith.addf %add3A_778, %div3A_842 : vector<32x512xf32>
    %add3A_844 = arith.addf %mul3A_823, %mul3A_838 : vector<32x512xf32>
    %sub3A_845 = arith.constant 1.000000e+00 : f32
    %sub3A_846 = vector.broadcast %sub3A_845 : f32 to vector<32x512xf32>
    %sub3A_847 = arith.subf %add3A_844, %sub3A_846 : vector<32x512xf32>
    %mul3A_848 = arith.mulf %sub3A_847, %div3A_842 : vector<32x512xf32>
    %add3A_849 = arith.addf %add3A_784, %mul3A_848 : vector<32x512xf32>
    %slice3A_850 = vector.extract_strided_slice %mul3A_29 {offsets = [12, 0], sizes = [1, 512], strides = [1, 1]} : vector<32x512xf32> to vector<1x512xf32>
    %add3A_851 = vector.broadcast %slice3A_850 : vector<1x512xf32> to vector<32x512xf32>
    %add3A_852 = arith.addf %add3A_851, %mul3A_33 : vector<32x512xf32>
    %abs3A_853 = math.absf %add3A_852 : vector<32x512xf32>
    %sub3A_854 = vector.broadcast %mul3A_18 : vector<1x512xf32> to vector<32x512xf32>
    %sub3A_855 = arith.subf %abs3A_853, %sub3A_854 : vector<32x512xf32>
    %slice3A_856 = vector.extract_strided_slice %mul3A_31 {offsets = [12, 0], sizes = [1, 512], strides = [1, 1]} : vector<32x512xf32> to vector<1x512xf32>
    %sub3A_857 = vector.broadcast %slice3A_856 : vector<1x512xf32> to vector<32x512xf32>
    %sub3A_858 = arith.subf %mul3A_35, %sub3A_857 : vector<32x512xf32>
    %abs3A_859 = math.absf %sub3A_858 : vector<32x512xf32>
    %sub3A_860 = vector.broadcast %mul3A_22 : vector<1x512xf32> to vector<32x512xf32>
    %sub3A_861 = arith.subf %abs3A_859, %sub3A_860 : vector<32x512xf32>
    %slice3A_862 = vector.extract_strided_slice %mul3A_65 {offsets = [12, 0], sizes = [1, 512], strides = [1, 1]} : vector<32x512xf32> to vector<1x512xf32>
    %add3A_863 = vector.broadcast %slice3A_862 : vector<1x512xf32> to vector<32x512xf32>
    %add3A_864 = arith.addf %add3A_863, %mul3A_69 : vector<32x512xf32>
    %abs3A_865 = math.absf %add3A_864 : vector<32x512xf32>
    %sub3A_866 = vector.broadcast %mul3A_53 : vector<1x512xf32> to vector<32x512xf32>
    %sub3A_867 = arith.subf %abs3A_865, %sub3A_866 : vector<32x512xf32>
    %slice3A_868 = vector.extract_strided_slice %mul3A_67 {offsets = [12, 0], sizes = [1, 512], strides = [1, 1]} : vector<32x512xf32> to vector<1x512xf32>
    %sub3A_869 = vector.broadcast %slice3A_868 : vector<1x512xf32> to vector<32x512xf32>
    %sub3A_870 = arith.subf %mul3A_71, %sub3A_869 : vector<32x512xf32>
    %abs3A_871 = math.absf %sub3A_870 : vector<32x512xf32>
    %sub3A_872 = vector.broadcast %mul3A_57 : vector<1x512xf32> to vector<32x512xf32>
    %sub3A_873 = arith.subf %abs3A_871, %sub3A_872 : vector<32x512xf32>
    %min3A_874 = arith.constant 2.900000e+01 : f32
    %min3A_875 = vector.broadcast %min3A_874 : f32 to vector<32x512xf32>
    %min3A_876 = arith.minimumf %sub3A_855, %min3A_875 : vector<32x512xf32>
    %exp23A_877 = math.exp2 %min3A_876 : vector<32x512xf32>
    %add3A_878 = arith.constant 1.000000e+00 : f32
    %add3A_879 = vector.broadcast %add3A_878 : f32 to vector<32x512xf32>
    %add3A_880 = arith.addf %add3A_879, %exp23A_877 : vector<32x512xf32>
    %min3A_881 = arith.constant 2.900000e+01 : f32
    %min3A_882 = vector.broadcast %min3A_881 : f32 to vector<32x512xf32>
    %min3A_883 = arith.minimumf %sub3A_861, %min3A_882 : vector<32x512xf32>
    %exp23A_884 = math.exp2 %min3A_883 : vector<32x512xf32>
    %add3A_885 = arith.constant 1.000000e+00 : f32
    %add3A_886 = vector.broadcast %add3A_885 : f32 to vector<32x512xf32>
    %add3A_887 = arith.addf %add3A_886, %exp23A_884 : vector<32x512xf32>
    %mul3A_888 = arith.mulf %add3A_880, %add3A_887 : vector<32x512xf32>
    %min3A_889 = arith.constant 2.900000e+01 : f32
    %min3A_890 = vector.broadcast %min3A_889 : f32 to vector<32x512xf32>
    %min3A_891 = arith.minimumf %sub3A_867, %min3A_890 : vector<32x512xf32>
    %exp23A_892 = math.exp2 %min3A_891 : vector<32x512xf32>
    %add3A_893 = arith.constant 1.000000e+00 : f32
    %add3A_894 = vector.broadcast %add3A_893 : f32 to vector<32x512xf32>
    %add3A_895 = arith.addf %add3A_894, %exp23A_892 : vector<32x512xf32>
    %min3A_896 = arith.constant 2.900000e+01 : f32
    %min3A_897 = vector.broadcast %min3A_896 : f32 to vector<32x512xf32>
    %min3A_898 = arith.minimumf %sub3A_873, %min3A_897 : vector<32x512xf32>
    %exp23A_899 = math.exp2 %min3A_898 : vector<32x512xf32>
    %add3A_900 = arith.constant 1.000000e+00 : f32
    %add3A_901 = vector.broadcast %add3A_900 : f32 to vector<32x512xf32>
    %add3A_902 = arith.addf %add3A_901, %exp23A_899 : vector<32x512xf32>
    %mul3A_903 = arith.mulf %add3A_895, %add3A_902 : vector<32x512xf32>
    %mul3A_904 = arith.mulf %mul3A_888, %mul3A_903 : vector<32x512xf32>
    %div3A_905 = arith.constant 1.000000e+00 : f32
    %div3A_906 = vector.broadcast %div3A_905 : f32 to vector<32x512xf32>
    %div3A_907 = arith.divf %div3A_906, %mul3A_904 : vector<32x512xf32>
    %add3A_908 = arith.addf %add3A_843, %div3A_907 : vector<32x512xf32>
    %add3A_909 = arith.addf %mul3A_888, %mul3A_903 : vector<32x512xf32>
    %sub3A_910 = arith.constant 1.000000e+00 : f32
    %sub3A_911 = vector.broadcast %sub3A_910 : f32 to vector<32x512xf32>
    %sub3A_912 = arith.subf %add3A_909, %sub3A_911 : vector<32x512xf32>
    %mul3A_913 = arith.mulf %sub3A_912, %div3A_907 : vector<32x512xf32>
    %add3A_914 = arith.addf %add3A_849, %mul3A_913 : vector<32x512xf32>
    %slice3A_915 = vector.extract_strided_slice %mul3A_29 {offsets = [13, 0], sizes = [1, 512], strides = [1, 1]} : vector<32x512xf32> to vector<1x512xf32>
    %add3A_916 = vector.broadcast %slice3A_915 : vector<1x512xf32> to vector<32x512xf32>
    %add3A_917 = arith.addf %add3A_916, %mul3A_33 : vector<32x512xf32>
    %abs3A_918 = math.absf %add3A_917 : vector<32x512xf32>
    %sub3A_919 = vector.broadcast %mul3A_18 : vector<1x512xf32> to vector<32x512xf32>
    %sub3A_920 = arith.subf %abs3A_918, %sub3A_919 : vector<32x512xf32>
    %slice3A_921 = vector.extract_strided_slice %mul3A_31 {offsets = [13, 0], sizes = [1, 512], strides = [1, 1]} : vector<32x512xf32> to vector<1x512xf32>
    %sub3A_922 = vector.broadcast %slice3A_921 : vector<1x512xf32> to vector<32x512xf32>
    %sub3A_923 = arith.subf %mul3A_35, %sub3A_922 : vector<32x512xf32>
    %abs3A_924 = math.absf %sub3A_923 : vector<32x512xf32>
    %sub3A_925 = vector.broadcast %mul3A_22 : vector<1x512xf32> to vector<32x512xf32>
    %sub3A_926 = arith.subf %abs3A_924, %sub3A_925 : vector<32x512xf32>
    %slice3A_927 = vector.extract_strided_slice %mul3A_65 {offsets = [13, 0], sizes = [1, 512], strides = [1, 1]} : vector<32x512xf32> to vector<1x512xf32>
    %add3A_928 = vector.broadcast %slice3A_927 : vector<1x512xf32> to vector<32x512xf32>
    %add3A_929 = arith.addf %add3A_928, %mul3A_69 : vector<32x512xf32>
    %abs3A_930 = math.absf %add3A_929 : vector<32x512xf32>
    %sub3A_931 = vector.broadcast %mul3A_53 : vector<1x512xf32> to vector<32x512xf32>
    %sub3A_932 = arith.subf %abs3A_930, %sub3A_931 : vector<32x512xf32>
    %slice3A_933 = vector.extract_strided_slice %mul3A_67 {offsets = [13, 0], sizes = [1, 512], strides = [1, 1]} : vector<32x512xf32> to vector<1x512xf32>
    %sub3A_934 = vector.broadcast %slice3A_933 : vector<1x512xf32> to vector<32x512xf32>
    %sub3A_935 = arith.subf %mul3A_71, %sub3A_934 : vector<32x512xf32>
    %abs3A_936 = math.absf %sub3A_935 : vector<32x512xf32>
    %sub3A_937 = vector.broadcast %mul3A_57 : vector<1x512xf32> to vector<32x512xf32>
    %sub3A_938 = arith.subf %abs3A_936, %sub3A_937 : vector<32x512xf32>
    %min3A_939 = arith.constant 2.900000e+01 : f32
    %min3A_940 = vector.broadcast %min3A_939 : f32 to vector<32x512xf32>
    %min3A_941 = arith.minimumf %sub3A_920, %min3A_940 : vector<32x512xf32>
    %exp23A_942 = math.exp2 %min3A_941 : vector<32x512xf32>
    %add3A_943 = arith.constant 1.000000e+00 : f32
    %add3A_944 = vector.broadcast %add3A_943 : f32 to vector<32x512xf32>
    %add3A_945 = arith.addf %add3A_944, %exp23A_942 : vector<32x512xf32>
    %min3A_946 = arith.constant 2.900000e+01 : f32
    %min3A_947 = vector.broadcast %min3A_946 : f32 to vector<32x512xf32>
    %min3A_948 = arith.minimumf %sub3A_926, %min3A_947 : vector<32x512xf32>
    %exp23A_949 = math.exp2 %min3A_948 : vector<32x512xf32>
    %add3A_950 = arith.constant 1.000000e+00 : f32
    %add3A_951 = vector.broadcast %add3A_950 : f32 to vector<32x512xf32>
    %add3A_952 = arith.addf %add3A_951, %exp23A_949 : vector<32x512xf32>
    %mul3A_953 = arith.mulf %add3A_945, %add3A_952 : vector<32x512xf32>
    %min3A_954 = arith.constant 2.900000e+01 : f32
    %min3A_955 = vector.broadcast %min3A_954 : f32 to vector<32x512xf32>
    %min3A_956 = arith.minimumf %sub3A_932, %min3A_955 : vector<32x512xf32>
    %exp23A_957 = math.exp2 %min3A_956 : vector<32x512xf32>
    %add3A_958 = arith.constant 1.000000e+00 : f32
    %add3A_959 = vector.broadcast %add3A_958 : f32 to vector<32x512xf32>
    %add3A_960 = arith.addf %add3A_959, %exp23A_957 : vector<32x512xf32>
    %min3A_961 = arith.constant 2.900000e+01 : f32
    %min3A_962 = vector.broadcast %min3A_961 : f32 to vector<32x512xf32>
    %min3A_963 = arith.minimumf %sub3A_938, %min3A_962 : vector<32x512xf32>
    %exp23A_964 = math.exp2 %min3A_963 : vector<32x512xf32>
    %add3A_965 = arith.constant 1.000000e+00 : f32
    %add3A_966 = vector.broadcast %add3A_965 : f32 to vector<32x512xf32>
    %add3A_967 = arith.addf %add3A_966, %exp23A_964 : vector<32x512xf32>
    %mul3A_968 = arith.mulf %add3A_960, %add3A_967 : vector<32x512xf32>
    %mul3A_969 = arith.mulf %mul3A_953, %mul3A_968 : vector<32x512xf32>
    %div3A_970 = arith.constant 1.000000e+00 : f32
    %div3A_971 = vector.broadcast %div3A_970 : f32 to vector<32x512xf32>
    %div3A_972 = arith.divf %div3A_971, %mul3A_969 : vector<32x512xf32>
    %add3A_973 = arith.addf %add3A_908, %div3A_972 : vector<32x512xf32>
    %add3A_974 = arith.addf %mul3A_953, %mul3A_968 : vector<32x512xf32>
    %sub3A_975 = arith.constant 1.000000e+00 : f32
    %sub3A_976 = vector.broadcast %sub3A_975 : f32 to vector<32x512xf32>
    %sub3A_977 = arith.subf %add3A_974, %sub3A_976 : vector<32x512xf32>
    %mul3A_978 = arith.mulf %sub3A_977, %div3A_972 : vector<32x512xf32>
    %add3A_979 = arith.addf %add3A_914, %mul3A_978 : vector<32x512xf32>
    %slice3A_980 = vector.extract_strided_slice %mul3A_29 {offsets = [14, 0], sizes = [1, 512], strides = [1, 1]} : vector<32x512xf32> to vector<1x512xf32>
    %add3A_981 = vector.broadcast %slice3A_980 : vector<1x512xf32> to vector<32x512xf32>
    %add3A_982 = arith.addf %add3A_981, %mul3A_33 : vector<32x512xf32>
    %abs3A_983 = math.absf %add3A_982 : vector<32x512xf32>
    %sub3A_984 = vector.broadcast %mul3A_18 : vector<1x512xf32> to vector<32x512xf32>
    %sub3A_985 = arith.subf %abs3A_983, %sub3A_984 : vector<32x512xf32>
    %slice3A_986 = vector.extract_strided_slice %mul3A_31 {offsets = [14, 0], sizes = [1, 512], strides = [1, 1]} : vector<32x512xf32> to vector<1x512xf32>
    %sub3A_987 = vector.broadcast %slice3A_986 : vector<1x512xf32> to vector<32x512xf32>
    %sub3A_988 = arith.subf %mul3A_35, %sub3A_987 : vector<32x512xf32>
    %abs3A_989 = math.absf %sub3A_988 : vector<32x512xf32>
    %sub3A_990 = vector.broadcast %mul3A_22 : vector<1x512xf32> to vector<32x512xf32>
    %sub3A_991 = arith.subf %abs3A_989, %sub3A_990 : vector<32x512xf32>
    %slice3A_992 = vector.extract_strided_slice %mul3A_65 {offsets = [14, 0], sizes = [1, 512], strides = [1, 1]} : vector<32x512xf32> to vector<1x512xf32>
    %add3A_993 = vector.broadcast %slice3A_992 : vector<1x512xf32> to vector<32x512xf32>
    %add3A_994 = arith.addf %add3A_993, %mul3A_69 : vector<32x512xf32>
    %abs3A_995 = math.absf %add3A_994 : vector<32x512xf32>
    %sub3A_996 = vector.broadcast %mul3A_53 : vector<1x512xf32> to vector<32x512xf32>
    %sub3A_997 = arith.subf %abs3A_995, %sub3A_996 : vector<32x512xf32>
    %slice3A_998 = vector.extract_strided_slice %mul3A_67 {offsets = [14, 0], sizes = [1, 512], strides = [1, 1]} : vector<32x512xf32> to vector<1x512xf32>
    %sub3A_999 = vector.broadcast %slice3A_998 : vector<1x512xf32> to vector<32x512xf32>
    %sub3A_1000 = arith.subf %mul3A_71, %sub3A_999 : vector<32x512xf32>
    %abs3A_1001 = math.absf %sub3A_1000 : vector<32x512xf32>
    %sub3A_1002 = vector.broadcast %mul3A_57 : vector<1x512xf32> to vector<32x512xf32>
    %sub3A_1003 = arith.subf %abs3A_1001, %sub3A_1002 : vector<32x512xf32>
    %min3A_1004 = arith.constant 2.900000e+01 : f32
    %min3A_1005 = vector.broadcast %min3A_1004 : f32 to vector<32x512xf32>
    %min3A_1006 = arith.minimumf %sub3A_985, %min3A_1005 : vector<32x512xf32>
    %exp23A_1007 = math.exp2 %min3A_1006 : vector<32x512xf32>
    %add3A_1008 = arith.constant 1.000000e+00 : f32
    %add3A_1009 = vector.broadcast %add3A_1008 : f32 to vector<32x512xf32>
    %add3A_1010 = arith.addf %add3A_1009, %exp23A_1007 : vector<32x512xf32>
    %min3A_1011 = arith.constant 2.900000e+01 : f32
    %min3A_1012 = vector.broadcast %min3A_1011 : f32 to vector<32x512xf32>
    %min3A_1013 = arith.minimumf %sub3A_991, %min3A_1012 : vector<32x512xf32>
    %exp23A_1014 = math.exp2 %min3A_1013 : vector<32x512xf32>
    %add3A_1015 = arith.constant 1.000000e+00 : f32
    %add3A_1016 = vector.broadcast %add3A_1015 : f32 to vector<32x512xf32>
    %add3A_1017 = arith.addf %add3A_1016, %exp23A_1014 : vector<32x512xf32>
    %mul3A_1018 = arith.mulf %add3A_1010, %add3A_1017 : vector<32x512xf32>
    %min3A_1019 = arith.constant 2.900000e+01 : f32
    %min3A_1020 = vector.broadcast %min3A_1019 : f32 to vector<32x512xf32>
    %min3A_1021 = arith.minimumf %sub3A_997, %min3A_1020 : vector<32x512xf32>
    %exp23A_1022 = math.exp2 %min3A_1021 : vector<32x512xf32>
    %add3A_1023 = arith.constant 1.000000e+00 : f32
    %add3A_1024 = vector.broadcast %add3A_1023 : f32 to vector<32x512xf32>
    %add3A_1025 = arith.addf %add3A_1024, %exp23A_1022 : vector<32x512xf32>
    %min3A_1026 = arith.constant 2.900000e+01 : f32
    %min3A_1027 = vector.broadcast %min3A_1026 : f32 to vector<32x512xf32>
    %min3A_1028 = arith.minimumf %sub3A_1003, %min3A_1027 : vector<32x512xf32>
    %exp23A_1029 = math.exp2 %min3A_1028 : vector<32x512xf32>
    %add3A_1030 = arith.constant 1.000000e+00 : f32
    %add3A_1031 = vector.broadcast %add3A_1030 : f32 to vector<32x512xf32>
    %add3A_1032 = arith.addf %add3A_1031, %exp23A_1029 : vector<32x512xf32>
    %mul3A_1033 = arith.mulf %add3A_1025, %add3A_1032 : vector<32x512xf32>
    %mul3A_1034 = arith.mulf %mul3A_1018, %mul3A_1033 : vector<32x512xf32>
    %div3A_1035 = arith.constant 1.000000e+00 : f32
    %div3A_1036 = vector.broadcast %div3A_1035 : f32 to vector<32x512xf32>
    %div3A_1037 = arith.divf %div3A_1036, %mul3A_1034 : vector<32x512xf32>
    %add3A_1038 = arith.addf %add3A_973, %div3A_1037 : vector<32x512xf32>
    %add3A_1039 = arith.addf %mul3A_1018, %mul3A_1033 : vector<32x512xf32>
    %sub3A_1040 = arith.constant 1.000000e+00 : f32
    %sub3A_1041 = vector.broadcast %sub3A_1040 : f32 to vector<32x512xf32>
    %sub3A_1042 = arith.subf %add3A_1039, %sub3A_1041 : vector<32x512xf32>
    %mul3A_1043 = arith.mulf %sub3A_1042, %div3A_1037 : vector<32x512xf32>
    %add3A_1044 = arith.addf %add3A_979, %mul3A_1043 : vector<32x512xf32>
    %slice3A_1045 = vector.extract_strided_slice %mul3A_29 {offsets = [15, 0], sizes = [1, 512], strides = [1, 1]} : vector<32x512xf32> to vector<1x512xf32>
    %add3A_1046 = vector.broadcast %slice3A_1045 : vector<1x512xf32> to vector<32x512xf32>
    %add3A_1047 = arith.addf %add3A_1046, %mul3A_33 : vector<32x512xf32>
    %abs3A_1048 = math.absf %add3A_1047 : vector<32x512xf32>
    %sub3A_1049 = vector.broadcast %mul3A_18 : vector<1x512xf32> to vector<32x512xf32>
    %sub3A_1050 = arith.subf %abs3A_1048, %sub3A_1049 : vector<32x512xf32>
    %slice3A_1051 = vector.extract_strided_slice %mul3A_31 {offsets = [15, 0], sizes = [1, 512], strides = [1, 1]} : vector<32x512xf32> to vector<1x512xf32>
    %sub3A_1052 = vector.broadcast %slice3A_1051 : vector<1x512xf32> to vector<32x512xf32>
    %sub3A_1053 = arith.subf %mul3A_35, %sub3A_1052 : vector<32x512xf32>
    %abs3A_1054 = math.absf %sub3A_1053 : vector<32x512xf32>
    %sub3A_1055 = vector.broadcast %mul3A_22 : vector<1x512xf32> to vector<32x512xf32>
    %sub3A_1056 = arith.subf %abs3A_1054, %sub3A_1055 : vector<32x512xf32>
    %slice3A_1057 = vector.extract_strided_slice %mul3A_65 {offsets = [15, 0], sizes = [1, 512], strides = [1, 1]} : vector<32x512xf32> to vector<1x512xf32>
    %add3A_1058 = vector.broadcast %slice3A_1057 : vector<1x512xf32> to vector<32x512xf32>
    %add3A_1059 = arith.addf %add3A_1058, %mul3A_69 : vector<32x512xf32>
    %abs3A_1060 = math.absf %add3A_1059 : vector<32x512xf32>
    %sub3A_1061 = vector.broadcast %mul3A_53 : vector<1x512xf32> to vector<32x512xf32>
    %sub3A_1062 = arith.subf %abs3A_1060, %sub3A_1061 : vector<32x512xf32>
    %slice3A_1063 = vector.extract_strided_slice %mul3A_67 {offsets = [15, 0], sizes = [1, 512], strides = [1, 1]} : vector<32x512xf32> to vector<1x512xf32>
    %sub3A_1064 = vector.broadcast %slice3A_1063 : vector<1x512xf32> to vector<32x512xf32>
    %sub3A_1065 = arith.subf %mul3A_71, %sub3A_1064 : vector<32x512xf32>
    %abs3A_1066 = math.absf %sub3A_1065 : vector<32x512xf32>
    %sub3A_1067 = vector.broadcast %mul3A_57 : vector<1x512xf32> to vector<32x512xf32>
    %sub3A_1068 = arith.subf %abs3A_1066, %sub3A_1067 : vector<32x512xf32>
    %min3A_1069 = arith.constant 2.900000e+01 : f32
    %min3A_1070 = vector.broadcast %min3A_1069 : f32 to vector<32x512xf32>
    %min3A_1071 = arith.minimumf %sub3A_1050, %min3A_1070 : vector<32x512xf32>
    %exp23A_1072 = math.exp2 %min3A_1071 : vector<32x512xf32>
    %add3A_1073 = arith.constant 1.000000e+00 : f32
    %add3A_1074 = vector.broadcast %add3A_1073 : f32 to vector<32x512xf32>
    %add3A_1075 = arith.addf %add3A_1074, %exp23A_1072 : vector<32x512xf32>
    %min3A_1076 = arith.constant 2.900000e+01 : f32
    %min3A_1077 = vector.broadcast %min3A_1076 : f32 to vector<32x512xf32>
    %min3A_1078 = arith.minimumf %sub3A_1056, %min3A_1077 : vector<32x512xf32>
    %exp23A_1079 = math.exp2 %min3A_1078 : vector<32x512xf32>
    %add3A_1080 = arith.constant 1.000000e+00 : f32
    %add3A_1081 = vector.broadcast %add3A_1080 : f32 to vector<32x512xf32>
    %add3A_1082 = arith.addf %add3A_1081, %exp23A_1079 : vector<32x512xf32>
    %mul3A_1083 = arith.mulf %add3A_1075, %add3A_1082 : vector<32x512xf32>
    %min3A_1084 = arith.constant 2.900000e+01 : f32
    %min3A_1085 = vector.broadcast %min3A_1084 : f32 to vector<32x512xf32>
    %min3A_1086 = arith.minimumf %sub3A_1062, %min3A_1085 : vector<32x512xf32>
    %exp23A_1087 = math.exp2 %min3A_1086 : vector<32x512xf32>
    %add3A_1088 = arith.constant 1.000000e+00 : f32
    %add3A_1089 = vector.broadcast %add3A_1088 : f32 to vector<32x512xf32>
    %add3A_1090 = arith.addf %add3A_1089, %exp23A_1087 : vector<32x512xf32>
    %min3A_1091 = arith.constant 2.900000e+01 : f32
    %min3A_1092 = vector.broadcast %min3A_1091 : f32 to vector<32x512xf32>
    %min3A_1093 = arith.minimumf %sub3A_1068, %min3A_1092 : vector<32x512xf32>
    %exp23A_1094 = math.exp2 %min3A_1093 : vector<32x512xf32>
    %add3A_1095 = arith.constant 1.000000e+00 : f32
    %add3A_1096 = vector.broadcast %add3A_1095 : f32 to vector<32x512xf32>
    %add3A_1097 = arith.addf %add3A_1096, %exp23A_1094 : vector<32x512xf32>
    %mul3A_1098 = arith.mulf %add3A_1090, %add3A_1097 : vector<32x512xf32>
    %mul3A_1099 = arith.mulf %mul3A_1083, %mul3A_1098 : vector<32x512xf32>
    %div3A_1100 = arith.constant 1.000000e+00 : f32
    %div3A_1101 = vector.broadcast %div3A_1100 : f32 to vector<32x512xf32>
    %div3A_1102 = arith.divf %div3A_1101, %mul3A_1099 : vector<32x512xf32>
    %add3A_1103 = arith.addf %add3A_1038, %div3A_1102 : vector<32x512xf32>
    %add3A_1104 = arith.addf %mul3A_1083, %mul3A_1098 : vector<32x512xf32>
    %sub3A_1105 = arith.constant 1.000000e+00 : f32
    %sub3A_1106 = vector.broadcast %sub3A_1105 : f32 to vector<32x512xf32>
    %sub3A_1107 = arith.subf %add3A_1104, %sub3A_1106 : vector<32x512xf32>
    %mul3A_1108 = arith.mulf %sub3A_1107, %div3A_1102 : vector<32x512xf32>
    %add3A_1109 = arith.addf %add3A_1044, %mul3A_1108 : vector<32x512xf32>
    %slice3A_1110 = vector.extract_strided_slice %mul3A_29 {offsets = [16, 0], sizes = [1, 512], strides = [1, 1]} : vector<32x512xf32> to vector<1x512xf32>
    %add3A_1111 = vector.broadcast %slice3A_1110 : vector<1x512xf32> to vector<32x512xf32>
    %add3A_1112 = arith.addf %add3A_1111, %mul3A_33 : vector<32x512xf32>
    %abs3A_1113 = math.absf %add3A_1112 : vector<32x512xf32>
    %sub3A_1114 = vector.broadcast %mul3A_18 : vector<1x512xf32> to vector<32x512xf32>
    %sub3A_1115 = arith.subf %abs3A_1113, %sub3A_1114 : vector<32x512xf32>
    %slice3A_1116 = vector.extract_strided_slice %mul3A_31 {offsets = [16, 0], sizes = [1, 512], strides = [1, 1]} : vector<32x512xf32> to vector<1x512xf32>
    %sub3A_1117 = vector.broadcast %slice3A_1116 : vector<1x512xf32> to vector<32x512xf32>
    %sub3A_1118 = arith.subf %mul3A_35, %sub3A_1117 : vector<32x512xf32>
    %abs3A_1119 = math.absf %sub3A_1118 : vector<32x512xf32>
    %sub3A_1120 = vector.broadcast %mul3A_22 : vector<1x512xf32> to vector<32x512xf32>
    %sub3A_1121 = arith.subf %abs3A_1119, %sub3A_1120 : vector<32x512xf32>
    %slice3A_1122 = vector.extract_strided_slice %mul3A_65 {offsets = [16, 0], sizes = [1, 512], strides = [1, 1]} : vector<32x512xf32> to vector<1x512xf32>
    %add3A_1123 = vector.broadcast %slice3A_1122 : vector<1x512xf32> to vector<32x512xf32>
    %add3A_1124 = arith.addf %add3A_1123, %mul3A_69 : vector<32x512xf32>
    %abs3A_1125 = math.absf %add3A_1124 : vector<32x512xf32>
    %sub3A_1126 = vector.broadcast %mul3A_53 : vector<1x512xf32> to vector<32x512xf32>
    %sub3A_1127 = arith.subf %abs3A_1125, %sub3A_1126 : vector<32x512xf32>
    %slice3A_1128 = vector.extract_strided_slice %mul3A_67 {offsets = [16, 0], sizes = [1, 512], strides = [1, 1]} : vector<32x512xf32> to vector<1x512xf32>
    %sub3A_1129 = vector.broadcast %slice3A_1128 : vector<1x512xf32> to vector<32x512xf32>
    %sub3A_1130 = arith.subf %mul3A_71, %sub3A_1129 : vector<32x512xf32>
    %abs3A_1131 = math.absf %sub3A_1130 : vector<32x512xf32>
    %sub3A_1132 = vector.broadcast %mul3A_57 : vector<1x512xf32> to vector<32x512xf32>
    %sub3A_1133 = arith.subf %abs3A_1131, %sub3A_1132 : vector<32x512xf32>
    %min3A_1134 = arith.constant 2.900000e+01 : f32
    %min3A_1135 = vector.broadcast %min3A_1134 : f32 to vector<32x512xf32>
    %min3A_1136 = arith.minimumf %sub3A_1115, %min3A_1135 : vector<32x512xf32>
    %exp23A_1137 = math.exp2 %min3A_1136 : vector<32x512xf32>
    %add3A_1138 = arith.constant 1.000000e+00 : f32
    %add3A_1139 = vector.broadcast %add3A_1138 : f32 to vector<32x512xf32>
    %add3A_1140 = arith.addf %add3A_1139, %exp23A_1137 : vector<32x512xf32>
    %min3A_1141 = arith.constant 2.900000e+01 : f32
    %min3A_1142 = vector.broadcast %min3A_1141 : f32 to vector<32x512xf32>
    %min3A_1143 = arith.minimumf %sub3A_1121, %min3A_1142 : vector<32x512xf32>
    %exp23A_1144 = math.exp2 %min3A_1143 : vector<32x512xf32>
    %add3A_1145 = arith.constant 1.000000e+00 : f32
    %add3A_1146 = vector.broadcast %add3A_1145 : f32 to vector<32x512xf32>
    %add3A_1147 = arith.addf %add3A_1146, %exp23A_1144 : vector<32x512xf32>
    %mul3A_1148 = arith.mulf %add3A_1140, %add3A_1147 : vector<32x512xf32>
    %min3A_1149 = arith.constant 2.900000e+01 : f32
    %min3A_1150 = vector.broadcast %min3A_1149 : f32 to vector<32x512xf32>
    %min3A_1151 = arith.minimumf %sub3A_1127, %min3A_1150 : vector<32x512xf32>
    %exp23A_1152 = math.exp2 %min3A_1151 : vector<32x512xf32>
    %add3A_1153 = arith.constant 1.000000e+00 : f32
    %add3A_1154 = vector.broadcast %add3A_1153 : f32 to vector<32x512xf32>
    %add3A_1155 = arith.addf %add3A_1154, %exp23A_1152 : vector<32x512xf32>
    %min3A_1156 = arith.constant 2.900000e+01 : f32
    %min3A_1157 = vector.broadcast %min3A_1156 : f32 to vector<32x512xf32>
    %min3A_1158 = arith.minimumf %sub3A_1133, %min3A_1157 : vector<32x512xf32>
    %exp23A_1159 = math.exp2 %min3A_1158 : vector<32x512xf32>
    %add3A_1160 = arith.constant 1.000000e+00 : f32
    %add3A_1161 = vector.broadcast %add3A_1160 : f32 to vector<32x512xf32>
    %add3A_1162 = arith.addf %add3A_1161, %exp23A_1159 : vector<32x512xf32>
    %mul3A_1163 = arith.mulf %add3A_1155, %add3A_1162 : vector<32x512xf32>
    %mul3A_1164 = arith.mulf %mul3A_1148, %mul3A_1163 : vector<32x512xf32>
    %div3A_1165 = arith.constant 1.000000e+00 : f32
    %div3A_1166 = vector.broadcast %div3A_1165 : f32 to vector<32x512xf32>
    %div3A_1167 = arith.divf %div3A_1166, %mul3A_1164 : vector<32x512xf32>
    %add3A_1168 = arith.addf %add3A_1103, %div3A_1167 : vector<32x512xf32>
    %add3A_1169 = arith.addf %mul3A_1148, %mul3A_1163 : vector<32x512xf32>
    %sub3A_1170 = arith.constant 1.000000e+00 : f32
    %sub3A_1171 = vector.broadcast %sub3A_1170 : f32 to vector<32x512xf32>
    %sub3A_1172 = arith.subf %add3A_1169, %sub3A_1171 : vector<32x512xf32>
    %mul3A_1173 = arith.mulf %sub3A_1172, %div3A_1167 : vector<32x512xf32>
    %add3A_1174 = arith.addf %add3A_1109, %mul3A_1173 : vector<32x512xf32>
    %slice3A_1175 = vector.extract_strided_slice %mul3A_29 {offsets = [17, 0], sizes = [1, 512], strides = [1, 1]} : vector<32x512xf32> to vector<1x512xf32>
    %add3A_1176 = vector.broadcast %slice3A_1175 : vector<1x512xf32> to vector<32x512xf32>
    %add3A_1177 = arith.addf %add3A_1176, %mul3A_33 : vector<32x512xf32>
    %abs3A_1178 = math.absf %add3A_1177 : vector<32x512xf32>
    %sub3A_1179 = vector.broadcast %mul3A_18 : vector<1x512xf32> to vector<32x512xf32>
    %sub3A_1180 = arith.subf %abs3A_1178, %sub3A_1179 : vector<32x512xf32>
    %slice3A_1181 = vector.extract_strided_slice %mul3A_31 {offsets = [17, 0], sizes = [1, 512], strides = [1, 1]} : vector<32x512xf32> to vector<1x512xf32>
    %sub3A_1182 = vector.broadcast %slice3A_1181 : vector<1x512xf32> to vector<32x512xf32>
    %sub3A_1183 = arith.subf %mul3A_35, %sub3A_1182 : vector<32x512xf32>
    %abs3A_1184 = math.absf %sub3A_1183 : vector<32x512xf32>
    %sub3A_1185 = vector.broadcast %mul3A_22 : vector<1x512xf32> to vector<32x512xf32>
    %sub3A_1186 = arith.subf %abs3A_1184, %sub3A_1185 : vector<32x512xf32>
    %slice3A_1187 = vector.extract_strided_slice %mul3A_65 {offsets = [17, 0], sizes = [1, 512], strides = [1, 1]} : vector<32x512xf32> to vector<1x512xf32>
    %add3A_1188 = vector.broadcast %slice3A_1187 : vector<1x512xf32> to vector<32x512xf32>
    %add3A_1189 = arith.addf %add3A_1188, %mul3A_69 : vector<32x512xf32>
    %abs3A_1190 = math.absf %add3A_1189 : vector<32x512xf32>
    %sub3A_1191 = vector.broadcast %mul3A_53 : vector<1x512xf32> to vector<32x512xf32>
    %sub3A_1192 = arith.subf %abs3A_1190, %sub3A_1191 : vector<32x512xf32>
    %slice3A_1193 = vector.extract_strided_slice %mul3A_67 {offsets = [17, 0], sizes = [1, 512], strides = [1, 1]} : vector<32x512xf32> to vector<1x512xf32>
    %sub3A_1194 = vector.broadcast %slice3A_1193 : vector<1x512xf32> to vector<32x512xf32>
    %sub3A_1195 = arith.subf %mul3A_71, %sub3A_1194 : vector<32x512xf32>
    %abs3A_1196 = math.absf %sub3A_1195 : vector<32x512xf32>
    %sub3A_1197 = vector.broadcast %mul3A_57 : vector<1x512xf32> to vector<32x512xf32>
    %sub3A_1198 = arith.subf %abs3A_1196, %sub3A_1197 : vector<32x512xf32>
    %min3A_1199 = arith.constant 2.900000e+01 : f32
    %min3A_1200 = vector.broadcast %min3A_1199 : f32 to vector<32x512xf32>
    %min3A_1201 = arith.minimumf %sub3A_1180, %min3A_1200 : vector<32x512xf32>
    %exp23A_1202 = math.exp2 %min3A_1201 : vector<32x512xf32>
    %add3A_1203 = arith.constant 1.000000e+00 : f32
    %add3A_1204 = vector.broadcast %add3A_1203 : f32 to vector<32x512xf32>
    %add3A_1205 = arith.addf %add3A_1204, %exp23A_1202 : vector<32x512xf32>
    %min3A_1206 = arith.constant 2.900000e+01 : f32
    %min3A_1207 = vector.broadcast %min3A_1206 : f32 to vector<32x512xf32>
    %min3A_1208 = arith.minimumf %sub3A_1186, %min3A_1207 : vector<32x512xf32>
    %exp23A_1209 = math.exp2 %min3A_1208 : vector<32x512xf32>
    %add3A_1210 = arith.constant 1.000000e+00 : f32
    %add3A_1211 = vector.broadcast %add3A_1210 : f32 to vector<32x512xf32>
    %add3A_1212 = arith.addf %add3A_1211, %exp23A_1209 : vector<32x512xf32>
    %mul3A_1213 = arith.mulf %add3A_1205, %add3A_1212 : vector<32x512xf32>
    %min3A_1214 = arith.constant 2.900000e+01 : f32
    %min3A_1215 = vector.broadcast %min3A_1214 : f32 to vector<32x512xf32>
    %min3A_1216 = arith.minimumf %sub3A_1192, %min3A_1215 : vector<32x512xf32>
    %exp23A_1217 = math.exp2 %min3A_1216 : vector<32x512xf32>
    %add3A_1218 = arith.constant 1.000000e+00 : f32
    %add3A_1219 = vector.broadcast %add3A_1218 : f32 to vector<32x512xf32>
    %add3A_1220 = arith.addf %add3A_1219, %exp23A_1217 : vector<32x512xf32>
    %min3A_1221 = arith.constant 2.900000e+01 : f32
    %min3A_1222 = vector.broadcast %min3A_1221 : f32 to vector<32x512xf32>
    %min3A_1223 = arith.minimumf %sub3A_1198, %min3A_1222 : vector<32x512xf32>
    %exp23A_1224 = math.exp2 %min3A_1223 : vector<32x512xf32>
    %add3A_1225 = arith.constant 1.000000e+00 : f32
    %add3A_1226 = vector.broadcast %add3A_1225 : f32 to vector<32x512xf32>
    %add3A_1227 = arith.addf %add3A_1226, %exp23A_1224 : vector<32x512xf32>
    %mul3A_1228 = arith.mulf %add3A_1220, %add3A_1227 : vector<32x512xf32>
    %mul3A_1229 = arith.mulf %mul3A_1213, %mul3A_1228 : vector<32x512xf32>
    %div3A_1230 = arith.constant 1.000000e+00 : f32
    %div3A_1231 = vector.broadcast %div3A_1230 : f32 to vector<32x512xf32>
    %div3A_1232 = arith.divf %div3A_1231, %mul3A_1229 : vector<32x512xf32>
    %add3A_1233 = arith.addf %add3A_1168, %div3A_1232 : vector<32x512xf32>
    %add3A_1234 = arith.addf %mul3A_1213, %mul3A_1228 : vector<32x512xf32>
    %sub3A_1235 = arith.constant 1.000000e+00 : f32
    %sub3A_1236 = vector.broadcast %sub3A_1235 : f32 to vector<32x512xf32>
    %sub3A_1237 = arith.subf %add3A_1234, %sub3A_1236 : vector<32x512xf32>
    %mul3A_1238 = arith.mulf %sub3A_1237, %div3A_1232 : vector<32x512xf32>
    %add3A_1239 = arith.addf %add3A_1174, %mul3A_1238 : vector<32x512xf32>
    %slice3A_1240 = vector.extract_strided_slice %mul3A_29 {offsets = [18, 0], sizes = [1, 512], strides = [1, 1]} : vector<32x512xf32> to vector<1x512xf32>
    %add3A_1241 = vector.broadcast %slice3A_1240 : vector<1x512xf32> to vector<32x512xf32>
    %add3A_1242 = arith.addf %add3A_1241, %mul3A_33 : vector<32x512xf32>
    %abs3A_1243 = math.absf %add3A_1242 : vector<32x512xf32>
    %sub3A_1244 = vector.broadcast %mul3A_18 : vector<1x512xf32> to vector<32x512xf32>
    %sub3A_1245 = arith.subf %abs3A_1243, %sub3A_1244 : vector<32x512xf32>
    %slice3A_1246 = vector.extract_strided_slice %mul3A_31 {offsets = [18, 0], sizes = [1, 512], strides = [1, 1]} : vector<32x512xf32> to vector<1x512xf32>
    %sub3A_1247 = vector.broadcast %slice3A_1246 : vector<1x512xf32> to vector<32x512xf32>
    %sub3A_1248 = arith.subf %mul3A_35, %sub3A_1247 : vector<32x512xf32>
    %abs3A_1249 = math.absf %sub3A_1248 : vector<32x512xf32>
    %sub3A_1250 = vector.broadcast %mul3A_22 : vector<1x512xf32> to vector<32x512xf32>
    %sub3A_1251 = arith.subf %abs3A_1249, %sub3A_1250 : vector<32x512xf32>
    %slice3A_1252 = vector.extract_strided_slice %mul3A_65 {offsets = [18, 0], sizes = [1, 512], strides = [1, 1]} : vector<32x512xf32> to vector<1x512xf32>
    %add3A_1253 = vector.broadcast %slice3A_1252 : vector<1x512xf32> to vector<32x512xf32>
    %add3A_1254 = arith.addf %add3A_1253, %mul3A_69 : vector<32x512xf32>
    %abs3A_1255 = math.absf %add3A_1254 : vector<32x512xf32>
    %sub3A_1256 = vector.broadcast %mul3A_53 : vector<1x512xf32> to vector<32x512xf32>
    %sub3A_1257 = arith.subf %abs3A_1255, %sub3A_1256 : vector<32x512xf32>
    %slice3A_1258 = vector.extract_strided_slice %mul3A_67 {offsets = [18, 0], sizes = [1, 512], strides = [1, 1]} : vector<32x512xf32> to vector<1x512xf32>
    %sub3A_1259 = vector.broadcast %slice3A_1258 : vector<1x512xf32> to vector<32x512xf32>
    %sub3A_1260 = arith.subf %mul3A_71, %sub3A_1259 : vector<32x512xf32>
    %abs3A_1261 = math.absf %sub3A_1260 : vector<32x512xf32>
    %sub3A_1262 = vector.broadcast %mul3A_57 : vector<1x512xf32> to vector<32x512xf32>
    %sub3A_1263 = arith.subf %abs3A_1261, %sub3A_1262 : vector<32x512xf32>
    %min3A_1264 = arith.constant 2.900000e+01 : f32
    %min3A_1265 = vector.broadcast %min3A_1264 : f32 to vector<32x512xf32>
    %min3A_1266 = arith.minimumf %sub3A_1245, %min3A_1265 : vector<32x512xf32>
    %exp23A_1267 = math.exp2 %min3A_1266 : vector<32x512xf32>
    %add3A_1268 = arith.constant 1.000000e+00 : f32
    %add3A_1269 = vector.broadcast %add3A_1268 : f32 to vector<32x512xf32>
    %add3A_1270 = arith.addf %add3A_1269, %exp23A_1267 : vector<32x512xf32>
    %min3A_1271 = arith.constant 2.900000e+01 : f32
    %min3A_1272 = vector.broadcast %min3A_1271 : f32 to vector<32x512xf32>
    %min3A_1273 = arith.minimumf %sub3A_1251, %min3A_1272 : vector<32x512xf32>
    %exp23A_1274 = math.exp2 %min3A_1273 : vector<32x512xf32>
    %add3A_1275 = arith.constant 1.000000e+00 : f32
    %add3A_1276 = vector.broadcast %add3A_1275 : f32 to vector<32x512xf32>
    %add3A_1277 = arith.addf %add3A_1276, %exp23A_1274 : vector<32x512xf32>
    %mul3A_1278 = arith.mulf %add3A_1270, %add3A_1277 : vector<32x512xf32>
    %min3A_1279 = arith.constant 2.900000e+01 : f32
    %min3A_1280 = vector.broadcast %min3A_1279 : f32 to vector<32x512xf32>
    %min3A_1281 = arith.minimumf %sub3A_1257, %min3A_1280 : vector<32x512xf32>
    %exp23A_1282 = math.exp2 %min3A_1281 : vector<32x512xf32>
    %add3A_1283 = arith.constant 1.000000e+00 : f32
    %add3A_1284 = vector.broadcast %add3A_1283 : f32 to vector<32x512xf32>
    %add3A_1285 = arith.addf %add3A_1284, %exp23A_1282 : vector<32x512xf32>
    %min3A_1286 = arith.constant 2.900000e+01 : f32
    %min3A_1287 = vector.broadcast %min3A_1286 : f32 to vector<32x512xf32>
    %min3A_1288 = arith.minimumf %sub3A_1263, %min3A_1287 : vector<32x512xf32>
    %exp23A_1289 = math.exp2 %min3A_1288 : vector<32x512xf32>
    %add3A_1290 = arith.constant 1.000000e+00 : f32
    %add3A_1291 = vector.broadcast %add3A_1290 : f32 to vector<32x512xf32>
    %add3A_1292 = arith.addf %add3A_1291, %exp23A_1289 : vector<32x512xf32>
    %mul3A_1293 = arith.mulf %add3A_1285, %add3A_1292 : vector<32x512xf32>
    %mul3A_1294 = arith.mulf %mul3A_1278, %mul3A_1293 : vector<32x512xf32>
    %div3A_1295 = arith.constant 1.000000e+00 : f32
    %div3A_1296 = vector.broadcast %div3A_1295 : f32 to vector<32x512xf32>
    %div3A_1297 = arith.divf %div3A_1296, %mul3A_1294 : vector<32x512xf32>
    %add3A_1298 = arith.addf %add3A_1233, %div3A_1297 : vector<32x512xf32>
    %add3A_1299 = arith.addf %mul3A_1278, %mul3A_1293 : vector<32x512xf32>
    %sub3A_1300 = arith.constant 1.000000e+00 : f32
    %sub3A_1301 = vector.broadcast %sub3A_1300 : f32 to vector<32x512xf32>
    %sub3A_1302 = arith.subf %add3A_1299, %sub3A_1301 : vector<32x512xf32>
    %mul3A_1303 = arith.mulf %sub3A_1302, %div3A_1297 : vector<32x512xf32>
    %add3A_1304 = arith.addf %add3A_1239, %mul3A_1303 : vector<32x512xf32>
    %slice3A_1305 = vector.extract_strided_slice %mul3A_29 {offsets = [19, 0], sizes = [1, 512], strides = [1, 1]} : vector<32x512xf32> to vector<1x512xf32>
    %add3A_1306 = vector.broadcast %slice3A_1305 : vector<1x512xf32> to vector<32x512xf32>
    %add3A_1307 = arith.addf %add3A_1306, %mul3A_33 : vector<32x512xf32>
    %abs3A_1308 = math.absf %add3A_1307 : vector<32x512xf32>
    %sub3A_1309 = vector.broadcast %mul3A_18 : vector<1x512xf32> to vector<32x512xf32>
    %sub3A_1310 = arith.subf %abs3A_1308, %sub3A_1309 : vector<32x512xf32>
    %slice3A_1311 = vector.extract_strided_slice %mul3A_31 {offsets = [19, 0], sizes = [1, 512], strides = [1, 1]} : vector<32x512xf32> to vector<1x512xf32>
    %sub3A_1312 = vector.broadcast %slice3A_1311 : vector<1x512xf32> to vector<32x512xf32>
    %sub3A_1313 = arith.subf %mul3A_35, %sub3A_1312 : vector<32x512xf32>
    %abs3A_1314 = math.absf %sub3A_1313 : vector<32x512xf32>
    %sub3A_1315 = vector.broadcast %mul3A_22 : vector<1x512xf32> to vector<32x512xf32>
    %sub3A_1316 = arith.subf %abs3A_1314, %sub3A_1315 : vector<32x512xf32>
    %slice3A_1317 = vector.extract_strided_slice %mul3A_65 {offsets = [19, 0], sizes = [1, 512], strides = [1, 1]} : vector<32x512xf32> to vector<1x512xf32>
    %add3A_1318 = vector.broadcast %slice3A_1317 : vector<1x512xf32> to vector<32x512xf32>
    %add3A_1319 = arith.addf %add3A_1318, %mul3A_69 : vector<32x512xf32>
    %abs3A_1320 = math.absf %add3A_1319 : vector<32x512xf32>
    %sub3A_1321 = vector.broadcast %mul3A_53 : vector<1x512xf32> to vector<32x512xf32>
    %sub3A_1322 = arith.subf %abs3A_1320, %sub3A_1321 : vector<32x512xf32>
    %slice3A_1323 = vector.extract_strided_slice %mul3A_67 {offsets = [19, 0], sizes = [1, 512], strides = [1, 1]} : vector<32x512xf32> to vector<1x512xf32>
    %sub3A_1324 = vector.broadcast %slice3A_1323 : vector<1x512xf32> to vector<32x512xf32>
    %sub3A_1325 = arith.subf %mul3A_71, %sub3A_1324 : vector<32x512xf32>
    %abs3A_1326 = math.absf %sub3A_1325 : vector<32x512xf32>
    %sub3A_1327 = vector.broadcast %mul3A_57 : vector<1x512xf32> to vector<32x512xf32>
    %sub3A_1328 = arith.subf %abs3A_1326, %sub3A_1327 : vector<32x512xf32>
    %min3A_1329 = arith.constant 2.900000e+01 : f32
    %min3A_1330 = vector.broadcast %min3A_1329 : f32 to vector<32x512xf32>
    %min3A_1331 = arith.minimumf %sub3A_1310, %min3A_1330 : vector<32x512xf32>
    %exp23A_1332 = math.exp2 %min3A_1331 : vector<32x512xf32>
    %add3A_1333 = arith.constant 1.000000e+00 : f32
    %add3A_1334 = vector.broadcast %add3A_1333 : f32 to vector<32x512xf32>
    %add3A_1335 = arith.addf %add3A_1334, %exp23A_1332 : vector<32x512xf32>
    %min3A_1336 = arith.constant 2.900000e+01 : f32
    %min3A_1337 = vector.broadcast %min3A_1336 : f32 to vector<32x512xf32>
    %min3A_1338 = arith.minimumf %sub3A_1316, %min3A_1337 : vector<32x512xf32>
    %exp23A_1339 = math.exp2 %min3A_1338 : vector<32x512xf32>
    %add3A_1340 = arith.constant 1.000000e+00 : f32
    %add3A_1341 = vector.broadcast %add3A_1340 : f32 to vector<32x512xf32>
    %add3A_1342 = arith.addf %add3A_1341, %exp23A_1339 : vector<32x512xf32>
    %mul3A_1343 = arith.mulf %add3A_1335, %add3A_1342 : vector<32x512xf32>
    %min3A_1344 = arith.constant 2.900000e+01 : f32
    %min3A_1345 = vector.broadcast %min3A_1344 : f32 to vector<32x512xf32>
    %min3A_1346 = arith.minimumf %sub3A_1322, %min3A_1345 : vector<32x512xf32>
    %exp23A_1347 = math.exp2 %min3A_1346 : vector<32x512xf32>
    %add3A_1348 = arith.constant 1.000000e+00 : f32
    %add3A_1349 = vector.broadcast %add3A_1348 : f32 to vector<32x512xf32>
    %add3A_1350 = arith.addf %add3A_1349, %exp23A_1347 : vector<32x512xf32>
    %min3A_1351 = arith.constant 2.900000e+01 : f32
    %min3A_1352 = vector.broadcast %min3A_1351 : f32 to vector<32x512xf32>
    %min3A_1353 = arith.minimumf %sub3A_1328, %min3A_1352 : vector<32x512xf32>
    %exp23A_1354 = math.exp2 %min3A_1353 : vector<32x512xf32>
    %add3A_1355 = arith.constant 1.000000e+00 : f32
    %add3A_1356 = vector.broadcast %add3A_1355 : f32 to vector<32x512xf32>
    %add3A_1357 = arith.addf %add3A_1356, %exp23A_1354 : vector<32x512xf32>
    %mul3A_1358 = arith.mulf %add3A_1350, %add3A_1357 : vector<32x512xf32>
    %mul3A_1359 = arith.mulf %mul3A_1343, %mul3A_1358 : vector<32x512xf32>
    %div3A_1360 = arith.constant 1.000000e+00 : f32
    %div3A_1361 = vector.broadcast %div3A_1360 : f32 to vector<32x512xf32>
    %div3A_1362 = arith.divf %div3A_1361, %mul3A_1359 : vector<32x512xf32>
    %add3A_1363 = arith.addf %add3A_1298, %div3A_1362 : vector<32x512xf32>
    %add3A_1364 = arith.addf %mul3A_1343, %mul3A_1358 : vector<32x512xf32>
    %sub3A_1365 = arith.constant 1.000000e+00 : f32
    %sub3A_1366 = vector.broadcast %sub3A_1365 : f32 to vector<32x512xf32>
    %sub3A_1367 = arith.subf %add3A_1364, %sub3A_1366 : vector<32x512xf32>
    %mul3A_1368 = arith.mulf %sub3A_1367, %div3A_1362 : vector<32x512xf32>
    %add3A_1369 = arith.addf %add3A_1304, %mul3A_1368 : vector<32x512xf32>
    %slice3A_1370 = vector.extract_strided_slice %mul3A_29 {offsets = [20, 0], sizes = [1, 512], strides = [1, 1]} : vector<32x512xf32> to vector<1x512xf32>
    %add3A_1371 = vector.broadcast %slice3A_1370 : vector<1x512xf32> to vector<32x512xf32>
    %add3A_1372 = arith.addf %add3A_1371, %mul3A_33 : vector<32x512xf32>
    %abs3A_1373 = math.absf %add3A_1372 : vector<32x512xf32>
    %sub3A_1374 = vector.broadcast %mul3A_18 : vector<1x512xf32> to vector<32x512xf32>
    %sub3A_1375 = arith.subf %abs3A_1373, %sub3A_1374 : vector<32x512xf32>
    %slice3A_1376 = vector.extract_strided_slice %mul3A_31 {offsets = [20, 0], sizes = [1, 512], strides = [1, 1]} : vector<32x512xf32> to vector<1x512xf32>
    %sub3A_1377 = vector.broadcast %slice3A_1376 : vector<1x512xf32> to vector<32x512xf32>
    %sub3A_1378 = arith.subf %mul3A_35, %sub3A_1377 : vector<32x512xf32>
    %abs3A_1379 = math.absf %sub3A_1378 : vector<32x512xf32>
    %sub3A_1380 = vector.broadcast %mul3A_22 : vector<1x512xf32> to vector<32x512xf32>
    %sub3A_1381 = arith.subf %abs3A_1379, %sub3A_1380 : vector<32x512xf32>
    %slice3A_1382 = vector.extract_strided_slice %mul3A_65 {offsets = [20, 0], sizes = [1, 512], strides = [1, 1]} : vector<32x512xf32> to vector<1x512xf32>
    %add3A_1383 = vector.broadcast %slice3A_1382 : vector<1x512xf32> to vector<32x512xf32>
    %add3A_1384 = arith.addf %add3A_1383, %mul3A_69 : vector<32x512xf32>
    %abs3A_1385 = math.absf %add3A_1384 : vector<32x512xf32>
    %sub3A_1386 = vector.broadcast %mul3A_53 : vector<1x512xf32> to vector<32x512xf32>
    %sub3A_1387 = arith.subf %abs3A_1385, %sub3A_1386 : vector<32x512xf32>
    %slice3A_1388 = vector.extract_strided_slice %mul3A_67 {offsets = [20, 0], sizes = [1, 512], strides = [1, 1]} : vector<32x512xf32> to vector<1x512xf32>
    %sub3A_1389 = vector.broadcast %slice3A_1388 : vector<1x512xf32> to vector<32x512xf32>
    %sub3A_1390 = arith.subf %mul3A_71, %sub3A_1389 : vector<32x512xf32>
    %abs3A_1391 = math.absf %sub3A_1390 : vector<32x512xf32>
    %sub3A_1392 = vector.broadcast %mul3A_57 : vector<1x512xf32> to vector<32x512xf32>
    %sub3A_1393 = arith.subf %abs3A_1391, %sub3A_1392 : vector<32x512xf32>
    %min3A_1394 = arith.constant 2.900000e+01 : f32
    %min3A_1395 = vector.broadcast %min3A_1394 : f32 to vector<32x512xf32>
    %min3A_1396 = arith.minimumf %sub3A_1375, %min3A_1395 : vector<32x512xf32>
    %exp23A_1397 = math.exp2 %min3A_1396 : vector<32x512xf32>
    %add3A_1398 = arith.constant 1.000000e+00 : f32
    %add3A_1399 = vector.broadcast %add3A_1398 : f32 to vector<32x512xf32>
    %add3A_1400 = arith.addf %add3A_1399, %exp23A_1397 : vector<32x512xf32>
    %min3A_1401 = arith.constant 2.900000e+01 : f32
    %min3A_1402 = vector.broadcast %min3A_1401 : f32 to vector<32x512xf32>
    %min3A_1403 = arith.minimumf %sub3A_1381, %min3A_1402 : vector<32x512xf32>
    %exp23A_1404 = math.exp2 %min3A_1403 : vector<32x512xf32>
    %add3A_1405 = arith.constant 1.000000e+00 : f32
    %add3A_1406 = vector.broadcast %add3A_1405 : f32 to vector<32x512xf32>
    %add3A_1407 = arith.addf %add3A_1406, %exp23A_1404 : vector<32x512xf32>
    %mul3A_1408 = arith.mulf %add3A_1400, %add3A_1407 : vector<32x512xf32>
    %min3A_1409 = arith.constant 2.900000e+01 : f32
    %min3A_1410 = vector.broadcast %min3A_1409 : f32 to vector<32x512xf32>
    %min3A_1411 = arith.minimumf %sub3A_1387, %min3A_1410 : vector<32x512xf32>
    %exp23A_1412 = math.exp2 %min3A_1411 : vector<32x512xf32>
    %add3A_1413 = arith.constant 1.000000e+00 : f32
    %add3A_1414 = vector.broadcast %add3A_1413 : f32 to vector<32x512xf32>
    %add3A_1415 = arith.addf %add3A_1414, %exp23A_1412 : vector<32x512xf32>
    %min3A_1416 = arith.constant 2.900000e+01 : f32
    %min3A_1417 = vector.broadcast %min3A_1416 : f32 to vector<32x512xf32>
    %min3A_1418 = arith.minimumf %sub3A_1393, %min3A_1417 : vector<32x512xf32>
    %exp23A_1419 = math.exp2 %min3A_1418 : vector<32x512xf32>
    %add3A_1420 = arith.constant 1.000000e+00 : f32
    %add3A_1421 = vector.broadcast %add3A_1420 : f32 to vector<32x512xf32>
    %add3A_1422 = arith.addf %add3A_1421, %exp23A_1419 : vector<32x512xf32>
    %mul3A_1423 = arith.mulf %add3A_1415, %add3A_1422 : vector<32x512xf32>
    %mul3A_1424 = arith.mulf %mul3A_1408, %mul3A_1423 : vector<32x512xf32>
    %div3A_1425 = arith.constant 1.000000e+00 : f32
    %div3A_1426 = vector.broadcast %div3A_1425 : f32 to vector<32x512xf32>
    %div3A_1427 = arith.divf %div3A_1426, %mul3A_1424 : vector<32x512xf32>
    %add3A_1428 = arith.addf %add3A_1363, %div3A_1427 : vector<32x512xf32>
    %add3A_1429 = arith.addf %mul3A_1408, %mul3A_1423 : vector<32x512xf32>
    %sub3A_1430 = arith.constant 1.000000e+00 : f32
    %sub3A_1431 = vector.broadcast %sub3A_1430 : f32 to vector<32x512xf32>
    %sub3A_1432 = arith.subf %add3A_1429, %sub3A_1431 : vector<32x512xf32>
    %mul3A_1433 = arith.mulf %sub3A_1432, %div3A_1427 : vector<32x512xf32>
    %add3A_1434 = arith.addf %add3A_1369, %mul3A_1433 : vector<32x512xf32>
    %slice3A_1435 = vector.extract_strided_slice %mul3A_29 {offsets = [21, 0], sizes = [1, 512], strides = [1, 1]} : vector<32x512xf32> to vector<1x512xf32>
    %add3A_1436 = vector.broadcast %slice3A_1435 : vector<1x512xf32> to vector<32x512xf32>
    %add3A_1437 = arith.addf %add3A_1436, %mul3A_33 : vector<32x512xf32>
    %abs3A_1438 = math.absf %add3A_1437 : vector<32x512xf32>
    %sub3A_1439 = vector.broadcast %mul3A_18 : vector<1x512xf32> to vector<32x512xf32>
    %sub3A_1440 = arith.subf %abs3A_1438, %sub3A_1439 : vector<32x512xf32>
    %slice3A_1441 = vector.extract_strided_slice %mul3A_31 {offsets = [21, 0], sizes = [1, 512], strides = [1, 1]} : vector<32x512xf32> to vector<1x512xf32>
    %sub3A_1442 = vector.broadcast %slice3A_1441 : vector<1x512xf32> to vector<32x512xf32>
    %sub3A_1443 = arith.subf %mul3A_35, %sub3A_1442 : vector<32x512xf32>
    %abs3A_1444 = math.absf %sub3A_1443 : vector<32x512xf32>
    %sub3A_1445 = vector.broadcast %mul3A_22 : vector<1x512xf32> to vector<32x512xf32>
    %sub3A_1446 = arith.subf %abs3A_1444, %sub3A_1445 : vector<32x512xf32>
    %slice3A_1447 = vector.extract_strided_slice %mul3A_65 {offsets = [21, 0], sizes = [1, 512], strides = [1, 1]} : vector<32x512xf32> to vector<1x512xf32>
    %add3A_1448 = vector.broadcast %slice3A_1447 : vector<1x512xf32> to vector<32x512xf32>
    %add3A_1449 = arith.addf %add3A_1448, %mul3A_69 : vector<32x512xf32>
    %abs3A_1450 = math.absf %add3A_1449 : vector<32x512xf32>
    %sub3A_1451 = vector.broadcast %mul3A_53 : vector<1x512xf32> to vector<32x512xf32>
    %sub3A_1452 = arith.subf %abs3A_1450, %sub3A_1451 : vector<32x512xf32>
    %slice3A_1453 = vector.extract_strided_slice %mul3A_67 {offsets = [21, 0], sizes = [1, 512], strides = [1, 1]} : vector<32x512xf32> to vector<1x512xf32>
    %sub3A_1454 = vector.broadcast %slice3A_1453 : vector<1x512xf32> to vector<32x512xf32>
    %sub3A_1455 = arith.subf %mul3A_71, %sub3A_1454 : vector<32x512xf32>
    %abs3A_1456 = math.absf %sub3A_1455 : vector<32x512xf32>
    %sub3A_1457 = vector.broadcast %mul3A_57 : vector<1x512xf32> to vector<32x512xf32>
    %sub3A_1458 = arith.subf %abs3A_1456, %sub3A_1457 : vector<32x512xf32>
    %min3A_1459 = arith.constant 2.900000e+01 : f32
    %min3A_1460 = vector.broadcast %min3A_1459 : f32 to vector<32x512xf32>
    %min3A_1461 = arith.minimumf %sub3A_1440, %min3A_1460 : vector<32x512xf32>
    %exp23A_1462 = math.exp2 %min3A_1461 : vector<32x512xf32>
    %add3A_1463 = arith.constant 1.000000e+00 : f32
    %add3A_1464 = vector.broadcast %add3A_1463 : f32 to vector<32x512xf32>
    %add3A_1465 = arith.addf %add3A_1464, %exp23A_1462 : vector<32x512xf32>
    %min3A_1466 = arith.constant 2.900000e+01 : f32
    %min3A_1467 = vector.broadcast %min3A_1466 : f32 to vector<32x512xf32>
    %min3A_1468 = arith.minimumf %sub3A_1446, %min3A_1467 : vector<32x512xf32>
    %exp23A_1469 = math.exp2 %min3A_1468 : vector<32x512xf32>
    %add3A_1470 = arith.constant 1.000000e+00 : f32
    %add3A_1471 = vector.broadcast %add3A_1470 : f32 to vector<32x512xf32>
    %add3A_1472 = arith.addf %add3A_1471, %exp23A_1469 : vector<32x512xf32>
    %mul3A_1473 = arith.mulf %add3A_1465, %add3A_1472 : vector<32x512xf32>
    %min3A_1474 = arith.constant 2.900000e+01 : f32
    %min3A_1475 = vector.broadcast %min3A_1474 : f32 to vector<32x512xf32>
    %min3A_1476 = arith.minimumf %sub3A_1452, %min3A_1475 : vector<32x512xf32>
    %exp23A_1477 = math.exp2 %min3A_1476 : vector<32x512xf32>
    %add3A_1478 = arith.constant 1.000000e+00 : f32
    %add3A_1479 = vector.broadcast %add3A_1478 : f32 to vector<32x512xf32>
    %add3A_1480 = arith.addf %add3A_1479, %exp23A_1477 : vector<32x512xf32>
    %min3A_1481 = arith.constant 2.900000e+01 : f32
    %min3A_1482 = vector.broadcast %min3A_1481 : f32 to vector<32x512xf32>
    %min3A_1483 = arith.minimumf %sub3A_1458, %min3A_1482 : vector<32x512xf32>
    %exp23A_1484 = math.exp2 %min3A_1483 : vector<32x512xf32>
    %add3A_1485 = arith.constant 1.000000e+00 : f32
    %add3A_1486 = vector.broadcast %add3A_1485 : f32 to vector<32x512xf32>
    %add3A_1487 = arith.addf %add3A_1486, %exp23A_1484 : vector<32x512xf32>
    %mul3A_1488 = arith.mulf %add3A_1480, %add3A_1487 : vector<32x512xf32>
    %mul3A_1489 = arith.mulf %mul3A_1473, %mul3A_1488 : vector<32x512xf32>
    %div3A_1490 = arith.constant 1.000000e+00 : f32
    %div3A_1491 = vector.broadcast %div3A_1490 : f32 to vector<32x512xf32>
    %div3A_1492 = arith.divf %div3A_1491, %mul3A_1489 : vector<32x512xf32>
    %add3A_1493 = arith.addf %add3A_1428, %div3A_1492 : vector<32x512xf32>
    %add3A_1494 = arith.addf %mul3A_1473, %mul3A_1488 : vector<32x512xf32>
    %sub3A_1495 = arith.constant 1.000000e+00 : f32
    %sub3A_1496 = vector.broadcast %sub3A_1495 : f32 to vector<32x512xf32>
    %sub3A_1497 = arith.subf %add3A_1494, %sub3A_1496 : vector<32x512xf32>
    %mul3A_1498 = arith.mulf %sub3A_1497, %div3A_1492 : vector<32x512xf32>
    %add3A_1499 = arith.addf %add3A_1434, %mul3A_1498 : vector<32x512xf32>
    %slice3A_1500 = vector.extract_strided_slice %mul3A_29 {offsets = [22, 0], sizes = [1, 512], strides = [1, 1]} : vector<32x512xf32> to vector<1x512xf32>
    %add3A_1501 = vector.broadcast %slice3A_1500 : vector<1x512xf32> to vector<32x512xf32>
    %add3A_1502 = arith.addf %add3A_1501, %mul3A_33 : vector<32x512xf32>
    %abs3A_1503 = math.absf %add3A_1502 : vector<32x512xf32>
    %sub3A_1504 = vector.broadcast %mul3A_18 : vector<1x512xf32> to vector<32x512xf32>
    %sub3A_1505 = arith.subf %abs3A_1503, %sub3A_1504 : vector<32x512xf32>
    %slice3A_1506 = vector.extract_strided_slice %mul3A_31 {offsets = [22, 0], sizes = [1, 512], strides = [1, 1]} : vector<32x512xf32> to vector<1x512xf32>
    %sub3A_1507 = vector.broadcast %slice3A_1506 : vector<1x512xf32> to vector<32x512xf32>
    %sub3A_1508 = arith.subf %mul3A_35, %sub3A_1507 : vector<32x512xf32>
    %abs3A_1509 = math.absf %sub3A_1508 : vector<32x512xf32>
    %sub3A_1510 = vector.broadcast %mul3A_22 : vector<1x512xf32> to vector<32x512xf32>
    %sub3A_1511 = arith.subf %abs3A_1509, %sub3A_1510 : vector<32x512xf32>
    %slice3A_1512 = vector.extract_strided_slice %mul3A_65 {offsets = [22, 0], sizes = [1, 512], strides = [1, 1]} : vector<32x512xf32> to vector<1x512xf32>
    %add3A_1513 = vector.broadcast %slice3A_1512 : vector<1x512xf32> to vector<32x512xf32>
    %add3A_1514 = arith.addf %add3A_1513, %mul3A_69 : vector<32x512xf32>
    %abs3A_1515 = math.absf %add3A_1514 : vector<32x512xf32>
    %sub3A_1516 = vector.broadcast %mul3A_53 : vector<1x512xf32> to vector<32x512xf32>
    %sub3A_1517 = arith.subf %abs3A_1515, %sub3A_1516 : vector<32x512xf32>
    %slice3A_1518 = vector.extract_strided_slice %mul3A_67 {offsets = [22, 0], sizes = [1, 512], strides = [1, 1]} : vector<32x512xf32> to vector<1x512xf32>
    %sub3A_1519 = vector.broadcast %slice3A_1518 : vector<1x512xf32> to vector<32x512xf32>
    %sub3A_1520 = arith.subf %mul3A_71, %sub3A_1519 : vector<32x512xf32>
    %abs3A_1521 = math.absf %sub3A_1520 : vector<32x512xf32>
    %sub3A_1522 = vector.broadcast %mul3A_57 : vector<1x512xf32> to vector<32x512xf32>
    %sub3A_1523 = arith.subf %abs3A_1521, %sub3A_1522 : vector<32x512xf32>
    %min3A_1524 = arith.constant 2.900000e+01 : f32
    %min3A_1525 = vector.broadcast %min3A_1524 : f32 to vector<32x512xf32>
    %min3A_1526 = arith.minimumf %sub3A_1505, %min3A_1525 : vector<32x512xf32>
    %exp23A_1527 = math.exp2 %min3A_1526 : vector<32x512xf32>
    %add3A_1528 = arith.constant 1.000000e+00 : f32
    %add3A_1529 = vector.broadcast %add3A_1528 : f32 to vector<32x512xf32>
    %add3A_1530 = arith.addf %add3A_1529, %exp23A_1527 : vector<32x512xf32>
    %min3A_1531 = arith.constant 2.900000e+01 : f32
    %min3A_1532 = vector.broadcast %min3A_1531 : f32 to vector<32x512xf32>
    %min3A_1533 = arith.minimumf %sub3A_1511, %min3A_1532 : vector<32x512xf32>
    %exp23A_1534 = math.exp2 %min3A_1533 : vector<32x512xf32>
    %add3A_1535 = arith.constant 1.000000e+00 : f32
    %add3A_1536 = vector.broadcast %add3A_1535 : f32 to vector<32x512xf32>
    %add3A_1537 = arith.addf %add3A_1536, %exp23A_1534 : vector<32x512xf32>
    %mul3A_1538 = arith.mulf %add3A_1530, %add3A_1537 : vector<32x512xf32>
    %min3A_1539 = arith.constant 2.900000e+01 : f32
    %min3A_1540 = vector.broadcast %min3A_1539 : f32 to vector<32x512xf32>
    %min3A_1541 = arith.minimumf %sub3A_1517, %min3A_1540 : vector<32x512xf32>
    %exp23A_1542 = math.exp2 %min3A_1541 : vector<32x512xf32>
    %add3A_1543 = arith.constant 1.000000e+00 : f32
    %add3A_1544 = vector.broadcast %add3A_1543 : f32 to vector<32x512xf32>
    %add3A_1545 = arith.addf %add3A_1544, %exp23A_1542 : vector<32x512xf32>
    %min3A_1546 = arith.constant 2.900000e+01 : f32
    %min3A_1547 = vector.broadcast %min3A_1546 : f32 to vector<32x512xf32>
    %min3A_1548 = arith.minimumf %sub3A_1523, %min3A_1547 : vector<32x512xf32>
    %exp23A_1549 = math.exp2 %min3A_1548 : vector<32x512xf32>
    %add3A_1550 = arith.constant 1.000000e+00 : f32
    %add3A_1551 = vector.broadcast %add3A_1550 : f32 to vector<32x512xf32>
    %add3A_1552 = arith.addf %add3A_1551, %exp23A_1549 : vector<32x512xf32>
    %mul3A_1553 = arith.mulf %add3A_1545, %add3A_1552 : vector<32x512xf32>
    %mul3A_1554 = arith.mulf %mul3A_1538, %mul3A_1553 : vector<32x512xf32>
    %div3A_1555 = arith.constant 1.000000e+00 : f32
    %div3A_1556 = vector.broadcast %div3A_1555 : f32 to vector<32x512xf32>
    %div3A_1557 = arith.divf %div3A_1556, %mul3A_1554 : vector<32x512xf32>
    %add3A_1558 = arith.addf %add3A_1493, %div3A_1557 : vector<32x512xf32>
    %add3A_1559 = arith.addf %mul3A_1538, %mul3A_1553 : vector<32x512xf32>
    %sub3A_1560 = arith.constant 1.000000e+00 : f32
    %sub3A_1561 = vector.broadcast %sub3A_1560 : f32 to vector<32x512xf32>
    %sub3A_1562 = arith.subf %add3A_1559, %sub3A_1561 : vector<32x512xf32>
    %mul3A_1563 = arith.mulf %sub3A_1562, %div3A_1557 : vector<32x512xf32>
    %add3A_1564 = arith.addf %add3A_1499, %mul3A_1563 : vector<32x512xf32>
    %slice3A_1565 = vector.extract_strided_slice %mul3A_29 {offsets = [23, 0], sizes = [1, 512], strides = [1, 1]} : vector<32x512xf32> to vector<1x512xf32>
    %add3A_1566 = vector.broadcast %slice3A_1565 : vector<1x512xf32> to vector<32x512xf32>
    %add3A_1567 = arith.addf %add3A_1566, %mul3A_33 : vector<32x512xf32>
    %abs3A_1568 = math.absf %add3A_1567 : vector<32x512xf32>
    %sub3A_1569 = vector.broadcast %mul3A_18 : vector<1x512xf32> to vector<32x512xf32>
    %sub3A_1570 = arith.subf %abs3A_1568, %sub3A_1569 : vector<32x512xf32>
    %slice3A_1571 = vector.extract_strided_slice %mul3A_31 {offsets = [23, 0], sizes = [1, 512], strides = [1, 1]} : vector<32x512xf32> to vector<1x512xf32>
    %sub3A_1572 = vector.broadcast %slice3A_1571 : vector<1x512xf32> to vector<32x512xf32>
    %sub3A_1573 = arith.subf %mul3A_35, %sub3A_1572 : vector<32x512xf32>
    %abs3A_1574 = math.absf %sub3A_1573 : vector<32x512xf32>
    %sub3A_1575 = vector.broadcast %mul3A_22 : vector<1x512xf32> to vector<32x512xf32>
    %sub3A_1576 = arith.subf %abs3A_1574, %sub3A_1575 : vector<32x512xf32>
    %slice3A_1577 = vector.extract_strided_slice %mul3A_65 {offsets = [23, 0], sizes = [1, 512], strides = [1, 1]} : vector<32x512xf32> to vector<1x512xf32>
    %add3A_1578 = vector.broadcast %slice3A_1577 : vector<1x512xf32> to vector<32x512xf32>
    %add3A_1579 = arith.addf %add3A_1578, %mul3A_69 : vector<32x512xf32>
    %abs3A_1580 = math.absf %add3A_1579 : vector<32x512xf32>
    %sub3A_1581 = vector.broadcast %mul3A_53 : vector<1x512xf32> to vector<32x512xf32>
    %sub3A_1582 = arith.subf %abs3A_1580, %sub3A_1581 : vector<32x512xf32>
    %slice3A_1583 = vector.extract_strided_slice %mul3A_67 {offsets = [23, 0], sizes = [1, 512], strides = [1, 1]} : vector<32x512xf32> to vector<1x512xf32>
    %sub3A_1584 = vector.broadcast %slice3A_1583 : vector<1x512xf32> to vector<32x512xf32>
    %sub3A_1585 = arith.subf %mul3A_71, %sub3A_1584 : vector<32x512xf32>
    %abs3A_1586 = math.absf %sub3A_1585 : vector<32x512xf32>
    %sub3A_1587 = vector.broadcast %mul3A_57 : vector<1x512xf32> to vector<32x512xf32>
    %sub3A_1588 = arith.subf %abs3A_1586, %sub3A_1587 : vector<32x512xf32>
    %min3A_1589 = arith.constant 2.900000e+01 : f32
    %min3A_1590 = vector.broadcast %min3A_1589 : f32 to vector<32x512xf32>
    %min3A_1591 = arith.minimumf %sub3A_1570, %min3A_1590 : vector<32x512xf32>
    %exp23A_1592 = math.exp2 %min3A_1591 : vector<32x512xf32>
    %add3A_1593 = arith.constant 1.000000e+00 : f32
    %add3A_1594 = vector.broadcast %add3A_1593 : f32 to vector<32x512xf32>
    %add3A_1595 = arith.addf %add3A_1594, %exp23A_1592 : vector<32x512xf32>
    %min3A_1596 = arith.constant 2.900000e+01 : f32
    %min3A_1597 = vector.broadcast %min3A_1596 : f32 to vector<32x512xf32>
    %min3A_1598 = arith.minimumf %sub3A_1576, %min3A_1597 : vector<32x512xf32>
    %exp23A_1599 = math.exp2 %min3A_1598 : vector<32x512xf32>
    %add3A_1600 = arith.constant 1.000000e+00 : f32
    %add3A_1601 = vector.broadcast %add3A_1600 : f32 to vector<32x512xf32>
    %add3A_1602 = arith.addf %add3A_1601, %exp23A_1599 : vector<32x512xf32>
    %mul3A_1603 = arith.mulf %add3A_1595, %add3A_1602 : vector<32x512xf32>
    %min3A_1604 = arith.constant 2.900000e+01 : f32
    %min3A_1605 = vector.broadcast %min3A_1604 : f32 to vector<32x512xf32>
    %min3A_1606 = arith.minimumf %sub3A_1582, %min3A_1605 : vector<32x512xf32>
    %exp23A_1607 = math.exp2 %min3A_1606 : vector<32x512xf32>
    %add3A_1608 = arith.constant 1.000000e+00 : f32
    %add3A_1609 = vector.broadcast %add3A_1608 : f32 to vector<32x512xf32>
    %add3A_1610 = arith.addf %add3A_1609, %exp23A_1607 : vector<32x512xf32>
    %min3A_1611 = arith.constant 2.900000e+01 : f32
    %min3A_1612 = vector.broadcast %min3A_1611 : f32 to vector<32x512xf32>
    %min3A_1613 = arith.minimumf %sub3A_1588, %min3A_1612 : vector<32x512xf32>
    %exp23A_1614 = math.exp2 %min3A_1613 : vector<32x512xf32>
    %add3A_1615 = arith.constant 1.000000e+00 : f32
    %add3A_1616 = vector.broadcast %add3A_1615 : f32 to vector<32x512xf32>
    %add3A_1617 = arith.addf %add3A_1616, %exp23A_1614 : vector<32x512xf32>
    %mul3A_1618 = arith.mulf %add3A_1610, %add3A_1617 : vector<32x512xf32>
    %mul3A_1619 = arith.mulf %mul3A_1603, %mul3A_1618 : vector<32x512xf32>
    %div3A_1620 = arith.constant 1.000000e+00 : f32
    %div3A_1621 = vector.broadcast %div3A_1620 : f32 to vector<32x512xf32>
    %div3A_1622 = arith.divf %div3A_1621, %mul3A_1619 : vector<32x512xf32>
    %add3A_1623 = arith.addf %add3A_1558, %div3A_1622 : vector<32x512xf32>
    %add3A_1624 = arith.addf %mul3A_1603, %mul3A_1618 : vector<32x512xf32>
    %sub3A_1625 = arith.constant 1.000000e+00 : f32
    %sub3A_1626 = vector.broadcast %sub3A_1625 : f32 to vector<32x512xf32>
    %sub3A_1627 = arith.subf %add3A_1624, %sub3A_1626 : vector<32x512xf32>
    %mul3A_1628 = arith.mulf %sub3A_1627, %div3A_1622 : vector<32x512xf32>
    %add3A_1629 = arith.addf %add3A_1564, %mul3A_1628 : vector<32x512xf32>
    %slice3A_1630 = vector.extract_strided_slice %mul3A_29 {offsets = [24, 0], sizes = [1, 512], strides = [1, 1]} : vector<32x512xf32> to vector<1x512xf32>
    %add3A_1631 = vector.broadcast %slice3A_1630 : vector<1x512xf32> to vector<32x512xf32>
    %add3A_1632 = arith.addf %add3A_1631, %mul3A_33 : vector<32x512xf32>
    %abs3A_1633 = math.absf %add3A_1632 : vector<32x512xf32>
    %sub3A_1634 = vector.broadcast %mul3A_18 : vector<1x512xf32> to vector<32x512xf32>
    %sub3A_1635 = arith.subf %abs3A_1633, %sub3A_1634 : vector<32x512xf32>
    %slice3A_1636 = vector.extract_strided_slice %mul3A_31 {offsets = [24, 0], sizes = [1, 512], strides = [1, 1]} : vector<32x512xf32> to vector<1x512xf32>
    %sub3A_1637 = vector.broadcast %slice3A_1636 : vector<1x512xf32> to vector<32x512xf32>
    %sub3A_1638 = arith.subf %mul3A_35, %sub3A_1637 : vector<32x512xf32>
    %abs3A_1639 = math.absf %sub3A_1638 : vector<32x512xf32>
    %sub3A_1640 = vector.broadcast %mul3A_22 : vector<1x512xf32> to vector<32x512xf32>
    %sub3A_1641 = arith.subf %abs3A_1639, %sub3A_1640 : vector<32x512xf32>
    %slice3A_1642 = vector.extract_strided_slice %mul3A_65 {offsets = [24, 0], sizes = [1, 512], strides = [1, 1]} : vector<32x512xf32> to vector<1x512xf32>
    %add3A_1643 = vector.broadcast %slice3A_1642 : vector<1x512xf32> to vector<32x512xf32>
    %add3A_1644 = arith.addf %add3A_1643, %mul3A_69 : vector<32x512xf32>
    %abs3A_1645 = math.absf %add3A_1644 : vector<32x512xf32>
    %sub3A_1646 = vector.broadcast %mul3A_53 : vector<1x512xf32> to vector<32x512xf32>
    %sub3A_1647 = arith.subf %abs3A_1645, %sub3A_1646 : vector<32x512xf32>
    %slice3A_1648 = vector.extract_strided_slice %mul3A_67 {offsets = [24, 0], sizes = [1, 512], strides = [1, 1]} : vector<32x512xf32> to vector<1x512xf32>
    %sub3A_1649 = vector.broadcast %slice3A_1648 : vector<1x512xf32> to vector<32x512xf32>
    %sub3A_1650 = arith.subf %mul3A_71, %sub3A_1649 : vector<32x512xf32>
    %abs3A_1651 = math.absf %sub3A_1650 : vector<32x512xf32>
    %sub3A_1652 = vector.broadcast %mul3A_57 : vector<1x512xf32> to vector<32x512xf32>
    %sub3A_1653 = arith.subf %abs3A_1651, %sub3A_1652 : vector<32x512xf32>
    %min3A_1654 = arith.constant 2.900000e+01 : f32
    %min3A_1655 = vector.broadcast %min3A_1654 : f32 to vector<32x512xf32>
    %min3A_1656 = arith.minimumf %sub3A_1635, %min3A_1655 : vector<32x512xf32>
    %exp23A_1657 = math.exp2 %min3A_1656 : vector<32x512xf32>
    %add3A_1658 = arith.constant 1.000000e+00 : f32
    %add3A_1659 = vector.broadcast %add3A_1658 : f32 to vector<32x512xf32>
    %add3A_1660 = arith.addf %add3A_1659, %exp23A_1657 : vector<32x512xf32>
    %min3A_1661 = arith.constant 2.900000e+01 : f32
    %min3A_1662 = vector.broadcast %min3A_1661 : f32 to vector<32x512xf32>
    %min3A_1663 = arith.minimumf %sub3A_1641, %min3A_1662 : vector<32x512xf32>
    %exp23A_1664 = math.exp2 %min3A_1663 : vector<32x512xf32>
    %add3A_1665 = arith.constant 1.000000e+00 : f32
    %add3A_1666 = vector.broadcast %add3A_1665 : f32 to vector<32x512xf32>
    %add3A_1667 = arith.addf %add3A_1666, %exp23A_1664 : vector<32x512xf32>
    %mul3A_1668 = arith.mulf %add3A_1660, %add3A_1667 : vector<32x512xf32>
    %min3A_1669 = arith.constant 2.900000e+01 : f32
    %min3A_1670 = vector.broadcast %min3A_1669 : f32 to vector<32x512xf32>
    %min3A_1671 = arith.minimumf %sub3A_1647, %min3A_1670 : vector<32x512xf32>
    %exp23A_1672 = math.exp2 %min3A_1671 : vector<32x512xf32>
    %add3A_1673 = arith.constant 1.000000e+00 : f32
    %add3A_1674 = vector.broadcast %add3A_1673 : f32 to vector<32x512xf32>
    %add3A_1675 = arith.addf %add3A_1674, %exp23A_1672 : vector<32x512xf32>
    %min3A_1676 = arith.constant 2.900000e+01 : f32
    %min3A_1677 = vector.broadcast %min3A_1676 : f32 to vector<32x512xf32>
    %min3A_1678 = arith.minimumf %sub3A_1653, %min3A_1677 : vector<32x512xf32>
    %exp23A_1679 = math.exp2 %min3A_1678 : vector<32x512xf32>
    %add3A_1680 = arith.constant 1.000000e+00 : f32
    %add3A_1681 = vector.broadcast %add3A_1680 : f32 to vector<32x512xf32>
    %add3A_1682 = arith.addf %add3A_1681, %exp23A_1679 : vector<32x512xf32>
    %mul3A_1683 = arith.mulf %add3A_1675, %add3A_1682 : vector<32x512xf32>
    %mul3A_1684 = arith.mulf %mul3A_1668, %mul3A_1683 : vector<32x512xf32>
    %div3A_1685 = arith.constant 1.000000e+00 : f32
    %div3A_1686 = vector.broadcast %div3A_1685 : f32 to vector<32x512xf32>
    %div3A_1687 = arith.divf %div3A_1686, %mul3A_1684 : vector<32x512xf32>
    %add3A_1688 = arith.addf %add3A_1623, %div3A_1687 : vector<32x512xf32>
    %add3A_1689 = arith.addf %mul3A_1668, %mul3A_1683 : vector<32x512xf32>
    %sub3A_1690 = arith.constant 1.000000e+00 : f32
    %sub3A_1691 = vector.broadcast %sub3A_1690 : f32 to vector<32x512xf32>
    %sub3A_1692 = arith.subf %add3A_1689, %sub3A_1691 : vector<32x512xf32>
    %mul3A_1693 = arith.mulf %sub3A_1692, %div3A_1687 : vector<32x512xf32>
    %add3A_1694 = arith.addf %add3A_1629, %mul3A_1693 : vector<32x512xf32>
    %slice3A_1695 = vector.extract_strided_slice %mul3A_29 {offsets = [25, 0], sizes = [1, 512], strides = [1, 1]} : vector<32x512xf32> to vector<1x512xf32>
    %add3A_1696 = vector.broadcast %slice3A_1695 : vector<1x512xf32> to vector<32x512xf32>
    %add3A_1697 = arith.addf %add3A_1696, %mul3A_33 : vector<32x512xf32>
    %abs3A_1698 = math.absf %add3A_1697 : vector<32x512xf32>
    %sub3A_1699 = vector.broadcast %mul3A_18 : vector<1x512xf32> to vector<32x512xf32>
    %sub3A_1700 = arith.subf %abs3A_1698, %sub3A_1699 : vector<32x512xf32>
    %slice3A_1701 = vector.extract_strided_slice %mul3A_31 {offsets = [25, 0], sizes = [1, 512], strides = [1, 1]} : vector<32x512xf32> to vector<1x512xf32>
    %sub3A_1702 = vector.broadcast %slice3A_1701 : vector<1x512xf32> to vector<32x512xf32>
    %sub3A_1703 = arith.subf %mul3A_35, %sub3A_1702 : vector<32x512xf32>
    %abs3A_1704 = math.absf %sub3A_1703 : vector<32x512xf32>
    %sub3A_1705 = vector.broadcast %mul3A_22 : vector<1x512xf32> to vector<32x512xf32>
    %sub3A_1706 = arith.subf %abs3A_1704, %sub3A_1705 : vector<32x512xf32>
    %slice3A_1707 = vector.extract_strided_slice %mul3A_65 {offsets = [25, 0], sizes = [1, 512], strides = [1, 1]} : vector<32x512xf32> to vector<1x512xf32>
    %add3A_1708 = vector.broadcast %slice3A_1707 : vector<1x512xf32> to vector<32x512xf32>
    %add3A_1709 = arith.addf %add3A_1708, %mul3A_69 : vector<32x512xf32>
    %abs3A_1710 = math.absf %add3A_1709 : vector<32x512xf32>
    %sub3A_1711 = vector.broadcast %mul3A_53 : vector<1x512xf32> to vector<32x512xf32>
    %sub3A_1712 = arith.subf %abs3A_1710, %sub3A_1711 : vector<32x512xf32>
    %slice3A_1713 = vector.extract_strided_slice %mul3A_67 {offsets = [25, 0], sizes = [1, 512], strides = [1, 1]} : vector<32x512xf32> to vector<1x512xf32>
    %sub3A_1714 = vector.broadcast %slice3A_1713 : vector<1x512xf32> to vector<32x512xf32>
    %sub3A_1715 = arith.subf %mul3A_71, %sub3A_1714 : vector<32x512xf32>
    %abs3A_1716 = math.absf %sub3A_1715 : vector<32x512xf32>
    %sub3A_1717 = vector.broadcast %mul3A_57 : vector<1x512xf32> to vector<32x512xf32>
    %sub3A_1718 = arith.subf %abs3A_1716, %sub3A_1717 : vector<32x512xf32>
    %min3A_1719 = arith.constant 2.900000e+01 : f32
    %min3A_1720 = vector.broadcast %min3A_1719 : f32 to vector<32x512xf32>
    %min3A_1721 = arith.minimumf %sub3A_1700, %min3A_1720 : vector<32x512xf32>
    %exp23A_1722 = math.exp2 %min3A_1721 : vector<32x512xf32>
    %add3A_1723 = arith.constant 1.000000e+00 : f32
    %add3A_1724 = vector.broadcast %add3A_1723 : f32 to vector<32x512xf32>
    %add3A_1725 = arith.addf %add3A_1724, %exp23A_1722 : vector<32x512xf32>
    %min3A_1726 = arith.constant 2.900000e+01 : f32
    %min3A_1727 = vector.broadcast %min3A_1726 : f32 to vector<32x512xf32>
    %min3A_1728 = arith.minimumf %sub3A_1706, %min3A_1727 : vector<32x512xf32>
    %exp23A_1729 = math.exp2 %min3A_1728 : vector<32x512xf32>
    %add3A_1730 = arith.constant 1.000000e+00 : f32
    %add3A_1731 = vector.broadcast %add3A_1730 : f32 to vector<32x512xf32>
    %add3A_1732 = arith.addf %add3A_1731, %exp23A_1729 : vector<32x512xf32>
    %mul3A_1733 = arith.mulf %add3A_1725, %add3A_1732 : vector<32x512xf32>
    %min3A_1734 = arith.constant 2.900000e+01 : f32
    %min3A_1735 = vector.broadcast %min3A_1734 : f32 to vector<32x512xf32>
    %min3A_1736 = arith.minimumf %sub3A_1712, %min3A_1735 : vector<32x512xf32>
    %exp23A_1737 = math.exp2 %min3A_1736 : vector<32x512xf32>
    %add3A_1738 = arith.constant 1.000000e+00 : f32
    %add3A_1739 = vector.broadcast %add3A_1738 : f32 to vector<32x512xf32>
    %add3A_1740 = arith.addf %add3A_1739, %exp23A_1737 : vector<32x512xf32>
    %min3A_1741 = arith.constant 2.900000e+01 : f32
    %min3A_1742 = vector.broadcast %min3A_1741 : f32 to vector<32x512xf32>
    %min3A_1743 = arith.minimumf %sub3A_1718, %min3A_1742 : vector<32x512xf32>
    %exp23A_1744 = math.exp2 %min3A_1743 : vector<32x512xf32>
    %add3A_1745 = arith.constant 1.000000e+00 : f32
    %add3A_1746 = vector.broadcast %add3A_1745 : f32 to vector<32x512xf32>
    %add3A_1747 = arith.addf %add3A_1746, %exp23A_1744 : vector<32x512xf32>
    %mul3A_1748 = arith.mulf %add3A_1740, %add3A_1747 : vector<32x512xf32>
    %mul3A_1749 = arith.mulf %mul3A_1733, %mul3A_1748 : vector<32x512xf32>
    %div3A_1750 = arith.constant 1.000000e+00 : f32
    %div3A_1751 = vector.broadcast %div3A_1750 : f32 to vector<32x512xf32>
    %div3A_1752 = arith.divf %div3A_1751, %mul3A_1749 : vector<32x512xf32>
    %add3A_1753 = arith.addf %add3A_1688, %div3A_1752 : vector<32x512xf32>
    %add3A_1754 = arith.addf %mul3A_1733, %mul3A_1748 : vector<32x512xf32>
    %sub3A_1755 = arith.constant 1.000000e+00 : f32
    %sub3A_1756 = vector.broadcast %sub3A_1755 : f32 to vector<32x512xf32>
    %sub3A_1757 = arith.subf %add3A_1754, %sub3A_1756 : vector<32x512xf32>
    %mul3A_1758 = arith.mulf %sub3A_1757, %div3A_1752 : vector<32x512xf32>
    %add3A_1759 = arith.addf %add3A_1694, %mul3A_1758 : vector<32x512xf32>
    %slice3A_1760 = vector.extract_strided_slice %mul3A_29 {offsets = [26, 0], sizes = [1, 512], strides = [1, 1]} : vector<32x512xf32> to vector<1x512xf32>
    %add3A_1761 = vector.broadcast %slice3A_1760 : vector<1x512xf32> to vector<32x512xf32>
    %add3A_1762 = arith.addf %add3A_1761, %mul3A_33 : vector<32x512xf32>
    %abs3A_1763 = math.absf %add3A_1762 : vector<32x512xf32>
    %sub3A_1764 = vector.broadcast %mul3A_18 : vector<1x512xf32> to vector<32x512xf32>
    %sub3A_1765 = arith.subf %abs3A_1763, %sub3A_1764 : vector<32x512xf32>
    %slice3A_1766 = vector.extract_strided_slice %mul3A_31 {offsets = [26, 0], sizes = [1, 512], strides = [1, 1]} : vector<32x512xf32> to vector<1x512xf32>
    %sub3A_1767 = vector.broadcast %slice3A_1766 : vector<1x512xf32> to vector<32x512xf32>
    %sub3A_1768 = arith.subf %mul3A_35, %sub3A_1767 : vector<32x512xf32>
    %abs3A_1769 = math.absf %sub3A_1768 : vector<32x512xf32>
    %sub3A_1770 = vector.broadcast %mul3A_22 : vector<1x512xf32> to vector<32x512xf32>
    %sub3A_1771 = arith.subf %abs3A_1769, %sub3A_1770 : vector<32x512xf32>
    %slice3A_1772 = vector.extract_strided_slice %mul3A_65 {offsets = [26, 0], sizes = [1, 512], strides = [1, 1]} : vector<32x512xf32> to vector<1x512xf32>
    %add3A_1773 = vector.broadcast %slice3A_1772 : vector<1x512xf32> to vector<32x512xf32>
    %add3A_1774 = arith.addf %add3A_1773, %mul3A_69 : vector<32x512xf32>
    %abs3A_1775 = math.absf %add3A_1774 : vector<32x512xf32>
    %sub3A_1776 = vector.broadcast %mul3A_53 : vector<1x512xf32> to vector<32x512xf32>
    %sub3A_1777 = arith.subf %abs3A_1775, %sub3A_1776 : vector<32x512xf32>
    %slice3A_1778 = vector.extract_strided_slice %mul3A_67 {offsets = [26, 0], sizes = [1, 512], strides = [1, 1]} : vector<32x512xf32> to vector<1x512xf32>
    %sub3A_1779 = vector.broadcast %slice3A_1778 : vector<1x512xf32> to vector<32x512xf32>
    %sub3A_1780 = arith.subf %mul3A_71, %sub3A_1779 : vector<32x512xf32>
    %abs3A_1781 = math.absf %sub3A_1780 : vector<32x512xf32>
    %sub3A_1782 = vector.broadcast %mul3A_57 : vector<1x512xf32> to vector<32x512xf32>
    %sub3A_1783 = arith.subf %abs3A_1781, %sub3A_1782 : vector<32x512xf32>
    %min3A_1784 = arith.constant 2.900000e+01 : f32
    %min3A_1785 = vector.broadcast %min3A_1784 : f32 to vector<32x512xf32>
    %min3A_1786 = arith.minimumf %sub3A_1765, %min3A_1785 : vector<32x512xf32>
    %exp23A_1787 = math.exp2 %min3A_1786 : vector<32x512xf32>
    %add3A_1788 = arith.constant 1.000000e+00 : f32
    %add3A_1789 = vector.broadcast %add3A_1788 : f32 to vector<32x512xf32>
    %add3A_1790 = arith.addf %add3A_1789, %exp23A_1787 : vector<32x512xf32>
    %min3A_1791 = arith.constant 2.900000e+01 : f32
    %min3A_1792 = vector.broadcast %min3A_1791 : f32 to vector<32x512xf32>
    %min3A_1793 = arith.minimumf %sub3A_1771, %min3A_1792 : vector<32x512xf32>
    %exp23A_1794 = math.exp2 %min3A_1793 : vector<32x512xf32>
    %add3A_1795 = arith.constant 1.000000e+00 : f32
    %add3A_1796 = vector.broadcast %add3A_1795 : f32 to vector<32x512xf32>
    %add3A_1797 = arith.addf %add3A_1796, %exp23A_1794 : vector<32x512xf32>
    %mul3A_1798 = arith.mulf %add3A_1790, %add3A_1797 : vector<32x512xf32>
    %min3A_1799 = arith.constant 2.900000e+01 : f32
    %min3A_1800 = vector.broadcast %min3A_1799 : f32 to vector<32x512xf32>
    %min3A_1801 = arith.minimumf %sub3A_1777, %min3A_1800 : vector<32x512xf32>
    %exp23A_1802 = math.exp2 %min3A_1801 : vector<32x512xf32>
    %add3A_1803 = arith.constant 1.000000e+00 : f32
    %add3A_1804 = vector.broadcast %add3A_1803 : f32 to vector<32x512xf32>
    %add3A_1805 = arith.addf %add3A_1804, %exp23A_1802 : vector<32x512xf32>
    %min3A_1806 = arith.constant 2.900000e+01 : f32
    %min3A_1807 = vector.broadcast %min3A_1806 : f32 to vector<32x512xf32>
    %min3A_1808 = arith.minimumf %sub3A_1783, %min3A_1807 : vector<32x512xf32>
    %exp23A_1809 = math.exp2 %min3A_1808 : vector<32x512xf32>
    %add3A_1810 = arith.constant 1.000000e+00 : f32
    %add3A_1811 = vector.broadcast %add3A_1810 : f32 to vector<32x512xf32>
    %add3A_1812 = arith.addf %add3A_1811, %exp23A_1809 : vector<32x512xf32>
    %mul3A_1813 = arith.mulf %add3A_1805, %add3A_1812 : vector<32x512xf32>
    %mul3A_1814 = arith.mulf %mul3A_1798, %mul3A_1813 : vector<32x512xf32>
    %div3A_1815 = arith.constant 1.000000e+00 : f32
    %div3A_1816 = vector.broadcast %div3A_1815 : f32 to vector<32x512xf32>
    %div3A_1817 = arith.divf %div3A_1816, %mul3A_1814 : vector<32x512xf32>
    %add3A_1818 = arith.addf %add3A_1753, %div3A_1817 : vector<32x512xf32>
    %add3A_1819 = arith.addf %mul3A_1798, %mul3A_1813 : vector<32x512xf32>
    %sub3A_1820 = arith.constant 1.000000e+00 : f32
    %sub3A_1821 = vector.broadcast %sub3A_1820 : f32 to vector<32x512xf32>
    %sub3A_1822 = arith.subf %add3A_1819, %sub3A_1821 : vector<32x512xf32>
    %mul3A_1823 = arith.mulf %sub3A_1822, %div3A_1817 : vector<32x512xf32>
    %add3A_1824 = arith.addf %add3A_1759, %mul3A_1823 : vector<32x512xf32>
    %slice3A_1825 = vector.extract_strided_slice %mul3A_29 {offsets = [27, 0], sizes = [1, 512], strides = [1, 1]} : vector<32x512xf32> to vector<1x512xf32>
    %add3A_1826 = vector.broadcast %slice3A_1825 : vector<1x512xf32> to vector<32x512xf32>
    %add3A_1827 = arith.addf %add3A_1826, %mul3A_33 : vector<32x512xf32>
    %abs3A_1828 = math.absf %add3A_1827 : vector<32x512xf32>
    %sub3A_1829 = vector.broadcast %mul3A_18 : vector<1x512xf32> to vector<32x512xf32>
    %sub3A_1830 = arith.subf %abs3A_1828, %sub3A_1829 : vector<32x512xf32>
    %slice3A_1831 = vector.extract_strided_slice %mul3A_31 {offsets = [27, 0], sizes = [1, 512], strides = [1, 1]} : vector<32x512xf32> to vector<1x512xf32>
    %sub3A_1832 = vector.broadcast %slice3A_1831 : vector<1x512xf32> to vector<32x512xf32>
    %sub3A_1833 = arith.subf %mul3A_35, %sub3A_1832 : vector<32x512xf32>
    %abs3A_1834 = math.absf %sub3A_1833 : vector<32x512xf32>
    %sub3A_1835 = vector.broadcast %mul3A_22 : vector<1x512xf32> to vector<32x512xf32>
    %sub3A_1836 = arith.subf %abs3A_1834, %sub3A_1835 : vector<32x512xf32>
    %slice3A_1837 = vector.extract_strided_slice %mul3A_65 {offsets = [27, 0], sizes = [1, 512], strides = [1, 1]} : vector<32x512xf32> to vector<1x512xf32>
    %add3A_1838 = vector.broadcast %slice3A_1837 : vector<1x512xf32> to vector<32x512xf32>
    %add3A_1839 = arith.addf %add3A_1838, %mul3A_69 : vector<32x512xf32>
    %abs3A_1840 = math.absf %add3A_1839 : vector<32x512xf32>
    %sub3A_1841 = vector.broadcast %mul3A_53 : vector<1x512xf32> to vector<32x512xf32>
    %sub3A_1842 = arith.subf %abs3A_1840, %sub3A_1841 : vector<32x512xf32>
    %slice3A_1843 = vector.extract_strided_slice %mul3A_67 {offsets = [27, 0], sizes = [1, 512], strides = [1, 1]} : vector<32x512xf32> to vector<1x512xf32>
    %sub3A_1844 = vector.broadcast %slice3A_1843 : vector<1x512xf32> to vector<32x512xf32>
    %sub3A_1845 = arith.subf %mul3A_71, %sub3A_1844 : vector<32x512xf32>
    %abs3A_1846 = math.absf %sub3A_1845 : vector<32x512xf32>
    %sub3A_1847 = vector.broadcast %mul3A_57 : vector<1x512xf32> to vector<32x512xf32>
    %sub3A_1848 = arith.subf %abs3A_1846, %sub3A_1847 : vector<32x512xf32>
    %min3A_1849 = arith.constant 2.900000e+01 : f32
    %min3A_1850 = vector.broadcast %min3A_1849 : f32 to vector<32x512xf32>
    %min3A_1851 = arith.minimumf %sub3A_1830, %min3A_1850 : vector<32x512xf32>
    %exp23A_1852 = math.exp2 %min3A_1851 : vector<32x512xf32>
    %add3A_1853 = arith.constant 1.000000e+00 : f32
    %add3A_1854 = vector.broadcast %add3A_1853 : f32 to vector<32x512xf32>
    %add3A_1855 = arith.addf %add3A_1854, %exp23A_1852 : vector<32x512xf32>
    %min3A_1856 = arith.constant 2.900000e+01 : f32
    %min3A_1857 = vector.broadcast %min3A_1856 : f32 to vector<32x512xf32>
    %min3A_1858 = arith.minimumf %sub3A_1836, %min3A_1857 : vector<32x512xf32>
    %exp23A_1859 = math.exp2 %min3A_1858 : vector<32x512xf32>
    %add3A_1860 = arith.constant 1.000000e+00 : f32
    %add3A_1861 = vector.broadcast %add3A_1860 : f32 to vector<32x512xf32>
    %add3A_1862 = arith.addf %add3A_1861, %exp23A_1859 : vector<32x512xf32>
    %mul3A_1863 = arith.mulf %add3A_1855, %add3A_1862 : vector<32x512xf32>
    %min3A_1864 = arith.constant 2.900000e+01 : f32
    %min3A_1865 = vector.broadcast %min3A_1864 : f32 to vector<32x512xf32>
    %min3A_1866 = arith.minimumf %sub3A_1842, %min3A_1865 : vector<32x512xf32>
    %exp23A_1867 = math.exp2 %min3A_1866 : vector<32x512xf32>
    %add3A_1868 = arith.constant 1.000000e+00 : f32
    %add3A_1869 = vector.broadcast %add3A_1868 : f32 to vector<32x512xf32>
    %add3A_1870 = arith.addf %add3A_1869, %exp23A_1867 : vector<32x512xf32>
    %min3A_1871 = arith.constant 2.900000e+01 : f32
    %min3A_1872 = vector.broadcast %min3A_1871 : f32 to vector<32x512xf32>
    %min3A_1873 = arith.minimumf %sub3A_1848, %min3A_1872 : vector<32x512xf32>
    %exp23A_1874 = math.exp2 %min3A_1873 : vector<32x512xf32>
    %add3A_1875 = arith.constant 1.000000e+00 : f32
    %add3A_1876 = vector.broadcast %add3A_1875 : f32 to vector<32x512xf32>
    %add3A_1877 = arith.addf %add3A_1876, %exp23A_1874 : vector<32x512xf32>
    %mul3A_1878 = arith.mulf %add3A_1870, %add3A_1877 : vector<32x512xf32>
    %mul3A_1879 = arith.mulf %mul3A_1863, %mul3A_1878 : vector<32x512xf32>
    %div3A_1880 = arith.constant 1.000000e+00 : f32
    %div3A_1881 = vector.broadcast %div3A_1880 : f32 to vector<32x512xf32>
    %div3A_1882 = arith.divf %div3A_1881, %mul3A_1879 : vector<32x512xf32>
    %add3A_1883 = arith.addf %add3A_1818, %div3A_1882 : vector<32x512xf32>
    %add3A_1884 = arith.addf %mul3A_1863, %mul3A_1878 : vector<32x512xf32>
    %sub3A_1885 = arith.constant 1.000000e+00 : f32
    %sub3A_1886 = vector.broadcast %sub3A_1885 : f32 to vector<32x512xf32>
    %sub3A_1887 = arith.subf %add3A_1884, %sub3A_1886 : vector<32x512xf32>
    %mul3A_1888 = arith.mulf %sub3A_1887, %div3A_1882 : vector<32x512xf32>
    %add3A_1889 = arith.addf %add3A_1824, %mul3A_1888 : vector<32x512xf32>
    %slice3A_1890 = vector.extract_strided_slice %mul3A_29 {offsets = [28, 0], sizes = [1, 512], strides = [1, 1]} : vector<32x512xf32> to vector<1x512xf32>
    %add3A_1891 = vector.broadcast %slice3A_1890 : vector<1x512xf32> to vector<32x512xf32>
    %add3A_1892 = arith.addf %add3A_1891, %mul3A_33 : vector<32x512xf32>
    %abs3A_1893 = math.absf %add3A_1892 : vector<32x512xf32>
    %sub3A_1894 = vector.broadcast %mul3A_18 : vector<1x512xf32> to vector<32x512xf32>
    %sub3A_1895 = arith.subf %abs3A_1893, %sub3A_1894 : vector<32x512xf32>
    %slice3A_1896 = vector.extract_strided_slice %mul3A_31 {offsets = [28, 0], sizes = [1, 512], strides = [1, 1]} : vector<32x512xf32> to vector<1x512xf32>
    %sub3A_1897 = vector.broadcast %slice3A_1896 : vector<1x512xf32> to vector<32x512xf32>
    %sub3A_1898 = arith.subf %mul3A_35, %sub3A_1897 : vector<32x512xf32>
    %abs3A_1899 = math.absf %sub3A_1898 : vector<32x512xf32>
    %sub3A_1900 = vector.broadcast %mul3A_22 : vector<1x512xf32> to vector<32x512xf32>
    %sub3A_1901 = arith.subf %abs3A_1899, %sub3A_1900 : vector<32x512xf32>
    %slice3A_1902 = vector.extract_strided_slice %mul3A_65 {offsets = [28, 0], sizes = [1, 512], strides = [1, 1]} : vector<32x512xf32> to vector<1x512xf32>
    %add3A_1903 = vector.broadcast %slice3A_1902 : vector<1x512xf32> to vector<32x512xf32>
    %add3A_1904 = arith.addf %add3A_1903, %mul3A_69 : vector<32x512xf32>
    %abs3A_1905 = math.absf %add3A_1904 : vector<32x512xf32>
    %sub3A_1906 = vector.broadcast %mul3A_53 : vector<1x512xf32> to vector<32x512xf32>
    %sub3A_1907 = arith.subf %abs3A_1905, %sub3A_1906 : vector<32x512xf32>
    %slice3A_1908 = vector.extract_strided_slice %mul3A_67 {offsets = [28, 0], sizes = [1, 512], strides = [1, 1]} : vector<32x512xf32> to vector<1x512xf32>
    %sub3A_1909 = vector.broadcast %slice3A_1908 : vector<1x512xf32> to vector<32x512xf32>
    %sub3A_1910 = arith.subf %mul3A_71, %sub3A_1909 : vector<32x512xf32>
    %abs3A_1911 = math.absf %sub3A_1910 : vector<32x512xf32>
    %sub3A_1912 = vector.broadcast %mul3A_57 : vector<1x512xf32> to vector<32x512xf32>
    %sub3A_1913 = arith.subf %abs3A_1911, %sub3A_1912 : vector<32x512xf32>
    %min3A_1914 = arith.constant 2.900000e+01 : f32
    %min3A_1915 = vector.broadcast %min3A_1914 : f32 to vector<32x512xf32>
    %min3A_1916 = arith.minimumf %sub3A_1895, %min3A_1915 : vector<32x512xf32>
    %exp23A_1917 = math.exp2 %min3A_1916 : vector<32x512xf32>
    %add3A_1918 = arith.constant 1.000000e+00 : f32
    %add3A_1919 = vector.broadcast %add3A_1918 : f32 to vector<32x512xf32>
    %add3A_1920 = arith.addf %add3A_1919, %exp23A_1917 : vector<32x512xf32>
    %min3A_1921 = arith.constant 2.900000e+01 : f32
    %min3A_1922 = vector.broadcast %min3A_1921 : f32 to vector<32x512xf32>
    %min3A_1923 = arith.minimumf %sub3A_1901, %min3A_1922 : vector<32x512xf32>
    %exp23A_1924 = math.exp2 %min3A_1923 : vector<32x512xf32>
    %add3A_1925 = arith.constant 1.000000e+00 : f32
    %add3A_1926 = vector.broadcast %add3A_1925 : f32 to vector<32x512xf32>
    %add3A_1927 = arith.addf %add3A_1926, %exp23A_1924 : vector<32x512xf32>
    %mul3A_1928 = arith.mulf %add3A_1920, %add3A_1927 : vector<32x512xf32>
    %min3A_1929 = arith.constant 2.900000e+01 : f32
    %min3A_1930 = vector.broadcast %min3A_1929 : f32 to vector<32x512xf32>
    %min3A_1931 = arith.minimumf %sub3A_1907, %min3A_1930 : vector<32x512xf32>
    %exp23A_1932 = math.exp2 %min3A_1931 : vector<32x512xf32>
    %add3A_1933 = arith.constant 1.000000e+00 : f32
    %add3A_1934 = vector.broadcast %add3A_1933 : f32 to vector<32x512xf32>
    %add3A_1935 = arith.addf %add3A_1934, %exp23A_1932 : vector<32x512xf32>
    %min3A_1936 = arith.constant 2.900000e+01 : f32
    %min3A_1937 = vector.broadcast %min3A_1936 : f32 to vector<32x512xf32>
    %min3A_1938 = arith.minimumf %sub3A_1913, %min3A_1937 : vector<32x512xf32>
    %exp23A_1939 = math.exp2 %min3A_1938 : vector<32x512xf32>
    %add3A_1940 = arith.constant 1.000000e+00 : f32
    %add3A_1941 = vector.broadcast %add3A_1940 : f32 to vector<32x512xf32>
    %add3A_1942 = arith.addf %add3A_1941, %exp23A_1939 : vector<32x512xf32>
    %mul3A_1943 = arith.mulf %add3A_1935, %add3A_1942 : vector<32x512xf32>
    %mul3A_1944 = arith.mulf %mul3A_1928, %mul3A_1943 : vector<32x512xf32>
    %div3A_1945 = arith.constant 1.000000e+00 : f32
    %div3A_1946 = vector.broadcast %div3A_1945 : f32 to vector<32x512xf32>
    %div3A_1947 = arith.divf %div3A_1946, %mul3A_1944 : vector<32x512xf32>
    %add3A_1948 = arith.addf %add3A_1883, %div3A_1947 : vector<32x512xf32>
    %add3A_1949 = arith.addf %mul3A_1928, %mul3A_1943 : vector<32x512xf32>
    %sub3A_1950 = arith.constant 1.000000e+00 : f32
    %sub3A_1951 = vector.broadcast %sub3A_1950 : f32 to vector<32x512xf32>
    %sub3A_1952 = arith.subf %add3A_1949, %sub3A_1951 : vector<32x512xf32>
    %mul3A_1953 = arith.mulf %sub3A_1952, %div3A_1947 : vector<32x512xf32>
    %add3A_1954 = arith.addf %add3A_1889, %mul3A_1953 : vector<32x512xf32>
    %slice3A_1955 = vector.extract_strided_slice %mul3A_29 {offsets = [29, 0], sizes = [1, 512], strides = [1, 1]} : vector<32x512xf32> to vector<1x512xf32>
    %add3A_1956 = vector.broadcast %slice3A_1955 : vector<1x512xf32> to vector<32x512xf32>
    %add3A_1957 = arith.addf %add3A_1956, %mul3A_33 : vector<32x512xf32>
    %abs3A_1958 = math.absf %add3A_1957 : vector<32x512xf32>
    %sub3A_1959 = vector.broadcast %mul3A_18 : vector<1x512xf32> to vector<32x512xf32>
    %sub3A_1960 = arith.subf %abs3A_1958, %sub3A_1959 : vector<32x512xf32>
    %slice3A_1961 = vector.extract_strided_slice %mul3A_31 {offsets = [29, 0], sizes = [1, 512], strides = [1, 1]} : vector<32x512xf32> to vector<1x512xf32>
    %sub3A_1962 = vector.broadcast %slice3A_1961 : vector<1x512xf32> to vector<32x512xf32>
    %sub3A_1963 = arith.subf %mul3A_35, %sub3A_1962 : vector<32x512xf32>
    %abs3A_1964 = math.absf %sub3A_1963 : vector<32x512xf32>
    %sub3A_1965 = vector.broadcast %mul3A_22 : vector<1x512xf32> to vector<32x512xf32>
    %sub3A_1966 = arith.subf %abs3A_1964, %sub3A_1965 : vector<32x512xf32>
    %slice3A_1967 = vector.extract_strided_slice %mul3A_65 {offsets = [29, 0], sizes = [1, 512], strides = [1, 1]} : vector<32x512xf32> to vector<1x512xf32>
    %add3A_1968 = vector.broadcast %slice3A_1967 : vector<1x512xf32> to vector<32x512xf32>
    %add3A_1969 = arith.addf %add3A_1968, %mul3A_69 : vector<32x512xf32>
    %abs3A_1970 = math.absf %add3A_1969 : vector<32x512xf32>
    %sub3A_1971 = vector.broadcast %mul3A_53 : vector<1x512xf32> to vector<32x512xf32>
    %sub3A_1972 = arith.subf %abs3A_1970, %sub3A_1971 : vector<32x512xf32>
    %slice3A_1973 = vector.extract_strided_slice %mul3A_67 {offsets = [29, 0], sizes = [1, 512], strides = [1, 1]} : vector<32x512xf32> to vector<1x512xf32>
    %sub3A_1974 = vector.broadcast %slice3A_1973 : vector<1x512xf32> to vector<32x512xf32>
    %sub3A_1975 = arith.subf %mul3A_71, %sub3A_1974 : vector<32x512xf32>
    %abs3A_1976 = math.absf %sub3A_1975 : vector<32x512xf32>
    %sub3A_1977 = vector.broadcast %mul3A_57 : vector<1x512xf32> to vector<32x512xf32>
    %sub3A_1978 = arith.subf %abs3A_1976, %sub3A_1977 : vector<32x512xf32>
    %min3A_1979 = arith.constant 2.900000e+01 : f32
    %min3A_1980 = vector.broadcast %min3A_1979 : f32 to vector<32x512xf32>
    %min3A_1981 = arith.minimumf %sub3A_1960, %min3A_1980 : vector<32x512xf32>
    %exp23A_1982 = math.exp2 %min3A_1981 : vector<32x512xf32>
    %add3A_1983 = arith.constant 1.000000e+00 : f32
    %add3A_1984 = vector.broadcast %add3A_1983 : f32 to vector<32x512xf32>
    %add3A_1985 = arith.addf %add3A_1984, %exp23A_1982 : vector<32x512xf32>
    %min3A_1986 = arith.constant 2.900000e+01 : f32
    %min3A_1987 = vector.broadcast %min3A_1986 : f32 to vector<32x512xf32>
    %min3A_1988 = arith.minimumf %sub3A_1966, %min3A_1987 : vector<32x512xf32>
    %exp23A_1989 = math.exp2 %min3A_1988 : vector<32x512xf32>
    %add3A_1990 = arith.constant 1.000000e+00 : f32
    %add3A_1991 = vector.broadcast %add3A_1990 : f32 to vector<32x512xf32>
    %add3A_1992 = arith.addf %add3A_1991, %exp23A_1989 : vector<32x512xf32>
    %mul3A_1993 = arith.mulf %add3A_1985, %add3A_1992 : vector<32x512xf32>
    %min3A_1994 = arith.constant 2.900000e+01 : f32
    %min3A_1995 = vector.broadcast %min3A_1994 : f32 to vector<32x512xf32>
    %min3A_1996 = arith.minimumf %sub3A_1972, %min3A_1995 : vector<32x512xf32>
    %exp23A_1997 = math.exp2 %min3A_1996 : vector<32x512xf32>
    %add3A_1998 = arith.constant 1.000000e+00 : f32
    %add3A_1999 = vector.broadcast %add3A_1998 : f32 to vector<32x512xf32>
    %add3A_2000 = arith.addf %add3A_1999, %exp23A_1997 : vector<32x512xf32>
    %min3A_2001 = arith.constant 2.900000e+01 : f32
    %min3A_2002 = vector.broadcast %min3A_2001 : f32 to vector<32x512xf32>
    %min3A_2003 = arith.minimumf %sub3A_1978, %min3A_2002 : vector<32x512xf32>
    %exp23A_2004 = math.exp2 %min3A_2003 : vector<32x512xf32>
    %add3A_2005 = arith.constant 1.000000e+00 : f32
    %add3A_2006 = vector.broadcast %add3A_2005 : f32 to vector<32x512xf32>
    %add3A_2007 = arith.addf %add3A_2006, %exp23A_2004 : vector<32x512xf32>
    %mul3A_2008 = arith.mulf %add3A_2000, %add3A_2007 : vector<32x512xf32>
    %mul3A_2009 = arith.mulf %mul3A_1993, %mul3A_2008 : vector<32x512xf32>
    %div3A_2010 = arith.constant 1.000000e+00 : f32
    %div3A_2011 = vector.broadcast %div3A_2010 : f32 to vector<32x512xf32>
    %div3A_2012 = arith.divf %div3A_2011, %mul3A_2009 : vector<32x512xf32>
    %add3A_2013 = arith.addf %add3A_1948, %div3A_2012 : vector<32x512xf32>
    %add3A_2014 = arith.addf %mul3A_1993, %mul3A_2008 : vector<32x512xf32>
    %sub3A_2015 = arith.constant 1.000000e+00 : f32
    %sub3A_2016 = vector.broadcast %sub3A_2015 : f32 to vector<32x512xf32>
    %sub3A_2017 = arith.subf %add3A_2014, %sub3A_2016 : vector<32x512xf32>
    %mul3A_2018 = arith.mulf %sub3A_2017, %div3A_2012 : vector<32x512xf32>
    %add3A_2019 = arith.addf %add3A_1954, %mul3A_2018 : vector<32x512xf32>
    %slice3A_2020 = vector.extract_strided_slice %mul3A_29 {offsets = [30, 0], sizes = [1, 512], strides = [1, 1]} : vector<32x512xf32> to vector<1x512xf32>
    %add3A_2021 = vector.broadcast %slice3A_2020 : vector<1x512xf32> to vector<32x512xf32>
    %add3A_2022 = arith.addf %add3A_2021, %mul3A_33 : vector<32x512xf32>
    %abs3A_2023 = math.absf %add3A_2022 : vector<32x512xf32>
    %sub3A_2024 = vector.broadcast %mul3A_18 : vector<1x512xf32> to vector<32x512xf32>
    %sub3A_2025 = arith.subf %abs3A_2023, %sub3A_2024 : vector<32x512xf32>
    %slice3A_2026 = vector.extract_strided_slice %mul3A_31 {offsets = [30, 0], sizes = [1, 512], strides = [1, 1]} : vector<32x512xf32> to vector<1x512xf32>
    %sub3A_2027 = vector.broadcast %slice3A_2026 : vector<1x512xf32> to vector<32x512xf32>
    %sub3A_2028 = arith.subf %mul3A_35, %sub3A_2027 : vector<32x512xf32>
    %abs3A_2029 = math.absf %sub3A_2028 : vector<32x512xf32>
    %sub3A_2030 = vector.broadcast %mul3A_22 : vector<1x512xf32> to vector<32x512xf32>
    %sub3A_2031 = arith.subf %abs3A_2029, %sub3A_2030 : vector<32x512xf32>
    %slice3A_2032 = vector.extract_strided_slice %mul3A_65 {offsets = [30, 0], sizes = [1, 512], strides = [1, 1]} : vector<32x512xf32> to vector<1x512xf32>
    %add3A_2033 = vector.broadcast %slice3A_2032 : vector<1x512xf32> to vector<32x512xf32>
    %add3A_2034 = arith.addf %add3A_2033, %mul3A_69 : vector<32x512xf32>
    %abs3A_2035 = math.absf %add3A_2034 : vector<32x512xf32>
    %sub3A_2036 = vector.broadcast %mul3A_53 : vector<1x512xf32> to vector<32x512xf32>
    %sub3A_2037 = arith.subf %abs3A_2035, %sub3A_2036 : vector<32x512xf32>
    %slice3A_2038 = vector.extract_strided_slice %mul3A_67 {offsets = [30, 0], sizes = [1, 512], strides = [1, 1]} : vector<32x512xf32> to vector<1x512xf32>
    %sub3A_2039 = vector.broadcast %slice3A_2038 : vector<1x512xf32> to vector<32x512xf32>
    %sub3A_2040 = arith.subf %mul3A_71, %sub3A_2039 : vector<32x512xf32>
    %abs3A_2041 = math.absf %sub3A_2040 : vector<32x512xf32>
    %sub3A_2042 = vector.broadcast %mul3A_57 : vector<1x512xf32> to vector<32x512xf32>
    %sub3A_2043 = arith.subf %abs3A_2041, %sub3A_2042 : vector<32x512xf32>
    %min3A_2044 = arith.constant 2.900000e+01 : f32
    %min3A_2045 = vector.broadcast %min3A_2044 : f32 to vector<32x512xf32>
    %min3A_2046 = arith.minimumf %sub3A_2025, %min3A_2045 : vector<32x512xf32>
    %exp23A_2047 = math.exp2 %min3A_2046 : vector<32x512xf32>
    %add3A_2048 = arith.constant 1.000000e+00 : f32
    %add3A_2049 = vector.broadcast %add3A_2048 : f32 to vector<32x512xf32>
    %add3A_2050 = arith.addf %add3A_2049, %exp23A_2047 : vector<32x512xf32>
    %min3A_2051 = arith.constant 2.900000e+01 : f32
    %min3A_2052 = vector.broadcast %min3A_2051 : f32 to vector<32x512xf32>
    %min3A_2053 = arith.minimumf %sub3A_2031, %min3A_2052 : vector<32x512xf32>
    %exp23A_2054 = math.exp2 %min3A_2053 : vector<32x512xf32>
    %add3A_2055 = arith.constant 1.000000e+00 : f32
    %add3A_2056 = vector.broadcast %add3A_2055 : f32 to vector<32x512xf32>
    %add3A_2057 = arith.addf %add3A_2056, %exp23A_2054 : vector<32x512xf32>
    %mul3A_2058 = arith.mulf %add3A_2050, %add3A_2057 : vector<32x512xf32>
    %min3A_2059 = arith.constant 2.900000e+01 : f32
    %min3A_2060 = vector.broadcast %min3A_2059 : f32 to vector<32x512xf32>
    %min3A_2061 = arith.minimumf %sub3A_2037, %min3A_2060 : vector<32x512xf32>
    %exp23A_2062 = math.exp2 %min3A_2061 : vector<32x512xf32>
    %add3A_2063 = arith.constant 1.000000e+00 : f32
    %add3A_2064 = vector.broadcast %add3A_2063 : f32 to vector<32x512xf32>
    %add3A_2065 = arith.addf %add3A_2064, %exp23A_2062 : vector<32x512xf32>
    %min3A_2066 = arith.constant 2.900000e+01 : f32
    %min3A_2067 = vector.broadcast %min3A_2066 : f32 to vector<32x512xf32>
    %min3A_2068 = arith.minimumf %sub3A_2043, %min3A_2067 : vector<32x512xf32>
    %exp23A_2069 = math.exp2 %min3A_2068 : vector<32x512xf32>
    %add3A_2070 = arith.constant 1.000000e+00 : f32
    %add3A_2071 = vector.broadcast %add3A_2070 : f32 to vector<32x512xf32>
    %add3A_2072 = arith.addf %add3A_2071, %exp23A_2069 : vector<32x512xf32>
    %mul3A_2073 = arith.mulf %add3A_2065, %add3A_2072 : vector<32x512xf32>
    %mul3A_2074 = arith.mulf %mul3A_2058, %mul3A_2073 : vector<32x512xf32>
    %div3A_2075 = arith.constant 1.000000e+00 : f32
    %div3A_2076 = vector.broadcast %div3A_2075 : f32 to vector<32x512xf32>
    %div3A_2077 = arith.divf %div3A_2076, %mul3A_2074 : vector<32x512xf32>
    %add3A_2078 = arith.addf %add3A_2013, %div3A_2077 : vector<32x512xf32>
    %add3A_2079 = arith.addf %mul3A_2058, %mul3A_2073 : vector<32x512xf32>
    %sub3A_2080 = arith.constant 1.000000e+00 : f32
    %sub3A_2081 = vector.broadcast %sub3A_2080 : f32 to vector<32x512xf32>
    %sub3A_2082 = arith.subf %add3A_2079, %sub3A_2081 : vector<32x512xf32>
    %mul3A_2083 = arith.mulf %sub3A_2082, %div3A_2077 : vector<32x512xf32>
    %add3A_2084 = arith.addf %add3A_2019, %mul3A_2083 : vector<32x512xf32>
    %slice3A_2085 = vector.extract_strided_slice %mul3A_29 {offsets = [31, 0], sizes = [1, 512], strides = [1, 1]} : vector<32x512xf32> to vector<1x512xf32>
    %add3A_2086 = vector.broadcast %slice3A_2085 : vector<1x512xf32> to vector<32x512xf32>
    %add3A_2087 = arith.addf %add3A_2086, %mul3A_33 : vector<32x512xf32>
    %abs3A_2088 = math.absf %add3A_2087 : vector<32x512xf32>
    %sub3A_2089 = vector.broadcast %mul3A_18 : vector<1x512xf32> to vector<32x512xf32>
    %sub3A_2090 = arith.subf %abs3A_2088, %sub3A_2089 : vector<32x512xf32>
    %slice3A_2091 = vector.extract_strided_slice %mul3A_31 {offsets = [31, 0], sizes = [1, 512], strides = [1, 1]} : vector<32x512xf32> to vector<1x512xf32>
    %sub3A_2092 = vector.broadcast %slice3A_2091 : vector<1x512xf32> to vector<32x512xf32>
    %sub3A_2093 = arith.subf %mul3A_35, %sub3A_2092 : vector<32x512xf32>
    %abs3A_2094 = math.absf %sub3A_2093 : vector<32x512xf32>
    %sub3A_2095 = vector.broadcast %mul3A_22 : vector<1x512xf32> to vector<32x512xf32>
    %sub3A_2096 = arith.subf %abs3A_2094, %sub3A_2095 : vector<32x512xf32>
    %slice3A_2097 = vector.extract_strided_slice %mul3A_65 {offsets = [31, 0], sizes = [1, 512], strides = [1, 1]} : vector<32x512xf32> to vector<1x512xf32>
    %add3A_2098 = vector.broadcast %slice3A_2097 : vector<1x512xf32> to vector<32x512xf32>
    %add3A_2099 = arith.addf %add3A_2098, %mul3A_69 : vector<32x512xf32>
    %abs3A_2100 = math.absf %add3A_2099 : vector<32x512xf32>
    %sub3A_2101 = vector.broadcast %mul3A_53 : vector<1x512xf32> to vector<32x512xf32>
    %sub3A_2102 = arith.subf %abs3A_2100, %sub3A_2101 : vector<32x512xf32>
    %slice3A_2103 = vector.extract_strided_slice %mul3A_67 {offsets = [31, 0], sizes = [1, 512], strides = [1, 1]} : vector<32x512xf32> to vector<1x512xf32>
    %sub3A_2104 = vector.broadcast %slice3A_2103 : vector<1x512xf32> to vector<32x512xf32>
    %sub3A_2105 = arith.subf %mul3A_71, %sub3A_2104 : vector<32x512xf32>
    %abs3A_2106 = math.absf %sub3A_2105 : vector<32x512xf32>
    %sub3A_2107 = vector.broadcast %mul3A_57 : vector<1x512xf32> to vector<32x512xf32>
    %sub3A_2108 = arith.subf %abs3A_2106, %sub3A_2107 : vector<32x512xf32>
    %min3A_2109 = arith.constant 2.900000e+01 : f32
    %min3A_2110 = vector.broadcast %min3A_2109 : f32 to vector<32x512xf32>
    %min3A_2111 = arith.minimumf %sub3A_2090, %min3A_2110 : vector<32x512xf32>
    %exp23A_2112 = math.exp2 %min3A_2111 : vector<32x512xf32>
    %add3A_2113 = arith.constant 1.000000e+00 : f32
    %add3A_2114 = vector.broadcast %add3A_2113 : f32 to vector<32x512xf32>
    %add3A_2115 = arith.addf %add3A_2114, %exp23A_2112 : vector<32x512xf32>
    %min3A_2116 = arith.constant 2.900000e+01 : f32
    %min3A_2117 = vector.broadcast %min3A_2116 : f32 to vector<32x512xf32>
    %min3A_2118 = arith.minimumf %sub3A_2096, %min3A_2117 : vector<32x512xf32>
    %exp23A_2119 = math.exp2 %min3A_2118 : vector<32x512xf32>
    %add3A_2120 = arith.constant 1.000000e+00 : f32
    %add3A_2121 = vector.broadcast %add3A_2120 : f32 to vector<32x512xf32>
    %add3A_2122 = arith.addf %add3A_2121, %exp23A_2119 : vector<32x512xf32>
    %mul3A_2123 = arith.mulf %add3A_2115, %add3A_2122 : vector<32x512xf32>
    %min3A_2124 = arith.constant 2.900000e+01 : f32
    %min3A_2125 = vector.broadcast %min3A_2124 : f32 to vector<32x512xf32>
    %min3A_2126 = arith.minimumf %sub3A_2102, %min3A_2125 : vector<32x512xf32>
    %exp23A_2127 = math.exp2 %min3A_2126 : vector<32x512xf32>
    %add3A_2128 = arith.constant 1.000000e+00 : f32
    %add3A_2129 = vector.broadcast %add3A_2128 : f32 to vector<32x512xf32>
    %add3A_2130 = arith.addf %add3A_2129, %exp23A_2127 : vector<32x512xf32>
    %min3A_2131 = arith.constant 2.900000e+01 : f32
    %min3A_2132 = vector.broadcast %min3A_2131 : f32 to vector<32x512xf32>
    %min3A_2133 = arith.minimumf %sub3A_2108, %min3A_2132 : vector<32x512xf32>
    %exp23A_2134 = math.exp2 %min3A_2133 : vector<32x512xf32>
    %add3A_2135 = arith.constant 1.000000e+00 : f32
    %add3A_2136 = vector.broadcast %add3A_2135 : f32 to vector<32x512xf32>
    %add3A_2137 = arith.addf %add3A_2136, %exp23A_2134 : vector<32x512xf32>
    %mul3A_2138 = arith.mulf %add3A_2130, %add3A_2137 : vector<32x512xf32>
    %mul3A_2139 = arith.mulf %mul3A_2123, %mul3A_2138 : vector<32x512xf32>
    %div3A_2140 = arith.constant 1.000000e+00 : f32
    %div3A_2141 = vector.broadcast %div3A_2140 : f32 to vector<32x512xf32>
    %div3A_2142 = arith.divf %div3A_2141, %mul3A_2139 : vector<32x512xf32>
    %add3A_2143 = arith.addf %add3A_2078, %div3A_2142 : vector<32x512xf32>
    %add3A_2144 = arith.addf %mul3A_2123, %mul3A_2138 : vector<32x512xf32>
    %sub3A_2145 = arith.constant 1.000000e+00 : f32
    %sub3A_2146 = vector.broadcast %sub3A_2145 : f32 to vector<32x512xf32>
    %sub3A_2147 = arith.subf %add3A_2144, %sub3A_2146 : vector<32x512xf32>
    %mul3A_2148 = arith.mulf %sub3A_2147, %div3A_2142 : vector<32x512xf32>
    %add3A_2149 = arith.addf %add3A_2084, %mul3A_2148 : vector<32x512xf32>
    %reduce_sum3A = arith.constant dense<0.000000e+00> : vector<512xf32>
    %reduce_sum3A_2150 = vector.multi_reduction <add>, %add3A_2143, %reduce_sum3A [0] : vector<32x512xf32> to vector<512xf32>
    %reduce_sum3A_2151 = arith.constant dense<0.000000e+00> : vector<512xf32>
    %reduce_sum3A_2152 = vector.multi_reduction <add>, %add3A_2149, %reduce_sum3A_2151 [0] : vector<32x512xf32> to vector<512xf32>
    %add3A_2153 = arith.constant 9.99999971E-10 : f32
    %add3A_2154 = vector.broadcast %add3A_2153 : f32 to vector<512xf32>
    %add3A_2155 = arith.addf %reduce_sum3A_2152, %add3A_2154 : vector<512xf32>
    %div3A_2156 = arith.divf %reduce_sum3A_2150, %add3A_2155 : vector<512xf32>
    %broadcast_in_dim3A_2157 = vector.shape_cast %div3A_2156 : vector<512xf32> to vector<1x1x512xf32>
    %swap3A = arith.constant 0 : index
    %swap3A_2158 = arith.constant 0 : index
    %swap3A_2159 = arith.constant 0 : index
    %swap3A_2160 = vector.load %arg5[%swap3A, %swap3A_2158, %swap3A_2159] : memref<1x1x512xf32, #tpu.memory_space<vmem>>, vector<1x1x512xf32>
    tpu.vector_store %arg5[%swap3A, %swap3A_2158, %swap3A_2159], %broadcast_in_dim3A_2157 {strides = array<i32>} : memref<1x1x512xf32, #tpu.memory_space<vmem>>, vector<1x1x512xf32>,
    return
  }
  func.func @transform_0(%arg0: i32) -> (i32, i32) {
    %c0_i32 = arith.constant 0 : i32
    %c0_i32_0 = arith.constant 0 : i32
    return %c0_i32, %arg0 : i32, i32
  }
  func.func @transform_1(%arg0: i32) -> (i32, i32) {
    %c0_i32 = arith.constant 0 : i32
    %c0_i32_0 = arith.constant 0 : i32
    return %c0_i32, %arg0 : i32, i32
  }
  func.func @transform_2(%arg0: i32) -> (i32, i32) {
    %c0_i32 = arith.constant 0 : i32
    %c0_i32_0 = arith.constant 0 : i32
    %c0_i32_1 = arith.constant 0 : i32
    return %c0_i32, %c0_i32_0 : i32, i32
  }
  func.func @transform_3(%arg0: i32) -> (i32, i32) {
    %c0_i32 = arith.constant 0 : i32
    %c0_i32_0 = arith.constant 0 : i32
    %c0_i32_1 = arith.constant 0 : i32
    return %c0_i32, %c0_i32_0 : i32, i32
  }
  func.func @transform_4(%arg0: i32) -> (i32, i32, i32) {
    %c0_i32 = arith.constant 0 : i32
    %c0_i32_0 = arith.constant 0 : i32
    %c0_i32_1 = arith.constant 0 : i32
    return %arg0, %c0_i32, %c0_i32_0 : i32, i32, i32
  }
}

</mosaic_0001>

<sc_bundles>
// kernel: kernel.4.cloned.1.call-start
scs
__scs_entry_jumppad:
0x0: {  	(pc) =	sbr.rel $0x88, $3  }
0x1: {  	(tag) =	ssettag $0x0;
	lr =	simm.s32 $0x1  }
0x2: {  	[smem:$0x3F9E] =	sst lr;
	_ =	strace $0xD0000000  }
0x3: {  	_ = 	snop  }
0x4: {  	_ = 	snop  }
0x5: {  	_ = 	snop  }
0x6: {  	_ = 	snop  }
0x7: {  	_ = 	snop  }
__scs_overlays_trampoline_lowered:
0x8: {  	[smem:$0x3FAD] =	sst s0  }
0x9: {  	[smem:$0x3FAE] =	sst s1  }
0xa: {  	[smem:$0x3FAF] =	sst s2  }
0xb: {  	[smem:$0x3FB0] =	sst s3  }
0xc: {  	[smem:$0x3FB1] =	sst s4  }
0xd: {  	[smem:$0x3FB2] =	sst s5  }
0xe: {  	[smem:$0x3FB3] =	sst s6  }
0xf: {  	[smem:$0x3FB4] =	sst s7  }
0x10: {  	[smem:$0x3FB5] =	sst s8  }
0x11: {  	[smem:$0x3FB6] =	sst s9;
	s0 =	simm.s32 @!p0 $0x0  }
0x12: {  	s1 =	sld [smem:$0x3F9C];
	s0 =	simm.s32 @p0 $0x1  }
0x13: {  	[smem:$0x3FB7] =	sst s0;
	s0 =	simm.s32 @!p1 $0x0  }
0x14: {  	s2 =	sld [smem:$0x3F9B];
	s0 =	simm.s32 @p1 $0x1  }
0x15: {  	[smem:$0x3FB8] =	sst s0;
	s0 =	simm.s32 @!p2 $0x0  }
0x16: {  	s3 =	sld [smem:$0x3FDB];
	s0 =	simm.s32 @p2 $0x1  }
0x17: {  	s4 =	simm.s32 $0x1BF5;
	[smem:$0x3FBA] =	sst s0  }
0x18: {  	s0 =	sld [smem:$0x3F9D];
	_ =	swait.ge [sflag:s4], $0x0  }
0x19: {  	s7 =	sld [smem:$0x3F9E]  }
0x1a: {  	s8 =	sadd.s32 $0xFFFFE003, lr  }
0x1b: {  	s9 =	sadd.s32 $0xFFFFFEF7, lr;
	s5 =	simm.s32 $0xFFFFFFFF;
	p2 =	slt.u32 s8, $0xFFFFF086  }
0x1c: {  	p1 =	slt.u32 s9, $0xF7A;
	s5 =	simm.s32 @!p2 $0x0  }
0x1d: {  	s5 =	simm.s32 @p1 $0x1;
	p0 =	seq.s32 s7, s2  }
0x1e: {  	s7 =	smul.u32 @!p0 $0xF7A, s2;
	p2 =	seq.s32 @!p0 s5, $0x0  }
0x1f: {  	s9 =	smul.u32 $0xF7A, s1;
	s8 =	simm.s32 @!p0 $0x1BF5;
	p2 =	por !p2, p0  }
0x20: {  	[sflag:s8] =	ssyncset.s32 @!p0 $0xFFFFF086;
	s6 =	sadd.s32 @!p0 s3, s7;
	s7 =	simm.s32 @!p0 $0x108  }
0x21: {  	s3 =	sadd.s32 s3, s9;
	s6 =	sadd.s32 @!p0 $0x88, s6;
	s7 =	simm.s32 @p2 $0x1082  }
0x22: {  	[simem:s7], [sflag:s8] =	dma.local @!p0 [hbm:s6], $0xF7A  }
0x23: {  	s9 =	sor.u32 $0xD0000000, s2;
	s6 =	simm.s32 $0x108;
	_ =	swait.ge @!p0 [sflag:s8], $0x0  }
0x24: {  	s3 =	sadd.s32 $0x88, s3;
	s6 =	simm.s32 @!p1 $0x1082;
	[sflag:s4] =	ssyncset.s32 $0xFFFFF086  }
0x25: {  	[simem:s6], [sflag:s4] =	dma.local [hbm:s3], $0xF7A  }
0x26: {  	[smem:$0x3F9E] =	sst s1;
	(tag) =	ssettag s2;
	_ =	strace s9  }
0x27: {  	s1 =	sld [smem:$0x3FAE]  }
0x28: {  	s2 =	sld [smem:$0x3FAF]  }
0x29: {  	s4 =	sld [smem:$0x3FB1]  }
0x2a: {  	p0 =	seq.s32 s5, $0x0;
	s5 =	sld [smem:$0x3FB2]  }
0x2b: {  	s6 =	sld [smem:$0x3FB3]  }
0x2c: {  	s7 =	sld [smem:$0x3FB4]  }
0x2d: {  	s3 =	simm.s32 $0x108;
	s8 =	sld [smem:$0x3FB5]  }
0x2e: {  	s3 =	simm.s32 @!p0 $0x1082;
	s9 =	sld [smem:$0x3FB6]  }
0x2f: {  	lr =	sadd.s32 s0, s3;
	s0 =	sld [smem:$0x3FAD]  }
0x30: {  	s3 =	sld [smem:$0x3FB0]  }
0x31: {  	[smem:$0x3FB9] =	sst s10  }
0x32: {  	s10 =	sld [smem:$0x3FB7];
	_ =	sdelay $0x3  }
0x33: {  	p0 =	seq.s32 s10, $0x1;
	s10 =	sld [smem:$0x3FB9];
	_ =	sdelay $0x3  }
0x34: {  	[smem:$0x3FB9] =	sst s10  }
0x35: {  	s10 =	sld [smem:$0x3FB8];
	_ =	sdelay $0x3  }
0x36: {  	p1 =	seq.s32 s10, $0x1;
	s10 =	sld [smem:$0x3FB9];
	_ =	sdelay $0x3  }
0x37: {  	[smem:$0x3FB9] =	sst s10  }
0x38: {  	s10 =	sld [smem:$0x3FBA]  }
0x39: {  	_ = 	snop;
	(pc) =	sbr.ind lr, $3  }
0x3a: {  	_ = 	snop  }
0x3b: {  	_ = 	snop  }
0x3c: {  	p2 =	seq.s32 s10, $0x1;
	s10 =	sld [smem:$0x3FB9]  }
0x3d: {  	_ =	shalt  }
0x3e: {  	_ =	shalt  }
0x3f: {  	_ =	shalt  }
0x40: {  	_ =	shalt  }
0x41: {  	_ =	shalt  }
0x42: {  	_ =	shalt  }
0x43: {  	_ =	shalt  }
0x44: {  	_ =	shalt  }
0x45: {  	_ =	shalt  }
0x46: {  	_ =	shalt  }
0x47: {  	_ =	shalt  }
0x48: {  	_ =	shalt  }
0x49: {  	_ =	shalt  }
0x4a: {  	_ =	shalt  }
0x4b: {  	_ =	shalt  }
0x4c: {  	_ =	shalt  }
0x4d: {  	_ =	shalt  }
0x4e: {  	_ =	shalt  }
0x4f: {  	_ =	shalt  }
0x50: {  	_ =	shalt  }
0x51: {  	_ =	shalt  }
0x52: {  	_ =	shalt  }
0x53: {  	_ =	shalt  }
0x54: {  	_ =	shalt  }
0x55: {  	_ =	shalt  }
0x56: {  	_ =	shalt  }
0x57: {  	_ =	shalt  }
0x58: {  	_ =	shalt  }
0x59: {  	_ =	shalt  }
0x5a: {  	_ =	shalt  }
0x5b: {  	_ =	shalt  }
0x5c: {  	_ =	shalt  }
0x5d: {  	_ =	shalt  }
0x5e: {  	_ =	shalt  }
0x5f: {  	_ =	shalt  }
0x60: {  	_ =	shalt  }
0x61: {  	_ =	shalt  }
0x62: {  	_ =	shalt  }
0x63: {  	_ =	shalt  }
0x64: {  	_ =	shalt  }
0x65: {  	_ =	shalt  }
0x66: {  	_ =	shalt  }
0x67: {  	_ =	shalt  }
0x68: {  	_ =	shalt  }
0x69: {  	_ =	shalt  }
0x6a: {  	_ =	shalt  }
0x6b: {  	_ =	shalt  }
0x6c: {  	_ =	shalt  }
0x6d: {  	_ =	shalt  }
0x6e: {  	_ =	shalt  }
0x6f: {  	_ =	shalt  }
0x70: {  	_ =	shalt  }
0x71: {  	_ =	shalt  }
0x72: {  	_ =	shalt  }
0x73: {  	_ =	shalt  }
0x74: {  	_ =	shalt  }
0x75: {  	_ =	shalt  }
0x76: {  	_ =	shalt  }
0x77: {  	_ =	shalt  }
0x78: {  	_ =	shalt  }
0x79: {  	_ =	shalt  }
0x7a: {  	_ =	shalt  }
0x7b: {  	_ =	shalt  }
0x7c: {  	_ =	shalt  }
0x7d: {  	_ =	shalt  }
0x7e: {  	_ =	shalt  }
0x7f: {  	_ =	shalt  }
0x80: {  	_ =	shalt  }
0x81: {  	_ =	shalt  }
0x82: {  	_ =	shalt  }
0x83: {  	_ =	shalt  }
0x84: {  	_ =	shalt  }
0x85: {  	_ =	shalt  }
0x86: {  	_ =	shalt  }
0x87: {  	_ =	shalt  }
.Lfunc_end0:
.L_simem_size_0:
called_computation_lowered:
.L_overlay_start_0:
0x88: {  	s2 =	sld [smem:$0x3FD9]  }
0x89: {  	s3 =	sld [smem:$0x3FFE];
	_ =	sdelay $0x1  }
0x8a: {  	s1 =	srdreg.scid  }
0x8b: {  	s0 =	sand.u32 $0x1, s1  }
0x8c: {  	s17 =	sshll.u32 s0, $0xA;
	s2 =	sadd.s32 s3, s2  }
0x8d: {  	s2 =	sadd.s32 s2, s17  }
0x8e: {  	[smem:$0x3FC5] =	sst s2  }
0x8f: {  	_ = 	snop  }
0x90: {  	s2 =	sld [smem:$0x3FD0];
	(tm) =	ssettm $0x1  }
0x91: {  	s18 =	sld [smem:$0x3FFB];
	_ =	sdelay $0x3  }
0x92: {  	_ =	strace s18  }
0x93: {  	s3 =	sld [smem:$0x3FFC];
	_ =	sdelay $0x3  }
0x94: {  	_ =	strace s3  }
0x95: {  	s3 =	sld [smem:$0x3FFD];
	_ =	sdelay $0x3  }
0x96: {  	_ =	strace s3  }
0x97: {  	_ =	strace $0x8FFFFFFF  }
0x98: {  	s19 =	sld [smem:$0x3FDB];
	_ =	sdelay $0x1  }
0x99: {  	s4 =	simm.s32 $_scs_section_size  }
0x9a: {  	s5 =	simm.s32 $_size__tile_overlayer_lowered;
	s6 =	simm.s32 $_tile_overlayer_lowered  }
0x9b: {  	s22 =	simm.s32 $0x1BFF;
	s21 =	sshll.u32 s6, $0x1;
	s3 =	sadd.s32 s4, s19  }
0x9c: {  	s7 =	simm.s32 $0x0;
	s20 =	sshll.u32 s5, $0x1;
	s5 =	sadd.s32 s21, s3  }
0x9d: {  	[timem:s7], [sflag:s22] =	dma.local [hbm:s5], s20  }
0x9e: {  	_ =	swait.ge [sflag:s22], s20  }
0x9f: {  	s4 =	ssub.s32 $0x0, s20;
	[sflag:s22] =	ssyncset.done $0x0  }
0xa0: {  	[sflag:s22] =	ssyncadd.s32 s4;
	_ =	sdelay $0x1  }
0xa1: {  	s23 =	simm.s32 $0x1B8B  }
0xa2: {  	_ =	swait.ge [sflag:s23], $0x1  }
0xa3: {  	[sflag:s23] =	ssyncset.done $0x0  }
0xa4: {  	s25 =	simm.s32 $0x1B8E;
	s24 =	sld [smem:$0x3FFE];
	[sflag:s23] =	ssyncadd.s32 $0xFFFFFFFF  }
0xa5: {  	s26 =	simm.s32 $execute0_lowered;
	[smem:$0x3FD2] =	sst s25  }
0xa6: {  	s5 =	sshll.u32 s26, $0x1;
	_ =	strace $0x80000046;
	[dreg:$0x1] =	wrdreg $0xFFFFFFFF  }
0xa7: {  	s28 =	simm.s32 $_size_execute0_lowered;
	s3 =	sadd.s32 s3, s5;
	[dreg:$0x0] =	wrdreg $0x0  }
0xa8: {  	s5 =	sshll.u32 s28, $0x1;
	[dreg:$0x2] =	wrdreg s3  }
0xa9: {  	[dreg:$0x3] =	wrdreg s5  }
0xaa: {  	[dreg:$0x4] =	wrdreg $0xC0  }
0xab: {  	_ =	task [dreg:s7], $0x5FFFF  }
0xac: {  	[dreg:$0x1] =	wrdreg $0xFFFFFFFF  }
0xad: {  	[dreg:$0x0] =	wrdreg $0x60  }
0xae: {  	[dreg:$0x2] =	wrdreg s24  }
0xaf: {  	[dreg:$0x3] =	wrdreg s2  }
0xb0: {  	[dreg:$0x4] =	wrdreg $0x9  }
0xb1: {  	_ =	task.clear_ibuf [dreg:s7], $0x5FFFF;
	_ =	strace $0x90000046  }
0xb2: {  	s29 =	simm.s32 $0x9;
	_ =	strace $0x80000048  }
0xb3: {  	_ =	swait.ge [sflag:s29], $0x1  }
0xb4: {  	[sflag:s29] =	ssyncadd.s32 $0xFFFFFFFF  }
0xb5: {  	_ =	strace $0x90000048  }
0xb6: {  	_ =	sfence  }
0xb7: {  	s30 =	sld [smem:$0x0];
	_ =	sdelay $0x2  }
0xb8: {  	s31 =	sshll.u32 s1, $0xD;
	s1 =	sshrl.u32 s1, $0x2  }
0xb9: {  	s3 =	sand.u32 $0x4000, s31;
	s1 =	sadd.s32 s1, s30  }
0xba: {  	s0 =	sor.u32 s3, s0;
	s1 =	sshll.u32 s1, $0x11  }
0xbb: {  	s0 =	sor.u32 s1, s0  }
0xbc: {  	s0 =	sadd.s32 $0x8F2B, s0  }
0xbd: {  	[sflag:s0] =	ssyncadd.remote.s32 $0x1  }
0xbe: {  	_ =	sfence.sel $0xFFFF  }
0xbf: {  	[dreg:$0x0] =	wrdreg $0xFFFFFFFF;
	(pc) =	sbr.abs _section_cstart, $3  }
0xc0: {  	[dreg:$0x1] =	wrdreg $0xFFFFFFFF  }
0xc1: {  	_ =	task.clear_ibuf [dreg:s7], $0x2FFFF;
	_ =	strace $0x9FFFFFFF  }
0xc2: {  	(tm) =	ssettm $0x7FFFFFFF  }
0xc3: {  	_ =	shalt  }
tec
execute0_lowered:
.L_overlay_start_1:
0x0: {  	(tag) =	ssettag $0x1  }
0x1: {  	s4 =	rddreg [dreg:$0x0];
	s1 =	srdreg.scid  }
0x2: {  	s0 =	stileid.u32;
	s2 =	rddreg [dreg:$0x1];
	s3 =	simm.s32 $0x0  }
0x3: {  	s9 =	simm.s32 $0x1680;
	s10 =	simm.s32 $0x0;
	s13 =	simm.s32 $0x0  }
0x4: {  	s5 =	sand.u32 $0x1, s1;
	s6 =	sshll.u32 s0, $0x1;
	s1 =	rddreg [dreg:$0x2]  }
0x5: {  	[smem:$0x7FF] =	sst s3;
	s6 =	sor.u32 s5, s6;
	s5 =	ssub.s32 $0x2, s5  }
0x6: {  	s7 =	smul.u32 $0xC0, s6;
	s6 =	sshll.u32 s6, $0x4;
	s8 =	sshrl.u32 s5, $0x1  }
0x7: {  	_ =	strace $0x80000047;
	s6 =	sadd.s32 s6, s4;
	s8 =	ssub.s32 s5, s8  }
0x8: {  	s7 =	sadd.s32 s7, s4;
	s5 =	sadd.s32 $0x2600, s6;
	s6 =	smax.u32 s8, $0x1  }
0x9: {  	s8 =	simm.s32 $0x600;
	s4 =	sadd.s32 $0xE00, s7;
	s7 =	simm.s32 $0x1  }
.LBB2_1:
0xa: {  	[tilespmem:s3], [sflag:$0x1] =	stream.linear.gather [hbm4b:s4+s3], $0x600, $0x38;
	[tilespmem:$0x1700] =	vst v63  }
0xb: {  	_ =	swait.ge [sflag:s7], $0x600  }
0xc: {  	[sflag:s7] =	ssyncset.done $0x0  }
0xd: {  	[sflag:s7] =	ssyncadd.s32 $0xFFFFFA00  }
0xe: {  	[tilespmem:s8], [sflag:$0x1] =	stream.linear.gather [hbm4b:s2+s3], $0x80, $0x38;
	[tilespmem:$0x1700] =	vst v63  }
0xf: {  	_ =	swait.ge [sflag:s7], $0x80  }
0x10: {  	[sflag:s7] =	ssyncset.done $0x0  }
0x11: {  	[sflag:s7] =	ssyncadd.s32 $0xFFFFFF80  }
0x12: {  	v0 =	vld [tilespmem:$0x600];
	_ =	sdelay $0x4  }
0x13: {  	v1 =	vbroadcast v0, $0x0  }
0x14: {  	v62 =	vbroadcast v0, $0x1  }
0x15: {  	v63 =	vbroadcast v0, $0x2;
	[tilespmem:$0x1FD70] =	vst v1  }
0x16: {  	v4 =	vbroadcast v0, $0x3;
	[tilespmem:$0x1FD80] =	vst v62  }
0x17: {  	v5 =	vbroadcast v0, $0x4;
	[tilespmem:$0x1FD90] =	vst v63  }
0x18: {  	v6 =	vbroadcast v0, $0x5;
	[tilespmem:$0x1FDA0] =	vst v4  }
0x19: {  	v2 =	vbroadcast v0, $0x6;
	[tilespmem:$0x1FDB0] =	vst v5  }
0x1a: {  	v8 =	vbroadcast v0, $0x7;
	[tilespmem:$0x1FDC0] =	vst v6  }
0x1b: {  	v9 =	vbroadcast v0, $0x8;
	[tilespmem:$0x1FDD0] =	vst v2  }
0x1c: {  	v10 =	vbroadcast v0, $0x9;
	[tilespmem:$0x1FDE0] =	vst v8  }
0x1d: {  	v11 =	vbroadcast v0, $0xA;
	[tilespmem:$0x1FDF0] =	vst v9  }
0x1e: {  	v7 =	vld [tilespmem:$0x610];
	v12 =	vbroadcast v0, $0xB;
	[tilespmem:$0x1FE00] =	vst v10  }
0x1f: {  	v13 =	vbroadcast v0, $0xC;
	[tilespmem:$0x1FE10] =	vst v11  }
0x20: {  	v14 =	vbroadcast v0, $0xD;
	[tilespmem:$0x1FE20] =	vst v12  }
0x21: {  	v15 =	vbroadcast v0, $0xE;
	[tilespmem:$0x1FE30] =	vst v13  }
0x22: {  	v0 =	vbroadcast v0, $0xF;
	[tilespmem:$0x1FE40] =	vst v14  }
0x23: {  	v16 =	vbroadcast v7, $0x0;
	[tilespmem:$0x1FE50] =	vst v15  }
0x24: {  	v17 =	vbroadcast v7, $0x1;
	[tilespmem:$0x1FE60] =	vst v0  }
0x25: {  	v18 =	vbroadcast v7, $0x2;
	[tilespmem:$0x1FE70] =	vst v16  }
0x26: {  	v19 =	vbroadcast v7, $0x3;
	[tilespmem:$0x1FE80] =	vst v17  }
0x27: {  	v20 =	vbroadcast v7, $0x4;
	[tilespmem:$0x1FE90] =	vst v18  }
0x28: {  	v22 =	vld [tilespmem:$0x620];
	v21 =	vbroadcast v7, $0x5;
	[tilespmem:$0x1FEA0] =	vst v19  }
0x29: {  	v23 =	vbroadcast v7, $0x6;
	v24 =	vbroadcast v7, $0x7;
	[tilespmem:$0x1FEB0] =	vst v20  }
0x2a: {  	v25 =	vbroadcast v7, $0x8;
	v26 =	vbroadcast v7, $0x9;
	[tilespmem:$0x1FEC0] =	vst v21  }
0x2b: {  	v27 =	vbroadcast v7, $0xA;
	v28 =	vbroadcast v7, $0xB;
	[tilespmem:$0x1FED0] =	vst v23  }
0x2c: {  	v29 =	vbroadcast v7, $0xC;
	v30 =	vbroadcast v7, $0xD;
	[tilespmem:$0x1FEE0] =	vst v24  }
0x2d: {  	v31 =	vbroadcast v7, $0xE;
	v32 =	vbroadcast v22, $0x0;
	[tilespmem:$0x1FEF0] =	vst v25  }
0x2e: {  	v33 =	vbroadcast v22, $0x1;
	v34 =	vbroadcast v22, $0x2;
	[tilespmem:$0x1FF00] =	vst v26  }
0x2f: {  	v38 =	vld [tilespmem:$0x630];
	v35 =	vbroadcast v22, $0x3;
	v36 =	vbroadcast v22, $0x4;
	[tilespmem:$0x1FF10] =	vst v27  }
0x30: {  	v37 =	vbroadcast v22, $0x5;
	v61 =	vbroadcast v22, $0x6;
	[tilespmem:$0x1FF20] =	vst v28  }
0x31: {  	v41 =	vbroadcast v22, $0x9;
	v42 =	vbroadcast v22, $0xA;
	[tilespmem:$0x1FF30] =	vst v29  }
0x32: {  	v43 =	vbroadcast v22, $0xB;
	v44 =	vbroadcast v22, $0xC;
	[tilespmem:$0x1FF40] =	vst v30  }
0x33: {  	v45 =	vbroadcast v22, $0xD;
	v46 =	vbroadcast v22, $0xE;
	[tilespmem:$0x1FF50] =	vst v31  }
0x34: {  	v47 =	vbroadcast v22, $0xF;
	v48 =	vbroadcast v38, $0x0;
	[tilespmem:$0x1FF70] =	vst v32  }
0x35: {  	v49 =	vbroadcast v38, $0x1;
	v50 =	vbroadcast v38, $0x2;
	[tilespmem:$0x1FF80] =	vst v33  }
0x36: {  	v51 =	vbroadcast v38, $0x3;
	v52 =	vbroadcast v38, $0x4;
	[tilespmem:$0x1FF90] =	vst v34  }
0x37: {  	v53 =	vbroadcast v38, $0x5;
	v54 =	vbroadcast v38, $0x6;
	[tilespmem:$0x1FFA0] =	vst v35  }
0x38: {  	v55 =	vbroadcast v38, $0x7;
	v56 =	vbroadcast v38, $0x8;
	[tilespmem:$0x1FFB0] =	vst v36  }
0x39: {  	v57 =	vbroadcast v38, $0x9;
	v1 =	vbroadcast v7, $0xF;
	[tilespmem:$0x1FFC0] =	vst v37  }
0x3a: {  	v58 =	vbroadcast v38, $0xA;
	[tilespmem:$0x1FFD0] =	vst v61;
	v62 =	vbroadcast v22, $0x7  }
0x3b: {  	v59 =	vbroadcast v38, $0xB;
	v63 =	vbroadcast v22, $0x8;
	[tilespmem:$0x1FF60] =	vst v1  }
0x3c: {  	v60 =	vbroadcast v38, $0xC;
	v61 =	vbroadcast v38, $0xD;
	[tilespmem:$0x1FFE0] =	vst v62  }
0x3d: {  	s11 =	simm.s32 $0x0;
	[tilespmem:$0x1FFF0] =	vst v63;
	v62 =	vbroadcast v38, $0xE;
	v63 =	vbroadcast v38, $0xF  }
.LBB2_2:
0x3e: {  	v3 =	vld [tilespmem:$0x1FD70]  }
0x3f: {  	s12 =	sshll.u32 s11, $0x4;
	v16 =	vld [tilespmem:$0x1FD80]  }
0x40: {  	v10 =	vld [tilespmem:s12+$0x0]  }
0x41: {  	v8 =	vld [tilespmem:s12+$0x80]  }
0x42: {  	v4 =	vld [tilespmem:s12+$0x100]  }
0x43: {  	v6 =	vld [tilespmem:s12+$0x180]  }
0x44: {  	v0 =	vld [tilespmem:s12+$0x200]  }
0x45: {  	v11 =	vld [tilespmem:s12+$0x300]  }
0x46: {  	v5 =	vld [tilespmem:s12+$0x400]  }
0x47: {  	v7 =	vld [tilespmem:s12+$0x480];
	v12 =	vsub.f32 v3, v10  }
0x48: {  	v1 =	vld [tilespmem:s12+$0x280]  }
0x49: {  	v9 =	vld [tilespmem:s12+$0x380];
	v14 =	vmul.f32 v4, v12  }
0x4a: {  	v2 =	vld [tilespmem:s12+$0x500];
	v13 =	vsub.f32 v3, v11;
	v12 =	vmul.f32 v6, v12  }
0x4b: {  	v3 =	vld [tilespmem:s12+$0x580];
	v15 =	vsub.f32 v16, v10;
	[tilespmem:$0x680] =	vst v14  }
0x4c: {  	v14 =	vmul.f32 v5, v13;
	[tilespmem:$0x880] =	vst v12;
	v12 =	vmul.f32 v7, v13;
	v13 =	vsub.f32 v16, v11;
	v16 =	vld [tilespmem:$0x1FD90];
	_ =	sdelay $0x1  }
0x4d: {  	[tilespmem:$0xA80] =	vst v14;
	v14 =	vmul.f32 v4, v15  }
0x4e: {  	[tilespmem:$0xC80] =	vst v12;
	v12 =	vmul.f32 v6, v15  }
0x4f: {  	[tilespmem:$0x690] =	vst v14;
	v14 =	vmul.f32 v5, v13  }
0x50: {  	[tilespmem:$0x890] =	vst v12;
	v12 =	vmul.f32 v7, v13;
	v15 =	vsub.f32 v16, v10;
	v13 =	vsub.f32 v16, v11;
	v16 =	vld [tilespmem:$0x1FDA0];
	_ =	sdelay $0x1  }
0x51: {  	[tilespmem:$0xA90] =	vst v14;
	v14 =	vmul.f32 v4, v15  }
0x52: {  	[tilespmem:$0xC90] =	vst v12;
	v12 =	vmul.f32 v6, v15  }
0x53: {  	[tilespmem:$0x6A0] =	vst v14;
	v14 =	vmul.f32 v5, v13  }
0x54: {  	[tilespmem:$0x8A0] =	vst v12;
	v12 =	vmul.f32 v7, v13;
	v15 =	vsub.f32 v16, v10;
	v13 =	vsub.f32 v16, v11;
	v16 =	vld [tilespmem:$0x1FDB0];
	_ =	sdelay $0x1  }
0x55: {  	[tilespmem:$0xAA0] =	vst v14;
	v14 =	vmul.f32 v4, v15  }
0x56: {  	[tilespmem:$0xCA0] =	vst v12;
	v12 =	vmul.f32 v6, v15  }
0x57: {  	[tilespmem:$0x6B0] =	vst v14;
	v14 =	vmul.f32 v5, v13  }
0x58: {  	[tilespmem:$0x8B0] =	vst v12;
	v12 =	vmul.f32 v7, v13;
	v15 =	vsub.f32 v16, v10;
	v13 =	vsub.f32 v16, v11;
	v16 =	vld [tilespmem:$0x1FDC0];
	_ =	sdelay $0x1  }
0x59: {  	[tilespmem:$0xAB0] =	vst v14;
	v14 =	vmul.f32 v4, v15  }
0x5a: {  	[tilespmem:$0xCB0] =	vst v12;
	v12 =	vmul.f32 v6, v15  }
0x5b: {  	[tilespmem:$0x6C0] =	vst v14;
	v14 =	vmul.f32 v5, v13  }
0x5c: {  	[tilespmem:$0x8C0] =	vst v12;
	v12 =	vmul.f32 v7, v13;
	v15 =	vsub.f32 v16, v10;
	v13 =	vsub.f32 v16, v11;
	v16 =	vld [tilespmem:$0x1FDD0];
	_ =	sdelay $0x1  }
0x5d: {  	[tilespmem:$0xAC0] =	vst v14;
	v14 =	vmul.f32 v4, v15  }
0x5e: {  	[tilespmem:$0xCC0] =	vst v12;
	v12 =	vmul.f32 v6, v15  }
0x5f: {  	[tilespmem:$0x6D0] =	vst v14;
	v14 =	vmul.f32 v5, v13  }
0x60: {  	[tilespmem:$0x8D0] =	vst v12;
	v12 =	vmul.f32 v7, v13;
	v15 =	vsub.f32 v16, v10;
	v13 =	vsub.f32 v16, v11;
	v16 =	vld [tilespmem:$0x1FDE0];
	_ =	sdelay $0x1  }
0x61: {  	[tilespmem:$0xAD0] =	vst v14;
	v14 =	vmul.f32 v4, v15  }
0x62: {  	[tilespmem:$0xCD0] =	vst v12;
	v12 =	vmul.f32 v6, v15  }
0x63: {  	[tilespmem:$0x6E0] =	vst v14;
	v14 =	vmul.f32 v5, v13  }
0x64: {  	[tilespmem:$0x8E0] =	vst v12;
	v12 =	vmul.f32 v7, v13;
	v15 =	vsub.f32 v16, v10;
	v13 =	vsub.f32 v16, v11;
	v16 =	vld [tilespmem:$0x1FDF0];
	_ =	sdelay $0x1  }
0x65: {  	[tilespmem:$0xAE0] =	vst v14;
	v14 =	vmul.f32 v4, v15  }
0x66: {  	[tilespmem:$0xCE0] =	vst v12;
	v12 =	vmul.f32 v6, v15  }
0x67: {  	[tilespmem:$0x6F0] =	vst v14;
	v14 =	vmul.f32 v5, v13  }
0x68: {  	[tilespmem:$0x8F0] =	vst v12;
	v12 =	vmul.f32 v7, v13;
	v15 =	vsub.f32 v16, v10;
	v13 =	vsub.f32 v16, v11;
	v16 =	vld [tilespmem:$0x1FE00];
	_ =	sdelay $0x1  }
0x69: {  	[tilespmem:$0xAF0] =	vst v14;
	v14 =	vmul.f32 v4, v15  }
0x6a: {  	[tilespmem:$0xCF0] =	vst v12;
	v12 =	vmul.f32 v6, v15  }
0x6b: {  	[tilespmem:$0x700] =	vst v14;
	v14 =	vmul.f32 v5, v13  }
0x6c: {  	[tilespmem:$0x900] =	vst v12;
	v12 =	vmul.f32 v7, v13;
	v15 =	vsub.f32 v16, v10;
	v13 =	vsub.f32 v16, v11;
	v16 =	vld [tilespmem:$0x1FE10];
	_ =	sdelay $0x1  }
0x6d: {  	[tilespmem:$0xB00] =	vst v14;
	v14 =	vmul.f32 v4, v15  }
0x6e: {  	[tilespmem:$0xD00] =	vst v12;
	v12 =	vmul.f32 v6, v15  }
0x6f: {  	[tilespmem:$0x710] =	vst v14;
	v14 =	vmul.f32 v5, v13  }
0x70: {  	[tilespmem:$0x910] =	vst v12;
	v12 =	vmul.f32 v7, v13;
	v15 =	vsub.f32 v16, v10;
	v13 =	vsub.f32 v16, v11;
	v16 =	vld [tilespmem:$0x1FE20];
	_ =	sdelay $0x1  }
0x71: {  	[tilespmem:$0xB10] =	vst v14;
	v14 =	vmul.f32 v4, v15  }
0x72: {  	[tilespmem:$0xD10] =	vst v12;
	v12 =	vmul.f32 v6, v15  }
0x73: {  	[tilespmem:$0x720] =	vst v14;
	v14 =	vmul.f32 v5, v13  }
0x74: {  	[tilespmem:$0x920] =	vst v12;
	v12 =	vmul.f32 v7, v13;
	v15 =	vsub.f32 v16, v10;
	v13 =	vsub.f32 v16, v11;
	v16 =	vld [tilespmem:$0x1FE30];
	_ =	sdelay $0x1  }
0x75: {  	[tilespmem:$0xB20] =	vst v14;
	v14 =	vmul.f32 v4, v15  }
0x76: {  	[tilespmem:$0xD20] =	vst v12;
	v12 =	vmul.f32 v6, v15  }
0x77: {  	[tilespmem:$0x730] =	vst v14;
	v14 =	vmul.f32 v5, v13  }
0x78: {  	[tilespmem:$0x930] =	vst v12;
	v12 =	vmul.f32 v7, v13;
	v15 =	vsub.f32 v16, v10;
	v13 =	vsub.f32 v16, v11;
	v16 =	vld [tilespmem:$0x1FE40];
	_ =	sdelay $0x1  }
0x79: {  	[tilespmem:$0xB30] =	vst v14;
	v14 =	vmul.f32 v4, v15  }
0x7a: {  	[tilespmem:$0xD30] =	vst v12;
	v12 =	vmul.f32 v6, v15  }
0x7b: {  	[tilespmem:$0x740] =	vst v14;
	v14 =	vmul.f32 v5, v13  }
0x7c: {  	[tilespmem:$0x940] =	vst v12;
	v12 =	vmul.f32 v7, v13;
	v15 =	vsub.f32 v16, v10;
	v13 =	vsub.f32 v16, v11;
	v16 =	vld [tilespmem:$0x1FE50];
	_ =	sdelay $0x1  }
0x7d: {  	[tilespmem:$0xB40] =	vst v14;
	v14 =	vmul.f32 v4, v15  }
0x7e: {  	[tilespmem:$0xD40] =	vst v12;
	v12 =	vmul.f32 v6, v15  }
0x7f: {  	[tilespmem:$0x750] =	vst v14;
	v14 =	vmul.f32 v5, v13  }
0x80: {  	[tilespmem:$0x950] =	vst v12;
	v12 =	vmul.f32 v7, v13;
	v15 =	vsub.f32 v16, v10;
	v13 =	vsub.f32 v16, v11;
	v16 =	vld [tilespmem:$0x1FE60];
	_ =	sdelay $0x1  }
0x81: {  	[tilespmem:$0xB50] =	vst v14;
	v14 =	vmul.f32 v4, v15  }
0x82: {  	[tilespmem:$0xD50] =	vst v12;
	v12 =	vmul.f32 v6, v15  }
0x83: {  	[tilespmem:$0x760] =	vst v14;
	v14 =	vmul.f32 v5, v13  }
0x84: {  	[tilespmem:$0x960] =	vst v12;
	v12 =	vmul.f32 v7, v13;
	v15 =	vsub.f32 v16, v10;
	v13 =	vsub.f32 v16, v11;
	v16 =	vld [tilespmem:$0x1FE70];
	_ =	sdelay $0x1  }
0x85: {  	[tilespmem:$0xB60] =	vst v14;
	v14 =	vmul.f32 v4, v15  }
0x86: {  	[tilespmem:$0xD60] =	vst v12;
	v12 =	vmul.f32 v6, v15  }
0x87: {  	[tilespmem:$0x770] =	vst v14;
	v14 =	vmul.f32 v5, v13  }
0x88: {  	[tilespmem:$0x970] =	vst v12;
	v12 =	vmul.f32 v7, v13;
	v15 =	vsub.f32 v16, v10;
	v13 =	vsub.f32 v16, v11;
	v16 =	vld [tilespmem:$0x1FE80];
	_ =	sdelay $0x1  }
0x89: {  	[tilespmem:$0xB70] =	vst v14;
	v14 =	vmul.f32 v4, v15  }
0x8a: {  	[tilespmem:$0xD70] =	vst v12;
	v12 =	vmul.f32 v6, v15  }
0x8b: {  	[tilespmem:$0x780] =	vst v14;
	v14 =	vmul.f32 v5, v13  }
0x8c: {  	[tilespmem:$0x980] =	vst v12;
	v12 =	vmul.f32 v7, v13;
	v15 =	vsub.f32 v16, v10;
	v13 =	vsub.f32 v16, v11;
	v16 =	vld [tilespmem:$0x1FE90];
	_ =	sdelay $0x1  }
0x8d: {  	[tilespmem:$0xB80] =	vst v14;
	v14 =	vmul.f32 v4, v15  }
0x8e: {  	[tilespmem:$0xD80] =	vst v12;
	v12 =	vmul.f32 v6, v15  }
0x8f: {  	[tilespmem:$0x790] =	vst v14;
	v14 =	vmul.f32 v5, v13  }
0x90: {  	[tilespmem:$0x990] =	vst v12;
	v12 =	vmul.f32 v7, v13;
	v15 =	vsub.f32 v16, v10;
	v13 =	vsub.f32 v16, v11;
	v16 =	vld [tilespmem:$0x1FEA0];
	_ =	sdelay $0x1  }
0x91: {  	[tilespmem:$0xB90] =	vst v14;
	v14 =	vmul.f32 v4, v15  }
0x92: {  	[tilespmem:$0xD90] =	vst v12;
	v12 =	vmul.f32 v6, v15  }
0x93: {  	[tilespmem:$0x7A0] =	vst v14;
	v14 =	vmul.f32 v5, v13  }
0x94: {  	[tilespmem:$0x9A0] =	vst v12;
	v12 =	vmul.f32 v7, v13;
	v15 =	vsub.f32 v16, v10;
	v13 =	vsub.f32 v16, v11;
	v16 =	vld [tilespmem:$0x1FEB0];
	_ =	sdelay $0x1  }
0x95: {  	[tilespmem:$0xBA0] =	vst v14;
	v14 =	vmul.f32 v4, v15  }
0x96: {  	[tilespmem:$0xDA0] =	vst v12;
	v12 =	vmul.f32 v6, v15  }
0x97: {  	[tilespmem:$0x7B0] =	vst v14;
	v14 =	vmul.f32 v5, v13  }
0x98: {  	[tilespmem:$0x9B0] =	vst v12;
	v12 =	vmul.f32 v7, v13;
	v15 =	vsub.f32 v16, v10;
	v13 =	vsub.f32 v16, v11;
	v16 =	vld [tilespmem:$0x1FEC0];
	_ =	sdelay $0x1  }
0x99: {  	[tilespmem:$0xBB0] =	vst v14;
	v14 =	vmul.f32 v4, v15  }
0x9a: {  	[tilespmem:$0xDB0] =	vst v12;
	v12 =	vmul.f32 v6, v15  }
0x9b: {  	[tilespmem:$0x7C0] =	vst v14;
	v14 =	vmul.f32 v5, v13  }
0x9c: {  	[tilespmem:$0x9C0] =	vst v12;
	v12 =	vmul.f32 v7, v13;
	v15 =	vsub.f32 v16, v10;
	v13 =	vsub.f32 v16, v11;
	v16 =	vld [tilespmem:$0x1FED0];
	_ =	sdelay $0x1  }
0x9d: {  	[tilespmem:$0xBC0] =	vst v14;
	v14 =	vmul.f32 v4, v15  }
0x9e: {  	[tilespmem:$0xDC0] =	vst v12;
	v12 =	vmul.f32 v6, v15  }
0x9f: {  	[tilespmem:$0x7D0] =	vst v14;
	v14 =	vmul.f32 v5, v13  }
0xa0: {  	[tilespmem:$0x9D0] =	vst v12;
	v12 =	vmul.f32 v7, v13;
	v15 =	vsub.f32 v16, v10;
	v13 =	vsub.f32 v16, v11;
	v16 =	vld [tilespmem:$0x1FEE0];
	_ =	sdelay $0x1  }
0xa1: {  	[tilespmem:$0xBD0] =	vst v14;
	v14 =	vmul.f32 v4, v15  }
0xa2: {  	[tilespmem:$0xDD0] =	vst v12;
	v12 =	vmul.f32 v6, v15  }
0xa3: {  	[tilespmem:$0x7E0] =	vst v14;
	v14 =	vmul.f32 v5, v13  }
0xa4: {  	[tilespmem:$0x9E0] =	vst v12;
	v12 =	vmul.f32 v7, v13;
	v15 =	vsub.f32 v16, v10;
	v13 =	vsub.f32 v16, v11;
	v16 =	vld [tilespmem:$0x1FEF0];
	_ =	sdelay $0x1  }
0xa5: {  	[tilespmem:$0xBE0] =	vst v14;
	v14 =	vmul.f32 v4, v15  }
0xa6: {  	[tilespmem:$0xDE0] =	vst v12;
	v12 =	vmul.f32 v6, v15  }
0xa7: {  	[tilespmem:$0x7F0] =	vst v14;
	v14 =	vmul.f32 v5, v13  }
0xa8: {  	[tilespmem:$0x9F0] =	vst v12;
	v12 =	vmul.f32 v7, v13;
	v15 =	vsub.f32 v16, v10;
	v13 =	vsub.f32 v16, v11;
	v16 =	vld [tilespmem:$0x1FF00];
	_ =	sdelay $0x1  }
0xa9: {  	[tilespmem:$0xBF0] =	vst v14;
	v14 =	vmul.f32 v4, v15  }
0xaa: {  	[tilespmem:$0xDF0] =	vst v12;
	v12 =	vmul.f32 v6, v15  }
0xab: {  	[tilespmem:$0x800] =	vst v14;
	v14 =	vmul.f32 v5, v13  }
0xac: {  	[tilespmem:$0xA00] =	vst v12;
	v12 =	vmul.f32 v7, v13;
	v15 =	vsub.f32 v16, v10;
	v13 =	vsub.f32 v16, v11;
	v16 =	vld [tilespmem:$0x1FF10];
	_ =	sdelay $0x1  }
0xad: {  	[tilespmem:$0xC00] =	vst v14;
	v14 =	vmul.f32 v4, v15  }
0xae: {  	[tilespmem:$0xE00] =	vst v12;
	v12 =	vmul.f32 v6, v15  }
0xaf: {  	[tilespmem:$0x810] =	vst v14;
	v14 =	vmul.f32 v5, v13  }
0xb0: {  	[tilespmem:$0xA10] =	vst v12;
	v12 =	vmul.f32 v7, v13;
	v15 =	vsub.f32 v16, v10;
	v13 =	vsub.f32 v16, v11;
	v16 =	vld [tilespmem:$0x1FF20];
	_ =	sdelay $0x1  }
0xb1: {  	[tilespmem:$0xC10] =	vst v14;
	v14 =	vmul.f32 v4, v15  }
0xb2: {  	[tilespmem:$0xE10] =	vst v12;
	v12 =	vmul.f32 v6, v15  }
0xb3: {  	[tilespmem:$0x820] =	vst v14;
	v14 =	vmul.f32 v5, v13  }
0xb4: {  	[tilespmem:$0xA20] =	vst v12;
	v12 =	vmul.f32 v7, v13;
	v15 =	vsub.f32 v16, v10;
	v13 =	vsub.f32 v16, v11;
	v16 =	vld [tilespmem:$0x1FF30];
	_ =	sdelay $0x1  }
0xb5: {  	[tilespmem:$0xC20] =	vst v14;
	v14 =	vmul.f32 v4, v15  }
0xb6: {  	[tilespmem:$0xE20] =	vst v12;
	v12 =	vmul.f32 v6, v15  }
0xb7: {  	[tilespmem:$0x830] =	vst v14;
	v14 =	vmul.f32 v5, v13  }
0xb8: {  	[tilespmem:$0xA30] =	vst v12;
	v12 =	vmul.f32 v7, v13;
	v15 =	vsub.f32 v16, v10;
	v13 =	vsub.f32 v16, v11;
	v16 =	vld [tilespmem:$0x1FF40];
	_ =	sdelay $0x1  }
0xb9: {  	[tilespmem:$0xC30] =	vst v14;
	v14 =	vmul.f32 v4, v15  }
0xba: {  	[tilespmem:$0xE30] =	vst v12;
	v12 =	vmul.f32 v6, v15  }
0xbb: {  	[tilespmem:$0x840] =	vst v14;
	v14 =	vmul.f32 v5, v13  }
0xbc: {  	[tilespmem:$0xA40] =	vst v12;
	v12 =	vmul.f32 v7, v13;
	v15 =	vsub.f32 v16, v10;
	v13 =	vsub.f32 v16, v11;
	v16 =	vld [tilespmem:$0x1FF50];
	_ =	sdelay $0x1  }
0xbd: {  	[tilespmem:$0xC40] =	vst v14;
	v14 =	vmul.f32 v4, v15  }
0xbe: {  	[tilespmem:$0xE40] =	vst v12;
	v12 =	vmul.f32 v6, v15  }
0xbf: {  	[tilespmem:$0x850] =	vst v14;
	v14 =	vmul.f32 v5, v13  }
0xc0: {  	[tilespmem:$0xA50] =	vst v12;
	v12 =	vmul.f32 v7, v13;
	v15 =	vsub.f32 v16, v10  }
0xc1: {  	[tilespmem:$0xC50] =	vst v14  }
0xc2: {  	[tilespmem:$0xE50] =	vst v12;
	v14 =	vmul.f32 v4, v15;
	v12 =	vmul.f32 v6, v15;
	v15 =	vld [tilespmem:$0x1FF60]  }
0xc3: {  	v13 =	vsub.f32 v16, v11;
	_ =	sdelay $0x1  }
0xc4: {  	[tilespmem:$0x860] =	vst v14;
	v14 =	vmul.f32 v5, v13;
	_ =	sdelay $0x1  }
0xc5: {  	[tilespmem:$0xC60] =	vst v14;
	v14 =	vld [tilespmem:$0x1FF70];
	v10 =	vsub.f32 v15, v10  }
0xc6: {  	[tilespmem:$0xA60] =	vst v12;
	v12 =	vmul.f32 v7, v13  }
0xc7: {  	v11 =	vsub.f32 v15, v11;
	v13 =	vmul.f32 v4, v10  }
0xc8: {  	[tilespmem:$0xE60] =	vst v12;
	v10 =	vmul.f32 v6, v10  }
0xc9: {  	v12 =	vmul.f32 v5, v11;
	[tilespmem:$0x870] =	vst v13  }
0xca: {  	v13 =	vsub.f32 v14, v8;
	[tilespmem:$0xA70] =	vst v10;
	v10 =	vmul.f32 v7, v11;
	v11 =	vsub.f32 v14, v9;
	v14 =	vld [tilespmem:$0x1FF80];
	_ =	sdelay $0x1  }
0xcb: {  	[tilespmem:$0xC70] =	vst v12;
	v12 =	vmul.f32 v6, v13  }
0xcc: {  	[tilespmem:$0xE70] =	vst v10;
	v10 =	vmul.f32 v4, v13  }
0xcd: {  	[tilespmem:$0xE80] =	vst v12;
	v12 =	vmul.f32 v7, v11  }
0xce: {  	[tilespmem:$0x1080] =	vst v10;
	v10 =	vmul.f32 v5, v11;
	v13 =	vsub.f32 v14, v8;
	v11 =	vsub.f32 v14, v9;
	v14 =	vld [tilespmem:$0x1FF90];
	_ =	sdelay $0x1  }
0xcf: {  	[tilespmem:$0x1280] =	vst v12;
	v12 =	vmul.f32 v6, v13  }
0xd0: {  	[tilespmem:$0x1480] =	vst v10;
	v10 =	vmul.f32 v4, v13  }
0xd1: {  	[tilespmem:$0xE90] =	vst v12;
	v12 =	vmul.f32 v7, v11  }
0xd2: {  	[tilespmem:$0x1090] =	vst v10;
	v10 =	vmul.f32 v5, v11;
	v13 =	vsub.f32 v14, v8;
	v11 =	vsub.f32 v14, v9;
	v14 =	vld [tilespmem:$0x1FFA0];
	_ =	sdelay $0x1  }
0xd3: {  	[tilespmem:$0x1290] =	vst v12;
	v12 =	vmul.f32 v6, v13  }
0xd4: {  	[tilespmem:$0x1490] =	vst v10;
	v10 =	vmul.f32 v4, v13  }
0xd5: {  	[tilespmem:$0xEA0] =	vst v12;
	v12 =	vmul.f32 v7, v11  }
0xd6: {  	[tilespmem:$0x10A0] =	vst v10;
	v10 =	vmul.f32 v5, v11;
	v13 =	vsub.f32 v14, v8;
	v11 =	vsub.f32 v14, v9;
	v14 =	vld [tilespmem:$0x1FFB0];
	_ =	sdelay $0x1  }
0xd7: {  	[tilespmem:$0x12A0] =	vst v12;
	v12 =	vmul.f32 v6, v13  }
0xd8: {  	[tilespmem:$0x14A0] =	vst v10;
	v10 =	vmul.f32 v4, v13  }
0xd9: {  	[tilespmem:$0xEB0] =	vst v12;
	v12 =	vmul.f32 v7, v11  }
0xda: {  	[tilespmem:$0x10B0] =	vst v10;
	v10 =	vmul.f32 v5, v11;
	v13 =	vsub.f32 v14, v8;
	v11 =	vsub.f32 v14, v9;
	v14 =	vld [tilespmem:$0x1FFC0];
	_ =	sdelay $0x1  }
0xdb: {  	[tilespmem:$0x12B0] =	vst v12;
	v12 =	vmul.f32 v6, v13  }
0xdc: {  	[tilespmem:$0x14B0] =	vst v10;
	v10 =	vmul.f32 v4, v13  }
0xdd: {  	[tilespmem:$0xEC0] =	vst v12;
	v12 =	vmul.f32 v7, v11  }
0xde: {  	[tilespmem:$0x10C0] =	vst v10;
	v10 =	vmul.f32 v5, v11;
	v13 =	vsub.f32 v14, v8;
	v11 =	vsub.f32 v14, v9;
	v14 =	vld [tilespmem:$0x1FFD0];
	_ =	sdelay $0x1  }
0xdf: {  	[tilespmem:$0x12C0] =	vst v12;
	v12 =	vmul.f32 v6, v13  }
0xe0: {  	[tilespmem:$0x14C0] =	vst v10;
	v10 =	vmul.f32 v4, v13  }
0xe1: {  	[tilespmem:$0xED0] =	vst v12;
	v12 =	vmul.f32 v7, v11  }
0xe2: {  	[tilespmem:$0x10D0] =	vst v10;
	v10 =	vmul.f32 v5, v11;
	v13 =	vsub.f32 v14, v8;
	v11 =	vsub.f32 v14, v9;
	v14 =	vld [tilespmem:$0x1FFE0];
	_ =	sdelay $0x1  }
0xe3: {  	[tilespmem:$0x12D0] =	vst v12;
	v12 =	vmul.f32 v6, v13  }
0xe4: {  	[tilespmem:$0x14D0] =	vst v10;
	v10 =	vmul.f32 v4, v13  }
0xe5: {  	[tilespmem:$0xEE0] =	vst v12;
	v12 =	vmul.f32 v7, v11  }
0xe6: {  	[tilespmem:$0x10E0] =	vst v10;
	v10 =	vmul.f32 v5, v11;
	v13 =	vsub.f32 v14, v8;
	v11 =	vsub.f32 v14, v9;
	v14 =	vld [tilespmem:$0x1FFF0];
	_ =	sdelay $0x2  }
0xe7: {  	[tilespmem:$0x12E0] =	vst v12;
	v12 =	vmul.f32 v6, v13  }
0xe8: {  	[tilespmem:$0x14E0] =	vst v10;
	v10 =	vmul.f32 v4, v13  }
0xe9: {  	[tilespmem:$0xEF0] =	vst v12;
	v12 =	vmul.f32 v7, v11;
	v13 =	vsub.f32 v14, v8  }
0xea: {  	[tilespmem:$0x10F0] =	vst v10;
	v10 =	vmul.f32 v5, v11  }
0xeb: {  	v11 =	vsub.f32 v14, v9;
	[tilespmem:$0x12F0] =	vst v12;
	v12 =	vmul.f32 v6, v13  }
0xec: {  	[tilespmem:$0x14F0] =	vst v10;
	v10 =	vmul.f32 v4, v13  }
0xed: {  	v13 =	vsub.f32 v41, v8;
	[tilespmem:$0xF00] =	vst v12;
	v12 =	vmul.f32 v7, v11  }
0xee: {  	[tilespmem:$0x1100] =	vst v10;
	v10 =	vmul.f32 v5, v11  }
0xef: {  	v11 =	vsub.f32 v41, v9;
	[tilespmem:$0x1300] =	vst v12;
	v12 =	vmul.f32 v6, v13  }
0xf0: {  	[tilespmem:$0x1500] =	vst v10;
	v10 =	vmul.f32 v4, v13  }
0xf1: {  	v13 =	vsub.f32 v42, v8;
	[tilespmem:$0xF10] =	vst v12;
	v12 =	vmul.f32 v7, v11  }
0xf2: {  	[tilespmem:$0x1110] =	vst v10;
	v10 =	vmul.f32 v5, v11  }
0xf3: {  	v11 =	vsub.f32 v42, v9;
	[tilespmem:$0x1310] =	vst v12;
	v12 =	vmul.f32 v6, v13  }
0xf4: {  	[tilespmem:$0x1510] =	vst v10;
	v10 =	vmul.f32 v4, v13  }
0xf5: {  	v13 =	vsub.f32 v43, v8;
	[tilespmem:$0xF20] =	vst v12;
	v12 =	vmul.f32 v7, v11  }
0xf6: {  	[tilespmem:$0x1120] =	vst v10;
	v10 =	vmul.f32 v5, v11  }
0xf7: {  	v11 =	vsub.f32 v43, v9;
	[tilespmem:$0x1320] =	vst v12;
	v12 =	vmul.f32 v6, v13  }
0xf8: {  	[tilespmem:$0x1520] =	vst v10;
	v10 =	vmul.f32 v4, v13  }
0xf9: {  	v13 =	vsub.f32 v44, v8;
	[tilespmem:$0xF30] =	vst v12;
	v12 =	vmul.f32 v7, v11  }
0xfa: {  	[tilespmem:$0x1130] =	vst v10;
	v10 =	vmul.f32 v5, v11  }
0xfb: {  	v11 =	vsub.f32 v44, v9;
	[tilespmem:$0x1330] =	vst v12;
	v12 =	vmul.f32 v6, v13  }
0xfc: {  	[tilespmem:$0x1530] =	vst v10;
	v10 =	vmul.f32 v4, v13  }
0xfd: {  	v13 =	vsub.f32 v45, v8;
	[tilespmem:$0xF40] =	vst v12;
	v12 =	vmul.f32 v7, v11  }
0xfe: {  	[tilespmem:$0x1140] =	vst v10;
	v10 =	vmul.f32 v5, v11  }
0xff: {  	v11 =	vsub.f32 v45, v9;
	[tilespmem:$0x1340] =	vst v12;
	v12 =	vmul.f32 v6, v13  }
0x100: {  	[tilespmem:$0x1540] =	vst v10;
	v10 =	vmul.f32 v4, v13  }
0x101: {  	v13 =	vsub.f32 v46, v8;
	[tilespmem:$0xF50] =	vst v12;
	v12 =	vmul.f32 v7, v11  }
0x102: {  	[tilespmem:$0x1150] =	vst v10;
	v10 =	vmul.f32 v5, v11  }
0x103: {  	v11 =	vsub.f32 v46, v9;
	[tilespmem:$0x1350] =	vst v12;
	v12 =	vmul.f32 v6, v13  }
0x104: {  	[tilespmem:$0x1550] =	vst v10;
	v10 =	vmul.f32 v4, v13  }
0x105: {  	v13 =	vsub.f32 v47, v8;
	[tilespmem:$0xF60] =	vst v12;
	v12 =	vmul.f32 v7, v11  }
0x106: {  	[tilespmem:$0x1160] =	vst v10;
	v10 =	vmul.f32 v5, v11  }
0x107: {  	v11 =	vsub.f32 v47, v9;
	[tilespmem:$0x1360] =	vst v12;
	v12 =	vmul.f32 v6, v13  }
0x108: {  	[tilespmem:$0x1560] =	vst v10;
	v10 =	vmul.f32 v4, v13  }
0x109: {  	v13 =	vsub.f32 v48, v8;
	[tilespmem:$0xF70] =	vst v12;
	v12 =	vmul.f32 v7, v11  }
0x10a: {  	[tilespmem:$0x1170] =	vst v10;
	v10 =	vmul.f32 v5, v11  }
0x10b: {  	v11 =	vsub.f32 v48, v9;
	[tilespmem:$0x1370] =	vst v12;
	v12 =	vmul.f32 v6, v13  }
0x10c: {  	[tilespmem:$0x1570] =	vst v10;
	v10 =	vmul.f32 v4, v13  }
0x10d: {  	v13 =	vsub.f32 v49, v8;
	[tilespmem:$0xF80] =	vst v12;
	v12 =	vmul.f32 v7, v11  }
0x10e: {  	[tilespmem:$0x1180] =	vst v10;
	v10 =	vmul.f32 v5, v11  }
0x10f: {  	v11 =	vsub.f32 v49, v9;
	[tilespmem:$0x1380] =	vst v12;
	v12 =	vmul.f32 v6, v13  }
0x110: {  	[tilespmem:$0x1580] =	vst v10;
	v10 =	vmul.f32 v4, v13  }
0x111: {  	v13 =	vsub.f32 v50, v8;
	[tilespmem:$0xF90] =	vst v12;
	v12 =	vmul.f32 v7, v11  }
0x112: {  	[tilespmem:$0x1190] =	vst v10;
	v10 =	vmul.f32 v5, v11  }
0x113: {  	v11 =	vsub.f32 v50, v9;
	[tilespmem:$0x1390] =	vst v12;
	v12 =	vmul.f32 v6, v13  }
0x114: {  	[tilespmem:$0x1590] =	vst v10;
	v10 =	vmul.f32 v4, v13  }
0x115: {  	v13 =	vsub.f32 v51, v8;
	[tilespmem:$0xFA0] =	vst v12;
	v12 =	vmul.f32 v7, v11  }
0x116: {  	[tilespmem:$0x11A0] =	vst v10;
	v10 =	vmul.f32 v5, v11  }
0x117: {  	v11 =	vsub.f32 v51, v9;
	[tilespmem:$0x13A0] =	vst v12;
	v12 =	vmul.f32 v6, v13  }
0x118: {  	[tilespmem:$0x15A0] =	vst v10;
	v10 =	vmul.f32 v4, v13  }
0x119: {  	v13 =	vsub.f32 v52, v8;
	[tilespmem:$0xFB0] =	vst v12;
	v12 =	vmul.f32 v7, v11  }
0x11a: {  	[tilespmem:$0x11B0] =	vst v10;
	v10 =	vmul.f32 v5, v11  }
0x11b: {  	v11 =	vsub.f32 v52, v9;
	[tilespmem:$0x13B0] =	vst v12;
	v12 =	vmul.f32 v6, v13  }
0x11c: {  	[tilespmem:$0x15B0] =	vst v10;
	v10 =	vmul.f32 v4, v13  }
0x11d: {  	v13 =	vsub.f32 v53, v8;
	[tilespmem:$0xFC0] =	vst v12;
	v12 =	vmul.f32 v7, v11  }
0x11e: {  	[tilespmem:$0x11C0] =	vst v10;
	v10 =	vmul.f32 v5, v11  }
0x11f: {  	v11 =	vsub.f32 v53, v9;
	[tilespmem:$0x13C0] =	vst v12;
	v12 =	vmul.f32 v6, v13  }
0x120: {  	[tilespmem:$0x15C0] =	vst v10;
	v10 =	vmul.f32 v4, v13  }
0x121: {  	v13 =	vsub.f32 v54, v8;
	[tilespmem:$0xFD0] =	vst v12;
	v12 =	vmul.f32 v7, v11  }
0x122: {  	[tilespmem:$0x11D0] =	vst v10;
	v10 =	vmul.f32 v5, v11  }
0x123: {  	v11 =	vsub.f32 v54, v9;
	[tilespmem:$0x13D0] =	vst v12;
	v12 =	vmul.f32 v6, v13  }
0x124: {  	[tilespmem:$0x15D0] =	vst v10;
	v10 =	vmul.f32 v4, v13  }
0x125: {  	v13 =	vsub.f32 v55, v8;
	[tilespmem:$0xFE0] =	vst v12;
	v12 =	vmul.f32 v7, v11  }
0x126: {  	[tilespmem:$0x11E0] =	vst v10;
	v10 =	vmul.f32 v5, v11  }
0x127: {  	v11 =	vsub.f32 v55, v9;
	[tilespmem:$0x13E0] =	vst v12;
	v12 =	vmul.f32 v6, v13  }
0x128: {  	[tilespmem:$0x15E0] =	vst v10;
	v10 =	vmul.f32 v4, v13  }
0x129: {  	v13 =	vsub.f32 v56, v8;
	[tilespmem:$0xFF0] =	vst v12;
	v12 =	vmul.f32 v7, v11  }
0x12a: {  	[tilespmem:$0x11F0] =	vst v10;
	v10 =	vmul.f32 v5, v11  }
0x12b: {  	v11 =	vsub.f32 v56, v9;
	[tilespmem:$0x13F0] =	vst v12;
	v12 =	vmul.f32 v6, v13  }
0x12c: {  	[tilespmem:$0x15F0] =	vst v10;
	v10 =	vmul.f32 v4, v13  }
0x12d: {  	v13 =	vsub.f32 v57, v8;
	[tilespmem:$0x1000] =	vst v12;
	v12 =	vmul.f32 v7, v11  }
0x12e: {  	[tilespmem:$0x1200] =	vst v10;
	v10 =	vmul.f32 v5, v11  }
0x12f: {  	v11 =	vsub.f32 v57, v9;
	[tilespmem:$0x1400] =	vst v12;
	v12 =	vmul.f32 v6, v13  }
0x130: {  	[tilespmem:$0x1600] =	vst v10;
	v10 =	vmul.f32 v4, v13  }
0x131: {  	v13 =	vsub.f32 v58, v8;
	[tilespmem:$0x1010] =	vst v12;
	v12 =	vmul.f32 v7, v11  }
0x132: {  	[tilespmem:$0x1210] =	vst v10;
	v10 =	vmul.f32 v5, v11  }
0x133: {  	v11 =	vsub.f32 v58, v9;
	[tilespmem:$0x1410] =	vst v12;
	v12 =	vmul.f32 v6, v13  }
0x134: {  	[tilespmem:$0x1610] =	vst v10;
	v10 =	vmul.f32 v4, v13  }
0x135: {  	v13 =	vsub.f32 v59, v8;
	[tilespmem:$0x1020] =	vst v12;
	v12 =	vmul.f32 v7, v11  }
0x136: {  	[tilespmem:$0x1220] =	vst v10;
	v10 =	vmul.f32 v5, v11  }
0x137: {  	v11 =	vsub.f32 v59, v9;
	[tilespmem:$0x1420] =	vst v12;
	v12 =	vmul.f32 v6, v13  }
0x138: {  	[tilespmem:$0x1620] =	vst v10;
	v10 =	vmul.f32 v4, v13  }
0x139: {  	v13 =	vsub.f32 v60, v8;
	[tilespmem:$0x1030] =	vst v12;
	v12 =	vmul.f32 v7, v11  }
0x13a: {  	[tilespmem:$0x1230] =	vst v10;
	v10 =	vmul.f32 v5, v11  }
0x13b: {  	v11 =	vsub.f32 v60, v9;
	[tilespmem:$0x1430] =	vst v12;
	v12 =	vmul.f32 v6, v13  }
0x13c: {  	[tilespmem:$0x1630] =	vst v10;
	v10 =	vmul.f32 v4, v13  }
0x13d: {  	v13 =	vsub.f32 v61, v8;
	[tilespmem:$0x1040] =	vst v12;
	v12 =	vmul.f32 v7, v11  }
0x13e: {  	[tilespmem:$0x1240] =	vst v10;
	v10 =	vmul.f32 v5, v11  }
0x13f: {  	v11 =	vsub.f32 v61, v9;
	[tilespmem:$0x1440] =	vst v12;
	v12 =	vmul.f32 v6, v13  }
0x140: {  	[tilespmem:$0x1640] =	vst v10;
	v10 =	vmul.f32 v4, v13  }
0x141: {  	v13 =	vsub.f32 v62, v8;
	[tilespmem:$0x1050] =	vst v12;
	v12 =	vmul.f32 v7, v11  }
0x142: {  	[tilespmem:$0x1250] =	vst v10;
	v10 =	vmul.f32 v5, v11  }
0x143: {  	v8 =	vsub.f32 v63, v8;
	[tilespmem:$0x1450] =	vst v12;
	v12 =	vmul.f32 v6, v13  }
0x144: {  	[tilespmem:$0x1650] =	vst v10;
	v10 =	vmul.f32 v4, v13  }
0x145: {  	v11 =	vsub.f32 v62, v9;
	v6 =	vmul.f32 v6, v8;
	[tilespmem:$0x1060] =	vst v12  }
0x146: {  	v4 =	vmul.f32 v4, v8;
	[tilespmem:$0x1260] =	vst v10  }
0x147: {  	v9 =	vsub.f32 v63, v9;
	v12 =	vmul.f32 v7, v11;
	[tilespmem:$0x1070] =	vst v6  }
0x148: {  	v10 =	vmul.f32 v5, v11;
	[tilespmem:$0x1270] =	vst v4  }
0x149: {  	v6 =	vmul.f32 v7, v9;
	[tilespmem:$0x1460] =	vst v12  }
0x14a: {  	v15 =	vimm.f32 $0.0e+00;
	v14 =	vimm.f32 $0.0e+00;
	v5 =	vmul.f32 v5, v9;
	[tilespmem:$0x1660] =	vst v10  }
0x14b: {  	v13 =	vimm.f32 $0.0e+00;
	v4 =	vimm.f32 $0.0e+00;
	v11 =	vimm.f32 $0.0e+00;
	[tilespmem:$0x1470] =	vst v6  }
0x14c: {  	s14 =	simm.s32 $0x0;
	v9 =	vimm.f32 $0.0e+00;
	v10 =	vimm.f32 $0.0e+00;
	v12 =	vimm.f32 $0.0e+00;
	[tilespmem:$0x1670] =	vst v5  }
.LBB2_3:
0x14d: {  	s15 =	sshll.u32 s14, $0x4  }
0x14e: {  	s16 =	simm.s32 $0x14B0;
	v5 =	vld [tilespmem:s15+$0x680]  }
0x14f: {  	v16 =	vld [tilespmem:s16+$0xFFFFF9E0]  }
0x150: {  	v17 =	vld [tilespmem:s16+$0x0]  }
0x151: {  	v18 =	vld [tilespmem:s16+$0xFFFFFC00]  }
0x152: {  	v19 =	vld [tilespmem:s16+$0xFFFFF9F0]  }
0x153: {  	v20 =	vld [tilespmem:s16+$0xFFFFFBE0]  }
0x154: {  	s29 =	sand.u32 $0x1C0, s13;
	v21 =	vld [tilespmem:s16+$0xFFFFFDE0]  }
0x155: {  	v22 =	vld [tilespmem:s29+$0x1480]  }
0x156: {  	v23 =	vld [tilespmem:s16+$0xFFFFFA00]  }
0x157: {  	v24 =	vld [tilespmem:s16+$0xFFFFFDF0]  }
0x158: {  	v25 =	vld [tilespmem:s16+$0xFFFFFE00]  }
0x159: {  	s15 =	sand.u32 $0x1F0, s15;
	v26 =	vld [tilespmem:s29+$0x1280]  }
0x15a: {  	v8 =	vld [tilespmem:s15+$0xC80]  }
0x15b: {  	v6 =	vld [tilespmem:s15+$0x880]  }
0x15c: {  	v7 =	vld [tilespmem:s15+$0xA80]  }
0x15d: {  	s30 =	simm.s32 $0x14F0;
	v27 =	vld [tilespmem:s16+$0xFFFFFBF0]  }
0x15e: {  	v30 =	vld [tilespmem:s30+$0xFFFFFC00];
	v16 =	vadd.f32 v16, v5;
	v19 =	vadd.f32 v19, v5  }
0x15f: {  	s31 =	simm.s32 $0x40;
	v33 =	vld [tilespmem:s30+$0xFFFFFDE0];
	v23 =	vadd.f32 v23, v5;
	v17 =	vsub.f32 v17, v8  }
0x160: {  	v34 =	vld [tilespmem:s30+$0xFFFFFDF0];
	s15 =	sand.u32 $0x1C0, s31;
	v18 =	vsub.f32 v18, v6;
	v20 =	vsub.f32 v20, v6  }
0x161: {  	v35 =	vld [tilespmem:s15+$0x1080];
	v22 =	vsub.f32 v22, v8;
	v21 =	vadd.f32 v21, v7  }
0x162: {  	v24 =	vadd.f32 v24, v7;
	v25 =	vadd.f32 v25, v7  }
0x163: {  	v26 =	vadd.f32 v26, v7;
	v27 =	vsub.f32 v27, v6  }
0x164: {  	v30 =	vsub.f32 v30, v6;
	v38 =	vadd.f32 v33, v7  }
0x165: {  	v34 =	vadd.f32 v34, v7;
	v16 =	vand.u32 $0x7FFFFFFF, v16;
	v19 =	vand.u32 $0x7FFFFFFF, v19  }
0x166: {  	v23 =	vand.u32 $0x7FFFFFFF, v23;
	v35 =	vsub.f32 v35, v6;
	v16 =	vsub.f32 v16, v0  }
0x167: {  	v17 =	vand.u32 $0x7FFFFFFF, v17;
	v18 =	vand.u32 $0x7FFFFFFF, v18;
	v19 =	vsub.f32 v19, v0  }
0x168: {  	v21 =	vand.u32 $0x7FFFFFFF, v21;
	v20 =	vand.u32 $0x7FFFFFFF, v20;
	v24 =	vand.u32 $0x7FFFFFFF, v24  }
0x169: {  	v23 =	vsub.f32 v23, v0;
	v27 =	vand.u32 $0x7FFFFFFF, v27;
	v16 =	vmin.f32 v16, $2.000000000e+01  }
0x16a: {  	v22 =	vand.u32 $0x7FFFFFFF, v22;
	v30 =	vand.u32 $0x7FFFFFFF, v30;
	v16 =	vmul.f32 $1.442695020e+00, v16  }
0x16b: {  	v34 =	vand.u32 $0x7FFFFFFF, v34;
	v17 =	vsub.f32 v17, v3;
	v18 =	vsub.f32 v18, v1  }
0x16c: {  	v20 =	vsub.f32 v20, v1;
	v19 =	vmin.f32 v19, $2.000000000e+01;
	(erf) = vpow2.f32 v16  }
0x16d: {  	v16 =	vsub.f32 v21, v2;
	v21 =	vand.u32 $0x7FFFFFFF, v25;
	v25 =	vand.u32 $0x7FFFFFFF, v26;
	v26 =	vld [tilespmem:s16+$0xFFFFFFF0]  }
0x16e: {  	v24 =	vsub.f32 v24, v2;
	v19 =	vmul.f32 $1.442695020e+00, v19;
	v18 =	vmin.f32 v18, $2.000000000e+01  }
0x16f: {  	v30 =	vsub.f32 v30, v1;
	v23 =	vmin.f32 v23, $2.000000000e+01;
	v18 =	vmul.f32 $1.442695020e+00, v18  }
0x170: {  	v17 =	vmin.f32 v17, $2.000000000e+01;
	v21 =	vsub.f32 v21, v2;
	(erf) = vpow2.f32 v19  }
0x171: {  	v20 =	vmin.f32 v20, $2.000000000e+01;
	(erf) = vpow2.f32 v18;
	v18 =	vsub.f32 v27, v1  }
0x172: {  	v23 =	vmul.f32 $1.442695020e+00, v23;
	v21 =	vmin.f32 v21, $2.000000000e+01;
	v19 =	vsub.f32 v26, v8;
	v26 =	vld [tilespmem:s16+$0xFFFFFFE0]  }
0x173: {  	v17 =	vmul.f32 $1.442695020e+00, v17;
	v21 =	vmul.f32 $1.442695020e+00, v21;
	v18 =	vmin.f32 v18, $2.000000000e+01  }
0x174: {  	v20 =	vmul.f32 $1.442695020e+00, v20;
	v18 =	vmul.f32 $1.442695020e+00, v18;
	v19 =	vand.u32 $0x7FFFFFFF, v19  }
0x175: {  	(erf) = vpow2.f32 v21;
	v21 =	vmin.f32 v24, $2.000000000e+01;
	v19 =	vsub.f32 v19, v3  }
0x176: {  	v34 =	vsub.f32 v34, v2;
	(erf) = vpow2.f32 v17;
	v17 =	vmul.f32 $1.442695020e+00, v21  }
0x177: {  	(erf) = vpow2.f32 v23;
	v19 =	vmin.f32 v19, $2.000000000e+01;
	v21 =	vsub.f32 v26, v8  }
0x178: {  	v25 =	vsub.f32 v25, v2;
	(erf) = vpow2.f32 v20;
	v19 =	vmul.f32 $1.442695020e+00, v19  }
0x179: {  	v16 =	vmin.f32 v16, $2.000000000e+01;
	v20 =	vld [tilespmem:s29+$0x1080];
	(erf) = vpow2.f32 v17;
	v21 =	vand.u32 $0x7FFFFFFF, v21  }
0x17a: {  	v23 =	vld [tilespmem:s29+$0xE80];
	v17 =	vmin.f32 v25, $2.000000000e+01;
	(erf) = vpow2.f32 v18;
	v21 =	vsub.f32 v21, v3  }
0x17b: {  	v30 =	vmin.f32 v30, $2.000000000e+01;
	v16 =	vmul.f32 $1.442695020e+00, v16;
	v18 =	vpop (erf);
	v17 =	vmul.f32 $1.442695020e+00, v17  }
0x17c: {  	v18 =	vadd.f32 $1.000000000e+00, v18;
	(erf) = vpow2.f32 v19;
	v19 =	vpop (erf);
	v21 =	vmin.f32 v21, $2.000000000e+01  }
0x17d: {  	v24 =	vpop (erf);
	(erf) = vpow2.f32 v16;
	v16 =	vsub.f32 v22, v3;
	v21 =	vmul.f32 $1.442695020e+00, v21  }
0x17e: {  	v19 =	vadd.f32 $1.000000000e+00, v19;
	v22 =	vpop (erf);
	(erf) = vpow2.f32 v17;
	v17 =	vsub.f32 v20, v6  }
0x17f: {  	v30 =	vmul.f32 $1.442695020e+00, v30;
	v20 =	vadd.f32 v23, v5;
	v24 =	vadd.f32 $1.000000000e+00, v24;
	v23 =	vpop (erf)  }
0x180: {  	v16 =	vmin.f32 v16, $2.000000000e+01;
	(erf) = vpow2.f32 v21;
	v21 =	vadd.f32 $1.000000000e+00, v22;
	v25 =	vpop (erf)  }
0x181: {  	v20 =	vand.u32 $0x7FFFFFFF, v20;
	v16 =	vmul.f32 $1.442695020e+00, v16;
	v23 =	vadd.f32 $1.000000000e+00, v23;
	v22 =	vpop (erf)  }
0x182: {  	v27 =	vld [tilespmem:s30+$0xFFFFF9E0];
	v17 =	vand.u32 $0x7FFFFFFF, v17;
	v20 =	vsub.f32 v20, v0;
	v22 =	vadd.f32 $1.000000000e+00, v22;
	v26 =	vpop (erf)  }
0x183: {  	v25 =	vadd.f32 $1.000000000e+00, v25;
	v17 =	vsub.f32 v17, v1;
	v21 =	vmul.f32 v23, v21;
	v28 =	vpop (erf)  }
0x184: {  	v29 =	vld [tilespmem:s30+$0x0];
	v20 =	vmin.f32 v20, $2.000000000e+01;
	v18 =	vmul.f32 v22, v18;
	v22 =	vadd.f32 $1.000000000e+00, v28  }
0x185: {  	v31 =	vld [tilespmem:s30+$0xFFFFF9F0];
	v26 =	vadd.f32 $1.000000000e+00, v26;
	v17 =	vmin.f32 v17, $2.000000000e+01;
	v28 =	vpop (erf);
	v20 =	vmul.f32 $1.442695020e+00, v20  }
0x186: {  	v28 =	vadd.f32 $1.000000000e+00, v28;
	v19 =	vmul.f32 v22, v19;
	v22 =	vmul.f32 v24, v25;
	v25 =	vld [tilespmem:s30+$0xFFFFFBE0]  }
0x187: {  	v27 =	vadd.f32 v27, v5;
	v17 =	vmul.f32 $1.442695020e+00, v17;
	v23 =	vpop (erf);
	(erf) = vpow2.f32 v16  }
0x188: {  	v24 =	vpop (erf);
	v26 =	vmul.f32 v28, v26;
	v16 =	vadd.f32 $1.000000000e+00, v23;
	(erf) = vpow2.f32 v20  }
0x189: {  	v37 =	vld [tilespmem:s30+$0xFFFFFA00];
	v24 =	vadd.f32 $1.000000000e+00, v24;
	v28 =	vmul.f32 v21, v22;
	v32 =	vpop (erf);
	v21 =	vadd.f32 v21, v22  }
0x18a: {  	v36 =	vld [tilespmem:s15+$0x1480];
	v22 =	vand.u32 $0x7FFFFFFF, v27;
	v27 =	vsub.f32 v29, v8;
	v29 =	vadd.f32 $1.000000000e+00, v32  }
0x18b: {  	v23 =	vmul.f32 v26, v19;
	v20 =	vsub.f32 v25, v6;
	v25 =	vadd.f32 v31, v5  }
0x18c: {  	v22 =	vsub.f32 v22, v0;
	v19 =	vadd.f32 v26, v19;
	(erf) = vrcp.f32 v28  }
0x18d: {  	v27 =	vand.u32 $0x7FFFFFFF, v27;
	(erf) = vpow2.f32 v17;
	v25 =	vand.u32 $0x7FFFFFFF, v25  }
0x18e: {  	v17 =	vmin.f32 v22, $2.000000000e+01;
	v27 =	vsub.f32 v27, v3;
	v22 =	vsub.f32 v25, v0;
	v25 =	vld [tilespmem:s30+$0xFFFFFE00]  }
0x18f: {  	v28 =	vld [tilespmem:s15+$0x1280];
	v16 =	vmul.f32 v29, v16;
	v29 =	vsub.f32 v36, v8;
	v31 =	vadd.f32 v37, v5  }
0x190: {  	v40 =	vld [tilespmem:s30+$0xFFFFFFE0];
	v19 =	vadd.f32 $-1.000000000e+00, v19;
	v17 =	vmul.f32 $1.442695020e+00, v17;
	v27 =	vmin.f32 v27, $2.000000000e+01  }
0x191: {  	v32 =	vadd.f32 v16, v18;
	v20 =	vand.u32 $0x7FFFFFFF, v20;
	v16 =	vmul.f32 v16, v18  }
0x192: {  	v29 =	vand.u32 $0x7FFFFFFF, v29;
	(erf) = vpow2.f32 v17;
	v20 =	vsub.f32 v20, v1  }
0x193: {  	v17 =	vand.u32 $0x7FFFFFFF, v38;
	v29 =	vsub.f32 v29, v3;
	v25 =	vadd.f32 v25, v7  }
0x194: {  	v27 =	vmul.f32 $1.442695020e+00, v27;
	v28 =	vadd.f32 v28, v7;
	v36 =	vsub.f32 v17, v2  }
0x195: {  	v17 =	vand.u32 $0x7FFFFFFF, v31;
	v31 =	vsub.f32 v40, v8;
	v25 =	vand.u32 $0x7FFFFFFF, v25  }
0x196: {  	v39 =	vpop (erf);
	(erf) = vrcp.f32 v23;
	v22 =	vmin.f32 v22, $2.000000000e+01;
	v25 =	vsub.f32 v25, v2  }
0x197: {  	v33 =	vadd.f32 $1.000000000e+00, v39;
	v17 =	vsub.f32 v17, v0;
	v28 =	vand.u32 $0x7FFFFFFF, v28  }
0x198: {  	v37 =	vpop (erf);
	v20 =	vmin.f32 v20, $2.000000000e+01;
	v22 =	vmul.f32 $1.442695020e+00, v22;
	v26 =	vsub.f32 v28, v2;
	v28 =	vld [tilespmem:s30+$0xFFFFFBF0]  }
0x199: {  	v37 =	vadd.f32 $1.000000000e+00, v37;
	v23 =	vand.u32 $0x7FFFFFFF, v31;
	v20 =	vmul.f32 $1.442695020e+00, v20  }
0x19a: {  	v39 =	vmin.f32 v36, $2.000000000e+01;
	v24 =	vmul.f32 v33, v24;
	v18 =	vmin.f32 v25, $2.000000000e+01;
	v25 =	vpop (erf)  }
0x19b: {  	v17 =	vmin.f32 v17, $2.000000000e+01;
	v23 =	vsub.f32 v23, v3;
	(erf) = vpow2.f32 v22;
	v38 =	vpop (erf)  }
0x19c: {  	v22 =	vmin.f32 v34, $2.000000000e+01;
	(erf) = vrcp.f32 v16;
	v40 =	vadd.f32 $1.000000000e+00, v38;
	v38 =	vld [tilespmem:s30+$0xFFFFFFF0]  }
0x19d: {  	v22 =	vmul.f32 $1.442695020e+00, v22;
	v28 =	vsub.f32 v28, v6;
	v18 =	vmul.f32 $1.442695020e+00, v18  }
0x19e: {  	v26 =	vmin.f32 v26, $2.000000000e+01;
	(erf) = vpow2.f32 v30;
	v31 =	vmul.f32 v40, v37  }
0x19f: {  	v26 =	vmul.f32 $1.442695020e+00, v26;
	v28 =	vand.u32 $0x7FFFFFFF, v28;
	(erf) = vpow2.f32 v18  }
0x1a0: {  	v37 =	vadd.f32 $-1.000000000e+00, v21;
	v21 =	vmin.f32 v29, $2.000000000e+01;
	v29 =	vmul.f32 v24, v31  }
0x1a1: {  	v16 =	vmul.f32 $1.442695020e+00, v21;
	v21 =	vsub.f32 v28, v1;
	v28 =	vsub.f32 v38, v8  }
0x1a2: {  	v10 =	vadd.f32 v25, v10;
	v40 =	vmul.f32 $1.442695020e+00, v17;
	(erf) = vrcp.f32 v29  }
0x1a3: {  	v18 =	vmin.f32 v21, $2.000000000e+01;
	v21 =	vand.u32 $0x7FFFFFFF, v28;
	(erf) = vpow2.f32 v27  }
0x1a4: {  	v33 =	vpop (erf);
	v18 =	vmul.f32 $1.442695020e+00, v18;
	v21 =	vsub.f32 v21, v3;
	(erf) = vpow2.f32 v40  }
0x1a5: {  	v24 =	vadd.f32 v24, v31;
	v29 =	vld [tilespmem:s15+$0xE80];
	v28 =	vmul.f32 $1.442695020e+00, v39;
	v27 =	vpop (erf);
	(erf) = vpow2.f32 v20  }
0x1a6: {  	v40 =	vpop (erf);
	v20 =	vadd.f32 $-1.000000000e+00, v32;
	v21 =	vmin.f32 v21, $2.000000000e+01;
	(erf) = vpow2.f32 v22  }
0x1a7: {  	v21 =	vmul.f32 $1.442695020e+00, v21;
	(erf) = vpow2.f32 v18;
	v18 =	vmin.f32 v23, $2.000000000e+01  }
0x1a8: {  	v17 =	vadd.f32 $1.000000000e+00, v33;
	v24 =	vadd.f32 $-1.000000000e+00, v24;
	v23 =	vmul.f32 $1.442695020e+00, v18  }
0x1a9: {  	v9 =	vadd.f32 v27, v9;
	v19 =	vmul.f32 v27, v19;
	v22 =	vpop (erf);
	(erf) = vpow2.f32 v21  }
0x1aa: {  	v27 =	vadd.f32 v29, v5;
	v21 =	vmul.f32 v22, v20;
	v20 =	vpop (erf);
	(erf) = vpow2.f32 v28  }
0x1ab: {  	v12 =	vadd.f32 v19, v12;
	v13 =	vadd.f32 v22, v13;
	v28 =	vpop (erf);
	(erf) = vpow2.f32 v26  }
0x1ac: {  	v18 =	vadd.f32 $1.000000000e+00, v40;
	v19 =	vand.u32 $0x7FFFFFFF, v27;
	(erf) = vpow2.f32 v23;
	v23 =	vpop (erf)  }
0x1ad: {  	v14 =	vadd.f32 v21, v14;
	v21 =	vadd.f32 $1.000000000e+00, v28;
	v28 =	vmul.f32 v25, v37;
	v26 =	vpop (erf)  }
0x1ae: {  	v22 =	vsub.f32 v19, v0;
	v15 =	vadd.f32 v23, v15;
	v27 =	vpop (erf)  }
0x1af: {  	v19 =	vmul.f32 v23, v24;
	v11 =	vadd.f32 v28, v11;
	v26 =	vadd.f32 $1.000000000e+00, v26;
	v24 =	vpop (erf)  }
0x1b0: {  	s16 =	simm.s32 $0x1530;
	s15 =	simm.s32 $0x80;
	v23 =	vadd.f32 $1.000000000e+00, v27;
	v27 =	vand.u32 $0x7FFFFFFF, v35;
	v25 =	vadd.f32 $1.000000000e+00, v24;
	v24 =	vpop (erf)  }
.LBB2_4:
0x1b1: {  	s17 =	sand.u32 $0x1C0, s15;
	v28 =	vld [tilespmem:s16+$0xFFFFF9E0];
	p0 =	sne.s32 s15, $0x1C0;
	s15 =	sadd.s32 $0x40, s15;
	v20 =	vadd.f32 $1.000000000e+00, v20;
	v29 =	vpop (erf);
	v4 =	vadd.f32 v19, v4  }
0x1b2: {  	v27 =	vsub.f32 v27, v1;
	v19 =	vld [tilespmem:s16+$0x0];
	v17 =	vmul.f32 v25, v17;
	v25 =	vadd.f32 $1.000000000e+00, v29;
	v29 =	vpop (erf)  }
0x1b3: {  	v24 =	vadd.f32 $1.000000000e+00, v24;
	v21 =	vmul.f32 v26, v21;
	v30 =	vld [tilespmem:s16+$0xFFFFFC00];
	v32 =	vadd.f32 $1.000000000e+00, v29;
	v26 =	vpop (erf)  }
0x1b4: {  	v22 =	vmin.f32 v22, $2.000000000e+01;
	v20 =	vmul.f32 v20, v23;
	v31 =	vld [tilespmem:s16+$0xFFFFF9F0];
	v18 =	vmul.f32 v25, v18;
	v23 =	vpop (erf)  }
0x1b5: {  	v22 =	vmul.f32 $1.442695020e+00, v22;
	v25 =	vld [tilespmem:s16+$0xFFFFFBE0];
	v23 =	vadd.f32 $1.000000000e+00, v23;
	v24 =	vmul.f32 v32, v24;
	v29 =	vpop (erf)  }
0x1b6: {  	v33 =	vmul.f32 v21, v20;
	v28 =	vadd.f32 v28, v5;
	v32 =	vld [tilespmem:s16+$0xFFFFFBF0];
	(erf) = vpow2.f32 v16  }
0x1b7: {  	v26 =	vadd.f32 $1.000000000e+00, v26;
	v20 =	vadd.f32 v21, v20;
	v16 =	vld [tilespmem:s16+$0xFFFFFDE0];
	v34 =	vmul.f32 v24, v18  }
0x1b8: {  	v29 =	vadd.f32 $1.000000000e+00, v29;
	v19 =	vsub.f32 v19, v8;
	v21 =	vand.u32 $0x7FFFFFFF, v28;
	v28 =	vld [tilespmem:s16+$0xFFFFFFF0]  }
0x1b9: {  	v27 =	vmin.f32 v27, $2.000000000e+01;
	v30 =	vsub.f32 v30, v6;
	v35 =	vld [tilespmem:s17+$0x1480];
	(erf) = vpow2.f32 v22  }
0x1ba: {  	v27 =	vmul.f32 $1.442695020e+00, v27;
	v22 =	vsub.f32 v25, v6;
	v25 =	vadd.f32 v31, v5;
	v31 =	vld [tilespmem:s16+$0xFFFFFA00]  }
0x1bb: {  	v21 =	vsub.f32 v21, v0;
	v19 =	vand.u32 $0x7FFFFFFF, v19;
	v36 =	vld [tilespmem:s16+$0xFFFFFDF0];
	(erf) = vrcp.f32 v33  }
0x1bc: {  	v30 =	vand.u32 $0x7FFFFFFF, v30;
	v33 =	vld [tilespmem:s17+$0x1280];
	v25 =	vand.u32 $0x7FFFFFFF, v25;
	(erf) = vpow2.f32 v27  }
0x1bd: {  	v26 =	vmul.f32 v29, v26;
	v21 =	vmin.f32 v21, $2.000000000e+01;
	v25 =	vsub.f32 v25, v0;
	v27 =	vld [tilespmem:s16+$0xFFFFFE00]  }
0x1be: {  	v19 =	vsub.f32 v19, v3;
	v21 =	vmul.f32 $1.442695020e+00, v21;
	v29 =	vsub.f32 v35, v8;
	v35 =	vld [tilespmem:s16+$0xFFFFFFE0]  }
0x1bf: {  	v16 =	vadd.f32 v16, v7;
	v25 =	vmin.f32 v25, $2.000000000e+01;
	v31 =	vadd.f32 v31, v5;
	v37 =	vpop (erf)  }
0x1c0: {  	v38 =	vld [tilespmem:s17+$0x1080];
	v36 =	vadd.f32 v36, v7;
	v25 =	vmul.f32 $1.442695020e+00, v25;
	v37 =	vadd.f32 $1.000000000e+00, v37  }
0x1c1: {  	v19 =	vmin.f32 v19, $2.000000000e+01;
	v33 =	vadd.f32 v33, v7;
	(erf) = vpow2.f32 v21  }
0x1c2: {  	v16 =	vand.u32 $0x7FFFFFFF, v16;
	v21 =	vadd.f32 v27, v7;
	v27 =	vadd.f32 v26, v17;
	v39 =	vpop (erf)  }
0x1c3: {  	v30 =	vsub.f32 v30, v1;
	v40 =	vsub.f32 v16, v2;
	v16 =	vand.u32 $0x7FFFFFFF, v31  }
0x1c4: {  	v18 =	vadd.f32 v24, v18;
	v31 =	vand.u32 $0x7FFFFFFF, v33;
	v21 =	vand.u32 $0x7FFFFFFF, v21;
	v24 =	vpop (erf)  }
0x1c5: {  	v22 =	vand.u32 $0x7FFFFFFF, v22;
	v31 =	vsub.f32 v31, v2;
	v33 =	vsub.f32 v38, v6;
	v38 =	vpop (erf)  }
0x1c6: {  	v36 =	vand.u32 $0x7FFFFFFF, v36;
	v39 =	vadd.f32 $1.000000000e+00, v39;
	v21 =	vsub.f32 v21, v2  }
0x1c7: {  	v19 =	vmul.f32 $1.442695020e+00, v19;
	v26 =	vmul.f32 v26, v17;
	v31 =	vmin.f32 v31, $2.000000000e+01  }
0x1c8: {  	v17 =	vsub.f32 v35, v8;
	v31 =	vmul.f32 $1.442695020e+00, v31;
	v21 =	vmin.f32 v21, $2.000000000e+01  }
0x1c9: {  	v16 =	vsub.f32 v16, v0;
	v23 =	vmul.f32 v37, v23;
	v21 =	vmul.f32 $1.442695020e+00, v21  }
0x1ca: {  	v22 =	vsub.f32 v22, v1;
	v30 =	vmin.f32 v30, $2.000000000e+01;
	v37 =	vadd.f32 $1.000000000e+00, v38;
	v35 =	vpop (erf)  }
0x1cb: {  	v32 =	vsub.f32 v32, v6;
	v29 =	vand.u32 $0x7FFFFFFF, v29;
	v36 =	vsub.f32 v36, v2  }
0x1cc: {  	v30 =	vmul.f32 $1.442695020e+00, v30;
	v22 =	vmin.f32 v22, $2.000000000e+01;
	(erf) = vrcp.f32 v34  }
0x1cd: {  	v16 =	vmin.f32 v16, $2.000000000e+01;
	v37 =	vmul.f32 v37, v39;
	v34 =	vand.u32 $0x7FFFFFFF, v17  }
0x1ce: {  	v22 =	vmul.f32 $1.442695020e+00, v22;
	v17 =	vsub.f32 v29, v3;
	(erf) = vpow2.f32 v25  }
0x1cf: {  	v29 =	vmul.f32 $1.442695020e+00, v16;
	v25 =	vmin.f32 v36, $2.000000000e+01;
	v36 =	vadd.f32 $-1.000000000e+00, v20  }
0x1d0: {  	v16 =	vmin.f32 v17, $2.000000000e+01;
	v17 =	vadd.f32 $1.000000000e+00, v35;
	v20 =	vmul.f32 v23, v37  }
0x1d1: {  	v32 =	vand.u32 $0x7FFFFFFF, v32;
	v16 =	vmul.f32 $1.442695020e+00, v16;
	(erf) = vrcp.f32 v26  }
0x1d2: {  	v28 =	vsub.f32 v28, v8;
	v26 =	vsub.f32 v32, v1;
	(erf) = vpow2.f32 v30  }
0x1d3: {  	v25 =	vmul.f32 $1.442695020e+00, v25;
	v30 =	vmin.f32 v40, $2.000000000e+01;
	(erf) = vpow2.f32 v21  }
0x1d4: {  	v23 =	vadd.f32 v23, v37;
	v21 =	vmin.f32 v26, $2.000000000e+01;
	v26 =	vand.u32 $0x7FFFFFFF, v28  }
0x1d5: {  	v26 =	vsub.f32 v26, v3;
	v21 =	vmul.f32 $1.442695020e+00, v21;
	(erf) = vrcp.f32 v20;
	v20 =	vpop (erf)  }
0x1d6: {  	v18 =	vadd.f32 $-1.000000000e+00, v18;
	v28 =	vmul.f32 $1.442695020e+00, v30;
	(erf) = vpow2.f32 v19  }
0x1d7: {  	v26 =	vmin.f32 v26, $2.000000000e+01;
	v9 =	vadd.f32 v20, v9;
	v19 =	vld [tilespmem:s17+$0xE80];
	v30 =	vpop (erf);
	(erf) = vpow2.f32 v29  }
0x1d8: {  	v26 =	vmul.f32 $1.442695020e+00, v26;
	(erf) = vpow2.f32 v22;
	v22 =	vadd.f32 $-1.000000000e+00, v27  }
0x1d9: {  	v29 =	vsub.f32 v34, v3;
	(erf) = vpow2.f32 v25;
	v25 =	vmul.f32 v20, v18  }
0x1da: {  	v10 =	vadd.f32 v24, v10;
	v23 =	vadd.f32 $-1.000000000e+00, v23;
	(erf) = vpow2.f32 v21;
	v21 =	vpop (erf)  }
0x1db: {  	v18 =	vmin.f32 v29, $2.000000000e+01;
	(erf) = vpow2.f32 v26;
	v20 =	vpop (erf);
	v22 =	vmul.f32 v21, v22  }
0x1dc: {  	v29 =	vmul.f32 $1.442695020e+00, v18;
	v19 =	vadd.f32 v19, v5;
	(erf) = vpow2.f32 v28;
	v27 =	vpop (erf)  }
0x1dd: {  	v18 =	vadd.f32 $1.000000000e+00, v30;
	v13 =	vadd.f32 v21, v13;
	(erf) = vpow2.f32 v31  }
.Ltmp0:
0x1de: {  	v12 =	vadd.f32 v25, v12;
	v14 =	vadd.f32 v22, v14;
	(erf) = vpow2.f32 v29;
	v25 =	vpop (erf);
	(pc) =	sbr.rel @p0 .LBB2_4-.Ltmp0, $4  }
0x1df: {  	v21 =	vadd.f32 $1.000000000e+00, v27;
	v22 =	vand.u32 $0x7FFFFFFF, v19;
	v26 =	vpop (erf);
	v19 =	vmul.f32 v25, v23  }
0x1e0: {  	v28 =	vmul.f32 v24, v36;
	v22 =	vsub.f32 v22, v0;
	v15 =	vadd.f32 v25, v15;
	v23 =	vpop (erf)  }
0x1e1: {  	v26 =	vadd.f32 $1.000000000e+00, v26;
	v23 =	vadd.f32 $1.000000000e+00, v23;
	v24 =	vpop (erf)  }
0x1e2: {  	s16 =	sadd.s32 $0x40, s16;
	v27 =	vand.u32 $0x7FFFFFFF, v33;
	v11 =	vadd.f32 v28, v11;
	v25 =	vadd.f32 $1.000000000e+00, v24;
	v24 =	vpop (erf)  }
0x1e3: {  	v5 =	vadd.f32 $1.000000000e+00, v20  }
0x1e4: {  	v6 =	vsub.f32 v27, v1  }
0x1e5: {  	v7 =	vmul.f32 v26, v21;
	v8 =	vmin.f32 v22, $2.000000000e+01;
	v5 =	vmul.f32 v5, v23  }
0x1e6: {  	(erf) = vpow2.f32 v16;
	v8 =	vmul.f32 $1.442695020e+00, v8;
	v6 =	vmin.f32 v6, $2.000000000e+01  }
0x1e7: {  	v6 =	vmul.f32 $1.442695020e+00, v6;
	v29 =	vmul.f32 v7, v5  }
0x1e8: {  	(erf) = vpow2.f32 v8  }
0x1e9: {  	(erf) = vrcp.f32 v29  }
0x1ea: {  	(erf) = vpow2.f32 v6  }
0x1eb: {  	v6 =	vpop (erf)  }
0x1ec: {  	v8 =	vpop (erf)  }
0x1ed: {  	v16 =	vpop (erf)  }
0x1ee: {  	v30 =	vpop (erf)  }
0x1ef: {  	v31 =	vpop (erf)  }
0x1f0: {  	v6 =	vadd.f32 $1.000000000e+00, v6;
	v32 =	vpop (erf)  }
0x1f1: {  	v33 =	vadd.f32 $1.000000000e+00, v24;
	v8 =	vadd.f32 $1.000000000e+00, v8;
	v34 =	vpop (erf)  }
0x1f2: {  	v6 =	vmul.f32 v6, v18;
	v16 =	vadd.f32 $1.000000000e+00, v16;
	v20 =	vadd.f32 $1.000000000e+00, v30;
	v36 =	vpop (erf)  }
0x1f3: {  	v8 =	vmul.f32 v8, v33;
	v35 =	vadd.f32 $1.000000000e+00, v31;
	v22 =	vadd.f32 $1.000000000e+00, v32;
	v37 =	vpop (erf)  }
0x1f4: {  	v17 =	vmul.f32 v25, v17;
	v38 =	vadd.f32 $1.000000000e+00, v34;
	v23 =	vadd.f32 $1.000000000e+00, v37  }
0x1f5: {  	v39 =	vmul.f32 v8, v6;
	v16 =	vmul.f32 v35, v16  }
0x1f6: {  	v20 =	vmul.f32 v22, v20;
	v18 =	vmul.f32 v23, v38  }
0x1f7: {  	v40 =	vmul.f32 v16, v17  }
0x1f8: {  	(erf) = vrcp.f32 v39;
	v23 =	vmul.f32 v20, v18  }
0x1f9: {  	(erf) = vrcp.f32 v40  }
0x1fa: {  	(erf) = vrcp.f32 v23;
	_ =	sdelay $0x3  }
0x1fb: {  	v5 =	vadd.f32 v7, v5  }
0x1fc: {  	v6 =	vadd.f32 v8, v6  }
0x1fd: {  	v5 =	vadd.f32 $-1.000000000e+00, v5;
	v7 =	vadd.f32 v20, v18  }
0x1fe: {  	s14 =	sadd.s32 $0x1, s14;
	v6 =	vadd.f32 $-1.000000000e+00, v6;
	v16 =	vadd.f32 v16, v17;
	v8 =	vpop (erf)  }
0x1ff: {  	p0 =	sne.s32 s14, $0x20;
	v5 =	vmul.f32 v36, v5;
	v7 =	vadd.f32 $-1.000000000e+00, v7;
	v17 =	vpop (erf)  }
.Ltmp1:
0x200: {  	v16 =	vadd.f32 $-1.000000000e+00, v16;
	v9 =	vadd.f32 v8, v9;
	v6 =	vmul.f32 v8, v6;
	v8 =	vpop (erf);
	(pc) =	sbr.rel @p0 .LBB2_3-.Ltmp1, $4  }
0x201: {  	v4 =	vadd.f32 v19, v4;
	v10 =	vadd.f32 v36, v10;
	v7 =	vmul.f32 v8, v7  }
0x202: {  	v11 =	vadd.f32 v5, v11;
	v12 =	vadd.f32 v6, v12;
	v16 =	vmul.f32 v17, v16  }
0x203: {  	v13 =	vadd.f32 v17, v13;
	v4 =	vadd.f32 v7, v4  }
0x204: {  	v14 =	vadd.f32 v16, v14;
	v15 =	vadd.f32 v8, v15  }
0x205: {  	_ = 	snop  }
0x206: {  	v1 =	vadd.f32 v11, v12;
	v0 =	vadd.f32 v14, v4;
	_ =	sdelay $0x1  }
0x207: {  	v0 =	vadd.f32 v1, v0;
	_ =	sdelay $0x1  }
0x208: {  	v0 =	vadd.f32 $9.999999710e-10, v0;
	_ =	sdelay $0x1  }
0x209: {  	(erf) = vrcp.f32 v0;
	_ =	sdelay $0x5  }
0x20a: {  	v39 =	vadd.f32 v10, v9;
	s11 =	sadd.s32 $0x1, s11;
	v38 =	vadd.f32 v13, v15  }
0x20b: {  	p0 =	sne.s32 s11, $0x8  }
.Ltmp2:
0x20c: {  	v0 =	vadd.f32 v39, v38;
	(pc) =	sbr.rel @p0 .LBB2_2-.Ltmp2, $3  }
0x20d: {  	v40 =	vpop (erf)  }
0x20e: {  	v0 =	vmul.f32 v40, v0;
	_ =	sdelay $0x1  }
0x20f: {  	[tilespmem:s12+$0x1680] =	vst v0  }
0x210: {  	s10 =	sadd.s32 $0x1, s10  }
0x211: {  	p0 =	sne.s32 s10, s6  }
.Ltmp3:
0x212: {  	_ = 	snop;
	(pc) =	sbr.rel @p0 .LBB2_1-.Ltmp3, $4  }
0x213: {  	[hbm4b:s5+s3] =	stream.linear.scatter [tilespmem:s9], [sflag:$0x1], $0x80, $0x38;
	[tilespmem:$0x1700] =	vst v63  }
0x214: {  	_ =	swait.ge [sflag:s7], $0x80  }
0x215: {  	[sflag:s7] =	ssyncset.done $0x0  }
0x216: {  	[sflag:s7] =	ssyncadd.s32 $0xFFFFFF80  }
0x217: {  	_ =	sfence.sel $0x180000  }
0x218: {  	[bflag:$0x0] =	sbarrier.arrive $0xFFFF  }
0x219: {  	p0 =	sne.s32 s0, $0x0;
	_ =	strace $0x90000047  }
0x21a: {  	s0 =	sadd.s32 @!p0 $0x100000, s1;
	[bflag:$0x2] =	sbarrier.arrive $0xFFFF  }
0x21b: {  	[sflag:s0] =	ssyncadd.tile.s32 @!p0 $0x1;
	_ =	shalt  }
.Lfunc_end2:
_tile_overlayer_lowered:
.L_overlay_start_2:
0x21c: {  	(tag) =	ssettag $0x2  }
0x21d: {  	s0 =	rddreg [dreg:$0x0];
	s2 =	stileid.u32  }
0x21e: {  	s1 =	rddreg [dreg:$0x1];
	p0 =	sne.s32 s2, $0x0  }
0x21f: {  	s3 =	rddreg [dreg:$0x2];
	[bflag:$0x3] =	sbarrier.arrive $0xFFFF;
	s2 =	simm.s32 @!p0 $0x1C01  }
0x220: {  	[timem:s3], [sflag:s2] =	dma.local @!p0 [hbm:s0], s1  }
0x221: {  	s0 =	simm.s32 @!p0 $0x1  }
0x222: {  	_ =	swait.ge @!p0 [sflag:s0], s1  }
0x223: {  	s1 =	ssub.s32 @!p0 $0x0, s1;
	[sflag:s0] =	ssyncset.done @!p0 $0x0  }
0x224: {  	[sflag:s0] =	ssyncadd.s32 @!p0 s1  }
0x225: {  	[bflag:$0x3] =	sbarrier.arrive $0xFFFF  }
0x226: {  	_ =	shalt  }

</sc_bundles>
